<compile_context>
chip_gen: v7x
topology: tpu7x:2x2x1
jax: 0.10.2.dev20260603
libtpu: 0.0.44.dev20260713+nightly
codegen_flags: <defaults>
</compile_context>

<pallas_src>
import jax
import jax.numpy as jnp
from jax import lax
from jax.experimental import pallas as pl
from jax.experimental.pallas import tpu as pltpu
from jax.experimental.pallas import tpu_sc as plsc

N = 320000
D = 128
S = 10000
NW = 32
SPW = 320
S_PAD = NW * SPW
C = 256
SUB = 8
BCH = SUB * C
RPW = SPW + 8
CNT_PAD = ((SPW + 15) // 16 + 1) * 16
NB = 2
CH = C // 2


def _pool_kernel(x_hbm, b_hbm, bounds_hbm, out_hbm,
                 xbuf, bbuf, idxb, cnt, bnds, acc_sh,
                 sx0, sx1, ss0, ss1):
    cid = lax.axis_index("c")
    sid = lax.axis_index("s")
    w = sid * 2 + cid
    seg_lo = w * SPW
    base = sid * RPW

    sx = (sx0, sx1)
    ss = (ss0, ss1)

    pltpu.sync_copy(bounds_hbm, bnds)
    bv0 = bnds[pl.ds(w, 16)]
    lo = bv0[0]
    hi = bv0[1]

    zeros16 = jnp.zeros((16,), jnp.float32)

    def zrow(i, carry):
        for j in range(8):
            xbuf[0, i, pl.ds(j * 16, 16)] = zeros16
        return carry
    lax.fori_loop(0, C, zrow, 0)
    pltpu.sync_copy(xbuf.at[0], acc_sh.at[pl.ds(base, C)])
    pltpu.sync_copy(xbuf.at[0].at[pl.ds(0, RPW - C)],
                    acc_sh.at[pl.ds(base + C, RPW - C)])
    for j in range(CNT_PAD // 16):
        cnt[pl.ds(j * 16, 16)] = zeros16

    lo_al = lo & jnp.int32(~7)
    nchunks = (hi - lo_al + C - 1) // C

    def xload(k, b):
        r_eff = pl.multiple_of(jnp.minimum(lo_al + k * C, N - C), 8)
        pltpu.async_copy(x_hbm.at[pl.ds(r_eff, C)], xbuf.at[b], sx[b])

    def xwait(b):
        pltpu.make_async_copy(x_hbm.at[pl.ds(0, C)], xbuf.at[b],
                              sx[b]).wait()

    def scat_half(b, h):
        return (xbuf.at[b].at[pl.ds(h * CH, CH)],
                acc_sh.at[idxb.at[b, h]], ss[b])

    def scat_wait(b):
        for h in range(2):
            src, dst, sem = scat_half(b, h)
            pltpu.make_async_copy(src, dst, sem).wait()

    @pl.when(nchunks > 0)
    def _():
        xload(0, 0)

    def pair(p, carry):
        for b in range(NB):
            k = NB * p + b

            @pl.when(k < nchunks)
            def _():
                s_sup = k // SUB
                rb_eff = pl.multiple_of(
                    jnp.minimum(lo_al + s_sup * BCH, N - BCH), 8)

                if b == 0:
                    @pl.when(lax.rem(k, SUB) == 0)
                    def _():
                        pltpu.sync_copy(b_hbm.at[pl.ds(rb_eff, BCH)], bbuf)

                @pl.when(k >= NB - 1)
                def _():
                    scat_wait((b + 1) % NB)

                @pl.when(k + 1 < nchunks)
                def _():
                    xload(k + 1, (b + 1) % NB)

                r = lo_al + k * C
                r_eff = pl.multiple_of(jnp.minimum(r, N - C), 8)
                off = r_eff - rb_eff
                vlo = jnp.maximum(r, lo)
                for j in range(C // 16):
                    bv = bbuf[pl.ds(off + j * 16, 16)]
                    g = r_eff + j * 16 + lax.iota(jnp.int32, 16)
                    valid = (g >= vlo) & (g < hi)
                    loc = jnp.where(valid, bv - seg_lo, SPW)
                    idxb[b, j // (CH // 16),
                         pl.ds((j % (CH // 16)) * 16, 16)] = base + loc
                    ones = jnp.where(valid, 1.0, 0.0).astype(jnp.float32)
                    plsc.addupdate_scatter(cnt, [loc], ones)

                xwait(b)
                for h in range(2):
                    src, dst, sem = scat_half(b, h)
                    pltpu.async_copy(src, dst, sem, add=True)
        return carry
    lax.fori_loop(0, (nchunks + NB - 1) // NB, pair, 0)

    for b in range(NB):
        cond = jnp.bool_(False)
        for t in range(1, NB):
            cond = cond | ((nchunks >= t) & (lax.rem(nchunks - t, NB) == b))

        @pl.when(cond)
        def _(b=b):
            scat_wait(b)

    W = 64
    blk = xbuf.at[0].at[pl.ds(0, W)]
    for t in range(SPW // W):
        pltpu.sync_copy(acc_sh.at[pl.ds(base + t * W, W)], blk)

        def div_row(s, carry, t=t):
            cv = cnt[pl.ds(t * W + s, 16)]
            inv = (jnp.ones((16,), jnp.float32) / jnp.maximum(cv, 1.0))[0]
            for j in range(8):
                xbuf[0, s, pl.ds(j * 16, 16)] = (
                    xbuf[0, s, pl.ds(j * 16, 16)] * inv)
            return carry
        lax.fori_loop(0, W, div_row, 0)
        pltpu.sync_copy(blk, out_hbm.at[pl.ds(seg_lo + t * W, W)])


def kernel(x, batch):
    b32 = batch.astype(jnp.int32)
    edges = jnp.arange(48, dtype=jnp.int32) * SPW
    bounds = jnp.sum((b32[:, None] < edges[None, :]).astype(jnp.int32),
                     axis=0, dtype=jnp.int32)

    mesh = plsc.VectorSubcoreMesh(core_axis_name="c", subcore_axis_name="s")
    out = pl.kernel(
        _pool_kernel,
        mesh=mesh,
        compiler_params=pltpu.CompilerParams(needs_layout_passes=False),
        out_type=jax.ShapeDtypeStruct((S_PAD, D), jnp.float32),
        scratch_types=[
            pltpu.VMEM((NB, C, D), jnp.float32),
            pltpu.VMEM((BCH,), jnp.int32),
            pltpu.VMEM((NB, 2, CH), jnp.int32),
            pltpu.VMEM((CNT_PAD,), jnp.float32),
            pltpu.VMEM((48,), jnp.int32),
            pltpu.VMEM_SHARED((16 * RPW, D), jnp.float32),
            pltpu.SemaphoreType.DMA,
            pltpu.SemaphoreType.DMA,
            pltpu.SemaphoreType.DMA,
            pltpu.SemaphoreType.DMA,
        ],
    )(x, b32, bounds)
    return out[:S]

# --- scband reference (transcript-rebuilt; emitter-appended) ---
"""Pipeline reference for scband-vnmean-pool-25537875542607 (READ-ONLY COPY).

The authoritative reference and input builder live on the scoring server;
editing this copy changes nothing except your own understanding.
"""

import jax, jax.numpy as jnp
import numpy as np

N = 320000
D = 128
NUM_SEG = 10000

def setup_inputs(seed: int = 0) -> dict:
    key = jax.random.key(seed)
    kx, kb = jax.random.split(key)
    x = jax.random.normal(kx, (N, D), dtype=jnp.float32)
    batch = jnp.sort(jax.random.randint(kb, (N,), 0, NUM_SEG, dtype=jnp.int64))
    # ensure the last segment id is NUM_SEG-1 so dim_size is deterministic
    batch = batch.at[-1].set(NUM_SEG - 1)
    return {"x": x, "batch": batch}

def reference(x, batch):
    # b = batch[-1] + 1
    # setup_inputs guarantees batch[-1] == NUM_SEG - 1 on every seed, so the
    # segment count is statically NUM_SEG; batch stays consumed below.
    b = NUM_SEG
    # scatter(..., reduce='mean') == segment_sum / counts (count clamped to >= 1)
    sums = jax.ops.segment_sum(x, batch, num_segments=b)
    counts = jax.ops.segment_sum(jnp.ones((x.shape[0],), dtype=x.dtype), batch, num_segments=b)
    counts = jnp.clip(counts, 1.0, None)
    return sums / counts[:, None]

if __name__ == "__main__":
    import jax
    _d = setup_inputs()
    print(jax.jit(kernel)(*tuple(_d.values())))

</pallas_src>

<mosaic_0001>
#map = affine_map<(d0, d1) -> (0, 0)>
#map1 = affine_map<(d0, d1) -> (0)>
module attributes {stable_mosaic.version = 14 : i64} {
  func.func @_pool_kernel(%arg0: i32, %arg1: i32, %arg2: memref<320000x128xf32, #tpu.memory_space<hbm>>, %arg3: memref<320000xi32, #tpu.memory_space<hbm>>, %arg4: memref<48xi32, #tpu.memory_space<hbm>>, %arg5: memref<10240x128xf32, #tpu.memory_space<hbm>>, %arg6: memref<2x256x128xf32, #tpu.memory_space<vmem>>, %arg7: memref<2048xi32, #tpu.memory_space<vmem>>, %arg8: memref<2x2x128xi32, #tpu.memory_space<vmem>>, %arg9: memref<336xf32, #tpu.memory_space<vmem>>, %arg10: memref<48xi32, #tpu.memory_space<vmem>>, %arg11: memref<5248x128xf32, #tpu.memory_space<vmem_shared>>, %arg12: memref<!tpu.dma_semaphore, #tpu.memory_space<semaphore_mem>>, %arg13: memref<!tpu.dma_semaphore, #tpu.memory_space<semaphore_mem>>, %arg14: memref<!tpu.dma_semaphore, #tpu.memory_space<semaphore_mem>>, %arg15: memref<!tpu.dma_semaphore, #tpu.memory_space<semaphore_mem>>) attributes {dimension_semantics = [#tpu.dimension_semantics<core_parallel>, #tpu.dimension_semantics<subcore_parallel>], iteration_bounds = array<i64: 2, 16>, scalar_prefetch = 0 : i64, scratch_operands = 10 : i64, tpu.core_type = #tpu.core_type<sc_vector_subcore>, window_params = [{transform_indices = #map}, {transform_indices = #map1}, {transform_indices = #map1}, {transform_indices = #map}]} {
    %mul3A = arith.constant 2 : i32
    %mul3A_0 = arith.muli %arg1, %mul3A : i32
    %add3A = arith.addi %mul3A_0, %arg0 : i32
    %mul3A_1 = arith.constant 320 : i32
    %mul3A_2 = arith.muli %add3A, %mul3A_1 : i32
    %mul3A_3 = arith.constant 328 : i32
    %mul3A_4 = arith.muli %arg1, %mul3A_3 : i32
    "tpu.region"() ({
      %run_scoped3A_205 = tpu.sem_alloc : memref<!tpu.dma_semaphore, #tpu.memory_space<semaphore_mem>>
      tpu.enqueue_dma source(%arg4 : memref<48xi32, #tpu.memory_space<hbm>>) target(%arg10 : memref<48xi32, #tpu.memory_space<vmem>>) target_semaphore(%run_scoped3A_205 : memref<!tpu.dma_semaphore, #tpu.memory_space<semaphore_mem>>)
      tpu.wait_dma2 semaphore(%run_scoped3A_205 : memref<!tpu.dma_semaphore, #tpu.memory_space<semaphore_mem>>) src(%arg4 : memref<48xi32, #tpu.memory_space<hbm>>) dst(%arg10 : memref<48xi32, #tpu.memory_space<vmem>>)
      tpu.yield
    }) : () -> ()
    %get3A = arith.index_cast %add3A : i32 to index
    %get3A_5 = tpu.vector_load %arg10[%get3A] {strides = array<i32>} : memref<48xi32, #tpu.memory_space<vmem>>, vector<16xi32>,
    %slice3A = vector.extract_strided_slice %get3A_5 {offsets = [0], sizes = [1], strides = [1]} : vector<16xi32> to vector<1xi32>
    %squeeze3A = vector.extract %slice3A[0] : i32 from vector<1xi32>
    %slice3A_6 = vector.extract_strided_slice %get3A_5 {offsets = [1], sizes = [1], strides = [1]} : vector<16xi32> to vector<1xi32>
    %squeeze3A_7 = vector.extract %slice3A_6[0] : i32 from vector<1xi32>
    %broadcast_in_dim3A = arith.constant 0.000000e+00 : f32
    %broadcast_in_dim3A_8 = vector.broadcast %broadcast_in_dim3A : f32 to vector<16xf32>
    %scan3A = arith.constant 0 : i32
    %scan3A_9 = arith.constant 0 : i32
    %scan3A_10 = arith.constant 256 : i32
    %scan3A_11 = arith.addi %scan3A_9, %scan3A_10 : i32
    %scan3A_12 = arith.constant 1 : i32
    scf.for %scan3A_205 = %scan3A_9 to %scan3A_11 step %scan3A_12  : i32 {
      %swap3A_206 = arith.constant 0 : i32
      %swap3A_207 = arith.index_cast %swap3A_206 : i32 to index
      %swap3A_208 = arith.index_cast %scan3A_205 : i32 to index
      %swap3A_209 = arith.constant 0 : index
      %swap3A_210 = tpu.vector_load %arg6[%swap3A_207, %swap3A_208, %swap3A_209] {strides = array<i32>} : memref<2x256x128xf32, #tpu.memory_space<vmem>>, vector<16xf32>,
      tpu.vector_store %arg6[%swap3A_207, %swap3A_208, %swap3A_209], %broadcast_in_dim3A_8 {strides = array<i32>} : memref<2x256x128xf32, #tpu.memory_space<vmem>>, vector<16xf32>,
      %swap3A_211 = arith.constant 0 : i32
      %swap3A_212 = arith.index_cast %swap3A_211 : i32 to index
      %swap3A_213 = arith.index_cast %scan3A_205 : i32 to index
      %swap3A_214 = arith.constant 16 : index
      %swap3A_215 = tpu.vector_load %arg6[%swap3A_212, %swap3A_213, %swap3A_214] {strides = array<i32>} : memref<2x256x128xf32, #tpu.memory_space<vmem>>, vector<16xf32>,
      tpu.vector_store %arg6[%swap3A_212, %swap3A_213, %swap3A_214], %broadcast_in_dim3A_8 {strides = array<i32>} : memref<2x256x128xf32, #tpu.memory_space<vmem>>, vector<16xf32>,
      %swap3A_216 = arith.constant 0 : i32
      %swap3A_217 = arith.index_cast %swap3A_216 : i32 to index
      %swap3A_218 = arith.index_cast %scan3A_205 : i32 to index
      %swap3A_219 = arith.constant 32 : index
      %swap3A_220 = tpu.vector_load %arg6[%swap3A_217, %swap3A_218, %swap3A_219] {strides = array<i32>} : memref<2x256x128xf32, #tpu.memory_space<vmem>>, vector<16xf32>,
      tpu.vector_store %arg6[%swap3A_217, %swap3A_218, %swap3A_219], %broadcast_in_dim3A_8 {strides = array<i32>} : memref<2x256x128xf32, #tpu.memory_space<vmem>>, vector<16xf32>,
      %swap3A_221 = arith.constant 0 : i32
      %swap3A_222 = arith.index_cast %swap3A_221 : i32 to index
      %swap3A_223 = arith.index_cast %scan3A_205 : i32 to index
      %swap3A_224 = arith.constant 48 : index
      %swap3A_225 = tpu.vector_load %arg6[%swap3A_222, %swap3A_223, %swap3A_224] {strides = array<i32>} : memref<2x256x128xf32, #tpu.memory_space<vmem>>, vector<16xf32>,
      tpu.vector_store %arg6[%swap3A_222, %swap3A_223, %swap3A_224], %broadcast_in_dim3A_8 {strides = array<i32>} : memref<2x256x128xf32, #tpu.memory_space<vmem>>, vector<16xf32>,
      %swap3A_226 = arith.constant 0 : i32
      %swap3A_227 = arith.index_cast %swap3A_226 : i32 to index
      %swap3A_228 = arith.index_cast %scan3A_205 : i32 to index
      %swap3A_229 = arith.constant 64 : index
      %swap3A_230 = tpu.vector_load %arg6[%swap3A_227, %swap3A_228, %swap3A_229] {strides = array<i32>} : memref<2x256x128xf32, #tpu.memory_space<vmem>>, vector<16xf32>,
      tpu.vector_store %arg6[%swap3A_227, %swap3A_228, %swap3A_229], %broadcast_in_dim3A_8 {strides = array<i32>} : memref<2x256x128xf32, #tpu.memory_space<vmem>>, vector<16xf32>,
      %swap3A_231 = arith.constant 0 : i32
      %swap3A_232 = arith.index_cast %swap3A_231 : i32 to index
      %swap3A_233 = arith.index_cast %scan3A_205 : i32 to index
      %swap3A_234 = arith.constant 80 : index
      %swap3A_235 = tpu.vector_load %arg6[%swap3A_232, %swap3A_233, %swap3A_234] {strides = array<i32>} : memref<2x256x128xf32, #tpu.memory_space<vmem>>, vector<16xf32>,
      tpu.vector_store %arg6[%swap3A_232, %swap3A_233, %swap3A_234], %broadcast_in_dim3A_8 {strides = array<i32>} : memref<2x256x128xf32, #tpu.memory_space<vmem>>, vector<16xf32>,
      %swap3A_236 = arith.constant 0 : i32
      %swap3A_237 = arith.index_cast %swap3A_236 : i32 to index
      %swap3A_238 = arith.index_cast %scan3A_205 : i32 to index
      %swap3A_239 = arith.constant 96 : index
      %swap3A_240 = tpu.vector_load %arg6[%swap3A_237, %swap3A_238, %swap3A_239] {strides = array<i32>} : memref<2x256x128xf32, #tpu.memory_space<vmem>>, vector<16xf32>,
      tpu.vector_store %arg6[%swap3A_237, %swap3A_238, %swap3A_239], %broadcast_in_dim3A_8 {strides = array<i32>} : memref<2x256x128xf32, #tpu.memory_space<vmem>>, vector<16xf32>,
      %swap3A_241 = arith.constant 0 : i32
      %swap3A_242 = arith.index_cast %swap3A_241 : i32 to index
      %swap3A_243 = arith.index_cast %scan3A_205 : i32 to index
      %swap3A_244 = arith.constant 112 : index
      %swap3A_245 = tpu.vector_load %arg6[%swap3A_242, %swap3A_243, %swap3A_244] {strides = array<i32>} : memref<2x256x128xf32, #tpu.memory_space<vmem>>, vector<16xf32>,
      tpu.vector_store %arg6[%swap3A_242, %swap3A_243, %swap3A_244], %broadcast_in_dim3A_8 {strides = array<i32>} : memref<2x256x128xf32, #tpu.memory_space<vmem>>, vector<16xf32>,
    }
    %scan3A_13 = arith.constant 256 : i32
    %run_scoped3A = arith.constant 0 : i32
    "tpu.region"() ({
      %run_scoped3A_205 = tpu.sem_alloc : memref<!tpu.dma_semaphore, #tpu.memory_space<semaphore_mem>>
      %dma_start3A = arith.constant 0 : i32
      %dma_start3A_206 = arith.constant 0 : i32
      %dma_start3A_207 = tpu.memref_slice %arg6[%run_scoped3A, %dma_start3A, %dma_start3A_206] : memref<2x256x128xf32, #tpu.memory_space<vmem>> -> memref<1x256x128xf32, #tpu.memory_space<vmem>>
      %dma_start3A_208 = tpu.memref_squeeze %dma_start3A_207 : memref<1x256x128xf32, #tpu.memory_space<vmem>> -> memref<256x128xf32, #tpu.memory_space<vmem>>
      %dma_start3A_209 = arith.constant 0 : i32
      %dma_start3A_210 = tpu.memref_slice %arg11[%mul3A_4, %dma_start3A_209] : memref<5248x128xf32, #tpu.memory_space<vmem_shared>> -> memref<256x128xf32, #tpu.memory_space<vmem_shared>>
      %dma_start3A_211 = arith.constant 0 : i32
      %dma_start3A_212 = tpu.memref_slice %arg11[%mul3A_4, %dma_start3A_211] : memref<5248x128xf32, #tpu.memory_space<vmem_shared>> -> memref<256x128xf32, #tpu.memory_space<vmem_shared>>
      %dma_start3A_213 = arith.constant 0 : i32
      %dma_start3A_214 = arith.constant 0 : i32
      %dma_start3A_215 = tpu.memref_slice %arg6[%run_scoped3A, %dma_start3A_213, %dma_start3A_214] : memref<2x256x128xf32, #tpu.memory_space<vmem>> -> memref<1x256x128xf32, #tpu.memory_space<vmem>>
      %dma_start3A_216 = tpu.memref_squeeze %dma_start3A_215 : memref<1x256x128xf32, #tpu.memory_space<vmem>> -> memref<256x128xf32, #tpu.memory_space<vmem>>
      tpu.enqueue_dma source(%dma_start3A_216 : memref<256x128xf32, #tpu.memory_space<vmem>>) target(%dma_start3A_212 : memref<256x128xf32, #tpu.memory_space<vmem_shared>>) target_semaphore(%run_scoped3A_205 : memref<!tpu.dma_semaphore, #tpu.memory_space<semaphore_mem>>)
      %dma_wait3A = arith.constant 0 : i32
      %dma_wait3A_217 = arith.constant 0 : i32
      %dma_wait3A_218 = tpu.memref_slice %arg6[%run_scoped3A, %dma_wait3A, %dma_wait3A_217] : memref<2x256x128xf32, #tpu.memory_space<vmem>> -> memref<1x256x128xf32, #tpu.memory_space<vmem>>
      %dma_wait3A_219 = tpu.memref_squeeze %dma_wait3A_218 : memref<1x256x128xf32, #tpu.memory_space<vmem>> -> memref<256x128xf32, #tpu.memory_space<vmem>>
      %dma_wait3A_220 = arith.constant 0 : i32
      %dma_wait3A_221 = tpu.memref_slice %arg11[%mul3A_4, %dma_wait3A_220] : memref<5248x128xf32, #tpu.memory_space<vmem_shared>> -> memref<256x128xf32, #tpu.memory_space<vmem_shared>>
      %dma_wait3A_222 = arith.constant 0 : i32
      %dma_wait3A_223 = tpu.memref_slice %arg11[%mul3A_4, %dma_wait3A_222] : memref<5248x128xf32, #tpu.memory_space<vmem_shared>> -> memref<256x128xf32, #tpu.memory_space<vmem_shared>>
      %dma_wait3A_224 = arith.constant 0 : i32
      %dma_wait3A_225 = arith.constant 0 : i32
      %dma_wait3A_226 = tpu.memref_slice %arg6[%run_scoped3A, %dma_wait3A_224, %dma_wait3A_225] : memref<2x256x128xf32, #tpu.memory_space<vmem>> -> memref<1x256x128xf32, #tpu.memory_space<vmem>>
      %dma_wait3A_227 = tpu.memref_squeeze %dma_wait3A_226 : memref<1x256x128xf32, #tpu.memory_space<vmem>> -> memref<256x128xf32, #tpu.memory_space<vmem>>
      tpu.wait_dma2 semaphore(%run_scoped3A_205 : memref<!tpu.dma_semaphore, #tpu.memory_space<semaphore_mem>>) src(%dma_wait3A_227 : memref<256x128xf32, #tpu.memory_space<vmem>>) dst(%dma_wait3A_223 : memref<256x128xf32, #tpu.memory_space<vmem_shared>>)
      tpu.yield
    }) : () -> ()
    %add3A_14 = arith.constant 256 : i32
    %add3A_15 = arith.addi %mul3A_4, %add3A_14 : i32
    %run_scoped3A_16 = arith.constant 0 : i32
    "tpu.region"() ({
      %run_scoped3A_205 = tpu.sem_alloc : memref<!tpu.dma_semaphore, #tpu.memory_space<semaphore_mem>>
      %dma_start3A = arith.constant 0 : i32
      %dma_start3A_206 = arith.constant 0 : i32
      %dma_start3A_207 = tpu.memref_slice %arg6[%run_scoped3A_16, %dma_start3A, %dma_start3A_206] : memref<2x256x128xf32, #tpu.memory_space<vmem>> -> memref<1x256x128xf32, #tpu.memory_space<vmem>>
      %dma_start3A_208 = tpu.memref_squeeze %dma_start3A_207 : memref<1x256x128xf32, #tpu.memory_space<vmem>> -> memref<256x128xf32, #tpu.memory_space<vmem>>
      %dma_start3A_209 = arith.constant 0 : i32
      %dma_start3A_210 = arith.constant 0 : i32
      %dma_start3A_211 = tpu.memref_slice %dma_start3A_208[%dma_start3A_209, %dma_start3A_210] : memref<256x128xf32, #tpu.memory_space<vmem>> -> memref<72x128xf32, #tpu.memory_space<vmem>>
      %dma_start3A_212 = arith.constant 0 : i32
      %dma_start3A_213 = tpu.memref_slice %arg11[%add3A_15, %dma_start3A_212] : memref<5248x128xf32, #tpu.memory_space<vmem_shared>> -> memref<72x128xf32, #tpu.memory_space<vmem_shared>>
      %dma_start3A_214 = arith.constant 0 : i32
      %dma_start3A_215 = tpu.memref_slice %arg11[%add3A_15, %dma_start3A_214] : memref<5248x128xf32, #tpu.memory_space<vmem_shared>> -> memref<72x128xf32, #tpu.memory_space<vmem_shared>>
      %dma_start3A_216 = arith.constant 0 : i32
      %dma_start3A_217 = arith.constant 0 : i32
      %dma_start3A_218 = tpu.memref_slice %arg6[%run_scoped3A_16, %dma_start3A_216, %dma_start3A_217] : memref<2x256x128xf32, #tpu.memory_space<vmem>> -> memref<1x256x128xf32, #tpu.memory_space<vmem>>
      %dma_start3A_219 = tpu.memref_squeeze %dma_start3A_218 : memref<1x256x128xf32, #tpu.memory_space<vmem>> -> memref<256x128xf32, #tpu.memory_space<vmem>>
      %dma_start3A_220 = arith.constant 0 : i32
      %dma_start3A_221 = arith.constant 0 : i32
      %dma_start3A_222 = tpu.memref_slice %dma_start3A_219[%dma_start3A_220, %dma_start3A_221] : memref<256x128xf32, #tpu.memory_space<vmem>> -> memref<72x128xf32, #tpu.memory_space<vmem>>
      tpu.enqueue_dma source(%dma_start3A_222 : memref<72x128xf32, #tpu.memory_space<vmem>>) target(%dma_start3A_215 : memref<72x128xf32, #tpu.memory_space<vmem_shared>>) target_semaphore(%run_scoped3A_205 : memref<!tpu.dma_semaphore, #tpu.memory_space<semaphore_mem>>)
      %dma_wait3A = arith.constant 0 : i32
      %dma_wait3A_223 = arith.constant 0 : i32
      %dma_wait3A_224 = tpu.memref_slice %arg6[%run_scoped3A_16, %dma_wait3A, %dma_wait3A_223] : memref<2x256x128xf32, #tpu.memory_space<vmem>> -> memref<1x256x128xf32, #tpu.memory_space<vmem>>
      %dma_wait3A_225 = tpu.memref_squeeze %dma_wait3A_224 : memref<1x256x128xf32, #tpu.memory_space<vmem>> -> memref<256x128xf32, #tpu.memory_space<vmem>>
      %dma_wait3A_226 = arith.constant 0 : i32
      %dma_wait3A_227 = arith.constant 0 : i32
      %dma_wait3A_228 = tpu.memref_slice %dma_wait3A_225[%dma_wait3A_226, %dma_wait3A_227] : memref<256x128xf32, #tpu.memory_space<vmem>> -> memref<72x128xf32, #tpu.memory_space<vmem>>
      %dma_wait3A_229 = arith.constant 0 : i32
      %dma_wait3A_230 = tpu.memref_slice %arg11[%add3A_15, %dma_wait3A_229] : memref<5248x128xf32, #tpu.memory_space<vmem_shared>> -> memref<72x128xf32, #tpu.memory_space<vmem_shared>>
      %dma_wait3A_231 = arith.constant 0 : i32
      %dma_wait3A_232 = tpu.memref_slice %arg11[%add3A_15, %dma_wait3A_231] : memref<5248x128xf32, #tpu.memory_space<vmem_shared>> -> memref<72x128xf32, #tpu.memory_space<vmem_shared>>
      %dma_wait3A_233 = arith.constant 0 : i32
      %dma_wait3A_234 = arith.constant 0 : i32
      %dma_wait3A_235 = tpu.memref_slice %arg6[%run_scoped3A_16, %dma_wait3A_233, %dma_wait3A_234] : memref<2x256x128xf32, #tpu.memory_space<vmem>> -> memref<1x256x128xf32, #tpu.memory_space<vmem>>
      %dma_wait3A_236 = tpu.memref_squeeze %dma_wait3A_235 : memref<1x256x128xf32, #tpu.memory_space<vmem>> -> memref<256x128xf32, #tpu.memory_space<vmem>>
      %dma_wait3A_237 = arith.constant 0 : i32
      %dma_wait3A_238 = arith.constant 0 : i32
      %dma_wait3A_239 = tpu.memref_slice %dma_wait3A_236[%dma_wait3A_237, %dma_wait3A_238] : memref<256x128xf32, #tpu.memory_space<vmem>> -> memref<72x128xf32, #tpu.memory_space<vmem>>
      tpu.wait_dma2 semaphore(%run_scoped3A_205 : memref<!tpu.dma_semaphore, #tpu.memory_space<semaphore_mem>>) src(%dma_wait3A_239 : memref<72x128xf32, #tpu.memory_space<vmem>>) dst(%dma_wait3A_232 : memref<72x128xf32, #tpu.memory_space<vmem_shared>>)
      tpu.yield
    }) : () -> ()
    %swap3A = arith.constant 0 : index
    %swap3A_17 = tpu.vector_load %arg9[%swap3A] {strides = array<i32>} : memref<336xf32, #tpu.memory_space<vmem>>, vector<16xf32>,
    tpu.vector_store %arg9[%swap3A], %broadcast_in_dim3A_8 {strides = array<i32>} : memref<336xf32, #tpu.memory_space<vmem>>, vector<16xf32>,
    %swap3A_18 = arith.constant 16 : index
    %swap3A_19 = tpu.vector_load %arg9[%swap3A_18] {strides = array<i32>} : memref<336xf32, #tpu.memory_space<vmem>>, vector<16xf32>,
    tpu.vector_store %arg9[%swap3A_18], %broadcast_in_dim3A_8 {strides = array<i32>} : memref<336xf32, #tpu.memory_space<vmem>>, vector<16xf32>,
    %swap3A_20 = arith.constant 32 : index
    %swap3A_21 = tpu.vector_load %arg9[%swap3A_20] {strides = array<i32>} : memref<336xf32, #tpu.memory_space<vmem>>, vector<16xf32>,
    tpu.vector_store %arg9[%swap3A_20], %broadcast_in_dim3A_8 {strides = array<i32>} : memref<336xf32, #tpu.memory_space<vmem>>, vector<16xf32>,
    %swap3A_22 = arith.constant 48 : index
    %swap3A_23 = tpu.vector_load %arg9[%swap3A_22] {strides = array<i32>} : memref<336xf32, #tpu.memory_space<vmem>>, vector<16xf32>,
    tpu.vector_store %arg9[%swap3A_22], %broadcast_in_dim3A_8 {strides = array<i32>} : memref<336xf32, #tpu.memory_space<vmem>>, vector<16xf32>,
    %swap3A_24 = arith.constant 64 : index
    %swap3A_25 = tpu.vector_load %arg9[%swap3A_24] {strides = array<i32>} : memref<336xf32, #tpu.memory_space<vmem>>, vector<16xf32>,
    tpu.vector_store %arg9[%swap3A_24], %broadcast_in_dim3A_8 {strides = array<i32>} : memref<336xf32, #tpu.memory_space<vmem>>, vector<16xf32>,
    %swap3A_26 = arith.constant 80 : index
    %swap3A_27 = tpu.vector_load %arg9[%swap3A_26] {strides = array<i32>} : memref<336xf32, #tpu.memory_space<vmem>>, vector<16xf32>,
    tpu.vector_store %arg9[%swap3A_26], %broadcast_in_dim3A_8 {strides = array<i32>} : memref<336xf32, #tpu.memory_space<vmem>>, vector<16xf32>,
    %swap3A_28 = arith.constant 96 : index
    %swap3A_29 = tpu.vector_load %arg9[%swap3A_28] {strides = array<i32>} : memref<336xf32, #tpu.memory_space<vmem>>, vector<16xf32>,
    tpu.vector_store %arg9[%swap3A_28], %broadcast_in_dim3A_8 {strides = array<i32>} : memref<336xf32, #tpu.memory_space<vmem>>, vector<16xf32>,
    %swap3A_30 = arith.constant 112 : index
    %swap3A_31 = tpu.vector_load %arg9[%swap3A_30] {strides = array<i32>} : memref<336xf32, #tpu.memory_space<vmem>>, vector<16xf32>,
    tpu.vector_store %arg9[%swap3A_30], %broadcast_in_dim3A_8 {strides = array<i32>} : memref<336xf32, #tpu.memory_space<vmem>>, vector<16xf32>,
    %swap3A_32 = arith.constant 128 : index
    %swap3A_33 = tpu.vector_load %arg9[%swap3A_32] {strides = array<i32>} : memref<336xf32, #tpu.memory_space<vmem>>, vector<16xf32>,
    tpu.vector_store %arg9[%swap3A_32], %broadcast_in_dim3A_8 {strides = array<i32>} : memref<336xf32, #tpu.memory_space<vmem>>, vector<16xf32>,
    %swap3A_34 = arith.constant 144 : index
    %swap3A_35 = tpu.vector_load %arg9[%swap3A_34] {strides = array<i32>} : memref<336xf32, #tpu.memory_space<vmem>>, vector<16xf32>,
    tpu.vector_store %arg9[%swap3A_34], %broadcast_in_dim3A_8 {strides = array<i32>} : memref<336xf32, #tpu.memory_space<vmem>>, vector<16xf32>,
    %swap3A_36 = arith.constant 160 : index
    %swap3A_37 = tpu.vector_load %arg9[%swap3A_36] {strides = array<i32>} : memref<336xf32, #tpu.memory_space<vmem>>, vector<16xf32>,
    tpu.vector_store %arg9[%swap3A_36], %broadcast_in_dim3A_8 {strides = array<i32>} : memref<336xf32, #tpu.memory_space<vmem>>, vector<16xf32>,
    %swap3A_38 = arith.constant 176 : index
    %swap3A_39 = tpu.vector_load %arg9[%swap3A_38] {strides = array<i32>} : memref<336xf32, #tpu.memory_space<vmem>>, vector<16xf32>,
    tpu.vector_store %arg9[%swap3A_38], %broadcast_in_dim3A_8 {strides = array<i32>} : memref<336xf32, #tpu.memory_space<vmem>>, vector<16xf32>,
    %swap3A_40 = arith.constant 192 : index
    %swap3A_41 = tpu.vector_load %arg9[%swap3A_40] {strides = array<i32>} : memref<336xf32, #tpu.memory_space<vmem>>, vector<16xf32>,
    tpu.vector_store %arg9[%swap3A_40], %broadcast_in_dim3A_8 {strides = array<i32>} : memref<336xf32, #tpu.memory_space<vmem>>, vector<16xf32>,
    %swap3A_42 = arith.constant 208 : index
    %swap3A_43 = tpu.vector_load %arg9[%swap3A_42] {strides = array<i32>} : memref<336xf32, #tpu.memory_space<vmem>>, vector<16xf32>,
    tpu.vector_store %arg9[%swap3A_42], %broadcast_in_dim3A_8 {strides = array<i32>} : memref<336xf32, #tpu.memory_space<vmem>>, vector<16xf32>,
    %swap3A_44 = arith.constant 224 : index
    %swap3A_45 = tpu.vector_load %arg9[%swap3A_44] {strides = array<i32>} : memref<336xf32, #tpu.memory_space<vmem>>, vector<16xf32>,
    tpu.vector_store %arg9[%swap3A_44], %broadcast_in_dim3A_8 {strides = array<i32>} : memref<336xf32, #tpu.memory_space<vmem>>, vector<16xf32>,
    %swap3A_46 = arith.constant 240 : index
    %swap3A_47 = tpu.vector_load %arg9[%swap3A_46] {strides = array<i32>} : memref<336xf32, #tpu.memory_space<vmem>>, vector<16xf32>,
    tpu.vector_store %arg9[%swap3A_46], %broadcast_in_dim3A_8 {strides = array<i32>} : memref<336xf32, #tpu.memory_space<vmem>>, vector<16xf32>,
    %swap3A_48 = arith.constant 256 : index
    %swap3A_49 = tpu.vector_load %arg9[%swap3A_48] {strides = array<i32>} : memref<336xf32, #tpu.memory_space<vmem>>, vector<16xf32>,
    tpu.vector_store %arg9[%swap3A_48], %broadcast_in_dim3A_8 {strides = array<i32>} : memref<336xf32, #tpu.memory_space<vmem>>, vector<16xf32>,
    %swap3A_50 = arith.constant 272 : index
    %swap3A_51 = tpu.vector_load %arg9[%swap3A_50] {strides = array<i32>} : memref<336xf32, #tpu.memory_space<vmem>>, vector<16xf32>,
    tpu.vector_store %arg9[%swap3A_50], %broadcast_in_dim3A_8 {strides = array<i32>} : memref<336xf32, #tpu.memory_space<vmem>>, vector<16xf32>,
    %swap3A_52 = arith.constant 288 : index
    %swap3A_53 = tpu.vector_load %arg9[%swap3A_52] {strides = array<i32>} : memref<336xf32, #tpu.memory_space<vmem>>, vector<16xf32>,
    tpu.vector_store %arg9[%swap3A_52], %broadcast_in_dim3A_8 {strides = array<i32>} : memref<336xf32, #tpu.memory_space<vmem>>, vector<16xf32>,
    %swap3A_54 = arith.constant 304 : index
    %swap3A_55 = tpu.vector_load %arg9[%swap3A_54] {strides = array<i32>} : memref<336xf32, #tpu.memory_space<vmem>>, vector<16xf32>,
    tpu.vector_store %arg9[%swap3A_54], %broadcast_in_dim3A_8 {strides = array<i32>} : memref<336xf32, #tpu.memory_space<vmem>>, vector<16xf32>,
    %swap3A_56 = arith.constant 320 : index
    %swap3A_57 = tpu.vector_load %arg9[%swap3A_56] {strides = array<i32>} : memref<336xf32, #tpu.memory_space<vmem>>, vector<16xf32>,
    tpu.vector_store %arg9[%swap3A_56], %broadcast_in_dim3A_8 {strides = array<i32>} : memref<336xf32, #tpu.memory_space<vmem>>, vector<16xf32>,
    %and3A = arith.constant -8 : i32
    %and3A_58 = arith.andi %squeeze3A, %and3A : i32
    %sub3A = arith.subi %squeeze3A_7, %and3A_58 : i32
    %add3A_59 = arith.constant 256 : i32
    %add3A_60 = arith.addi %sub3A, %add3A_59 : i32
    %sub3A_61 = arith.constant 1 : i32
    %sub3A_62 = arith.subi %add3A_60, %sub3A_61 : i32
    %jit3A = arith.constant 256 : i32
    %div3A = arith.divsi %sub3A_62, %jit3A : i32
    %sign3A = arith.constant 0 : i32
    %sign3A_63 = arith.cmpi sgt, %sub3A_62, %sign3A : i32
    %sign3A_64 = arith.extui %sign3A_63 : i1 to i32
    %sign3A_65 = arith.constant 0 : i32
    %sign3A_66 = arith.cmpi slt, %sub3A_62, %sign3A_65 : i32
    %sign3A_67 = arith.extui %sign3A_66 : i1 to i32
    %sign3A_68 = arith.subi %sign3A_64, %sign3A_67 : i32
    %sign3A_69 = arith.constant 0 : i32
    %sign3A_70 = arith.cmpi sgt, %jit3A, %sign3A_69 : i32
    %sign3A_71 = arith.extui %sign3A_70 : i1 to i32
    %sign3A_72 = arith.constant 0 : i32
    %sign3A_73 = arith.cmpi slt, %jit3A, %sign3A_72 : i32
    %sign3A_74 = arith.extui %sign3A_73 : i1 to i32
    %sign3A_75 = arith.subi %sign3A_71, %sign3A_74 : i32
    %ne3A = arith.cmpi ne, %sign3A_68, %sign3A_75 : i32
    %rem3A = arith.remsi %sub3A_62, %jit3A : i32
    %ne3A_76 = arith.constant 0 : i32
    %ne3A_77 = arith.cmpi ne, %rem3A, %ne3A_76 : i32
    %and3A_78 = arith.andi %ne3A, %ne3A_77 : i1
    %sub3A_79 = arith.constant 1 : i32
    %sub3A_80 = arith.subi %div3A, %sub3A_79 : i32
    %select_n3A = arith.select %and3A_78, %sub3A_80, %div3A : i32
    %gt3A = arith.constant 0 : i32
    %gt3A_81 = arith.cmpi sgt, %select_n3A, %gt3A : i32
    %convert_element_type3A = arith.extui %gt3A_81 : i1 to i32
    %cond3A = arith.constant 0 : i32
    %cond3A_82 = arith.cmpi ne, %convert_element_type3A, %cond3A : i32
    scf.if %cond3A_82 {
      %add3A_205 = arith.constant 0 : i32
      %add3A_206 = arith.addi %and3A_58, %add3A_205 : i32
      %min3A = arith.constant 319744 : i32
      %min3A_207 = arith.minsi %add3A_206, %min3A : i32
      %multiple_of3A = tpu.assume_multiple %min3A_207, 8 : i32
      %dma_start3A = arith.constant 0 : i32
      %dma_start3A_208 = arith.constant 0 : i32
      %dma_start3A_209 = arith.constant 0 : i32
      %dma_start3A_210 = tpu.memref_slice %arg6[%dma_start3A, %dma_start3A_208, %dma_start3A_209] : memref<2x256x128xf32, #tpu.memory_space<vmem>> -> memref<1x256x128xf32, #tpu.memory_space<vmem>>
      %dma_start3A_211 = tpu.memref_squeeze %dma_start3A_210 : memref<1x256x128xf32, #tpu.memory_space<vmem>> -> memref<256x128xf32, #tpu.memory_space<vmem>>
      %dma_start3A_212 = arith.constant 0 : i32
      %dma_start3A_213 = tpu.memref_slice %arg2[%multiple_of3A, %dma_start3A_212] : memref<320000x128xf32, #tpu.memory_space<hbm>> -> memref<256x128xf32, #tpu.memory_space<hbm>>
      %dma_start3A_214 = arith.constant 0 : i32
      %dma_start3A_215 = arith.constant 0 : i32
      %dma_start3A_216 = tpu.memref_slice %arg6[%dma_start3A, %dma_start3A_214, %dma_start3A_215] : memref<2x256x128xf32, #tpu.memory_space<vmem>> -> memref<1x256x128xf32, #tpu.memory_space<vmem>>
      %dma_start3A_217 = tpu.memref_squeeze %dma_start3A_216 : memref<1x256x128xf32, #tpu.memory_space<vmem>> -> memref<256x128xf32, #tpu.memory_space<vmem>>
      %dma_start3A_218 = arith.constant 0 : i32
      %dma_start3A_219 = tpu.memref_slice %arg2[%multiple_of3A, %dma_start3A_218] : memref<320000x128xf32, #tpu.memory_space<hbm>> -> memref<256x128xf32, #tpu.memory_space<hbm>>
      tpu.enqueue_dma source(%dma_start3A_219 : memref<256x128xf32, #tpu.memory_space<hbm>>) target(%dma_start3A_217 : memref<256x128xf32, #tpu.memory_space<vmem>>) target_semaphore(%arg12 : memref<!tpu.dma_semaphore, #tpu.memory_space<semaphore_mem>>)
    } else {
    }
    %add3A_83 = arith.constant 2 : i32
    %add3A_84 = arith.addi %select_n3A, %add3A_83 : i32
    %sub3A_85 = arith.constant 1 : i32
    %sub3A_86 = arith.subi %add3A_84, %sub3A_85 : i32
    %jit3A_87 = arith.constant 2 : i32
    %div3A_88 = arith.divsi %sub3A_86, %jit3A_87 : i32
    %sign3A_89 = arith.constant 0 : i32
    %sign3A_90 = arith.cmpi sgt, %sub3A_86, %sign3A_89 : i32
    %sign3A_91 = arith.extui %sign3A_90 : i1 to i32
    %sign3A_92 = arith.constant 0 : i32
    %sign3A_93 = arith.cmpi slt, %sub3A_86, %sign3A_92 : i32
    %sign3A_94 = arith.extui %sign3A_93 : i1 to i32
    %sign3A_95 = arith.subi %sign3A_91, %sign3A_94 : i32
    %sign3A_96 = arith.constant 0 : i32
    %sign3A_97 = arith.cmpi sgt, %jit3A_87, %sign3A_96 : i32
    %sign3A_98 = arith.extui %sign3A_97 : i1 to i32
    %sign3A_99 = arith.constant 0 : i32
    %sign3A_100 = arith.cmpi slt, %jit3A_87, %sign3A_99 : i32
    %sign3A_101 = arith.extui %sign3A_100 : i1 to i32
    %sign3A_102 = arith.subi %sign3A_98, %sign3A_101 : i32
    %ne3A_103 = arith.cmpi ne, %sign3A_95, %sign3A_102 : i32
    %rem3A_104 = arith.remsi %sub3A_86, %jit3A_87 : i32
    %ne3A_105 = arith.constant 0 : i32
    %ne3A_106 = arith.cmpi ne, %rem3A_104, %ne3A_105 : i32
    %and3A_107 = arith.andi %ne3A_103, %ne3A_106 : i1
    %sub3A_108 = arith.constant 1 : i32
    %sub3A_109 = arith.subi %div3A_88, %sub3A_108 : i32
    %select_n3A_110 = arith.select %and3A_107, %sub3A_109, %div3A_88 : i32
    %while3A = arith.constant 0 : i32
    %while3A_111 = arith.constant 0 : i32
    %while3A_112 = arith.subi %select_n3A_110, %while3A_111 : i32
    %while3A_113 = arith.addi %while3A_111, %while3A_112 : i32
    %while3A_114 = arith.constant 1 : i32
    %while3A_115 = arith.divsi %while3A_112, %while3A_114 : i32
    %while3A_116 = arith.muli %while3A_115, %while3A_114 : i32
    %while3A_117 = arith.addi %while3A_111, %while3A_116 : i32
    %while3A_118 = arith.constant 1 : i32
    scf.for %while3A_205 = %while3A_111 to %while3A_117 step %while3A_118  : i32 {
      %mul3A_206 = arith.constant 2 : i32
      %mul3A_207 = arith.muli %mul3A_206, %while3A_205 : i32
      %add3A_208 = arith.constant 0 : i32
      %add3A_209 = arith.addi %mul3A_207, %add3A_208 : i32
      %lt3A = arith.cmpi slt, %add3A_209, %select_n3A : i32
      %convert_element_type3A_210 = arith.extui %lt3A : i1 to i32
      %cond3A_211 = arith.constant 0 : i32
      %cond3A_212 = arith.cmpi ne, %convert_element_type3A_210, %cond3A_211 : i32
      scf.if %cond3A_212 {
        %jit3A_221 = arith.constant 8 : i32
        %div3A_222 = arith.divsi %add3A_209, %jit3A_221 : i32
        %sign3A_223 = arith.constant 0 : i32
        %sign3A_224 = arith.cmpi sgt, %add3A_209, %sign3A_223 : i32
        %sign3A_225 = arith.extui %sign3A_224 : i1 to i32
        %sign3A_226 = arith.constant 0 : i32
        %sign3A_227 = arith.cmpi slt, %add3A_209, %sign3A_226 : i32
        %sign3A_228 = arith.extui %sign3A_227 : i1 to i32
        %sign3A_229 = arith.subi %sign3A_225, %sign3A_228 : i32
        %sign3A_230 = arith.constant 0 : i32
        %sign3A_231 = arith.cmpi sgt, %jit3A_221, %sign3A_230 : i32
        %sign3A_232 = arith.extui %sign3A_231 : i1 to i32
        %sign3A_233 = arith.constant 0 : i32
        %sign3A_234 = arith.cmpi slt, %jit3A_221, %sign3A_233 : i32
        %sign3A_235 = arith.extui %sign3A_234 : i1 to i32
        %sign3A_236 = arith.subi %sign3A_232, %sign3A_235 : i32
        %ne3A_237 = arith.cmpi ne, %sign3A_229, %sign3A_236 : i32
        %rem3A_238 = arith.remsi %add3A_209, %jit3A_221 : i32
        %ne3A_239 = arith.constant 0 : i32
        %ne3A_240 = arith.cmpi ne, %rem3A_238, %ne3A_239 : i32
        %and3A_241 = arith.andi %ne3A_237, %ne3A_240 : i1
        %sub3A_242 = arith.constant 1 : i32
        %sub3A_243 = arith.subi %div3A_222, %sub3A_242 : i32
        %select_n3A_244 = arith.select %and3A_241, %sub3A_243, %div3A_222 : i32
        %mul3A_245 = arith.constant 2048 : i32
        %mul3A_246 = arith.muli %select_n3A_244, %mul3A_245 : i32
        %add3A_247 = arith.addi %and3A_58, %mul3A_246 : i32
        %min3A = arith.constant 317952 : i32
        %min3A_248 = arith.minsi %add3A_247, %min3A : i32
        %multiple_of3A = tpu.assume_multiple %min3A_248, 8 : i32
        %rem3A_249 = arith.constant 8 : i32
        %rem3A_250 = arith.remsi %add3A_209, %rem3A_249 : i32
        %eq3A_251 = arith.constant 0 : i32
        %eq3A_252 = arith.cmpi eq, %rem3A_250, %eq3A_251 : i32
        %convert_element_type3A_253 = arith.extui %eq3A_252 : i1 to i32
        %cond3A_254 = arith.constant 0 : i32
        %cond3A_255 = arith.cmpi ne, %convert_element_type3A_253, %cond3A_254 : i32
        scf.if %cond3A_255 {
          "tpu.region"() ({
            %run_scoped3A_830 = tpu.sem_alloc : memref<!tpu.dma_semaphore, #tpu.memory_space<semaphore_mem>>
            %dma_start3A_831 = tpu.memref_slice %arg3[%multiple_of3A] : memref<320000xi32, #tpu.memory_space<hbm>> -> memref<2048xi32, #tpu.memory_space<hbm>>
            %dma_start3A_832 = tpu.memref_slice %arg3[%multiple_of3A] : memref<320000xi32, #tpu.memory_space<hbm>> -> memref<2048xi32, #tpu.memory_space<hbm>>
            tpu.enqueue_dma source(%dma_start3A_832 : memref<2048xi32, #tpu.memory_space<hbm>>) target(%arg7 : memref<2048xi32, #tpu.memory_space<vmem>>) target_semaphore(%run_scoped3A_830 : memref<!tpu.dma_semaphore, #tpu.memory_space<semaphore_mem>>)
            %dma_wait3A_833 = tpu.memref_slice %arg3[%multiple_of3A] : memref<320000xi32, #tpu.memory_space<hbm>> -> memref<2048xi32, #tpu.memory_space<hbm>>
            %dma_wait3A_834 = tpu.memref_slice %arg3[%multiple_of3A] : memref<320000xi32, #tpu.memory_space<hbm>> -> memref<2048xi32, #tpu.memory_space<hbm>>
            tpu.wait_dma2 semaphore(%run_scoped3A_830 : memref<!tpu.dma_semaphore, #tpu.memory_space<semaphore_mem>>) src(%dma_wait3A_834 : memref<2048xi32, #tpu.memory_space<hbm>>) dst(%arg7 : memref<2048xi32, #tpu.memory_space<vmem>>)
            tpu.yield
          }) : () -> ()
        } else {
        }
        %ge3A_256 = arith.constant 1 : i32
        %ge3A_257 = arith.cmpi sge, %add3A_209, %ge3A_256 : i32
        %convert_element_type3A_258 = arith.extui %ge3A_257 : i1 to i32
        %cond3A_259 = arith.constant 0 : i32
        %cond3A_260 = arith.cmpi ne, %convert_element_type3A_258, %cond3A_259 : i32
        scf.if %cond3A_260 {
          %dma_wait3A_830 = arith.constant 1 : i32
          %dma_wait3A_831 = arith.constant 1 : i32
          %dma_wait3A_832 = arith.constant 0 : i32
          %dma_wait3A_833 = arith.constant 0 : i32
          %dma_wait3A_834 = arith.constant 0 : i32
          %dma_wait3A_835 = tpu.memref_slice %arg6[%dma_wait3A_830, %dma_wait3A_833, %dma_wait3A_834] : memref<2x256x128xf32, #tpu.memory_space<vmem>> -> memref<1x256x128xf32, #tpu.memory_space<vmem>>
          %dma_wait3A_836 = tpu.memref_squeeze %dma_wait3A_835 : memref<1x256x128xf32, #tpu.memory_space<vmem>> -> memref<256x128xf32, #tpu.memory_space<vmem>>
          %dma_wait3A_837 = arith.constant 0 : i32
          %dma_wait3A_838 = arith.constant 0 : i32
          %dma_wait3A_839 = tpu.memref_slice %dma_wait3A_836[%dma_wait3A_837, %dma_wait3A_838] : memref<256x128xf32, #tpu.memory_space<vmem>> -> memref<128x128xf32, #tpu.memory_space<vmem>>
          %dma_wait3A_840 = arith.constant 0 : i32
          %dma_wait3A_841 = tpu.memref_slice %arg8[%dma_wait3A_831, %dma_wait3A_832, %dma_wait3A_840] : memref<2x2x128xi32, #tpu.memory_space<vmem>> -> memref<1x1x128xi32, #tpu.memory_space<vmem>>
          %dma_wait3A_842 = tpu.memref_squeeze %dma_wait3A_841 : memref<1x1x128xi32, #tpu.memory_space<vmem>> -> memref<128xi32, #tpu.memory_space<vmem>>
          %dma_wait3A_843 = arith.constant 0 : i32
          %dma_wait3A_844 = arith.constant 0 : i32
          %dma_wait3A_845 = tpu.memref_slice %arg11[%dma_wait3A_843, %dma_wait3A_844] : memref<5248x128xf32, #tpu.memory_space<vmem_shared>> -> memref<5248x128xf32, #tpu.memory_space<vmem_shared>>
          tpu.wait_indirect_dma semaphore(%arg15 : memref<!tpu.dma_semaphore, #tpu.memory_space<semaphore_mem>>) src(%dma_wait3A_839 : memref<128x128xf32, #tpu.memory_space<vmem>>) dst(%dma_wait3A_845 : memref<5248x128xf32, #tpu.memory_space<vmem_shared>>)
          %dma_wait3A_846 = arith.constant 1 : i32
          %dma_wait3A_847 = arith.constant 1 : i32
          %dma_wait3A_848 = arith.constant 1 : i32
          %dma_wait3A_849 = arith.constant 0 : i32
          %dma_wait3A_850 = arith.constant 0 : i32
          %dma_wait3A_851 = tpu.memref_slice %arg6[%dma_wait3A_846, %dma_wait3A_849, %dma_wait3A_850] : memref<2x256x128xf32, #tpu.memory_space<vmem>> -> memref<1x256x128xf32, #tpu.memory_space<vmem>>
          %dma_wait3A_852 = tpu.memref_squeeze %dma_wait3A_851 : memref<1x256x128xf32, #tpu.memory_space<vmem>> -> memref<256x128xf32, #tpu.memory_space<vmem>>
          %dma_wait3A_853 = arith.constant 128 : i32
          %dma_wait3A_854 = arith.constant 0 : i32
          %dma_wait3A_855 = tpu.memref_slice %dma_wait3A_852[%dma_wait3A_853, %dma_wait3A_854] : memref<256x128xf32, #tpu.memory_space<vmem>> -> memref<128x128xf32, #tpu.memory_space<vmem>>
          %dma_wait3A_856 = arith.constant 0 : i32
          %dma_wait3A_857 = tpu.memref_slice %arg8[%dma_wait3A_847, %dma_wait3A_848, %dma_wait3A_856] : memref<2x2x128xi32, #tpu.memory_space<vmem>> -> memref<1x1x128xi32, #tpu.memory_space<vmem>>
          %dma_wait3A_858 = tpu.memref_squeeze %dma_wait3A_857 : memref<1x1x128xi32, #tpu.memory_space<vmem>> -> memref<128xi32, #tpu.memory_space<vmem>>
          %dma_wait3A_859 = arith.constant 0 : i32
          %dma_wait3A_860 = arith.constant 0 : i32
          %dma_wait3A_861 = tpu.memref_slice %arg11[%dma_wait3A_859, %dma_wait3A_860] : memref<5248x128xf32, #tpu.memory_space<vmem_shared>> -> memref<5248x128xf32, #tpu.memory_space<vmem_shared>>
          tpu.wait_indirect_dma semaphore(%arg15 : memref<!tpu.dma_semaphore, #tpu.memory_space<semaphore_mem>>) src(%dma_wait3A_855 : memref<128x128xf32, #tpu.memory_space<vmem>>) dst(%dma_wait3A_861 : memref<5248x128xf32, #tpu.memory_space<vmem_shared>>)
        } else {
        }
        %add3A_261 = arith.constant 1 : i32
        %add3A_262 = arith.addi %add3A_209, %add3A_261 : i32
        %lt3A_263 = arith.cmpi slt, %add3A_262, %select_n3A : i32
        %convert_element_type3A_264 = arith.extui %lt3A_263 : i1 to i32
        %cond3A_265 = arith.constant 0 : i32
        %cond3A_266 = arith.cmpi ne, %convert_element_type3A_264, %cond3A_265 : i32
        scf.if %cond3A_266 {
          %add3A_830 = arith.constant 1 : i32
          %add3A_831 = arith.addi %add3A_209, %add3A_830 : i32
          %mul3A_832 = arith.constant 256 : i32
          %mul3A_833 = arith.muli %add3A_831, %mul3A_832 : i32
          %add3A_834 = arith.addi %and3A_58, %mul3A_833 : i32
          %min3A_835 = arith.constant 319744 : i32
          %min3A_836 = arith.minsi %add3A_834, %min3A_835 : i32
          %multiple_of3A_837 = tpu.assume_multiple %min3A_836, 8 : i32
          %dma_start3A_838 = arith.constant 1 : i32
          %dma_start3A_839 = arith.constant 0 : i32
          %dma_start3A_840 = arith.constant 0 : i32
          %dma_start3A_841 = tpu.memref_slice %arg6[%dma_start3A_838, %dma_start3A_839, %dma_start3A_840] : memref<2x256x128xf32, #tpu.memory_space<vmem>> -> memref<1x256x128xf32, #tpu.memory_space<vmem>>
          %dma_start3A_842 = tpu.memref_squeeze %dma_start3A_841 : memref<1x256x128xf32, #tpu.memory_space<vmem>> -> memref<256x128xf32, #tpu.memory_space<vmem>>
          %dma_start3A_843 = arith.constant 0 : i32
          %dma_start3A_844 = tpu.memref_slice %arg2[%multiple_of3A_837, %dma_start3A_843] : memref<320000x128xf32, #tpu.memory_space<hbm>> -> memref<256x128xf32, #tpu.memory_space<hbm>>
          %dma_start3A_845 = arith.constant 0 : i32
          %dma_start3A_846 = arith.constant 0 : i32
          %dma_start3A_847 = tpu.memref_slice %arg6[%dma_start3A_838, %dma_start3A_845, %dma_start3A_846] : memref<2x256x128xf32, #tpu.memory_space<vmem>> -> memref<1x256x128xf32, #tpu.memory_space<vmem>>
          %dma_start3A_848 = tpu.memref_squeeze %dma_start3A_847 : memref<1x256x128xf32, #tpu.memory_space<vmem>> -> memref<256x128xf32, #tpu.memory_space<vmem>>
          %dma_start3A_849 = arith.constant 0 : i32
          %dma_start3A_850 = tpu.memref_slice %arg2[%multiple_of3A_837, %dma_start3A_849] : memref<320000x128xf32, #tpu.memory_space<hbm>> -> memref<256x128xf32, #tpu.memory_space<hbm>>
          tpu.enqueue_dma source(%dma_start3A_850 : memref<256x128xf32, #tpu.memory_space<hbm>>) target(%dma_start3A_848 : memref<256x128xf32, #tpu.memory_space<vmem>>) target_semaphore(%arg13 : memref<!tpu.dma_semaphore, #tpu.memory_space<semaphore_mem>>)
        } else {
        }
        %mul3A_267 = arith.constant 256 : i32
        %mul3A_268 = arith.muli %add3A_209, %mul3A_267 : i32
        %add3A_269 = arith.addi %and3A_58, %mul3A_268 : i32
        %min3A_270 = arith.constant 319744 : i32
        %min3A_271 = arith.minsi %add3A_269, %min3A_270 : i32
        %multiple_of3A_272 = tpu.assume_multiple %min3A_271, 8 : i32
        %sub3A_273 = arith.subi %multiple_of3A_272, %multiple_of3A : i32
        %max3A = arith.maxsi %add3A_269, %squeeze3A : i32
        %add3A_274 = arith.constant 0 : i32
        %add3A_275 = arith.addi %sub3A_273, %add3A_274 : i32
        %get3A_276 = arith.index_cast %add3A_275 : i32 to index
        %get3A_277 = tpu.vector_load %arg7[%get3A_276] {strides = array<i32>} : memref<2048xi32, #tpu.memory_space<vmem>>, vector<16xi32>,
        %add3A_278 = arith.constant 0 : i32
        %add3A_279 = arith.addi %multiple_of3A_272, %add3A_278 : i32
        %iota3A = tpu.iota {dimensions = array<i32: 0>} : vector<16xi32>
        %add3A_280 = vector.broadcast %add3A_279 : i32 to vector<16xi32>
        %add3A_281 = arith.addi %add3A_280, %iota3A : vector<16xi32>
        %ge3A_282 = vector.broadcast %max3A : i32 to vector<16xi32>
        %ge3A_283 = arith.cmpi sge, %add3A_281, %ge3A_282 : vector<16xi32>
        %lt3A_284 = vector.broadcast %squeeze3A_7 : i32 to vector<16xi32>
        %lt3A_285 = arith.cmpi slt, %add3A_281, %lt3A_284 : vector<16xi32>
        %and3A_286 = arith.andi %ge3A_283, %lt3A_285 : vector<16xi1>
        %sub3A_287 = vector.broadcast %mul3A_2 : i32 to vector<16xi32>
        %sub3A_288 = arith.subi %get3A_277, %sub3A_287 : vector<16xi32>
        %jit3A_289 = arith.constant 320 : i32
        %broadcast_in_dim3A_290 = vector.broadcast %jit3A_289 : i32 to vector<16xi32>
        %select_n3A_291 = arith.select %and3A_286, %sub3A_288, %broadcast_in_dim3A_290 : vector<16xi1>, vector<16xi32>
        %add3A_292 = vector.broadcast %mul3A_4 : i32 to vector<16xi32>
        %add3A_293 = arith.addi %add3A_292, %select_n3A_291 : vector<16xi32>
        %swap3A_294 = arith.constant 0 : i32
        %swap3A_295 = arith.constant 0 : i32
        %swap3A_296 = arith.index_cast %swap3A_294 : i32 to index
        %swap3A_297 = arith.index_cast %swap3A_295 : i32 to index
        %swap3A_298 = arith.constant 0 : index
        %swap3A_299 = tpu.vector_load %arg8[%swap3A_296, %swap3A_297, %swap3A_298] {strides = array<i32>} : memref<2x2x128xi32, #tpu.memory_space<vmem>>, vector<16xi32>,
        tpu.vector_store %arg8[%swap3A_296, %swap3A_297, %swap3A_298], %add3A_293 {strides = array<i32>} : memref<2x2x128xi32, #tpu.memory_space<vmem>>, vector<16xi32>,
        %jit3A_300 = arith.constant 1.000000e+00 : f32
        %jit3A_301 = arith.constant 0.000000e+00 : f32
        %broadcast_in_dim3A_302 = vector.broadcast %jit3A_300 : f32 to vector<16xf32>
        %broadcast_in_dim3A_303 = vector.broadcast %jit3A_301 : f32 to vector<16xf32>
        %select_n3A_304 = arith.select %and3A_286, %broadcast_in_dim3A_302, %broadcast_in_dim3A_303 : vector<16xi1>, vector<16xf32>
        tpu.vector_store_idx %arg9[%select_n3A_291], %select_n3A_304 {add = true} : memref<336xf32, #tpu.memory_space<vmem>>[vector<16xi32>], vector<16xf32>,
        %add3A_305 = arith.constant 16 : i32
        %add3A_306 = arith.addi %sub3A_273, %add3A_305 : i32
        %get3A_307 = arith.index_cast %add3A_306 : i32 to index
        %get3A_308 = tpu.vector_load %arg7[%get3A_307] {strides = array<i32>} : memref<2048xi32, #tpu.memory_space<vmem>>, vector<16xi32>,
        %add3A_309 = arith.constant 16 : i32
        %add3A_310 = arith.addi %multiple_of3A_272, %add3A_309 : i32
        %iota3A_311 = tpu.iota {dimensions = array<i32: 0>} : vector<16xi32>
        %add3A_312 = vector.broadcast %add3A_310 : i32 to vector<16xi32>
        %add3A_313 = arith.addi %add3A_312, %iota3A_311 : vector<16xi32>
        %ge3A_314 = vector.broadcast %max3A : i32 to vector<16xi32>
        %ge3A_315 = arith.cmpi sge, %add3A_313, %ge3A_314 : vector<16xi32>
        %lt3A_316 = vector.broadcast %squeeze3A_7 : i32 to vector<16xi32>
        %lt3A_317 = arith.cmpi slt, %add3A_313, %lt3A_316 : vector<16xi32>
        %and3A_318 = arith.andi %ge3A_315, %lt3A_317 : vector<16xi1>
        %sub3A_319 = vector.broadcast %mul3A_2 : i32 to vector<16xi32>
        %sub3A_320 = arith.subi %get3A_308, %sub3A_319 : vector<16xi32>
        %jit3A_321 = arith.constant 320 : i32
        %broadcast_in_dim3A_322 = vector.broadcast %jit3A_321 : i32 to vector<16xi32>
        %select_n3A_323 = arith.select %and3A_318, %sub3A_320, %broadcast_in_dim3A_322 : vector<16xi1>, vector<16xi32>
        %add3A_324 = vector.broadcast %mul3A_4 : i32 to vector<16xi32>
        %add3A_325 = arith.addi %add3A_324, %select_n3A_323 : vector<16xi32>
        %swap3A_326 = arith.constant 0 : i32
        %swap3A_327 = arith.constant 0 : i32
        %swap3A_328 = arith.index_cast %swap3A_326 : i32 to index
        %swap3A_329 = arith.index_cast %swap3A_327 : i32 to index
        %swap3A_330 = arith.constant 16 : index
        %swap3A_331 = tpu.vector_load %arg8[%swap3A_328, %swap3A_329, %swap3A_330] {strides = array<i32>} : memref<2x2x128xi32, #tpu.memory_space<vmem>>, vector<16xi32>,
        tpu.vector_store %arg8[%swap3A_328, %swap3A_329, %swap3A_330], %add3A_325 {strides = array<i32>} : memref<2x2x128xi32, #tpu.memory_space<vmem>>, vector<16xi32>,
        %jit3A_332 = arith.constant 1.000000e+00 : f32
        %jit3A_333 = arith.constant 0.000000e+00 : f32
        %broadcast_in_dim3A_334 = vector.broadcast %jit3A_332 : f32 to vector<16xf32>
        %broadcast_in_dim3A_335 = vector.broadcast %jit3A_333 : f32 to vector<16xf32>
        %select_n3A_336 = arith.select %and3A_318, %broadcast_in_dim3A_334, %broadcast_in_dim3A_335 : vector<16xi1>, vector<16xf32>
        tpu.vector_store_idx %arg9[%select_n3A_323], %select_n3A_336 {add = true} : memref<336xf32, #tpu.memory_space<vmem>>[vector<16xi32>], vector<16xf32>,
        %add3A_337 = arith.constant 32 : i32
        %add3A_338 = arith.addi %sub3A_273, %add3A_337 : i32
        %get3A_339 = arith.index_cast %add3A_338 : i32 to index
        %get3A_340 = tpu.vector_load %arg7[%get3A_339] {strides = array<i32>} : memref<2048xi32, #tpu.memory_space<vmem>>, vector<16xi32>,
        %add3A_341 = arith.constant 32 : i32
        %add3A_342 = arith.addi %multiple_of3A_272, %add3A_341 : i32
        %iota3A_343 = tpu.iota {dimensions = array<i32: 0>} : vector<16xi32>
        %add3A_344 = vector.broadcast %add3A_342 : i32 to vector<16xi32>
        %add3A_345 = arith.addi %add3A_344, %iota3A_343 : vector<16xi32>
        %ge3A_346 = vector.broadcast %max3A : i32 to vector<16xi32>
        %ge3A_347 = arith.cmpi sge, %add3A_345, %ge3A_346 : vector<16xi32>
        %lt3A_348 = vector.broadcast %squeeze3A_7 : i32 to vector<16xi32>
        %lt3A_349 = arith.cmpi slt, %add3A_345, %lt3A_348 : vector<16xi32>
        %and3A_350 = arith.andi %ge3A_347, %lt3A_349 : vector<16xi1>
        %sub3A_351 = vector.broadcast %mul3A_2 : i32 to vector<16xi32>
        %sub3A_352 = arith.subi %get3A_340, %sub3A_351 : vector<16xi32>
        %jit3A_353 = arith.constant 320 : i32
        %broadcast_in_dim3A_354 = vector.broadcast %jit3A_353 : i32 to vector<16xi32>
        %select_n3A_355 = arith.select %and3A_350, %sub3A_352, %broadcast_in_dim3A_354 : vector<16xi1>, vector<16xi32>
        %add3A_356 = vector.broadcast %mul3A_4 : i32 to vector<16xi32>
        %add3A_357 = arith.addi %add3A_356, %select_n3A_355 : vector<16xi32>
        %swap3A_358 = arith.constant 0 : i32
        %swap3A_359 = arith.constant 0 : i32
        %swap3A_360 = arith.index_cast %swap3A_358 : i32 to index
        %swap3A_361 = arith.index_cast %swap3A_359 : i32 to index
        %swap3A_362 = arith.constant 32 : index
        %swap3A_363 = tpu.vector_load %arg8[%swap3A_360, %swap3A_361, %swap3A_362] {strides = array<i32>} : memref<2x2x128xi32, #tpu.memory_space<vmem>>, vector<16xi32>,
        tpu.vector_store %arg8[%swap3A_360, %swap3A_361, %swap3A_362], %add3A_357 {strides = array<i32>} : memref<2x2x128xi32, #tpu.memory_space<vmem>>, vector<16xi32>,
        %jit3A_364 = arith.constant 1.000000e+00 : f32
        %jit3A_365 = arith.constant 0.000000e+00 : f32
        %broadcast_in_dim3A_366 = vector.broadcast %jit3A_364 : f32 to vector<16xf32>
        %broadcast_in_dim3A_367 = vector.broadcast %jit3A_365 : f32 to vector<16xf32>
        %select_n3A_368 = arith.select %and3A_350, %broadcast_in_dim3A_366, %broadcast_in_dim3A_367 : vector<16xi1>, vector<16xf32>
        tpu.vector_store_idx %arg9[%select_n3A_355], %select_n3A_368 {add = true} : memref<336xf32, #tpu.memory_space<vmem>>[vector<16xi32>], vector<16xf32>,
        %add3A_369 = arith.constant 48 : i32
        %add3A_370 = arith.addi %sub3A_273, %add3A_369 : i32
        %get3A_371 = arith.index_cast %add3A_370 : i32 to index
        %get3A_372 = tpu.vector_load %arg7[%get3A_371] {strides = array<i32>} : memref<2048xi32, #tpu.memory_space<vmem>>, vector<16xi32>,
        %add3A_373 = arith.constant 48 : i32
        %add3A_374 = arith.addi %multiple_of3A_272, %add3A_373 : i32
        %iota3A_375 = tpu.iota {dimensions = array<i32: 0>} : vector<16xi32>
        %add3A_376 = vector.broadcast %add3A_374 : i32 to vector<16xi32>
        %add3A_377 = arith.addi %add3A_376, %iota3A_375 : vector<16xi32>
        %ge3A_378 = vector.broadcast %max3A : i32 to vector<16xi32>
        %ge3A_379 = arith.cmpi sge, %add3A_377, %ge3A_378 : vector<16xi32>
        %lt3A_380 = vector.broadcast %squeeze3A_7 : i32 to vector<16xi32>
        %lt3A_381 = arith.cmpi slt, %add3A_377, %lt3A_380 : vector<16xi32>
        %and3A_382 = arith.andi %ge3A_379, %lt3A_381 : vector<16xi1>
        %sub3A_383 = vector.broadcast %mul3A_2 : i32 to vector<16xi32>
        %sub3A_384 = arith.subi %get3A_372, %sub3A_383 : vector<16xi32>
        %jit3A_385 = arith.constant 320 : i32
        %broadcast_in_dim3A_386 = vector.broadcast %jit3A_385 : i32 to vector<16xi32>
        %select_n3A_387 = arith.select %and3A_382, %sub3A_384, %broadcast_in_dim3A_386 : vector<16xi1>, vector<16xi32>
        %add3A_388 = vector.broadcast %mul3A_4 : i32 to vector<16xi32>
        %add3A_389 = arith.addi %add3A_388, %select_n3A_387 : vector<16xi32>
        %swap3A_390 = arith.constant 0 : i32
        %swap3A_391 = arith.constant 0 : i32
        %swap3A_392 = arith.index_cast %swap3A_390 : i32 to index
        %swap3A_393 = arith.index_cast %swap3A_391 : i32 to index
        %swap3A_394 = arith.constant 48 : index
        %swap3A_395 = tpu.vector_load %arg8[%swap3A_392, %swap3A_393, %swap3A_394] {strides = array<i32>} : memref<2x2x128xi32, #tpu.memory_space<vmem>>, vector<16xi32>,
        tpu.vector_store %arg8[%swap3A_392, %swap3A_393, %swap3A_394], %add3A_389 {strides = array<i32>} : memref<2x2x128xi32, #tpu.memory_space<vmem>>, vector<16xi32>,
        %jit3A_396 = arith.constant 1.000000e+00 : f32
        %jit3A_397 = arith.constant 0.000000e+00 : f32
        %broadcast_in_dim3A_398 = vector.broadcast %jit3A_396 : f32 to vector<16xf32>
        %broadcast_in_dim3A_399 = vector.broadcast %jit3A_397 : f32 to vector<16xf32>
        %select_n3A_400 = arith.select %and3A_382, %broadcast_in_dim3A_398, %broadcast_in_dim3A_399 : vector<16xi1>, vector<16xf32>
        tpu.vector_store_idx %arg9[%select_n3A_387], %select_n3A_400 {add = true} : memref<336xf32, #tpu.memory_space<vmem>>[vector<16xi32>], vector<16xf32>,
        %add3A_401 = arith.constant 64 : i32
        %add3A_402 = arith.addi %sub3A_273, %add3A_401 : i32
        %get3A_403 = arith.index_cast %add3A_402 : i32 to index
        %get3A_404 = tpu.vector_load %arg7[%get3A_403] {strides = array<i32>} : memref<2048xi32, #tpu.memory_space<vmem>>, vector<16xi32>,
        %add3A_405 = arith.constant 64 : i32
        %add3A_406 = arith.addi %multiple_of3A_272, %add3A_405 : i32
        %iota3A_407 = tpu.iota {dimensions = array<i32: 0>} : vector<16xi32>
        %add3A_408 = vector.broadcast %add3A_406 : i32 to vector<16xi32>
        %add3A_409 = arith.addi %add3A_408, %iota3A_407 : vector<16xi32>
        %ge3A_410 = vector.broadcast %max3A : i32 to vector<16xi32>
        %ge3A_411 = arith.cmpi sge, %add3A_409, %ge3A_410 : vector<16xi32>
        %lt3A_412 = vector.broadcast %squeeze3A_7 : i32 to vector<16xi32>
        %lt3A_413 = arith.cmpi slt, %add3A_409, %lt3A_412 : vector<16xi32>
        %and3A_414 = arith.andi %ge3A_411, %lt3A_413 : vector<16xi1>
        %sub3A_415 = vector.broadcast %mul3A_2 : i32 to vector<16xi32>
        %sub3A_416 = arith.subi %get3A_404, %sub3A_415 : vector<16xi32>
        %jit3A_417 = arith.constant 320 : i32
        %broadcast_in_dim3A_418 = vector.broadcast %jit3A_417 : i32 to vector<16xi32>
        %select_n3A_419 = arith.select %and3A_414, %sub3A_416, %broadcast_in_dim3A_418 : vector<16xi1>, vector<16xi32>
        %add3A_420 = vector.broadcast %mul3A_4 : i32 to vector<16xi32>
        %add3A_421 = arith.addi %add3A_420, %select_n3A_419 : vector<16xi32>
        %swap3A_422 = arith.constant 0 : i32
        %swap3A_423 = arith.constant 0 : i32
        %swap3A_424 = arith.index_cast %swap3A_422 : i32 to index
        %swap3A_425 = arith.index_cast %swap3A_423 : i32 to index
        %swap3A_426 = arith.constant 64 : index
        %swap3A_427 = tpu.vector_load %arg8[%swap3A_424, %swap3A_425, %swap3A_426] {strides = array<i32>} : memref<2x2x128xi32, #tpu.memory_space<vmem>>, vector<16xi32>,
        tpu.vector_store %arg8[%swap3A_424, %swap3A_425, %swap3A_426], %add3A_421 {strides = array<i32>} : memref<2x2x128xi32, #tpu.memory_space<vmem>>, vector<16xi32>,
        %jit3A_428 = arith.constant 1.000000e+00 : f32
        %jit3A_429 = arith.constant 0.000000e+00 : f32
        %broadcast_in_dim3A_430 = vector.broadcast %jit3A_428 : f32 to vector<16xf32>
        %broadcast_in_dim3A_431 = vector.broadcast %jit3A_429 : f32 to vector<16xf32>
        %select_n3A_432 = arith.select %and3A_414, %broadcast_in_dim3A_430, %broadcast_in_dim3A_431 : vector<16xi1>, vector<16xf32>
        tpu.vector_store_idx %arg9[%select_n3A_419], %select_n3A_432 {add = true} : memref<336xf32, #tpu.memory_space<vmem>>[vector<16xi32>], vector<16xf32>,
        %add3A_433 = arith.constant 80 : i32
        %add3A_434 = arith.addi %sub3A_273, %add3A_433 : i32
        %get3A_435 = arith.index_cast %add3A_434 : i32 to index
        %get3A_436 = tpu.vector_load %arg7[%get3A_435] {strides = array<i32>} : memref<2048xi32, #tpu.memory_space<vmem>>, vector<16xi32>,
        %add3A_437 = arith.constant 80 : i32
        %add3A_438 = arith.addi %multiple_of3A_272, %add3A_437 : i32
        %iota3A_439 = tpu.iota {dimensions = array<i32: 0>} : vector<16xi32>
        %add3A_440 = vector.broadcast %add3A_438 : i32 to vector<16xi32>
        %add3A_441 = arith.addi %add3A_440, %iota3A_439 : vector<16xi32>
        %ge3A_442 = vector.broadcast %max3A : i32 to vector<16xi32>
        %ge3A_443 = arith.cmpi sge, %add3A_441, %ge3A_442 : vector<16xi32>
        %lt3A_444 = vector.broadcast %squeeze3A_7 : i32 to vector<16xi32>
        %lt3A_445 = arith.cmpi slt, %add3A_441, %lt3A_444 : vector<16xi32>
        %and3A_446 = arith.andi %ge3A_443, %lt3A_445 : vector<16xi1>
        %sub3A_447 = vector.broadcast %mul3A_2 : i32 to vector<16xi32>
        %sub3A_448 = arith.subi %get3A_436, %sub3A_447 : vector<16xi32>
        %jit3A_449 = arith.constant 320 : i32
        %broadcast_in_dim3A_450 = vector.broadcast %jit3A_449 : i32 to vector<16xi32>
        %select_n3A_451 = arith.select %and3A_446, %sub3A_448, %broadcast_in_dim3A_450 : vector<16xi1>, vector<16xi32>
        %add3A_452 = vector.broadcast %mul3A_4 : i32 to vector<16xi32>
        %add3A_453 = arith.addi %add3A_452, %select_n3A_451 : vector<16xi32>
        %swap3A_454 = arith.constant 0 : i32
        %swap3A_455 = arith.constant 0 : i32
        %swap3A_456 = arith.index_cast %swap3A_454 : i32 to index
        %swap3A_457 = arith.index_cast %swap3A_455 : i32 to index
        %swap3A_458 = arith.constant 80 : index
        %swap3A_459 = tpu.vector_load %arg8[%swap3A_456, %swap3A_457, %swap3A_458] {strides = array<i32>} : memref<2x2x128xi32, #tpu.memory_space<vmem>>, vector<16xi32>,
        tpu.vector_store %arg8[%swap3A_456, %swap3A_457, %swap3A_458], %add3A_453 {strides = array<i32>} : memref<2x2x128xi32, #tpu.memory_space<vmem>>, vector<16xi32>,
        %jit3A_460 = arith.constant 1.000000e+00 : f32
        %jit3A_461 = arith.constant 0.000000e+00 : f32
        %broadcast_in_dim3A_462 = vector.broadcast %jit3A_460 : f32 to vector<16xf32>
        %broadcast_in_dim3A_463 = vector.broadcast %jit3A_461 : f32 to vector<16xf32>
        %select_n3A_464 = arith.select %and3A_446, %broadcast_in_dim3A_462, %broadcast_in_dim3A_463 : vector<16xi1>, vector<16xf32>
        tpu.vector_store_idx %arg9[%select_n3A_451], %select_n3A_464 {add = true} : memref<336xf32, #tpu.memory_space<vmem>>[vector<16xi32>], vector<16xf32>,
        %add3A_465 = arith.constant 96 : i32
        %add3A_466 = arith.addi %sub3A_273, %add3A_465 : i32
        %get3A_467 = arith.index_cast %add3A_466 : i32 to index
        %get3A_468 = tpu.vector_load %arg7[%get3A_467] {strides = array<i32>} : memref<2048xi32, #tpu.memory_space<vmem>>, vector<16xi32>,
        %add3A_469 = arith.constant 96 : i32
        %add3A_470 = arith.addi %multiple_of3A_272, %add3A_469 : i32
        %iota3A_471 = tpu.iota {dimensions = array<i32: 0>} : vector<16xi32>
        %add3A_472 = vector.broadcast %add3A_470 : i32 to vector<16xi32>
        %add3A_473 = arith.addi %add3A_472, %iota3A_471 : vector<16xi32>
        %ge3A_474 = vector.broadcast %max3A : i32 to vector<16xi32>
        %ge3A_475 = arith.cmpi sge, %add3A_473, %ge3A_474 : vector<16xi32>
        %lt3A_476 = vector.broadcast %squeeze3A_7 : i32 to vector<16xi32>
        %lt3A_477 = arith.cmpi slt, %add3A_473, %lt3A_476 : vector<16xi32>
        %and3A_478 = arith.andi %ge3A_475, %lt3A_477 : vector<16xi1>
        %sub3A_479 = vector.broadcast %mul3A_2 : i32 to vector<16xi32>
        %sub3A_480 = arith.subi %get3A_468, %sub3A_479 : vector<16xi32>
        %jit3A_481 = arith.constant 320 : i32
        %broadcast_in_dim3A_482 = vector.broadcast %jit3A_481 : i32 to vector<16xi32>
        %select_n3A_483 = arith.select %and3A_478, %sub3A_480, %broadcast_in_dim3A_482 : vector<16xi1>, vector<16xi32>
        %add3A_484 = vector.broadcast %mul3A_4 : i32 to vector<16xi32>
        %add3A_485 = arith.addi %add3A_484, %select_n3A_483 : vector<16xi32>
        %swap3A_486 = arith.constant 0 : i32
        %swap3A_487 = arith.constant 0 : i32
        %swap3A_488 = arith.index_cast %swap3A_486 : i32 to index
        %swap3A_489 = arith.index_cast %swap3A_487 : i32 to index
        %swap3A_490 = arith.constant 96 : index
        %swap3A_491 = tpu.vector_load %arg8[%swap3A_488, %swap3A_489, %swap3A_490] {strides = array<i32>} : memref<2x2x128xi32, #tpu.memory_space<vmem>>, vector<16xi32>,
        tpu.vector_store %arg8[%swap3A_488, %swap3A_489, %swap3A_490], %add3A_485 {strides = array<i32>} : memref<2x2x128xi32, #tpu.memory_space<vmem>>, vector<16xi32>,
        %jit3A_492 = arith.constant 1.000000e+00 : f32
        %jit3A_493 = arith.constant 0.000000e+00 : f32
        %broadcast_in_dim3A_494 = vector.broadcast %jit3A_492 : f32 to vector<16xf32>
        %broadcast_in_dim3A_495 = vector.broadcast %jit3A_493 : f32 to vector<16xf32>
        %select_n3A_496 = arith.select %and3A_478, %broadcast_in_dim3A_494, %broadcast_in_dim3A_495 : vector<16xi1>, vector<16xf32>
        tpu.vector_store_idx %arg9[%select_n3A_483], %select_n3A_496 {add = true} : memref<336xf32, #tpu.memory_space<vmem>>[vector<16xi32>], vector<16xf32>,
        %add3A_497 = arith.constant 112 : i32
        %add3A_498 = arith.addi %sub3A_273, %add3A_497 : i32
        %get3A_499 = arith.index_cast %add3A_498 : i32 to index
        %get3A_500 = tpu.vector_load %arg7[%get3A_499] {strides = array<i32>} : memref<2048xi32, #tpu.memory_space<vmem>>, vector<16xi32>,
        %add3A_501 = arith.constant 112 : i32
        %add3A_502 = arith.addi %multiple_of3A_272, %add3A_501 : i32
        %iota3A_503 = tpu.iota {dimensions = array<i32: 0>} : vector<16xi32>
        %add3A_504 = vector.broadcast %add3A_502 : i32 to vector<16xi32>
        %add3A_505 = arith.addi %add3A_504, %iota3A_503 : vector<16xi32>
        %ge3A_506 = vector.broadcast %max3A : i32 to vector<16xi32>
        %ge3A_507 = arith.cmpi sge, %add3A_505, %ge3A_506 : vector<16xi32>
        %lt3A_508 = vector.broadcast %squeeze3A_7 : i32 to vector<16xi32>
        %lt3A_509 = arith.cmpi slt, %add3A_505, %lt3A_508 : vector<16xi32>
        %and3A_510 = arith.andi %ge3A_507, %lt3A_509 : vector<16xi1>
        %sub3A_511 = vector.broadcast %mul3A_2 : i32 to vector<16xi32>
        %sub3A_512 = arith.subi %get3A_500, %sub3A_511 : vector<16xi32>
        %jit3A_513 = arith.constant 320 : i32
        %broadcast_in_dim3A_514 = vector.broadcast %jit3A_513 : i32 to vector<16xi32>
        %select_n3A_515 = arith.select %and3A_510, %sub3A_512, %broadcast_in_dim3A_514 : vector<16xi1>, vector<16xi32>
        %add3A_516 = vector.broadcast %mul3A_4 : i32 to vector<16xi32>
        %add3A_517 = arith.addi %add3A_516, %select_n3A_515 : vector<16xi32>
        %swap3A_518 = arith.constant 0 : i32
        %swap3A_519 = arith.constant 0 : i32
        %swap3A_520 = arith.index_cast %swap3A_518 : i32 to index
        %swap3A_521 = arith.index_cast %swap3A_519 : i32 to index
        %swap3A_522 = arith.constant 112 : index
        %swap3A_523 = tpu.vector_load %arg8[%swap3A_520, %swap3A_521, %swap3A_522] {strides = array<i32>} : memref<2x2x128xi32, #tpu.memory_space<vmem>>, vector<16xi32>,
        tpu.vector_store %arg8[%swap3A_520, %swap3A_521, %swap3A_522], %add3A_517 {strides = array<i32>} : memref<2x2x128xi32, #tpu.memory_space<vmem>>, vector<16xi32>,
        %jit3A_524 = arith.constant 1.000000e+00 : f32
        %jit3A_525 = arith.constant 0.000000e+00 : f32
        %broadcast_in_dim3A_526 = vector.broadcast %jit3A_524 : f32 to vector<16xf32>
        %broadcast_in_dim3A_527 = vector.broadcast %jit3A_525 : f32 to vector<16xf32>
        %select_n3A_528 = arith.select %and3A_510, %broadcast_in_dim3A_526, %broadcast_in_dim3A_527 : vector<16xi1>, vector<16xf32>
        tpu.vector_store_idx %arg9[%select_n3A_515], %select_n3A_528 {add = true} : memref<336xf32, #tpu.memory_space<vmem>>[vector<16xi32>], vector<16xf32>,
        %add3A_529 = arith.constant 128 : i32
        %add3A_530 = arith.addi %sub3A_273, %add3A_529 : i32
        %get3A_531 = arith.index_cast %add3A_530 : i32 to index
        %get3A_532 = tpu.vector_load %arg7[%get3A_531] {strides = array<i32>} : memref<2048xi32, #tpu.memory_space<vmem>>, vector<16xi32>,
        %add3A_533 = arith.constant 128 : i32
        %add3A_534 = arith.addi %multiple_of3A_272, %add3A_533 : i32
        %iota3A_535 = tpu.iota {dimensions = array<i32: 0>} : vector<16xi32>
        %add3A_536 = vector.broadcast %add3A_534 : i32 to vector<16xi32>
        %add3A_537 = arith.addi %add3A_536, %iota3A_535 : vector<16xi32>
        %ge3A_538 = vector.broadcast %max3A : i32 to vector<16xi32>
        %ge3A_539 = arith.cmpi sge, %add3A_537, %ge3A_538 : vector<16xi32>
        %lt3A_540 = vector.broadcast %squeeze3A_7 : i32 to vector<16xi32>
        %lt3A_541 = arith.cmpi slt, %add3A_537, %lt3A_540 : vector<16xi32>
        %and3A_542 = arith.andi %ge3A_539, %lt3A_541 : vector<16xi1>
        %sub3A_543 = vector.broadcast %mul3A_2 : i32 to vector<16xi32>
        %sub3A_544 = arith.subi %get3A_532, %sub3A_543 : vector<16xi32>
        %jit3A_545 = arith.constant 320 : i32
        %broadcast_in_dim3A_546 = vector.broadcast %jit3A_545 : i32 to vector<16xi32>
        %select_n3A_547 = arith.select %and3A_542, %sub3A_544, %broadcast_in_dim3A_546 : vector<16xi1>, vector<16xi32>
        %add3A_548 = vector.broadcast %mul3A_4 : i32 to vector<16xi32>
        %add3A_549 = arith.addi %add3A_548, %select_n3A_547 : vector<16xi32>
        %swap3A_550 = arith.constant 0 : i32
        %swap3A_551 = arith.constant 1 : i32
        %swap3A_552 = arith.index_cast %swap3A_550 : i32 to index
        %swap3A_553 = arith.index_cast %swap3A_551 : i32 to index
        %swap3A_554 = arith.constant 0 : index
        %swap3A_555 = tpu.vector_load %arg8[%swap3A_552, %swap3A_553, %swap3A_554] {strides = array<i32>} : memref<2x2x128xi32, #tpu.memory_space<vmem>>, vector<16xi32>,
        tpu.vector_store %arg8[%swap3A_552, %swap3A_553, %swap3A_554], %add3A_549 {strides = array<i32>} : memref<2x2x128xi32, #tpu.memory_space<vmem>>, vector<16xi32>,
        %jit3A_556 = arith.constant 1.000000e+00 : f32
        %jit3A_557 = arith.constant 0.000000e+00 : f32
        %broadcast_in_dim3A_558 = vector.broadcast %jit3A_556 : f32 to vector<16xf32>
        %broadcast_in_dim3A_559 = vector.broadcast %jit3A_557 : f32 to vector<16xf32>
        %select_n3A_560 = arith.select %and3A_542, %broadcast_in_dim3A_558, %broadcast_in_dim3A_559 : vector<16xi1>, vector<16xf32>
        tpu.vector_store_idx %arg9[%select_n3A_547], %select_n3A_560 {add = true} : memref<336xf32, #tpu.memory_space<vmem>>[vector<16xi32>], vector<16xf32>,
        %add3A_561 = arith.constant 144 : i32
        %add3A_562 = arith.addi %sub3A_273, %add3A_561 : i32
        %get3A_563 = arith.index_cast %add3A_562 : i32 to index
        %get3A_564 = tpu.vector_load %arg7[%get3A_563] {strides = array<i32>} : memref<2048xi32, #tpu.memory_space<vmem>>, vector<16xi32>,
        %add3A_565 = arith.constant 144 : i32
        %add3A_566 = arith.addi %multiple_of3A_272, %add3A_565 : i32
        %iota3A_567 = tpu.iota {dimensions = array<i32: 0>} : vector<16xi32>
        %add3A_568 = vector.broadcast %add3A_566 : i32 to vector<16xi32>
        %add3A_569 = arith.addi %add3A_568, %iota3A_567 : vector<16xi32>
        %ge3A_570 = vector.broadcast %max3A : i32 to vector<16xi32>
        %ge3A_571 = arith.cmpi sge, %add3A_569, %ge3A_570 : vector<16xi32>
        %lt3A_572 = vector.broadcast %squeeze3A_7 : i32 to vector<16xi32>
        %lt3A_573 = arith.cmpi slt, %add3A_569, %lt3A_572 : vector<16xi32>
        %and3A_574 = arith.andi %ge3A_571, %lt3A_573 : vector<16xi1>
        %sub3A_575 = vector.broadcast %mul3A_2 : i32 to vector<16xi32>
        %sub3A_576 = arith.subi %get3A_564, %sub3A_575 : vector<16xi32>
        %jit3A_577 = arith.constant 320 : i32
        %broadcast_in_dim3A_578 = vector.broadcast %jit3A_577 : i32 to vector<16xi32>
        %select_n3A_579 = arith.select %and3A_574, %sub3A_576, %broadcast_in_dim3A_578 : vector<16xi1>, vector<16xi32>
        %add3A_580 = vector.broadcast %mul3A_4 : i32 to vector<16xi32>
        %add3A_581 = arith.addi %add3A_580, %select_n3A_579 : vector<16xi32>
        %swap3A_582 = arith.constant 0 : i32
        %swap3A_583 = arith.constant 1 : i32
        %swap3A_584 = arith.index_cast %swap3A_582 : i32 to index
        %swap3A_585 = arith.index_cast %swap3A_583 : i32 to index
        %swap3A_586 = arith.constant 16 : index
        %swap3A_587 = tpu.vector_load %arg8[%swap3A_584, %swap3A_585, %swap3A_586] {strides = array<i32>} : memref<2x2x128xi32, #tpu.memory_space<vmem>>, vector<16xi32>,
        tpu.vector_store %arg8[%swap3A_584, %swap3A_585, %swap3A_586], %add3A_581 {strides = array<i32>} : memref<2x2x128xi32, #tpu.memory_space<vmem>>, vector<16xi32>,
        %jit3A_588 = arith.constant 1.000000e+00 : f32
        %jit3A_589 = arith.constant 0.000000e+00 : f32
        %broadcast_in_dim3A_590 = vector.broadcast %jit3A_588 : f32 to vector<16xf32>
        %broadcast_in_dim3A_591 = vector.broadcast %jit3A_589 : f32 to vector<16xf32>
        %select_n3A_592 = arith.select %and3A_574, %broadcast_in_dim3A_590, %broadcast_in_dim3A_591 : vector<16xi1>, vector<16xf32>
        tpu.vector_store_idx %arg9[%select_n3A_579], %select_n3A_592 {add = true} : memref<336xf32, #tpu.memory_space<vmem>>[vector<16xi32>], vector<16xf32>,
        %add3A_593 = arith.constant 160 : i32
        %add3A_594 = arith.addi %sub3A_273, %add3A_593 : i32
        %get3A_595 = arith.index_cast %add3A_594 : i32 to index
        %get3A_596 = tpu.vector_load %arg7[%get3A_595] {strides = array<i32>} : memref<2048xi32, #tpu.memory_space<vmem>>, vector<16xi32>,
        %add3A_597 = arith.constant 160 : i32
        %add3A_598 = arith.addi %multiple_of3A_272, %add3A_597 : i32
        %iota3A_599 = tpu.iota {dimensions = array<i32: 0>} : vector<16xi32>
        %add3A_600 = vector.broadcast %add3A_598 : i32 to vector<16xi32>
        %add3A_601 = arith.addi %add3A_600, %iota3A_599 : vector<16xi32>
        %ge3A_602 = vector.broadcast %max3A : i32 to vector<16xi32>
        %ge3A_603 = arith.cmpi sge, %add3A_601, %ge3A_602 : vector<16xi32>
        %lt3A_604 = vector.broadcast %squeeze3A_7 : i32 to vector<16xi32>
        %lt3A_605 = arith.cmpi slt, %add3A_601, %lt3A_604 : vector<16xi32>
        %and3A_606 = arith.andi %ge3A_603, %lt3A_605 : vector<16xi1>
        %sub3A_607 = vector.broadcast %mul3A_2 : i32 to vector<16xi32>
        %sub3A_608 = arith.subi %get3A_596, %sub3A_607 : vector<16xi32>
        %jit3A_609 = arith.constant 320 : i32
        %broadcast_in_dim3A_610 = vector.broadcast %jit3A_609 : i32 to vector<16xi32>
        %select_n3A_611 = arith.select %and3A_606, %sub3A_608, %broadcast_in_dim3A_610 : vector<16xi1>, vector<16xi32>
        %add3A_612 = vector.broadcast %mul3A_4 : i32 to vector<16xi32>
        %add3A_613 = arith.addi %add3A_612, %select_n3A_611 : vector<16xi32>
        %swap3A_614 = arith.constant 0 : i32
        %swap3A_615 = arith.constant 1 : i32
        %swap3A_616 = arith.index_cast %swap3A_614 : i32 to index
        %swap3A_617 = arith.index_cast %swap3A_615 : i32 to index
        %swap3A_618 = arith.constant 32 : index
        %swap3A_619 = tpu.vector_load %arg8[%swap3A_616, %swap3A_617, %swap3A_618] {strides = array<i32>} : memref<2x2x128xi32, #tpu.memory_space<vmem>>, vector<16xi32>,
        tpu.vector_store %arg8[%swap3A_616, %swap3A_617, %swap3A_618], %add3A_613 {strides = array<i32>} : memref<2x2x128xi32, #tpu.memory_space<vmem>>, vector<16xi32>,
        %jit3A_620 = arith.constant 1.000000e+00 : f32
        %jit3A_621 = arith.constant 0.000000e+00 : f32
        %broadcast_in_dim3A_622 = vector.broadcast %jit3A_620 : f32 to vector<16xf32>
        %broadcast_in_dim3A_623 = vector.broadcast %jit3A_621 : f32 to vector<16xf32>
        %select_n3A_624 = arith.select %and3A_606, %broadcast_in_dim3A_622, %broadcast_in_dim3A_623 : vector<16xi1>, vector<16xf32>
        tpu.vector_store_idx %arg9[%select_n3A_611], %select_n3A_624 {add = true} : memref<336xf32, #tpu.memory_space<vmem>>[vector<16xi32>], vector<16xf32>,
        %add3A_625 = arith.constant 176 : i32
        %add3A_626 = arith.addi %sub3A_273, %add3A_625 : i32
        %get3A_627 = arith.index_cast %add3A_626 : i32 to index
        %get3A_628 = tpu.vector_load %arg7[%get3A_627] {strides = array<i32>} : memref<2048xi32, #tpu.memory_space<vmem>>, vector<16xi32>,
        %add3A_629 = arith.constant 176 : i32
        %add3A_630 = arith.addi %multiple_of3A_272, %add3A_629 : i32
        %iota3A_631 = tpu.iota {dimensions = array<i32: 0>} : vector<16xi32>
        %add3A_632 = vector.broadcast %add3A_630 : i32 to vector<16xi32>
        %add3A_633 = arith.addi %add3A_632, %iota3A_631 : vector<16xi32>
        %ge3A_634 = vector.broadcast %max3A : i32 to vector<16xi32>
        %ge3A_635 = arith.cmpi sge, %add3A_633, %ge3A_634 : vector<16xi32>
        %lt3A_636 = vector.broadcast %squeeze3A_7 : i32 to vector<16xi32>
        %lt3A_637 = arith.cmpi slt, %add3A_633, %lt3A_636 : vector<16xi32>
        %and3A_638 = arith.andi %ge3A_635, %lt3A_637 : vector<16xi1>
        %sub3A_639 = vector.broadcast %mul3A_2 : i32 to vector<16xi32>
        %sub3A_640 = arith.subi %get3A_628, %sub3A_639 : vector<16xi32>
        %jit3A_641 = arith.constant 320 : i32
        %broadcast_in_dim3A_642 = vector.broadcast %jit3A_641 : i32 to vector<16xi32>
        %select_n3A_643 = arith.select %and3A_638, %sub3A_640, %broadcast_in_dim3A_642 : vector<16xi1>, vector<16xi32>
        %add3A_644 = vector.broadcast %mul3A_4 : i32 to vector<16xi32>
        %add3A_645 = arith.addi %add3A_644, %select_n3A_643 : vector<16xi32>
        %swap3A_646 = arith.constant 0 : i32
        %swap3A_647 = arith.constant 1 : i32
        %swap3A_648 = arith.index_cast %swap3A_646 : i32 to index
        %swap3A_649 = arith.index_cast %swap3A_647 : i32 to index
        %swap3A_650 = arith.constant 48 : index
        %swap3A_651 = tpu.vector_load %arg8[%swap3A_648, %swap3A_649, %swap3A_650] {strides = array<i32>} : memref<2x2x128xi32, #tpu.memory_space<vmem>>, vector<16xi32>,
        tpu.vector_store %arg8[%swap3A_648, %swap3A_649, %swap3A_650], %add3A_645 {strides = array<i32>} : memref<2x2x128xi32, #tpu.memory_space<vmem>>, vector<16xi32>,
        %jit3A_652 = arith.constant 1.000000e+00 : f32
        %jit3A_653 = arith.constant 0.000000e+00 : f32
        %broadcast_in_dim3A_654 = vector.broadcast %jit3A_652 : f32 to vector<16xf32>
        %broadcast_in_dim3A_655 = vector.broadcast %jit3A_653 : f32 to vector<16xf32>
        %select_n3A_656 = arith.select %and3A_638, %broadcast_in_dim3A_654, %broadcast_in_dim3A_655 : vector<16xi1>, vector<16xf32>
        tpu.vector_store_idx %arg9[%select_n3A_643], %select_n3A_656 {add = true} : memref<336xf32, #tpu.memory_space<vmem>>[vector<16xi32>], vector<16xf32>,
        %add3A_657 = arith.constant 192 : i32
        %add3A_658 = arith.addi %sub3A_273, %add3A_657 : i32
        %get3A_659 = arith.index_cast %add3A_658 : i32 to index
        %get3A_660 = tpu.vector_load %arg7[%get3A_659] {strides = array<i32>} : memref<2048xi32, #tpu.memory_space<vmem>>, vector<16xi32>,
        %add3A_661 = arith.constant 192 : i32
        %add3A_662 = arith.addi %multiple_of3A_272, %add3A_661 : i32
        %iota3A_663 = tpu.iota {dimensions = array<i32: 0>} : vector<16xi32>
        %add3A_664 = vector.broadcast %add3A_662 : i32 to vector<16xi32>
        %add3A_665 = arith.addi %add3A_664, %iota3A_663 : vector<16xi32>
        %ge3A_666 = vector.broadcast %max3A : i32 to vector<16xi32>
        %ge3A_667 = arith.cmpi sge, %add3A_665, %ge3A_666 : vector<16xi32>
        %lt3A_668 = vector.broadcast %squeeze3A_7 : i32 to vector<16xi32>
        %lt3A_669 = arith.cmpi slt, %add3A_665, %lt3A_668 : vector<16xi32>
        %and3A_670 = arith.andi %ge3A_667, %lt3A_669 : vector<16xi1>
        %sub3A_671 = vector.broadcast %mul3A_2 : i32 to vector<16xi32>
        %sub3A_672 = arith.subi %get3A_660, %sub3A_671 : vector<16xi32>
        %jit3A_673 = arith.constant 320 : i32
        %broadcast_in_dim3A_674 = vector.broadcast %jit3A_673 : i32 to vector<16xi32>
        %select_n3A_675 = arith.select %and3A_670, %sub3A_672, %broadcast_in_dim3A_674 : vector<16xi1>, vector<16xi32>
        %add3A_676 = vector.broadcast %mul3A_4 : i32 to vector<16xi32>
        %add3A_677 = arith.addi %add3A_676, %select_n3A_675 : vector<16xi32>
        %swap3A_678 = arith.constant 0 : i32
        %swap3A_679 = arith.constant 1 : i32
        %swap3A_680 = arith.index_cast %swap3A_678 : i32 to index
        %swap3A_681 = arith.index_cast %swap3A_679 : i32 to index
        %swap3A_682 = arith.constant 64 : index
        %swap3A_683 = tpu.vector_load %arg8[%swap3A_680, %swap3A_681, %swap3A_682] {strides = array<i32>} : memref<2x2x128xi32, #tpu.memory_space<vmem>>, vector<16xi32>,
        tpu.vector_store %arg8[%swap3A_680, %swap3A_681, %swap3A_682], %add3A_677 {strides = array<i32>} : memref<2x2x128xi32, #tpu.memory_space<vmem>>, vector<16xi32>,
        %jit3A_684 = arith.constant 1.000000e+00 : f32
        %jit3A_685 = arith.constant 0.000000e+00 : f32
        %broadcast_in_dim3A_686 = vector.broadcast %jit3A_684 : f32 to vector<16xf32>
        %broadcast_in_dim3A_687 = vector.broadcast %jit3A_685 : f32 to vector<16xf32>
        %select_n3A_688 = arith.select %and3A_670, %broadcast_in_dim3A_686, %broadcast_in_dim3A_687 : vector<16xi1>, vector<16xf32>
        tpu.vector_store_idx %arg9[%select_n3A_675], %select_n3A_688 {add = true} : memref<336xf32, #tpu.memory_space<vmem>>[vector<16xi32>], vector<16xf32>,
        %add3A_689 = arith.constant 208 : i32
        %add3A_690 = arith.addi %sub3A_273, %add3A_689 : i32
        %get3A_691 = arith.index_cast %add3A_690 : i32 to index
        %get3A_692 = tpu.vector_load %arg7[%get3A_691] {strides = array<i32>} : memref<2048xi32, #tpu.memory_space<vmem>>, vector<16xi32>,
        %add3A_693 = arith.constant 208 : i32
        %add3A_694 = arith.addi %multiple_of3A_272, %add3A_693 : i32
        %iota3A_695 = tpu.iota {dimensions = array<i32: 0>} : vector<16xi32>
        %add3A_696 = vector.broadcast %add3A_694 : i32 to vector<16xi32>
        %add3A_697 = arith.addi %add3A_696, %iota3A_695 : vector<16xi32>
        %ge3A_698 = vector.broadcast %max3A : i32 to vector<16xi32>
        %ge3A_699 = arith.cmpi sge, %add3A_697, %ge3A_698 : vector<16xi32>
        %lt3A_700 = vector.broadcast %squeeze3A_7 : i32 to vector<16xi32>
        %lt3A_701 = arith.cmpi slt, %add3A_697, %lt3A_700 : vector<16xi32>
        %and3A_702 = arith.andi %ge3A_699, %lt3A_701 : vector<16xi1>
        %sub3A_703 = vector.broadcast %mul3A_2 : i32 to vector<16xi32>
        %sub3A_704 = arith.subi %get3A_692, %sub3A_703 : vector<16xi32>
        %jit3A_705 = arith.constant 320 : i32
        %broadcast_in_dim3A_706 = vector.broadcast %jit3A_705 : i32 to vector<16xi32>
        %select_n3A_707 = arith.select %and3A_702, %sub3A_704, %broadcast_in_dim3A_706 : vector<16xi1>, vector<16xi32>
        %add3A_708 = vector.broadcast %mul3A_4 : i32 to vector<16xi32>
        %add3A_709 = arith.addi %add3A_708, %select_n3A_707 : vector<16xi32>
        %swap3A_710 = arith.constant 0 : i32
        %swap3A_711 = arith.constant 1 : i32
        %swap3A_712 = arith.index_cast %swap3A_710 : i32 to index
        %swap3A_713 = arith.index_cast %swap3A_711 : i32 to index
        %swap3A_714 = arith.constant 80 : index
        %swap3A_715 = tpu.vector_load %arg8[%swap3A_712, %swap3A_713, %swap3A_714] {strides = array<i32>} : memref<2x2x128xi32, #tpu.memory_space<vmem>>, vector<16xi32>,
        tpu.vector_store %arg8[%swap3A_712, %swap3A_713, %swap3A_714], %add3A_709 {strides = array<i32>} : memref<2x2x128xi32, #tpu.memory_space<vmem>>, vector<16xi32>,
        %jit3A_716 = arith.constant 1.000000e+00 : f32
        %jit3A_717 = arith.constant 0.000000e+00 : f32
        %broadcast_in_dim3A_718 = vector.broadcast %jit3A_716 : f32 to vector<16xf32>
        %broadcast_in_dim3A_719 = vector.broadcast %jit3A_717 : f32 to vector<16xf32>
        %select_n3A_720 = arith.select %and3A_702, %broadcast_in_dim3A_718, %broadcast_in_dim3A_719 : vector<16xi1>, vector<16xf32>
        tpu.vector_store_idx %arg9[%select_n3A_707], %select_n3A_720 {add = true} : memref<336xf32, #tpu.memory_space<vmem>>[vector<16xi32>], vector<16xf32>,
        %add3A_721 = arith.constant 224 : i32
        %add3A_722 = arith.addi %sub3A_273, %add3A_721 : i32
        %get3A_723 = arith.index_cast %add3A_722 : i32 to index
        %get3A_724 = tpu.vector_load %arg7[%get3A_723] {strides = array<i32>} : memref<2048xi32, #tpu.memory_space<vmem>>, vector<16xi32>,
        %add3A_725 = arith.constant 224 : i32
        %add3A_726 = arith.addi %multiple_of3A_272, %add3A_725 : i32
        %iota3A_727 = tpu.iota {dimensions = array<i32: 0>} : vector<16xi32>
        %add3A_728 = vector.broadcast %add3A_726 : i32 to vector<16xi32>
        %add3A_729 = arith.addi %add3A_728, %iota3A_727 : vector<16xi32>
        %ge3A_730 = vector.broadcast %max3A : i32 to vector<16xi32>
        %ge3A_731 = arith.cmpi sge, %add3A_729, %ge3A_730 : vector<16xi32>
        %lt3A_732 = vector.broadcast %squeeze3A_7 : i32 to vector<16xi32>
        %lt3A_733 = arith.cmpi slt, %add3A_729, %lt3A_732 : vector<16xi32>
        %and3A_734 = arith.andi %ge3A_731, %lt3A_733 : vector<16xi1>
        %sub3A_735 = vector.broadcast %mul3A_2 : i32 to vector<16xi32>
        %sub3A_736 = arith.subi %get3A_724, %sub3A_735 : vector<16xi32>
        %jit3A_737 = arith.constant 320 : i32
        %broadcast_in_dim3A_738 = vector.broadcast %jit3A_737 : i32 to vector<16xi32>
        %select_n3A_739 = arith.select %and3A_734, %sub3A_736, %broadcast_in_dim3A_738 : vector<16xi1>, vector<16xi32>
        %add3A_740 = vector.broadcast %mul3A_4 : i32 to vector<16xi32>
        %add3A_741 = arith.addi %add3A_740, %select_n3A_739 : vector<16xi32>
        %swap3A_742 = arith.constant 0 : i32
        %swap3A_743 = arith.constant 1 : i32
        %swap3A_744 = arith.index_cast %swap3A_742 : i32 to index
        %swap3A_745 = arith.index_cast %swap3A_743 : i32 to index
        %swap3A_746 = arith.constant 96 : index
        %swap3A_747 = tpu.vector_load %arg8[%swap3A_744, %swap3A_745, %swap3A_746] {strides = array<i32>} : memref<2x2x128xi32, #tpu.memory_space<vmem>>, vector<16xi32>,
        tpu.vector_store %arg8[%swap3A_744, %swap3A_745, %swap3A_746], %add3A_741 {strides = array<i32>} : memref<2x2x128xi32, #tpu.memory_space<vmem>>, vector<16xi32>,
        %jit3A_748 = arith.constant 1.000000e+00 : f32
        %jit3A_749 = arith.constant 0.000000e+00 : f32
        %broadcast_in_dim3A_750 = vector.broadcast %jit3A_748 : f32 to vector<16xf32>
        %broadcast_in_dim3A_751 = vector.broadcast %jit3A_749 : f32 to vector<16xf32>
        %select_n3A_752 = arith.select %and3A_734, %broadcast_in_dim3A_750, %broadcast_in_dim3A_751 : vector<16xi1>, vector<16xf32>
        tpu.vector_store_idx %arg9[%select_n3A_739], %select_n3A_752 {add = true} : memref<336xf32, #tpu.memory_space<vmem>>[vector<16xi32>], vector<16xf32>,
        %add3A_753 = arith.constant 240 : i32
        %add3A_754 = arith.addi %sub3A_273, %add3A_753 : i32
        %get3A_755 = arith.index_cast %add3A_754 : i32 to index
        %get3A_756 = tpu.vector_load %arg7[%get3A_755] {strides = array<i32>} : memref<2048xi32, #tpu.memory_space<vmem>>, vector<16xi32>,
        %add3A_757 = arith.constant 240 : i32
        %add3A_758 = arith.addi %multiple_of3A_272, %add3A_757 : i32
        %iota3A_759 = tpu.iota {dimensions = array<i32: 0>} : vector<16xi32>
        %add3A_760 = vector.broadcast %add3A_758 : i32 to vector<16xi32>
        %add3A_761 = arith.addi %add3A_760, %iota3A_759 : vector<16xi32>
        %ge3A_762 = vector.broadcast %max3A : i32 to vector<16xi32>
        %ge3A_763 = arith.cmpi sge, %add3A_761, %ge3A_762 : vector<16xi32>
        %lt3A_764 = vector.broadcast %squeeze3A_7 : i32 to vector<16xi32>
        %lt3A_765 = arith.cmpi slt, %add3A_761, %lt3A_764 : vector<16xi32>
        %and3A_766 = arith.andi %ge3A_763, %lt3A_765 : vector<16xi1>
        %sub3A_767 = vector.broadcast %mul3A_2 : i32 to vector<16xi32>
        %sub3A_768 = arith.subi %get3A_756, %sub3A_767 : vector<16xi32>
        %jit3A_769 = arith.constant 320 : i32
        %broadcast_in_dim3A_770 = vector.broadcast %jit3A_769 : i32 to vector<16xi32>
        %select_n3A_771 = arith.select %and3A_766, %sub3A_768, %broadcast_in_dim3A_770 : vector<16xi1>, vector<16xi32>
        %add3A_772 = vector.broadcast %mul3A_4 : i32 to vector<16xi32>
        %add3A_773 = arith.addi %add3A_772, %select_n3A_771 : vector<16xi32>
        %swap3A_774 = arith.constant 0 : i32
        %swap3A_775 = arith.constant 1 : i32
        %swap3A_776 = arith.index_cast %swap3A_774 : i32 to index
        %swap3A_777 = arith.index_cast %swap3A_775 : i32 to index
        %swap3A_778 = arith.constant 112 : index
        %swap3A_779 = tpu.vector_load %arg8[%swap3A_776, %swap3A_777, %swap3A_778] {strides = array<i32>} : memref<2x2x128xi32, #tpu.memory_space<vmem>>, vector<16xi32>,
        tpu.vector_store %arg8[%swap3A_776, %swap3A_777, %swap3A_778], %add3A_773 {strides = array<i32>} : memref<2x2x128xi32, #tpu.memory_space<vmem>>, vector<16xi32>,
        %jit3A_780 = arith.constant 1.000000e+00 : f32
        %jit3A_781 = arith.constant 0.000000e+00 : f32
        %broadcast_in_dim3A_782 = vector.broadcast %jit3A_780 : f32 to vector<16xf32>
        %broadcast_in_dim3A_783 = vector.broadcast %jit3A_781 : f32 to vector<16xf32>
        %select_n3A_784 = arith.select %and3A_766, %broadcast_in_dim3A_782, %broadcast_in_dim3A_783 : vector<16xi1>, vector<16xf32>
        tpu.vector_store_idx %arg9[%select_n3A_771], %select_n3A_784 {add = true} : memref<336xf32, #tpu.memory_space<vmem>>[vector<16xi32>], vector<16xf32>,
        %dma_wait3A = arith.constant 0 : i32
        %dma_wait3A_785 = arith.constant 0 : i32
        %dma_wait3A_786 = arith.constant 0 : i32
        %dma_wait3A_787 = tpu.memref_slice %arg6[%dma_wait3A, %dma_wait3A_785, %dma_wait3A_786] : memref<2x256x128xf32, #tpu.memory_space<vmem>> -> memref<1x256x128xf32, #tpu.memory_space<vmem>>
        %dma_wait3A_788 = tpu.memref_squeeze %dma_wait3A_787 : memref<1x256x128xf32, #tpu.memory_space<vmem>> -> memref<256x128xf32, #tpu.memory_space<vmem>>
        %dma_wait3A_789 = arith.constant 0 : i32
        %dma_wait3A_790 = arith.constant 0 : i32
        %dma_wait3A_791 = tpu.memref_slice %arg2[%dma_wait3A_789, %dma_wait3A_790] : memref<320000x128xf32, #tpu.memory_space<hbm>> -> memref<256x128xf32, #tpu.memory_space<hbm>>
        %dma_wait3A_792 = arith.constant 0 : i32
        %dma_wait3A_793 = arith.constant 0 : i32
        %dma_wait3A_794 = tpu.memref_slice %arg6[%dma_wait3A, %dma_wait3A_792, %dma_wait3A_793] : memref<2x256x128xf32, #tpu.memory_space<vmem>> -> memref<1x256x128xf32, #tpu.memory_space<vmem>>
        %dma_wait3A_795 = tpu.memref_squeeze %dma_wait3A_794 : memref<1x256x128xf32, #tpu.memory_space<vmem>> -> memref<256x128xf32, #tpu.memory_space<vmem>>
        %dma_wait3A_796 = arith.constant 0 : i32
        %dma_wait3A_797 = arith.constant 0 : i32
        %dma_wait3A_798 = tpu.memref_slice %arg2[%dma_wait3A_796, %dma_wait3A_797] : memref<320000x128xf32, #tpu.memory_space<hbm>> -> memref<256x128xf32, #tpu.memory_space<hbm>>
        tpu.wait_dma2 semaphore(%arg12 : memref<!tpu.dma_semaphore, #tpu.memory_space<semaphore_mem>>) src(%dma_wait3A_798 : memref<256x128xf32, #tpu.memory_space<hbm>>) dst(%dma_wait3A_795 : memref<256x128xf32, #tpu.memory_space<vmem>>)
        %dma_start3A = arith.constant 0 : i32
        %dma_start3A_799 = arith.constant 0 : i32
        %dma_start3A_800 = arith.constant 0 : i32
        %dma_start3A_801 = arith.constant 0 : i32
        %dma_start3A_802 = arith.constant 0 : i32
        %dma_start3A_803 = tpu.memref_slice %arg6[%dma_start3A, %dma_start3A_801, %dma_start3A_802] : memref<2x256x128xf32, #tpu.memory_space<vmem>> -> memref<1x256x128xf32, #tpu.memory_space<vmem>>
        %dma_start3A_804 = tpu.memref_squeeze %dma_start3A_803 : memref<1x256x128xf32, #tpu.memory_space<vmem>> -> memref<256x128xf32, #tpu.memory_space<vmem>>
        %dma_start3A_805 = arith.constant 0 : i32
        %dma_start3A_806 = arith.constant 0 : i32
        %dma_start3A_807 = tpu.memref_slice %dma_start3A_804[%dma_start3A_805, %dma_start3A_806] : memref<256x128xf32, #tpu.memory_space<vmem>> -> memref<128x128xf32, #tpu.memory_space<vmem>>
        %dma_start3A_808 = arith.constant 0 : i32
        %dma_start3A_809 = tpu.memref_slice %arg8[%dma_start3A_799, %dma_start3A_800, %dma_start3A_808] : memref<2x2x128xi32, #tpu.memory_space<vmem>> -> memref<1x1x128xi32, #tpu.memory_space<vmem>>
        %dma_start3A_810 = tpu.memref_squeeze %dma_start3A_809 : memref<1x1x128xi32, #tpu.memory_space<vmem>> -> memref<128xi32, #tpu.memory_space<vmem>>
        %dma_start3A_811 = arith.constant 0 : i32
        %dma_start3A_812 = arith.constant 0 : i32
        %dma_start3A_813 = tpu.memref_slice %arg11[%dma_start3A_811, %dma_start3A_812] : memref<5248x128xf32, #tpu.memory_space<vmem_shared>> -> memref<5248x128xf32, #tpu.memory_space<vmem_shared>>
        tpu.enqueue_indirect_dma source(%dma_start3A_807 : memref<128x128xf32, #tpu.memory_space<vmem>>) target(%dma_start3A_813 : memref<5248x128xf32, #tpu.memory_space<vmem_shared>>) offsets(%dma_start3A_810 : memref<128xi32, #tpu.memory_space<vmem>>) semaphore(%arg14 : memref<!tpu.dma_semaphore, #tpu.memory_space<semaphore_mem>>) {add = true}
        %dma_start3A_814 = arith.constant 0 : i32
        %dma_start3A_815 = arith.constant 0 : i32
        %dma_start3A_816 = arith.constant 1 : i32
        %dma_start3A_817 = arith.constant 0 : i32
        %dma_start3A_818 = arith.constant 0 : i32
        %dma_start3A_819 = tpu.memref_slice %arg6[%dma_start3A_814, %dma_start3A_817, %dma_start3A_818] : memref<2x256x128xf32, #tpu.memory_space<vmem>> -> memref<1x256x128xf32, #tpu.memory_space<vmem>>
        %dma_start3A_820 = tpu.memref_squeeze %dma_start3A_819 : memref<1x256x128xf32, #tpu.memory_space<vmem>> -> memref<256x128xf32, #tpu.memory_space<vmem>>
        %dma_start3A_821 = arith.constant 128 : i32
        %dma_start3A_822 = arith.constant 0 : i32
        %dma_start3A_823 = tpu.memref_slice %dma_start3A_820[%dma_start3A_821, %dma_start3A_822] : memref<256x128xf32, #tpu.memory_space<vmem>> -> memref<128x128xf32, #tpu.memory_space<vmem>>
        %dma_start3A_824 = arith.constant 0 : i32
        %dma_start3A_825 = tpu.memref_slice %arg8[%dma_start3A_815, %dma_start3A_816, %dma_start3A_824] : memref<2x2x128xi32, #tpu.memory_space<vmem>> -> memref<1x1x128xi32, #tpu.memory_space<vmem>>
        %dma_start3A_826 = tpu.memref_squeeze %dma_start3A_825 : memref<1x1x128xi32, #tpu.memory_space<vmem>> -> memref<128xi32, #tpu.memory_space<vmem>>
        %dma_start3A_827 = arith.constant 0 : i32
        %dma_start3A_828 = arith.constant 0 : i32
        %dma_start3A_829 = tpu.memref_slice %arg11[%dma_start3A_827, %dma_start3A_828] : memref<5248x128xf32, #tpu.memory_space<vmem_shared>> -> memref<5248x128xf32, #tpu.memory_space<vmem_shared>>
        tpu.enqueue_indirect_dma source(%dma_start3A_823 : memref<128x128xf32, #tpu.memory_space<vmem>>) target(%dma_start3A_829 : memref<5248x128xf32, #tpu.memory_space<vmem_shared>>) offsets(%dma_start3A_826 : memref<128xi32, #tpu.memory_space<vmem>>) semaphore(%arg14 : memref<!tpu.dma_semaphore, #tpu.memory_space<semaphore_mem>>) {add = true}
      } else {
      }
      %mul3A_213 = arith.constant 2 : i32
      %mul3A_214 = arith.muli %mul3A_213, %while3A_205 : i32
      %add3A_215 = arith.constant 1 : i32
      %add3A_216 = arith.addi %mul3A_214, %add3A_215 : i32
      %lt3A_217 = arith.cmpi slt, %add3A_216, %select_n3A : i32
      %convert_element_type3A_218 = arith.extui %lt3A_217 : i1 to i32
      %cond3A_219 = arith.constant 0 : i32
      %cond3A_220 = arith.cmpi ne, %convert_element_type3A_218, %cond3A_219 : i32
      scf.if %cond3A_220 {
        %jit3A_221 = arith.constant 8 : i32
        %div3A_222 = arith.divsi %add3A_216, %jit3A_221 : i32
        %sign3A_223 = arith.constant 0 : i32
        %sign3A_224 = arith.cmpi sgt, %add3A_216, %sign3A_223 : i32
        %sign3A_225 = arith.extui %sign3A_224 : i1 to i32
        %sign3A_226 = arith.constant 0 : i32
        %sign3A_227 = arith.cmpi slt, %add3A_216, %sign3A_226 : i32
        %sign3A_228 = arith.extui %sign3A_227 : i1 to i32
        %sign3A_229 = arith.subi %sign3A_225, %sign3A_228 : i32
        %sign3A_230 = arith.constant 0 : i32
        %sign3A_231 = arith.cmpi sgt, %jit3A_221, %sign3A_230 : i32
        %sign3A_232 = arith.extui %sign3A_231 : i1 to i32
        %sign3A_233 = arith.constant 0 : i32
        %sign3A_234 = arith.cmpi slt, %jit3A_221, %sign3A_233 : i32
        %sign3A_235 = arith.extui %sign3A_234 : i1 to i32
        %sign3A_236 = arith.subi %sign3A_232, %sign3A_235 : i32
        %ne3A_237 = arith.cmpi ne, %sign3A_229, %sign3A_236 : i32
        %rem3A_238 = arith.remsi %add3A_216, %jit3A_221 : i32
        %ne3A_239 = arith.constant 0 : i32
        %ne3A_240 = arith.cmpi ne, %rem3A_238, %ne3A_239 : i32
        %and3A_241 = arith.andi %ne3A_237, %ne3A_240 : i1
        %sub3A_242 = arith.constant 1 : i32
        %sub3A_243 = arith.subi %div3A_222, %sub3A_242 : i32
        %select_n3A_244 = arith.select %and3A_241, %sub3A_243, %div3A_222 : i32
        %mul3A_245 = arith.constant 2048 : i32
        %mul3A_246 = arith.muli %select_n3A_244, %mul3A_245 : i32
        %add3A_247 = arith.addi %and3A_58, %mul3A_246 : i32
        %min3A = arith.constant 317952 : i32
        %min3A_248 = arith.minsi %add3A_247, %min3A : i32
        %multiple_of3A = tpu.assume_multiple %min3A_248, 8 : i32
        %ge3A_249 = arith.constant 1 : i32
        %ge3A_250 = arith.cmpi sge, %add3A_216, %ge3A_249 : i32
        %convert_element_type3A_251 = arith.extui %ge3A_250 : i1 to i32
        %cond3A_252 = arith.constant 0 : i32
        %cond3A_253 = arith.cmpi ne, %convert_element_type3A_251, %cond3A_252 : i32
        scf.if %cond3A_253 {
          %dma_wait3A_823 = arith.constant 0 : i32
          %dma_wait3A_824 = arith.constant 0 : i32
          %dma_wait3A_825 = arith.constant 0 : i32
          %dma_wait3A_826 = arith.constant 0 : i32
          %dma_wait3A_827 = arith.constant 0 : i32
          %dma_wait3A_828 = tpu.memref_slice %arg6[%dma_wait3A_823, %dma_wait3A_826, %dma_wait3A_827] : memref<2x256x128xf32, #tpu.memory_space<vmem>> -> memref<1x256x128xf32, #tpu.memory_space<vmem>>
          %dma_wait3A_829 = tpu.memref_squeeze %dma_wait3A_828 : memref<1x256x128xf32, #tpu.memory_space<vmem>> -> memref<256x128xf32, #tpu.memory_space<vmem>>
          %dma_wait3A_830 = arith.constant 0 : i32
          %dma_wait3A_831 = arith.constant 0 : i32
          %dma_wait3A_832 = tpu.memref_slice %dma_wait3A_829[%dma_wait3A_830, %dma_wait3A_831] : memref<256x128xf32, #tpu.memory_space<vmem>> -> memref<128x128xf32, #tpu.memory_space<vmem>>
          %dma_wait3A_833 = arith.constant 0 : i32
          %dma_wait3A_834 = tpu.memref_slice %arg8[%dma_wait3A_824, %dma_wait3A_825, %dma_wait3A_833] : memref<2x2x128xi32, #tpu.memory_space<vmem>> -> memref<1x1x128xi32, #tpu.memory_space<vmem>>
          %dma_wait3A_835 = tpu.memref_squeeze %dma_wait3A_834 : memref<1x1x128xi32, #tpu.memory_space<vmem>> -> memref<128xi32, #tpu.memory_space<vmem>>
          %dma_wait3A_836 = arith.constant 0 : i32
          %dma_wait3A_837 = arith.constant 0 : i32
          %dma_wait3A_838 = tpu.memref_slice %arg11[%dma_wait3A_836, %dma_wait3A_837] : memref<5248x128xf32, #tpu.memory_space<vmem_shared>> -> memref<5248x128xf32, #tpu.memory_space<vmem_shared>>
          tpu.wait_indirect_dma semaphore(%arg14 : memref<!tpu.dma_semaphore, #tpu.memory_space<semaphore_mem>>) src(%dma_wait3A_832 : memref<128x128xf32, #tpu.memory_space<vmem>>) dst(%dma_wait3A_838 : memref<5248x128xf32, #tpu.memory_space<vmem_shared>>)
          %dma_wait3A_839 = arith.constant 0 : i32
          %dma_wait3A_840 = arith.constant 0 : i32
          %dma_wait3A_841 = arith.constant 1 : i32
          %dma_wait3A_842 = arith.constant 0 : i32
          %dma_wait3A_843 = arith.constant 0 : i32
          %dma_wait3A_844 = tpu.memref_slice %arg6[%dma_wait3A_839, %dma_wait3A_842, %dma_wait3A_843] : memref<2x256x128xf32, #tpu.memory_space<vmem>> -> memref<1x256x128xf32, #tpu.memory_space<vmem>>
          %dma_wait3A_845 = tpu.memref_squeeze %dma_wait3A_844 : memref<1x256x128xf32, #tpu.memory_space<vmem>> -> memref<256x128xf32, #tpu.memory_space<vmem>>
          %dma_wait3A_846 = arith.constant 128 : i32
          %dma_wait3A_847 = arith.constant 0 : i32
          %dma_wait3A_848 = tpu.memref_slice %dma_wait3A_845[%dma_wait3A_846, %dma_wait3A_847] : memref<256x128xf32, #tpu.memory_space<vmem>> -> memref<128x128xf32, #tpu.memory_space<vmem>>
          %dma_wait3A_849 = arith.constant 0 : i32
          %dma_wait3A_850 = tpu.memref_slice %arg8[%dma_wait3A_840, %dma_wait3A_841, %dma_wait3A_849] : memref<2x2x128xi32, #tpu.memory_space<vmem>> -> memref<1x1x128xi32, #tpu.memory_space<vmem>>
          %dma_wait3A_851 = tpu.memref_squeeze %dma_wait3A_850 : memref<1x1x128xi32, #tpu.memory_space<vmem>> -> memref<128xi32, #tpu.memory_space<vmem>>
          %dma_wait3A_852 = arith.constant 0 : i32
          %dma_wait3A_853 = arith.constant 0 : i32
          %dma_wait3A_854 = tpu.memref_slice %arg11[%dma_wait3A_852, %dma_wait3A_853] : memref<5248x128xf32, #tpu.memory_space<vmem_shared>> -> memref<5248x128xf32, #tpu.memory_space<vmem_shared>>
          tpu.wait_indirect_dma semaphore(%arg14 : memref<!tpu.dma_semaphore, #tpu.memory_space<semaphore_mem>>) src(%dma_wait3A_848 : memref<128x128xf32, #tpu.memory_space<vmem>>) dst(%dma_wait3A_854 : memref<5248x128xf32, #tpu.memory_space<vmem_shared>>)
        } else {
        }
        %add3A_254 = arith.constant 1 : i32
        %add3A_255 = arith.addi %add3A_216, %add3A_254 : i32
        %lt3A_256 = arith.cmpi slt, %add3A_255, %select_n3A : i32
        %convert_element_type3A_257 = arith.extui %lt3A_256 : i1 to i32
        %cond3A_258 = arith.constant 0 : i32
        %cond3A_259 = arith.cmpi ne, %convert_element_type3A_257, %cond3A_258 : i32
        scf.if %cond3A_259 {
          %add3A_823 = arith.constant 1 : i32
          %add3A_824 = arith.addi %add3A_216, %add3A_823 : i32
          %mul3A_825 = arith.constant 256 : i32
          %mul3A_826 = arith.muli %add3A_824, %mul3A_825 : i32
          %add3A_827 = arith.addi %and3A_58, %mul3A_826 : i32
          %min3A_828 = arith.constant 319744 : i32
          %min3A_829 = arith.minsi %add3A_827, %min3A_828 : i32
          %multiple_of3A_830 = tpu.assume_multiple %min3A_829, 8 : i32
          %dma_start3A_831 = arith.constant 0 : i32
          %dma_start3A_832 = arith.constant 0 : i32
          %dma_start3A_833 = arith.constant 0 : i32
          %dma_start3A_834 = tpu.memref_slice %arg6[%dma_start3A_831, %dma_start3A_832, %dma_start3A_833] : memref<2x256x128xf32, #tpu.memory_space<vmem>> -> memref<1x256x128xf32, #tpu.memory_space<vmem>>
          %dma_start3A_835 = tpu.memref_squeeze %dma_start3A_834 : memref<1x256x128xf32, #tpu.memory_space<vmem>> -> memref<256x128xf32, #tpu.memory_space<vmem>>
          %dma_start3A_836 = arith.constant 0 : i32
          %dma_start3A_837 = tpu.memref_slice %arg2[%multiple_of3A_830, %dma_start3A_836] : memref<320000x128xf32, #tpu.memory_space<hbm>> -> memref<256x128xf32, #tpu.memory_space<hbm>>
          %dma_start3A_838 = arith.constant 0 : i32
          %dma_start3A_839 = arith.constant 0 : i32
          %dma_start3A_840 = tpu.memref_slice %arg6[%dma_start3A_831, %dma_start3A_838, %dma_start3A_839] : memref<2x256x128xf32, #tpu.memory_space<vmem>> -> memref<1x256x128xf32, #tpu.memory_space<vmem>>
          %dma_start3A_841 = tpu.memref_squeeze %dma_start3A_840 : memref<1x256x128xf32, #tpu.memory_space<vmem>> -> memref<256x128xf32, #tpu.memory_space<vmem>>
          %dma_start3A_842 = arith.constant 0 : i32
          %dma_start3A_843 = tpu.memref_slice %arg2[%multiple_of3A_830, %dma_start3A_842] : memref<320000x128xf32, #tpu.memory_space<hbm>> -> memref<256x128xf32, #tpu.memory_space<hbm>>
          tpu.enqueue_dma source(%dma_start3A_843 : memref<256x128xf32, #tpu.memory_space<hbm>>) target(%dma_start3A_841 : memref<256x128xf32, #tpu.memory_space<vmem>>) target_semaphore(%arg12 : memref<!tpu.dma_semaphore, #tpu.memory_space<semaphore_mem>>)
        } else {
        }
        %mul3A_260 = arith.constant 256 : i32
        %mul3A_261 = arith.muli %add3A_216, %mul3A_260 : i32
        %add3A_262 = arith.addi %and3A_58, %mul3A_261 : i32
        %min3A_263 = arith.constant 319744 : i32
        %min3A_264 = arith.minsi %add3A_262, %min3A_263 : i32
        %multiple_of3A_265 = tpu.assume_multiple %min3A_264, 8 : i32
        %sub3A_266 = arith.subi %multiple_of3A_265, %multiple_of3A : i32
        %max3A = arith.maxsi %add3A_262, %squeeze3A : i32
        %add3A_267 = arith.constant 0 : i32
        %add3A_268 = arith.addi %sub3A_266, %add3A_267 : i32
        %get3A_269 = arith.index_cast %add3A_268 : i32 to index
        %get3A_270 = tpu.vector_load %arg7[%get3A_269] {strides = array<i32>} : memref<2048xi32, #tpu.memory_space<vmem>>, vector<16xi32>,
        %add3A_271 = arith.constant 0 : i32
        %add3A_272 = arith.addi %multiple_of3A_265, %add3A_271 : i32
        %iota3A = tpu.iota {dimensions = array<i32: 0>} : vector<16xi32>
        %add3A_273 = vector.broadcast %add3A_272 : i32 to vector<16xi32>
        %add3A_274 = arith.addi %add3A_273, %iota3A : vector<16xi32>
        %ge3A_275 = vector.broadcast %max3A : i32 to vector<16xi32>
        %ge3A_276 = arith.cmpi sge, %add3A_274, %ge3A_275 : vector<16xi32>
        %lt3A_277 = vector.broadcast %squeeze3A_7 : i32 to vector<16xi32>
        %lt3A_278 = arith.cmpi slt, %add3A_274, %lt3A_277 : vector<16xi32>
        %and3A_279 = arith.andi %ge3A_276, %lt3A_278 : vector<16xi1>
        %sub3A_280 = vector.broadcast %mul3A_2 : i32 to vector<16xi32>
        %sub3A_281 = arith.subi %get3A_270, %sub3A_280 : vector<16xi32>
        %jit3A_282 = arith.constant 320 : i32
        %broadcast_in_dim3A_283 = vector.broadcast %jit3A_282 : i32 to vector<16xi32>
        %select_n3A_284 = arith.select %and3A_279, %sub3A_281, %broadcast_in_dim3A_283 : vector<16xi1>, vector<16xi32>
        %add3A_285 = vector.broadcast %mul3A_4 : i32 to vector<16xi32>
        %add3A_286 = arith.addi %add3A_285, %select_n3A_284 : vector<16xi32>
        %swap3A_287 = arith.constant 1 : i32
        %swap3A_288 = arith.constant 0 : i32
        %swap3A_289 = arith.index_cast %swap3A_287 : i32 to index
        %swap3A_290 = arith.index_cast %swap3A_288 : i32 to index
        %swap3A_291 = arith.constant 0 : index
        %swap3A_292 = tpu.vector_load %arg8[%swap3A_289, %swap3A_290, %swap3A_291] {strides = array<i32>} : memref<2x2x128xi32, #tpu.memory_space<vmem>>, vector<16xi32>,
        tpu.vector_store %arg8[%swap3A_289, %swap3A_290, %swap3A_291], %add3A_286 {strides = array<i32>} : memref<2x2x128xi32, #tpu.memory_space<vmem>>, vector<16xi32>,
        %jit3A_293 = arith.constant 1.000000e+00 : f32
        %jit3A_294 = arith.constant 0.000000e+00 : f32
        %broadcast_in_dim3A_295 = vector.broadcast %jit3A_293 : f32 to vector<16xf32>
        %broadcast_in_dim3A_296 = vector.broadcast %jit3A_294 : f32 to vector<16xf32>
        %select_n3A_297 = arith.select %and3A_279, %broadcast_in_dim3A_295, %broadcast_in_dim3A_296 : vector<16xi1>, vector<16xf32>
        tpu.vector_store_idx %arg9[%select_n3A_284], %select_n3A_297 {add = true} : memref<336xf32, #tpu.memory_space<vmem>>[vector<16xi32>], vector<16xf32>,
        %add3A_298 = arith.constant 16 : i32
        %add3A_299 = arith.addi %sub3A_266, %add3A_298 : i32
        %get3A_300 = arith.index_cast %add3A_299 : i32 to index
        %get3A_301 = tpu.vector_load %arg7[%get3A_300] {strides = array<i32>} : memref<2048xi32, #tpu.memory_space<vmem>>, vector<16xi32>,
        %add3A_302 = arith.constant 16 : i32
        %add3A_303 = arith.addi %multiple_of3A_265, %add3A_302 : i32
        %iota3A_304 = tpu.iota {dimensions = array<i32: 0>} : vector<16xi32>
        %add3A_305 = vector.broadcast %add3A_303 : i32 to vector<16xi32>
        %add3A_306 = arith.addi %add3A_305, %iota3A_304 : vector<16xi32>
        %ge3A_307 = vector.broadcast %max3A : i32 to vector<16xi32>
        %ge3A_308 = arith.cmpi sge, %add3A_306, %ge3A_307 : vector<16xi32>
        %lt3A_309 = vector.broadcast %squeeze3A_7 : i32 to vector<16xi32>
        %lt3A_310 = arith.cmpi slt, %add3A_306, %lt3A_309 : vector<16xi32>
        %and3A_311 = arith.andi %ge3A_308, %lt3A_310 : vector<16xi1>
        %sub3A_312 = vector.broadcast %mul3A_2 : i32 to vector<16xi32>
        %sub3A_313 = arith.subi %get3A_301, %sub3A_312 : vector<16xi32>
        %jit3A_314 = arith.constant 320 : i32
        %broadcast_in_dim3A_315 = vector.broadcast %jit3A_314 : i32 to vector<16xi32>
        %select_n3A_316 = arith.select %and3A_311, %sub3A_313, %broadcast_in_dim3A_315 : vector<16xi1>, vector<16xi32>
        %add3A_317 = vector.broadcast %mul3A_4 : i32 to vector<16xi32>
        %add3A_318 = arith.addi %add3A_317, %select_n3A_316 : vector<16xi32>
        %swap3A_319 = arith.constant 1 : i32
        %swap3A_320 = arith.constant 0 : i32
        %swap3A_321 = arith.index_cast %swap3A_319 : i32 to index
        %swap3A_322 = arith.index_cast %swap3A_320 : i32 to index
        %swap3A_323 = arith.constant 16 : index
        %swap3A_324 = tpu.vector_load %arg8[%swap3A_321, %swap3A_322, %swap3A_323] {strides = array<i32>} : memref<2x2x128xi32, #tpu.memory_space<vmem>>, vector<16xi32>,
        tpu.vector_store %arg8[%swap3A_321, %swap3A_322, %swap3A_323], %add3A_318 {strides = array<i32>} : memref<2x2x128xi32, #tpu.memory_space<vmem>>, vector<16xi32>,
        %jit3A_325 = arith.constant 1.000000e+00 : f32
        %jit3A_326 = arith.constant 0.000000e+00 : f32
        %broadcast_in_dim3A_327 = vector.broadcast %jit3A_325 : f32 to vector<16xf32>
        %broadcast_in_dim3A_328 = vector.broadcast %jit3A_326 : f32 to vector<16xf32>
        %select_n3A_329 = arith.select %and3A_311, %broadcast_in_dim3A_327, %broadcast_in_dim3A_328 : vector<16xi1>, vector<16xf32>
        tpu.vector_store_idx %arg9[%select_n3A_316], %select_n3A_329 {add = true} : memref<336xf32, #tpu.memory_space<vmem>>[vector<16xi32>], vector<16xf32>,
        %add3A_330 = arith.constant 32 : i32
        %add3A_331 = arith.addi %sub3A_266, %add3A_330 : i32
        %get3A_332 = arith.index_cast %add3A_331 : i32 to index
        %get3A_333 = tpu.vector_load %arg7[%get3A_332] {strides = array<i32>} : memref<2048xi32, #tpu.memory_space<vmem>>, vector<16xi32>,
        %add3A_334 = arith.constant 32 : i32
        %add3A_335 = arith.addi %multiple_of3A_265, %add3A_334 : i32
        %iota3A_336 = tpu.iota {dimensions = array<i32: 0>} : vector<16xi32>
        %add3A_337 = vector.broadcast %add3A_335 : i32 to vector<16xi32>
        %add3A_338 = arith.addi %add3A_337, %iota3A_336 : vector<16xi32>
        %ge3A_339 = vector.broadcast %max3A : i32 to vector<16xi32>
        %ge3A_340 = arith.cmpi sge, %add3A_338, %ge3A_339 : vector<16xi32>
        %lt3A_341 = vector.broadcast %squeeze3A_7 : i32 to vector<16xi32>
        %lt3A_342 = arith.cmpi slt, %add3A_338, %lt3A_341 : vector<16xi32>
        %and3A_343 = arith.andi %ge3A_340, %lt3A_342 : vector<16xi1>
        %sub3A_344 = vector.broadcast %mul3A_2 : i32 to vector<16xi32>
        %sub3A_345 = arith.subi %get3A_333, %sub3A_344 : vector<16xi32>
        %jit3A_346 = arith.constant 320 : i32
        %broadcast_in_dim3A_347 = vector.broadcast %jit3A_346 : i32 to vector<16xi32>
        %select_n3A_348 = arith.select %and3A_343, %sub3A_345, %broadcast_in_dim3A_347 : vector<16xi1>, vector<16xi32>
        %add3A_349 = vector.broadcast %mul3A_4 : i32 to vector<16xi32>
        %add3A_350 = arith.addi %add3A_349, %select_n3A_348 : vector<16xi32>
        %swap3A_351 = arith.constant 1 : i32
        %swap3A_352 = arith.constant 0 : i32
        %swap3A_353 = arith.index_cast %swap3A_351 : i32 to index
        %swap3A_354 = arith.index_cast %swap3A_352 : i32 to index
        %swap3A_355 = arith.constant 32 : index
        %swap3A_356 = tpu.vector_load %arg8[%swap3A_353, %swap3A_354, %swap3A_355] {strides = array<i32>} : memref<2x2x128xi32, #tpu.memory_space<vmem>>, vector<16xi32>,
        tpu.vector_store %arg8[%swap3A_353, %swap3A_354, %swap3A_355], %add3A_350 {strides = array<i32>} : memref<2x2x128xi32, #tpu.memory_space<vmem>>, vector<16xi32>,
        %jit3A_357 = arith.constant 1.000000e+00 : f32
        %jit3A_358 = arith.constant 0.000000e+00 : f32
        %broadcast_in_dim3A_359 = vector.broadcast %jit3A_357 : f32 to vector<16xf32>
        %broadcast_in_dim3A_360 = vector.broadcast %jit3A_358 : f32 to vector<16xf32>
        %select_n3A_361 = arith.select %and3A_343, %broadcast_in_dim3A_359, %broadcast_in_dim3A_360 : vector<16xi1>, vector<16xf32>
        tpu.vector_store_idx %arg9[%select_n3A_348], %select_n3A_361 {add = true} : memref<336xf32, #tpu.memory_space<vmem>>[vector<16xi32>], vector<16xf32>,
        %add3A_362 = arith.constant 48 : i32
        %add3A_363 = arith.addi %sub3A_266, %add3A_362 : i32
        %get3A_364 = arith.index_cast %add3A_363 : i32 to index
        %get3A_365 = tpu.vector_load %arg7[%get3A_364] {strides = array<i32>} : memref<2048xi32, #tpu.memory_space<vmem>>, vector<16xi32>,
        %add3A_366 = arith.constant 48 : i32
        %add3A_367 = arith.addi %multiple_of3A_265, %add3A_366 : i32
        %iota3A_368 = tpu.iota {dimensions = array<i32: 0>} : vector<16xi32>
        %add3A_369 = vector.broadcast %add3A_367 : i32 to vector<16xi32>
        %add3A_370 = arith.addi %add3A_369, %iota3A_368 : vector<16xi32>
        %ge3A_371 = vector.broadcast %max3A : i32 to vector<16xi32>
        %ge3A_372 = arith.cmpi sge, %add3A_370, %ge3A_371 : vector<16xi32>
        %lt3A_373 = vector.broadcast %squeeze3A_7 : i32 to vector<16xi32>
        %lt3A_374 = arith.cmpi slt, %add3A_370, %lt3A_373 : vector<16xi32>
        %and3A_375 = arith.andi %ge3A_372, %lt3A_374 : vector<16xi1>
        %sub3A_376 = vector.broadcast %mul3A_2 : i32 to vector<16xi32>
        %sub3A_377 = arith.subi %get3A_365, %sub3A_376 : vector<16xi32>
        %jit3A_378 = arith.constant 320 : i32
        %broadcast_in_dim3A_379 = vector.broadcast %jit3A_378 : i32 to vector<16xi32>
        %select_n3A_380 = arith.select %and3A_375, %sub3A_377, %broadcast_in_dim3A_379 : vector<16xi1>, vector<16xi32>
        %add3A_381 = vector.broadcast %mul3A_4 : i32 to vector<16xi32>
        %add3A_382 = arith.addi %add3A_381, %select_n3A_380 : vector<16xi32>
        %swap3A_383 = arith.constant 1 : i32
        %swap3A_384 = arith.constant 0 : i32
        %swap3A_385 = arith.index_cast %swap3A_383 : i32 to index
        %swap3A_386 = arith.index_cast %swap3A_384 : i32 to index
        %swap3A_387 = arith.constant 48 : index
        %swap3A_388 = tpu.vector_load %arg8[%swap3A_385, %swap3A_386, %swap3A_387] {strides = array<i32>} : memref<2x2x128xi32, #tpu.memory_space<vmem>>, vector<16xi32>,
        tpu.vector_store %arg8[%swap3A_385, %swap3A_386, %swap3A_387], %add3A_382 {strides = array<i32>} : memref<2x2x128xi32, #tpu.memory_space<vmem>>, vector<16xi32>,
        %jit3A_389 = arith.constant 1.000000e+00 : f32
        %jit3A_390 = arith.constant 0.000000e+00 : f32
        %broadcast_in_dim3A_391 = vector.broadcast %jit3A_389 : f32 to vector<16xf32>
        %broadcast_in_dim3A_392 = vector.broadcast %jit3A_390 : f32 to vector<16xf32>
        %select_n3A_393 = arith.select %and3A_375, %broadcast_in_dim3A_391, %broadcast_in_dim3A_392 : vector<16xi1>, vector<16xf32>
        tpu.vector_store_idx %arg9[%select_n3A_380], %select_n3A_393 {add = true} : memref<336xf32, #tpu.memory_space<vmem>>[vector<16xi32>], vector<16xf32>,
        %add3A_394 = arith.constant 64 : i32
        %add3A_395 = arith.addi %sub3A_266, %add3A_394 : i32
        %get3A_396 = arith.index_cast %add3A_395 : i32 to index
        %get3A_397 = tpu.vector_load %arg7[%get3A_396] {strides = array<i32>} : memref<2048xi32, #tpu.memory_space<vmem>>, vector<16xi32>,
        %add3A_398 = arith.constant 64 : i32
        %add3A_399 = arith.addi %multiple_of3A_265, %add3A_398 : i32
        %iota3A_400 = tpu.iota {dimensions = array<i32: 0>} : vector<16xi32>
        %add3A_401 = vector.broadcast %add3A_399 : i32 to vector<16xi32>
        %add3A_402 = arith.addi %add3A_401, %iota3A_400 : vector<16xi32>
        %ge3A_403 = vector.broadcast %max3A : i32 to vector<16xi32>
        %ge3A_404 = arith.cmpi sge, %add3A_402, %ge3A_403 : vector<16xi32>
        %lt3A_405 = vector.broadcast %squeeze3A_7 : i32 to vector<16xi32>
        %lt3A_406 = arith.cmpi slt, %add3A_402, %lt3A_405 : vector<16xi32>
        %and3A_407 = arith.andi %ge3A_404, %lt3A_406 : vector<16xi1>
        %sub3A_408 = vector.broadcast %mul3A_2 : i32 to vector<16xi32>
        %sub3A_409 = arith.subi %get3A_397, %sub3A_408 : vector<16xi32>
        %jit3A_410 = arith.constant 320 : i32
        %broadcast_in_dim3A_411 = vector.broadcast %jit3A_410 : i32 to vector<16xi32>
        %select_n3A_412 = arith.select %and3A_407, %sub3A_409, %broadcast_in_dim3A_411 : vector<16xi1>, vector<16xi32>
        %add3A_413 = vector.broadcast %mul3A_4 : i32 to vector<16xi32>
        %add3A_414 = arith.addi %add3A_413, %select_n3A_412 : vector<16xi32>
        %swap3A_415 = arith.constant 1 : i32
        %swap3A_416 = arith.constant 0 : i32
        %swap3A_417 = arith.index_cast %swap3A_415 : i32 to index
        %swap3A_418 = arith.index_cast %swap3A_416 : i32 to index
        %swap3A_419 = arith.constant 64 : index
        %swap3A_420 = tpu.vector_load %arg8[%swap3A_417, %swap3A_418, %swap3A_419] {strides = array<i32>} : memref<2x2x128xi32, #tpu.memory_space<vmem>>, vector<16xi32>,
        tpu.vector_store %arg8[%swap3A_417, %swap3A_418, %swap3A_419], %add3A_414 {strides = array<i32>} : memref<2x2x128xi32, #tpu.memory_space<vmem>>, vector<16xi32>,
        %jit3A_421 = arith.constant 1.000000e+00 : f32
        %jit3A_422 = arith.constant 0.000000e+00 : f32
        %broadcast_in_dim3A_423 = vector.broadcast %jit3A_421 : f32 to vector<16xf32>
        %broadcast_in_dim3A_424 = vector.broadcast %jit3A_422 : f32 to vector<16xf32>
        %select_n3A_425 = arith.select %and3A_407, %broadcast_in_dim3A_423, %broadcast_in_dim3A_424 : vector<16xi1>, vector<16xf32>
        tpu.vector_store_idx %arg9[%select_n3A_412], %select_n3A_425 {add = true} : memref<336xf32, #tpu.memory_space<vmem>>[vector<16xi32>], vector<16xf32>,
        %add3A_426 = arith.constant 80 : i32
        %add3A_427 = arith.addi %sub3A_266, %add3A_426 : i32
        %get3A_428 = arith.index_cast %add3A_427 : i32 to index
        %get3A_429 = tpu.vector_load %arg7[%get3A_428] {strides = array<i32>} : memref<2048xi32, #tpu.memory_space<vmem>>, vector<16xi32>,
        %add3A_430 = arith.constant 80 : i32
        %add3A_431 = arith.addi %multiple_of3A_265, %add3A_430 : i32
        %iota3A_432 = tpu.iota {dimensions = array<i32: 0>} : vector<16xi32>
        %add3A_433 = vector.broadcast %add3A_431 : i32 to vector<16xi32>
        %add3A_434 = arith.addi %add3A_433, %iota3A_432 : vector<16xi32>
        %ge3A_435 = vector.broadcast %max3A : i32 to vector<16xi32>
        %ge3A_436 = arith.cmpi sge, %add3A_434, %ge3A_435 : vector<16xi32>
        %lt3A_437 = vector.broadcast %squeeze3A_7 : i32 to vector<16xi32>
        %lt3A_438 = arith.cmpi slt, %add3A_434, %lt3A_437 : vector<16xi32>
        %and3A_439 = arith.andi %ge3A_436, %lt3A_438 : vector<16xi1>
        %sub3A_440 = vector.broadcast %mul3A_2 : i32 to vector<16xi32>
        %sub3A_441 = arith.subi %get3A_429, %sub3A_440 : vector<16xi32>
        %jit3A_442 = arith.constant 320 : i32
        %broadcast_in_dim3A_443 = vector.broadcast %jit3A_442 : i32 to vector<16xi32>
        %select_n3A_444 = arith.select %and3A_439, %sub3A_441, %broadcast_in_dim3A_443 : vector<16xi1>, vector<16xi32>
        %add3A_445 = vector.broadcast %mul3A_4 : i32 to vector<16xi32>
        %add3A_446 = arith.addi %add3A_445, %select_n3A_444 : vector<16xi32>
        %swap3A_447 = arith.constant 1 : i32
        %swap3A_448 = arith.constant 0 : i32
        %swap3A_449 = arith.index_cast %swap3A_447 : i32 to index
        %swap3A_450 = arith.index_cast %swap3A_448 : i32 to index
        %swap3A_451 = arith.constant 80 : index
        %swap3A_452 = tpu.vector_load %arg8[%swap3A_449, %swap3A_450, %swap3A_451] {strides = array<i32>} : memref<2x2x128xi32, #tpu.memory_space<vmem>>, vector<16xi32>,
        tpu.vector_store %arg8[%swap3A_449, %swap3A_450, %swap3A_451], %add3A_446 {strides = array<i32>} : memref<2x2x128xi32, #tpu.memory_space<vmem>>, vector<16xi32>,
        %jit3A_453 = arith.constant 1.000000e+00 : f32
        %jit3A_454 = arith.constant 0.000000e+00 : f32
        %broadcast_in_dim3A_455 = vector.broadcast %jit3A_453 : f32 to vector<16xf32>
        %broadcast_in_dim3A_456 = vector.broadcast %jit3A_454 : f32 to vector<16xf32>
        %select_n3A_457 = arith.select %and3A_439, %broadcast_in_dim3A_455, %broadcast_in_dim3A_456 : vector<16xi1>, vector<16xf32>
        tpu.vector_store_idx %arg9[%select_n3A_444], %select_n3A_457 {add = true} : memref<336xf32, #tpu.memory_space<vmem>>[vector<16xi32>], vector<16xf32>,
        %add3A_458 = arith.constant 96 : i32
        %add3A_459 = arith.addi %sub3A_266, %add3A_458 : i32
        %get3A_460 = arith.index_cast %add3A_459 : i32 to index
        %get3A_461 = tpu.vector_load %arg7[%get3A_460] {strides = array<i32>} : memref<2048xi32, #tpu.memory_space<vmem>>, vector<16xi32>,
        %add3A_462 = arith.constant 96 : i32
        %add3A_463 = arith.addi %multiple_of3A_265, %add3A_462 : i32
        %iota3A_464 = tpu.iota {dimensions = array<i32: 0>} : vector<16xi32>
        %add3A_465 = vector.broadcast %add3A_463 : i32 to vector<16xi32>
        %add3A_466 = arith.addi %add3A_465, %iota3A_464 : vector<16xi32>
        %ge3A_467 = vector.broadcast %max3A : i32 to vector<16xi32>
        %ge3A_468 = arith.cmpi sge, %add3A_466, %ge3A_467 : vector<16xi32>
        %lt3A_469 = vector.broadcast %squeeze3A_7 : i32 to vector<16xi32>
        %lt3A_470 = arith.cmpi slt, %add3A_466, %lt3A_469 : vector<16xi32>
        %and3A_471 = arith.andi %ge3A_468, %lt3A_470 : vector<16xi1>
        %sub3A_472 = vector.broadcast %mul3A_2 : i32 to vector<16xi32>
        %sub3A_473 = arith.subi %get3A_461, %sub3A_472 : vector<16xi32>
        %jit3A_474 = arith.constant 320 : i32
        %broadcast_in_dim3A_475 = vector.broadcast %jit3A_474 : i32 to vector<16xi32>
        %select_n3A_476 = arith.select %and3A_471, %sub3A_473, %broadcast_in_dim3A_475 : vector<16xi1>, vector<16xi32>
        %add3A_477 = vector.broadcast %mul3A_4 : i32 to vector<16xi32>
        %add3A_478 = arith.addi %add3A_477, %select_n3A_476 : vector<16xi32>
        %swap3A_479 = arith.constant 1 : i32
        %swap3A_480 = arith.constant 0 : i32
        %swap3A_481 = arith.index_cast %swap3A_479 : i32 to index
        %swap3A_482 = arith.index_cast %swap3A_480 : i32 to index
        %swap3A_483 = arith.constant 96 : index
        %swap3A_484 = tpu.vector_load %arg8[%swap3A_481, %swap3A_482, %swap3A_483] {strides = array<i32>} : memref<2x2x128xi32, #tpu.memory_space<vmem>>, vector<16xi32>,
        tpu.vector_store %arg8[%swap3A_481, %swap3A_482, %swap3A_483], %add3A_478 {strides = array<i32>} : memref<2x2x128xi32, #tpu.memory_space<vmem>>, vector<16xi32>,
        %jit3A_485 = arith.constant 1.000000e+00 : f32
        %jit3A_486 = arith.constant 0.000000e+00 : f32
        %broadcast_in_dim3A_487 = vector.broadcast %jit3A_485 : f32 to vector<16xf32>
        %broadcast_in_dim3A_488 = vector.broadcast %jit3A_486 : f32 to vector<16xf32>
        %select_n3A_489 = arith.select %and3A_471, %broadcast_in_dim3A_487, %broadcast_in_dim3A_488 : vector<16xi1>, vector<16xf32>
        tpu.vector_store_idx %arg9[%select_n3A_476], %select_n3A_489 {add = true} : memref<336xf32, #tpu.memory_space<vmem>>[vector<16xi32>], vector<16xf32>,
        %add3A_490 = arith.constant 112 : i32
        %add3A_491 = arith.addi %sub3A_266, %add3A_490 : i32
        %get3A_492 = arith.index_cast %add3A_491 : i32 to index
        %get3A_493 = tpu.vector_load %arg7[%get3A_492] {strides = array<i32>} : memref<2048xi32, #tpu.memory_space<vmem>>, vector<16xi32>,
        %add3A_494 = arith.constant 112 : i32
        %add3A_495 = arith.addi %multiple_of3A_265, %add3A_494 : i32
        %iota3A_496 = tpu.iota {dimensions = array<i32: 0>} : vector<16xi32>
        %add3A_497 = vector.broadcast %add3A_495 : i32 to vector<16xi32>
        %add3A_498 = arith.addi %add3A_497, %iota3A_496 : vector<16xi32>
        %ge3A_499 = vector.broadcast %max3A : i32 to vector<16xi32>
        %ge3A_500 = arith.cmpi sge, %add3A_498, %ge3A_499 : vector<16xi32>
        %lt3A_501 = vector.broadcast %squeeze3A_7 : i32 to vector<16xi32>
        %lt3A_502 = arith.cmpi slt, %add3A_498, %lt3A_501 : vector<16xi32>
        %and3A_503 = arith.andi %ge3A_500, %lt3A_502 : vector<16xi1>
        %sub3A_504 = vector.broadcast %mul3A_2 : i32 to vector<16xi32>
        %sub3A_505 = arith.subi %get3A_493, %sub3A_504 : vector<16xi32>
        %jit3A_506 = arith.constant 320 : i32
        %broadcast_in_dim3A_507 = vector.broadcast %jit3A_506 : i32 to vector<16xi32>
        %select_n3A_508 = arith.select %and3A_503, %sub3A_505, %broadcast_in_dim3A_507 : vector<16xi1>, vector<16xi32>
        %add3A_509 = vector.broadcast %mul3A_4 : i32 to vector<16xi32>
        %add3A_510 = arith.addi %add3A_509, %select_n3A_508 : vector<16xi32>
        %swap3A_511 = arith.constant 1 : i32
        %swap3A_512 = arith.constant 0 : i32
        %swap3A_513 = arith.index_cast %swap3A_511 : i32 to index
        %swap3A_514 = arith.index_cast %swap3A_512 : i32 to index
        %swap3A_515 = arith.constant 112 : index
        %swap3A_516 = tpu.vector_load %arg8[%swap3A_513, %swap3A_514, %swap3A_515] {strides = array<i32>} : memref<2x2x128xi32, #tpu.memory_space<vmem>>, vector<16xi32>,
        tpu.vector_store %arg8[%swap3A_513, %swap3A_514, %swap3A_515], %add3A_510 {strides = array<i32>} : memref<2x2x128xi32, #tpu.memory_space<vmem>>, vector<16xi32>,
        %jit3A_517 = arith.constant 1.000000e+00 : f32
        %jit3A_518 = arith.constant 0.000000e+00 : f32
        %broadcast_in_dim3A_519 = vector.broadcast %jit3A_517 : f32 to vector<16xf32>
        %broadcast_in_dim3A_520 = vector.broadcast %jit3A_518 : f32 to vector<16xf32>
        %select_n3A_521 = arith.select %and3A_503, %broadcast_in_dim3A_519, %broadcast_in_dim3A_520 : vector<16xi1>, vector<16xf32>
        tpu.vector_store_idx %arg9[%select_n3A_508], %select_n3A_521 {add = true} : memref<336xf32, #tpu.memory_space<vmem>>[vector<16xi32>], vector<16xf32>,
        %add3A_522 = arith.constant 128 : i32
        %add3A_523 = arith.addi %sub3A_266, %add3A_522 : i32
        %get3A_524 = arith.index_cast %add3A_523 : i32 to index
        %get3A_525 = tpu.vector_load %arg7[%get3A_524] {strides = array<i32>} : memref<2048xi32, #tpu.memory_space<vmem>>, vector<16xi32>,
        %add3A_526 = arith.constant 128 : i32
        %add3A_527 = arith.addi %multiple_of3A_265, %add3A_526 : i32
        %iota3A_528 = tpu.iota {dimensions = array<i32: 0>} : vector<16xi32>
        %add3A_529 = vector.broadcast %add3A_527 : i32 to vector<16xi32>
        %add3A_530 = arith.addi %add3A_529, %iota3A_528 : vector<16xi32>
        %ge3A_531 = vector.broadcast %max3A : i32 to vector<16xi32>
        %ge3A_532 = arith.cmpi sge, %add3A_530, %ge3A_531 : vector<16xi32>
        %lt3A_533 = vector.broadcast %squeeze3A_7 : i32 to vector<16xi32>
        %lt3A_534 = arith.cmpi slt, %add3A_530, %lt3A_533 : vector<16xi32>
        %and3A_535 = arith.andi %ge3A_532, %lt3A_534 : vector<16xi1>
        %sub3A_536 = vector.broadcast %mul3A_2 : i32 to vector<16xi32>
        %sub3A_537 = arith.subi %get3A_525, %sub3A_536 : vector<16xi32>
        %jit3A_538 = arith.constant 320 : i32
        %broadcast_in_dim3A_539 = vector.broadcast %jit3A_538 : i32 to vector<16xi32>
        %select_n3A_540 = arith.select %and3A_535, %sub3A_537, %broadcast_in_dim3A_539 : vector<16xi1>, vector<16xi32>
        %add3A_541 = vector.broadcast %mul3A_4 : i32 to vector<16xi32>
        %add3A_542 = arith.addi %add3A_541, %select_n3A_540 : vector<16xi32>
        %swap3A_543 = arith.constant 1 : i32
        %swap3A_544 = arith.constant 1 : i32
        %swap3A_545 = arith.index_cast %swap3A_543 : i32 to index
        %swap3A_546 = arith.index_cast %swap3A_544 : i32 to index
        %swap3A_547 = arith.constant 0 : index
        %swap3A_548 = tpu.vector_load %arg8[%swap3A_545, %swap3A_546, %swap3A_547] {strides = array<i32>} : memref<2x2x128xi32, #tpu.memory_space<vmem>>, vector<16xi32>,
        tpu.vector_store %arg8[%swap3A_545, %swap3A_546, %swap3A_547], %add3A_542 {strides = array<i32>} : memref<2x2x128xi32, #tpu.memory_space<vmem>>, vector<16xi32>,
        %jit3A_549 = arith.constant 1.000000e+00 : f32
        %jit3A_550 = arith.constant 0.000000e+00 : f32
        %broadcast_in_dim3A_551 = vector.broadcast %jit3A_549 : f32 to vector<16xf32>
        %broadcast_in_dim3A_552 = vector.broadcast %jit3A_550 : f32 to vector<16xf32>
        %select_n3A_553 = arith.select %and3A_535, %broadcast_in_dim3A_551, %broadcast_in_dim3A_552 : vector<16xi1>, vector<16xf32>
        tpu.vector_store_idx %arg9[%select_n3A_540], %select_n3A_553 {add = true} : memref<336xf32, #tpu.memory_space<vmem>>[vector<16xi32>], vector<16xf32>,
        %add3A_554 = arith.constant 144 : i32
        %add3A_555 = arith.addi %sub3A_266, %add3A_554 : i32
        %get3A_556 = arith.index_cast %add3A_555 : i32 to index
        %get3A_557 = tpu.vector_load %arg7[%get3A_556] {strides = array<i32>} : memref<2048xi32, #tpu.memory_space<vmem>>, vector<16xi32>,
        %add3A_558 = arith.constant 144 : i32
        %add3A_559 = arith.addi %multiple_of3A_265, %add3A_558 : i32
        %iota3A_560 = tpu.iota {dimensions = array<i32: 0>} : vector<16xi32>
        %add3A_561 = vector.broadcast %add3A_559 : i32 to vector<16xi32>
        %add3A_562 = arith.addi %add3A_561, %iota3A_560 : vector<16xi32>
        %ge3A_563 = vector.broadcast %max3A : i32 to vector<16xi32>
        %ge3A_564 = arith.cmpi sge, %add3A_562, %ge3A_563 : vector<16xi32>
        %lt3A_565 = vector.broadcast %squeeze3A_7 : i32 to vector<16xi32>
        %lt3A_566 = arith.cmpi slt, %add3A_562, %lt3A_565 : vector<16xi32>
        %and3A_567 = arith.andi %ge3A_564, %lt3A_566 : vector<16xi1>
        %sub3A_568 = vector.broadcast %mul3A_2 : i32 to vector<16xi32>
        %sub3A_569 = arith.subi %get3A_557, %sub3A_568 : vector<16xi32>
        %jit3A_570 = arith.constant 320 : i32
        %broadcast_in_dim3A_571 = vector.broadcast %jit3A_570 : i32 to vector<16xi32>
        %select_n3A_572 = arith.select %and3A_567, %sub3A_569, %broadcast_in_dim3A_571 : vector<16xi1>, vector<16xi32>
        %add3A_573 = vector.broadcast %mul3A_4 : i32 to vector<16xi32>
        %add3A_574 = arith.addi %add3A_573, %select_n3A_572 : vector<16xi32>
        %swap3A_575 = arith.constant 1 : i32
        %swap3A_576 = arith.constant 1 : i32
        %swap3A_577 = arith.index_cast %swap3A_575 : i32 to index
        %swap3A_578 = arith.index_cast %swap3A_576 : i32 to index
        %swap3A_579 = arith.constant 16 : index
        %swap3A_580 = tpu.vector_load %arg8[%swap3A_577, %swap3A_578, %swap3A_579] {strides = array<i32>} : memref<2x2x128xi32, #tpu.memory_space<vmem>>, vector<16xi32>,
        tpu.vector_store %arg8[%swap3A_577, %swap3A_578, %swap3A_579], %add3A_574 {strides = array<i32>} : memref<2x2x128xi32, #tpu.memory_space<vmem>>, vector<16xi32>,
        %jit3A_581 = arith.constant 1.000000e+00 : f32
        %jit3A_582 = arith.constant 0.000000e+00 : f32
        %broadcast_in_dim3A_583 = vector.broadcast %jit3A_581 : f32 to vector<16xf32>
        %broadcast_in_dim3A_584 = vector.broadcast %jit3A_582 : f32 to vector<16xf32>
        %select_n3A_585 = arith.select %and3A_567, %broadcast_in_dim3A_583, %broadcast_in_dim3A_584 : vector<16xi1>, vector<16xf32>
        tpu.vector_store_idx %arg9[%select_n3A_572], %select_n3A_585 {add = true} : memref<336xf32, #tpu.memory_space<vmem>>[vector<16xi32>], vector<16xf32>,
        %add3A_586 = arith.constant 160 : i32
        %add3A_587 = arith.addi %sub3A_266, %add3A_586 : i32
        %get3A_588 = arith.index_cast %add3A_587 : i32 to index
        %get3A_589 = tpu.vector_load %arg7[%get3A_588] {strides = array<i32>} : memref<2048xi32, #tpu.memory_space<vmem>>, vector<16xi32>,
        %add3A_590 = arith.constant 160 : i32
        %add3A_591 = arith.addi %multiple_of3A_265, %add3A_590 : i32
        %iota3A_592 = tpu.iota {dimensions = array<i32: 0>} : vector<16xi32>
        %add3A_593 = vector.broadcast %add3A_591 : i32 to vector<16xi32>
        %add3A_594 = arith.addi %add3A_593, %iota3A_592 : vector<16xi32>
        %ge3A_595 = vector.broadcast %max3A : i32 to vector<16xi32>
        %ge3A_596 = arith.cmpi sge, %add3A_594, %ge3A_595 : vector<16xi32>
        %lt3A_597 = vector.broadcast %squeeze3A_7 : i32 to vector<16xi32>
        %lt3A_598 = arith.cmpi slt, %add3A_594, %lt3A_597 : vector<16xi32>
        %and3A_599 = arith.andi %ge3A_596, %lt3A_598 : vector<16xi1>
        %sub3A_600 = vector.broadcast %mul3A_2 : i32 to vector<16xi32>
        %sub3A_601 = arith.subi %get3A_589, %sub3A_600 : vector<16xi32>
        %jit3A_602 = arith.constant 320 : i32
        %broadcast_in_dim3A_603 = vector.broadcast %jit3A_602 : i32 to vector<16xi32>
        %select_n3A_604 = arith.select %and3A_599, %sub3A_601, %broadcast_in_dim3A_603 : vector<16xi1>, vector<16xi32>
        %add3A_605 = vector.broadcast %mul3A_4 : i32 to vector<16xi32>
        %add3A_606 = arith.addi %add3A_605, %select_n3A_604 : vector<16xi32>
        %swap3A_607 = arith.constant 1 : i32
        %swap3A_608 = arith.constant 1 : i32
        %swap3A_609 = arith.index_cast %swap3A_607 : i32 to index
        %swap3A_610 = arith.index_cast %swap3A_608 : i32 to index
        %swap3A_611 = arith.constant 32 : index
        %swap3A_612 = tpu.vector_load %arg8[%swap3A_609, %swap3A_610, %swap3A_611] {strides = array<i32>} : memref<2x2x128xi32, #tpu.memory_space<vmem>>, vector<16xi32>,
        tpu.vector_store %arg8[%swap3A_609, %swap3A_610, %swap3A_611], %add3A_606 {strides = array<i32>} : memref<2x2x128xi32, #tpu.memory_space<vmem>>, vector<16xi32>,
        %jit3A_613 = arith.constant 1.000000e+00 : f32
        %jit3A_614 = arith.constant 0.000000e+00 : f32
        %broadcast_in_dim3A_615 = vector.broadcast %jit3A_613 : f32 to vector<16xf32>
        %broadcast_in_dim3A_616 = vector.broadcast %jit3A_614 : f32 to vector<16xf32>
        %select_n3A_617 = arith.select %and3A_599, %broadcast_in_dim3A_615, %broadcast_in_dim3A_616 : vector<16xi1>, vector<16xf32>
        tpu.vector_store_idx %arg9[%select_n3A_604], %select_n3A_617 {add = true} : memref<336xf32, #tpu.memory_space<vmem>>[vector<16xi32>], vector<16xf32>,
        %add3A_618 = arith.constant 176 : i32
        %add3A_619 = arith.addi %sub3A_266, %add3A_618 : i32
        %get3A_620 = arith.index_cast %add3A_619 : i32 to index
        %get3A_621 = tpu.vector_load %arg7[%get3A_620] {strides = array<i32>} : memref<2048xi32, #tpu.memory_space<vmem>>, vector<16xi32>,
        %add3A_622 = arith.constant 176 : i32
        %add3A_623 = arith.addi %multiple_of3A_265, %add3A_622 : i32
        %iota3A_624 = tpu.iota {dimensions = array<i32: 0>} : vector<16xi32>
        %add3A_625 = vector.broadcast %add3A_623 : i32 to vector<16xi32>
        %add3A_626 = arith.addi %add3A_625, %iota3A_624 : vector<16xi32>
        %ge3A_627 = vector.broadcast %max3A : i32 to vector<16xi32>
        %ge3A_628 = arith.cmpi sge, %add3A_626, %ge3A_627 : vector<16xi32>
        %lt3A_629 = vector.broadcast %squeeze3A_7 : i32 to vector<16xi32>
        %lt3A_630 = arith.cmpi slt, %add3A_626, %lt3A_629 : vector<16xi32>
        %and3A_631 = arith.andi %ge3A_628, %lt3A_630 : vector<16xi1>
        %sub3A_632 = vector.broadcast %mul3A_2 : i32 to vector<16xi32>
        %sub3A_633 = arith.subi %get3A_621, %sub3A_632 : vector<16xi32>
        %jit3A_634 = arith.constant 320 : i32
        %broadcast_in_dim3A_635 = vector.broadcast %jit3A_634 : i32 to vector<16xi32>
        %select_n3A_636 = arith.select %and3A_631, %sub3A_633, %broadcast_in_dim3A_635 : vector<16xi1>, vector<16xi32>
        %add3A_637 = vector.broadcast %mul3A_4 : i32 to vector<16xi32>
        %add3A_638 = arith.addi %add3A_637, %select_n3A_636 : vector<16xi32>
        %swap3A_639 = arith.constant 1 : i32
        %swap3A_640 = arith.constant 1 : i32
        %swap3A_641 = arith.index_cast %swap3A_639 : i32 to index
        %swap3A_642 = arith.index_cast %swap3A_640 : i32 to index
        %swap3A_643 = arith.constant 48 : index
        %swap3A_644 = tpu.vector_load %arg8[%swap3A_641, %swap3A_642, %swap3A_643] {strides = array<i32>} : memref<2x2x128xi32, #tpu.memory_space<vmem>>, vector<16xi32>,
        tpu.vector_store %arg8[%swap3A_641, %swap3A_642, %swap3A_643], %add3A_638 {strides = array<i32>} : memref<2x2x128xi32, #tpu.memory_space<vmem>>, vector<16xi32>,
        %jit3A_645 = arith.constant 1.000000e+00 : f32
        %jit3A_646 = arith.constant 0.000000e+00 : f32
        %broadcast_in_dim3A_647 = vector.broadcast %jit3A_645 : f32 to vector<16xf32>
        %broadcast_in_dim3A_648 = vector.broadcast %jit3A_646 : f32 to vector<16xf32>
        %select_n3A_649 = arith.select %and3A_631, %broadcast_in_dim3A_647, %broadcast_in_dim3A_648 : vector<16xi1>, vector<16xf32>
        tpu.vector_store_idx %arg9[%select_n3A_636], %select_n3A_649 {add = true} : memref<336xf32, #tpu.memory_space<vmem>>[vector<16xi32>], vector<16xf32>,
        %add3A_650 = arith.constant 192 : i32
        %add3A_651 = arith.addi %sub3A_266, %add3A_650 : i32
        %get3A_652 = arith.index_cast %add3A_651 : i32 to index
        %get3A_653 = tpu.vector_load %arg7[%get3A_652] {strides = array<i32>} : memref<2048xi32, #tpu.memory_space<vmem>>, vector<16xi32>,
        %add3A_654 = arith.constant 192 : i32
        %add3A_655 = arith.addi %multiple_of3A_265, %add3A_654 : i32
        %iota3A_656 = tpu.iota {dimensions = array<i32: 0>} : vector<16xi32>
        %add3A_657 = vector.broadcast %add3A_655 : i32 to vector<16xi32>
        %add3A_658 = arith.addi %add3A_657, %iota3A_656 : vector<16xi32>
        %ge3A_659 = vector.broadcast %max3A : i32 to vector<16xi32>
        %ge3A_660 = arith.cmpi sge, %add3A_658, %ge3A_659 : vector<16xi32>
        %lt3A_661 = vector.broadcast %squeeze3A_7 : i32 to vector<16xi32>
        %lt3A_662 = arith.cmpi slt, %add3A_658, %lt3A_661 : vector<16xi32>
        %and3A_663 = arith.andi %ge3A_660, %lt3A_662 : vector<16xi1>
        %sub3A_664 = vector.broadcast %mul3A_2 : i32 to vector<16xi32>
        %sub3A_665 = arith.subi %get3A_653, %sub3A_664 : vector<16xi32>
        %jit3A_666 = arith.constant 320 : i32
        %broadcast_in_dim3A_667 = vector.broadcast %jit3A_666 : i32 to vector<16xi32>
        %select_n3A_668 = arith.select %and3A_663, %sub3A_665, %broadcast_in_dim3A_667 : vector<16xi1>, vector<16xi32>
        %add3A_669 = vector.broadcast %mul3A_4 : i32 to vector<16xi32>
        %add3A_670 = arith.addi %add3A_669, %select_n3A_668 : vector<16xi32>
        %swap3A_671 = arith.constant 1 : i32
        %swap3A_672 = arith.constant 1 : i32
        %swap3A_673 = arith.index_cast %swap3A_671 : i32 to index
        %swap3A_674 = arith.index_cast %swap3A_672 : i32 to index
        %swap3A_675 = arith.constant 64 : index
        %swap3A_676 = tpu.vector_load %arg8[%swap3A_673, %swap3A_674, %swap3A_675] {strides = array<i32>} : memref<2x2x128xi32, #tpu.memory_space<vmem>>, vector<16xi32>,
        tpu.vector_store %arg8[%swap3A_673, %swap3A_674, %swap3A_675], %add3A_670 {strides = array<i32>} : memref<2x2x128xi32, #tpu.memory_space<vmem>>, vector<16xi32>,
        %jit3A_677 = arith.constant 1.000000e+00 : f32
        %jit3A_678 = arith.constant 0.000000e+00 : f32
        %broadcast_in_dim3A_679 = vector.broadcast %jit3A_677 : f32 to vector<16xf32>
        %broadcast_in_dim3A_680 = vector.broadcast %jit3A_678 : f32 to vector<16xf32>
        %select_n3A_681 = arith.select %and3A_663, %broadcast_in_dim3A_679, %broadcast_in_dim3A_680 : vector<16xi1>, vector<16xf32>
        tpu.vector_store_idx %arg9[%select_n3A_668], %select_n3A_681 {add = true} : memref<336xf32, #tpu.memory_space<vmem>>[vector<16xi32>], vector<16xf32>,
        %add3A_682 = arith.constant 208 : i32
        %add3A_683 = arith.addi %sub3A_266, %add3A_682 : i32
        %get3A_684 = arith.index_cast %add3A_683 : i32 to index
        %get3A_685 = tpu.vector_load %arg7[%get3A_684] {strides = array<i32>} : memref<2048xi32, #tpu.memory_space<vmem>>, vector<16xi32>,
        %add3A_686 = arith.constant 208 : i32
        %add3A_687 = arith.addi %multiple_of3A_265, %add3A_686 : i32
        %iota3A_688 = tpu.iota {dimensions = array<i32: 0>} : vector<16xi32>
        %add3A_689 = vector.broadcast %add3A_687 : i32 to vector<16xi32>
        %add3A_690 = arith.addi %add3A_689, %iota3A_688 : vector<16xi32>
        %ge3A_691 = vector.broadcast %max3A : i32 to vector<16xi32>
        %ge3A_692 = arith.cmpi sge, %add3A_690, %ge3A_691 : vector<16xi32>
        %lt3A_693 = vector.broadcast %squeeze3A_7 : i32 to vector<16xi32>
        %lt3A_694 = arith.cmpi slt, %add3A_690, %lt3A_693 : vector<16xi32>
        %and3A_695 = arith.andi %ge3A_692, %lt3A_694 : vector<16xi1>
        %sub3A_696 = vector.broadcast %mul3A_2 : i32 to vector<16xi32>
        %sub3A_697 = arith.subi %get3A_685, %sub3A_696 : vector<16xi32>
        %jit3A_698 = arith.constant 320 : i32
        %broadcast_in_dim3A_699 = vector.broadcast %jit3A_698 : i32 to vector<16xi32>
        %select_n3A_700 = arith.select %and3A_695, %sub3A_697, %broadcast_in_dim3A_699 : vector<16xi1>, vector<16xi32>
        %add3A_701 = vector.broadcast %mul3A_4 : i32 to vector<16xi32>
        %add3A_702 = arith.addi %add3A_701, %select_n3A_700 : vector<16xi32>
        %swap3A_703 = arith.constant 1 : i32
        %swap3A_704 = arith.constant 1 : i32
        %swap3A_705 = arith.index_cast %swap3A_703 : i32 to index
        %swap3A_706 = arith.index_cast %swap3A_704 : i32 to index
        %swap3A_707 = arith.constant 80 : index
        %swap3A_708 = tpu.vector_load %arg8[%swap3A_705, %swap3A_706, %swap3A_707] {strides = array<i32>} : memref<2x2x128xi32, #tpu.memory_space<vmem>>, vector<16xi32>,
        tpu.vector_store %arg8[%swap3A_705, %swap3A_706, %swap3A_707], %add3A_702 {strides = array<i32>} : memref<2x2x128xi32, #tpu.memory_space<vmem>>, vector<16xi32>,
        %jit3A_709 = arith.constant 1.000000e+00 : f32
        %jit3A_710 = arith.constant 0.000000e+00 : f32
        %broadcast_in_dim3A_711 = vector.broadcast %jit3A_709 : f32 to vector<16xf32>
        %broadcast_in_dim3A_712 = vector.broadcast %jit3A_710 : f32 to vector<16xf32>
        %select_n3A_713 = arith.select %and3A_695, %broadcast_in_dim3A_711, %broadcast_in_dim3A_712 : vector<16xi1>, vector<16xf32>
        tpu.vector_store_idx %arg9[%select_n3A_700], %select_n3A_713 {add = true} : memref<336xf32, #tpu.memory_space<vmem>>[vector<16xi32>], vector<16xf32>,
        %add3A_714 = arith.constant 224 : i32
        %add3A_715 = arith.addi %sub3A_266, %add3A_714 : i32
        %get3A_716 = arith.index_cast %add3A_715 : i32 to index
        %get3A_717 = tpu.vector_load %arg7[%get3A_716] {strides = array<i32>} : memref<2048xi32, #tpu.memory_space<vmem>>, vector<16xi32>,
        %add3A_718 = arith.constant 224 : i32
        %add3A_719 = arith.addi %multiple_of3A_265, %add3A_718 : i32
        %iota3A_720 = tpu.iota {dimensions = array<i32: 0>} : vector<16xi32>
        %add3A_721 = vector.broadcast %add3A_719 : i32 to vector<16xi32>
        %add3A_722 = arith.addi %add3A_721, %iota3A_720 : vector<16xi32>
        %ge3A_723 = vector.broadcast %max3A : i32 to vector<16xi32>
        %ge3A_724 = arith.cmpi sge, %add3A_722, %ge3A_723 : vector<16xi32>
        %lt3A_725 = vector.broadcast %squeeze3A_7 : i32 to vector<16xi32>
        %lt3A_726 = arith.cmpi slt, %add3A_722, %lt3A_725 : vector<16xi32>
        %and3A_727 = arith.andi %ge3A_724, %lt3A_726 : vector<16xi1>
        %sub3A_728 = vector.broadcast %mul3A_2 : i32 to vector<16xi32>
        %sub3A_729 = arith.subi %get3A_717, %sub3A_728 : vector<16xi32>
        %jit3A_730 = arith.constant 320 : i32
        %broadcast_in_dim3A_731 = vector.broadcast %jit3A_730 : i32 to vector<16xi32>
        %select_n3A_732 = arith.select %and3A_727, %sub3A_729, %broadcast_in_dim3A_731 : vector<16xi1>, vector<16xi32>
        %add3A_733 = vector.broadcast %mul3A_4 : i32 to vector<16xi32>
        %add3A_734 = arith.addi %add3A_733, %select_n3A_732 : vector<16xi32>
        %swap3A_735 = arith.constant 1 : i32
        %swap3A_736 = arith.constant 1 : i32
        %swap3A_737 = arith.index_cast %swap3A_735 : i32 to index
        %swap3A_738 = arith.index_cast %swap3A_736 : i32 to index
        %swap3A_739 = arith.constant 96 : index
        %swap3A_740 = tpu.vector_load %arg8[%swap3A_737, %swap3A_738, %swap3A_739] {strides = array<i32>} : memref<2x2x128xi32, #tpu.memory_space<vmem>>, vector<16xi32>,
        tpu.vector_store %arg8[%swap3A_737, %swap3A_738, %swap3A_739], %add3A_734 {strides = array<i32>} : memref<2x2x128xi32, #tpu.memory_space<vmem>>, vector<16xi32>,
        %jit3A_741 = arith.constant 1.000000e+00 : f32
        %jit3A_742 = arith.constant 0.000000e+00 : f32
        %broadcast_in_dim3A_743 = vector.broadcast %jit3A_741 : f32 to vector<16xf32>
        %broadcast_in_dim3A_744 = vector.broadcast %jit3A_742 : f32 to vector<16xf32>
        %select_n3A_745 = arith.select %and3A_727, %broadcast_in_dim3A_743, %broadcast_in_dim3A_744 : vector<16xi1>, vector<16xf32>
        tpu.vector_store_idx %arg9[%select_n3A_732], %select_n3A_745 {add = true} : memref<336xf32, #tpu.memory_space<vmem>>[vector<16xi32>], vector<16xf32>,
        %add3A_746 = arith.constant 240 : i32
        %add3A_747 = arith.addi %sub3A_266, %add3A_746 : i32
        %get3A_748 = arith.index_cast %add3A_747 : i32 to index
        %get3A_749 = tpu.vector_load %arg7[%get3A_748] {strides = array<i32>} : memref<2048xi32, #tpu.memory_space<vmem>>, vector<16xi32>,
        %add3A_750 = arith.constant 240 : i32
        %add3A_751 = arith.addi %multiple_of3A_265, %add3A_750 : i32
        %iota3A_752 = tpu.iota {dimensions = array<i32: 0>} : vector<16xi32>
        %add3A_753 = vector.broadcast %add3A_751 : i32 to vector<16xi32>
        %add3A_754 = arith.addi %add3A_753, %iota3A_752 : vector<16xi32>
        %ge3A_755 = vector.broadcast %max3A : i32 to vector<16xi32>
        %ge3A_756 = arith.cmpi sge, %add3A_754, %ge3A_755 : vector<16xi32>
        %lt3A_757 = vector.broadcast %squeeze3A_7 : i32 to vector<16xi32>
        %lt3A_758 = arith.cmpi slt, %add3A_754, %lt3A_757 : vector<16xi32>
        %and3A_759 = arith.andi %ge3A_756, %lt3A_758 : vector<16xi1>
        %sub3A_760 = vector.broadcast %mul3A_2 : i32 to vector<16xi32>
        %sub3A_761 = arith.subi %get3A_749, %sub3A_760 : vector<16xi32>
        %jit3A_762 = arith.constant 320 : i32
        %broadcast_in_dim3A_763 = vector.broadcast %jit3A_762 : i32 to vector<16xi32>
        %select_n3A_764 = arith.select %and3A_759, %sub3A_761, %broadcast_in_dim3A_763 : vector<16xi1>, vector<16xi32>
        %add3A_765 = vector.broadcast %mul3A_4 : i32 to vector<16xi32>
        %add3A_766 = arith.addi %add3A_765, %select_n3A_764 : vector<16xi32>
        %swap3A_767 = arith.constant 1 : i32
        %swap3A_768 = arith.constant 1 : i32
        %swap3A_769 = arith.index_cast %swap3A_767 : i32 to index
        %swap3A_770 = arith.index_cast %swap3A_768 : i32 to index
        %swap3A_771 = arith.constant 112 : index
        %swap3A_772 = tpu.vector_load %arg8[%swap3A_769, %swap3A_770, %swap3A_771] {strides = array<i32>} : memref<2x2x128xi32, #tpu.memory_space<vmem>>, vector<16xi32>,
        tpu.vector_store %arg8[%swap3A_769, %swap3A_770, %swap3A_771], %add3A_766 {strides = array<i32>} : memref<2x2x128xi32, #tpu.memory_space<vmem>>, vector<16xi32>,
        %jit3A_773 = arith.constant 1.000000e+00 : f32
        %jit3A_774 = arith.constant 0.000000e+00 : f32
        %broadcast_in_dim3A_775 = vector.broadcast %jit3A_773 : f32 to vector<16xf32>
        %broadcast_in_dim3A_776 = vector.broadcast %jit3A_774 : f32 to vector<16xf32>
        %select_n3A_777 = arith.select %and3A_759, %broadcast_in_dim3A_775, %broadcast_in_dim3A_776 : vector<16xi1>, vector<16xf32>
        tpu.vector_store_idx %arg9[%select_n3A_764], %select_n3A_777 {add = true} : memref<336xf32, #tpu.memory_space<vmem>>[vector<16xi32>], vector<16xf32>,
        %dma_wait3A = arith.constant 1 : i32
        %dma_wait3A_778 = arith.constant 0 : i32
        %dma_wait3A_779 = arith.constant 0 : i32
        %dma_wait3A_780 = tpu.memref_slice %arg6[%dma_wait3A, %dma_wait3A_778, %dma_wait3A_779] : memref<2x256x128xf32, #tpu.memory_space<vmem>> -> memref<1x256x128xf32, #tpu.memory_space<vmem>>
        %dma_wait3A_781 = tpu.memref_squeeze %dma_wait3A_780 : memref<1x256x128xf32, #tpu.memory_space<vmem>> -> memref<256x128xf32, #tpu.memory_space<vmem>>
        %dma_wait3A_782 = arith.constant 0 : i32
        %dma_wait3A_783 = arith.constant 0 : i32
        %dma_wait3A_784 = tpu.memref_slice %arg2[%dma_wait3A_782, %dma_wait3A_783] : memref<320000x128xf32, #tpu.memory_space<hbm>> -> memref<256x128xf32, #tpu.memory_space<hbm>>
        %dma_wait3A_785 = arith.constant 0 : i32
        %dma_wait3A_786 = arith.constant 0 : i32
        %dma_wait3A_787 = tpu.memref_slice %arg6[%dma_wait3A, %dma_wait3A_785, %dma_wait3A_786] : memref<2x256x128xf32, #tpu.memory_space<vmem>> -> memref<1x256x128xf32, #tpu.memory_space<vmem>>
        %dma_wait3A_788 = tpu.memref_squeeze %dma_wait3A_787 : memref<1x256x128xf32, #tpu.memory_space<vmem>> -> memref<256x128xf32, #tpu.memory_space<vmem>>
        %dma_wait3A_789 = arith.constant 0 : i32
        %dma_wait3A_790 = arith.constant 0 : i32
        %dma_wait3A_791 = tpu.memref_slice %arg2[%dma_wait3A_789, %dma_wait3A_790] : memref<320000x128xf32, #tpu.memory_space<hbm>> -> memref<256x128xf32, #tpu.memory_space<hbm>>
        tpu.wait_dma2 semaphore(%arg13 : memref<!tpu.dma_semaphore, #tpu.memory_space<semaphore_mem>>) src(%dma_wait3A_791 : memref<256x128xf32, #tpu.memory_space<hbm>>) dst(%dma_wait3A_788 : memref<256x128xf32, #tpu.memory_space<vmem>>)
        %dma_start3A = arith.constant 1 : i32
        %dma_start3A_792 = arith.constant 1 : i32
        %dma_start3A_793 = arith.constant 0 : i32
        %dma_start3A_794 = arith.constant 0 : i32
        %dma_start3A_795 = arith.constant 0 : i32
        %dma_start3A_796 = tpu.memref_slice %arg6[%dma_start3A, %dma_start3A_794, %dma_start3A_795] : memref<2x256x128xf32, #tpu.memory_space<vmem>> -> memref<1x256x128xf32, #tpu.memory_space<vmem>>
        %dma_start3A_797 = tpu.memref_squeeze %dma_start3A_796 : memref<1x256x128xf32, #tpu.memory_space<vmem>> -> memref<256x128xf32, #tpu.memory_space<vmem>>
        %dma_start3A_798 = arith.constant 0 : i32
        %dma_start3A_799 = arith.constant 0 : i32
        %dma_start3A_800 = tpu.memref_slice %dma_start3A_797[%dma_start3A_798, %dma_start3A_799] : memref<256x128xf32, #tpu.memory_space<vmem>> -> memref<128x128xf32, #tpu.memory_space<vmem>>
        %dma_start3A_801 = arith.constant 0 : i32
        %dma_start3A_802 = tpu.memref_slice %arg8[%dma_start3A_792, %dma_start3A_793, %dma_start3A_801] : memref<2x2x128xi32, #tpu.memory_space<vmem>> -> memref<1x1x128xi32, #tpu.memory_space<vmem>>
        %dma_start3A_803 = tpu.memref_squeeze %dma_start3A_802 : memref<1x1x128xi32, #tpu.memory_space<vmem>> -> memref<128xi32, #tpu.memory_space<vmem>>
        %dma_start3A_804 = arith.constant 0 : i32
        %dma_start3A_805 = arith.constant 0 : i32
        %dma_start3A_806 = tpu.memref_slice %arg11[%dma_start3A_804, %dma_start3A_805] : memref<5248x128xf32, #tpu.memory_space<vmem_shared>> -> memref<5248x128xf32, #tpu.memory_space<vmem_shared>>
        tpu.enqueue_indirect_dma source(%dma_start3A_800 : memref<128x128xf32, #tpu.memory_space<vmem>>) target(%dma_start3A_806 : memref<5248x128xf32, #tpu.memory_space<vmem_shared>>) offsets(%dma_start3A_803 : memref<128xi32, #tpu.memory_space<vmem>>) semaphore(%arg15 : memref<!tpu.dma_semaphore, #tpu.memory_space<semaphore_mem>>) {add = true}
        %dma_start3A_807 = arith.constant 1 : i32
        %dma_start3A_808 = arith.constant 1 : i32
        %dma_start3A_809 = arith.constant 1 : i32
        %dma_start3A_810 = arith.constant 0 : i32
        %dma_start3A_811 = arith.constant 0 : i32
        %dma_start3A_812 = tpu.memref_slice %arg6[%dma_start3A_807, %dma_start3A_810, %dma_start3A_811] : memref<2x256x128xf32, #tpu.memory_space<vmem>> -> memref<1x256x128xf32, #tpu.memory_space<vmem>>
        %dma_start3A_813 = tpu.memref_squeeze %dma_start3A_812 : memref<1x256x128xf32, #tpu.memory_space<vmem>> -> memref<256x128xf32, #tpu.memory_space<vmem>>
        %dma_start3A_814 = arith.constant 128 : i32
        %dma_start3A_815 = arith.constant 0 : i32
        %dma_start3A_816 = tpu.memref_slice %dma_start3A_813[%dma_start3A_814, %dma_start3A_815] : memref<256x128xf32, #tpu.memory_space<vmem>> -> memref<128x128xf32, #tpu.memory_space<vmem>>
        %dma_start3A_817 = arith.constant 0 : i32
        %dma_start3A_818 = tpu.memref_slice %arg8[%dma_start3A_808, %dma_start3A_809, %dma_start3A_817] : memref<2x2x128xi32, #tpu.memory_space<vmem>> -> memref<1x1x128xi32, #tpu.memory_space<vmem>>
        %dma_start3A_819 = tpu.memref_squeeze %dma_start3A_818 : memref<1x1x128xi32, #tpu.memory_space<vmem>> -> memref<128xi32, #tpu.memory_space<vmem>>
        %dma_start3A_820 = arith.constant 0 : i32
        %dma_start3A_821 = arith.constant 0 : i32
        %dma_start3A_822 = tpu.memref_slice %arg11[%dma_start3A_820, %dma_start3A_821] : memref<5248x128xf32, #tpu.memory_space<vmem_shared>> -> memref<5248x128xf32, #tpu.memory_space<vmem_shared>>
        tpu.enqueue_indirect_dma source(%dma_start3A_816 : memref<128x128xf32, #tpu.memory_space<vmem>>) target(%dma_start3A_822 : memref<5248x128xf32, #tpu.memory_space<vmem_shared>>) offsets(%dma_start3A_819 : memref<128xi32, #tpu.memory_space<vmem>>) semaphore(%arg15 : memref<!tpu.dma_semaphore, #tpu.memory_space<semaphore_mem>>) {add = true}
      } else {
      }
    }
    %while3A_119 = arith.constant 1 : i32
    scf.for %while3A_205 = %while3A_117 to %while3A_113 step %while3A_119  : i32 {
      %mul3A_206 = arith.constant 2 : i32
      %mul3A_207 = arith.muli %mul3A_206, %while3A_205 : i32
      %add3A_208 = arith.constant 0 : i32
      %add3A_209 = arith.addi %mul3A_207, %add3A_208 : i32
      %lt3A = arith.cmpi slt, %add3A_209, %select_n3A : i32
      %convert_element_type3A_210 = arith.extui %lt3A : i1 to i32
      %cond3A_211 = arith.constant 0 : i32
      %cond3A_212 = arith.cmpi ne, %convert_element_type3A_210, %cond3A_211 : i32
      scf.if %cond3A_212 {
        %jit3A_221 = arith.constant 8 : i32
        %div3A_222 = arith.divsi %add3A_209, %jit3A_221 : i32
        %sign3A_223 = arith.constant 0 : i32
        %sign3A_224 = arith.cmpi sgt, %add3A_209, %sign3A_223 : i32
        %sign3A_225 = arith.extui %sign3A_224 : i1 to i32
        %sign3A_226 = arith.constant 0 : i32
        %sign3A_227 = arith.cmpi slt, %add3A_209, %sign3A_226 : i32
        %sign3A_228 = arith.extui %sign3A_227 : i1 to i32
        %sign3A_229 = arith.subi %sign3A_225, %sign3A_228 : i32
        %sign3A_230 = arith.constant 0 : i32
        %sign3A_231 = arith.cmpi sgt, %jit3A_221, %sign3A_230 : i32
        %sign3A_232 = arith.extui %sign3A_231 : i1 to i32
        %sign3A_233 = arith.constant 0 : i32
        %sign3A_234 = arith.cmpi slt, %jit3A_221, %sign3A_233 : i32
        %sign3A_235 = arith.extui %sign3A_234 : i1 to i32
        %sign3A_236 = arith.subi %sign3A_232, %sign3A_235 : i32
        %ne3A_237 = arith.cmpi ne, %sign3A_229, %sign3A_236 : i32
        %rem3A_238 = arith.remsi %add3A_209, %jit3A_221 : i32
        %ne3A_239 = arith.constant 0 : i32
        %ne3A_240 = arith.cmpi ne, %rem3A_238, %ne3A_239 : i32
        %and3A_241 = arith.andi %ne3A_237, %ne3A_240 : i1
        %sub3A_242 = arith.constant 1 : i32
        %sub3A_243 = arith.subi %div3A_222, %sub3A_242 : i32
        %select_n3A_244 = arith.select %and3A_241, %sub3A_243, %div3A_222 : i32
        %mul3A_245 = arith.constant 2048 : i32
        %mul3A_246 = arith.muli %select_n3A_244, %mul3A_245 : i32
        %add3A_247 = arith.addi %and3A_58, %mul3A_246 : i32
        %min3A = arith.constant 317952 : i32
        %min3A_248 = arith.minsi %add3A_247, %min3A : i32
        %multiple_of3A = tpu.assume_multiple %min3A_248, 8 : i32
        %rem3A_249 = arith.constant 8 : i32
        %rem3A_250 = arith.remsi %add3A_209, %rem3A_249 : i32
        %eq3A_251 = arith.constant 0 : i32
        %eq3A_252 = arith.cmpi eq, %rem3A_250, %eq3A_251 : i32
        %convert_element_type3A_253 = arith.extui %eq3A_252 : i1 to i32
        %cond3A_254 = arith.constant 0 : i32
        %cond3A_255 = arith.cmpi ne, %convert_element_type3A_253, %cond3A_254 : i32
        scf.if %cond3A_255 {
          "tpu.region"() ({
            %run_scoped3A_830 = tpu.sem_alloc : memref<!tpu.dma_semaphore, #tpu.memory_space<semaphore_mem>>
            %dma_start3A_831 = tpu.memref_slice %arg3[%multiple_of3A] : memref<320000xi32, #tpu.memory_space<hbm>> -> memref<2048xi32, #tpu.memory_space<hbm>>
            %dma_start3A_832 = tpu.memref_slice %arg3[%multiple_of3A] : memref<320000xi32, #tpu.memory_space<hbm>> -> memref<2048xi32, #tpu.memory_space<hbm>>
            tpu.enqueue_dma source(%dma_start3A_832 : memref<2048xi32, #tpu.memory_space<hbm>>) target(%arg7 : memref<2048xi32, #tpu.memory_space<vmem>>) target_semaphore(%run_scoped3A_830 : memref<!tpu.dma_semaphore, #tpu.memory_space<semaphore_mem>>)
            %dma_wait3A_833 = tpu.memref_slice %arg3[%multiple_of3A] : memref<320000xi32, #tpu.memory_space<hbm>> -> memref<2048xi32, #tpu.memory_space<hbm>>
            %dma_wait3A_834 = tpu.memref_slice %arg3[%multiple_of3A] : memref<320000xi32, #tpu.memory_space<hbm>> -> memref<2048xi32, #tpu.memory_space<hbm>>
            tpu.wait_dma2 semaphore(%run_scoped3A_830 : memref<!tpu.dma_semaphore, #tpu.memory_space<semaphore_mem>>) src(%dma_wait3A_834 : memref<2048xi32, #tpu.memory_space<hbm>>) dst(%arg7 : memref<2048xi32, #tpu.memory_space<vmem>>)
            tpu.yield
          }) : () -> ()
        } else {
        }
        %ge3A_256 = arith.constant 1 : i32
        %ge3A_257 = arith.cmpi sge, %add3A_209, %ge3A_256 : i32
        %convert_element_type3A_258 = arith.extui %ge3A_257 : i1 to i32
        %cond3A_259 = arith.constant 0 : i32
        %cond3A_260 = arith.cmpi ne, %convert_element_type3A_258, %cond3A_259 : i32
        scf.if %cond3A_260 {
          %dma_wait3A_830 = arith.constant 1 : i32
          %dma_wait3A_831 = arith.constant 1 : i32
          %dma_wait3A_832 = arith.constant 0 : i32
          %dma_wait3A_833 = arith.constant 0 : i32
          %dma_wait3A_834 = arith.constant 0 : i32
          %dma_wait3A_835 = tpu.memref_slice %arg6[%dma_wait3A_830, %dma_wait3A_833, %dma_wait3A_834] : memref<2x256x128xf32, #tpu.memory_space<vmem>> -> memref<1x256x128xf32, #tpu.memory_space<vmem>>
          %dma_wait3A_836 = tpu.memref_squeeze %dma_wait3A_835 : memref<1x256x128xf32, #tpu.memory_space<vmem>> -> memref<256x128xf32, #tpu.memory_space<vmem>>
          %dma_wait3A_837 = arith.constant 0 : i32
          %dma_wait3A_838 = arith.constant 0 : i32
          %dma_wait3A_839 = tpu.memref_slice %dma_wait3A_836[%dma_wait3A_837, %dma_wait3A_838] : memref<256x128xf32, #tpu.memory_space<vmem>> -> memref<128x128xf32, #tpu.memory_space<vmem>>
          %dma_wait3A_840 = arith.constant 0 : i32
          %dma_wait3A_841 = tpu.memref_slice %arg8[%dma_wait3A_831, %dma_wait3A_832, %dma_wait3A_840] : memref<2x2x128xi32, #tpu.memory_space<vmem>> -> memref<1x1x128xi32, #tpu.memory_space<vmem>>
          %dma_wait3A_842 = tpu.memref_squeeze %dma_wait3A_841 : memref<1x1x128xi32, #tpu.memory_space<vmem>> -> memref<128xi32, #tpu.memory_space<vmem>>
          %dma_wait3A_843 = arith.constant 0 : i32
          %dma_wait3A_844 = arith.constant 0 : i32
          %dma_wait3A_845 = tpu.memref_slice %arg11[%dma_wait3A_843, %dma_wait3A_844] : memref<5248x128xf32, #tpu.memory_space<vmem_shared>> -> memref<5248x128xf32, #tpu.memory_space<vmem_shared>>
          tpu.wait_indirect_dma semaphore(%arg15 : memref<!tpu.dma_semaphore, #tpu.memory_space<semaphore_mem>>) src(%dma_wait3A_839 : memref<128x128xf32, #tpu.memory_space<vmem>>) dst(%dma_wait3A_845 : memref<5248x128xf32, #tpu.memory_space<vmem_shared>>)
          %dma_wait3A_846 = arith.constant 1 : i32
          %dma_wait3A_847 = arith.constant 1 : i32
          %dma_wait3A_848 = arith.constant 1 : i32
          %dma_wait3A_849 = arith.constant 0 : i32
          %dma_wait3A_850 = arith.constant 0 : i32
          %dma_wait3A_851 = tpu.memref_slice %arg6[%dma_wait3A_846, %dma_wait3A_849, %dma_wait3A_850] : memref<2x256x128xf32, #tpu.memory_space<vmem>> -> memref<1x256x128xf32, #tpu.memory_space<vmem>>
          %dma_wait3A_852 = tpu.memref_squeeze %dma_wait3A_851 : memref<1x256x128xf32, #tpu.memory_space<vmem>> -> memref<256x128xf32, #tpu.memory_space<vmem>>
          %dma_wait3A_853 = arith.constant 128 : i32
          %dma_wait3A_854 = arith.constant 0 : i32
          %dma_wait3A_855 = tpu.memref_slice %dma_wait3A_852[%dma_wait3A_853, %dma_wait3A_854] : memref<256x128xf32, #tpu.memory_space<vmem>> -> memref<128x128xf32, #tpu.memory_space<vmem>>
          %dma_wait3A_856 = arith.constant 0 : i32
          %dma_wait3A_857 = tpu.memref_slice %arg8[%dma_wait3A_847, %dma_wait3A_848, %dma_wait3A_856] : memref<2x2x128xi32, #tpu.memory_space<vmem>> -> memref<1x1x128xi32, #tpu.memory_space<vmem>>
          %dma_wait3A_858 = tpu.memref_squeeze %dma_wait3A_857 : memref<1x1x128xi32, #tpu.memory_space<vmem>> -> memref<128xi32, #tpu.memory_space<vmem>>
          %dma_wait3A_859 = arith.constant 0 : i32
          %dma_wait3A_860 = arith.constant 0 : i32
          %dma_wait3A_861 = tpu.memref_slice %arg11[%dma_wait3A_859, %dma_wait3A_860] : memref<5248x128xf32, #tpu.memory_space<vmem_shared>> -> memref<5248x128xf32, #tpu.memory_space<vmem_shared>>
          tpu.wait_indirect_dma semaphore(%arg15 : memref<!tpu.dma_semaphore, #tpu.memory_space<semaphore_mem>>) src(%dma_wait3A_855 : memref<128x128xf32, #tpu.memory_space<vmem>>) dst(%dma_wait3A_861 : memref<5248x128xf32, #tpu.memory_space<vmem_shared>>)
        } else {
        }
        %add3A_261 = arith.constant 1 : i32
        %add3A_262 = arith.addi %add3A_209, %add3A_261 : i32
        %lt3A_263 = arith.cmpi slt, %add3A_262, %select_n3A : i32
        %convert_element_type3A_264 = arith.extui %lt3A_263 : i1 to i32
        %cond3A_265 = arith.constant 0 : i32
        %cond3A_266 = arith.cmpi ne, %convert_element_type3A_264, %cond3A_265 : i32
        scf.if %cond3A_266 {
          %add3A_830 = arith.constant 1 : i32
          %add3A_831 = arith.addi %add3A_209, %add3A_830 : i32
          %mul3A_832 = arith.constant 256 : i32
          %mul3A_833 = arith.muli %add3A_831, %mul3A_832 : i32
          %add3A_834 = arith.addi %and3A_58, %mul3A_833 : i32
          %min3A_835 = arith.constant 319744 : i32
          %min3A_836 = arith.minsi %add3A_834, %min3A_835 : i32
          %multiple_of3A_837 = tpu.assume_multiple %min3A_836, 8 : i32
          %dma_start3A_838 = arith.constant 1 : i32
          %dma_start3A_839 = arith.constant 0 : i32
          %dma_start3A_840 = arith.constant 0 : i32
          %dma_start3A_841 = tpu.memref_slice %arg6[%dma_start3A_838, %dma_start3A_839, %dma_start3A_840] : memref<2x256x128xf32, #tpu.memory_space<vmem>> -> memref<1x256x128xf32, #tpu.memory_space<vmem>>
          %dma_start3A_842 = tpu.memref_squeeze %dma_start3A_841 : memref<1x256x128xf32, #tpu.memory_space<vmem>> -> memref<256x128xf32, #tpu.memory_space<vmem>>
          %dma_start3A_843 = arith.constant 0 : i32
          %dma_start3A_844 = tpu.memref_slice %arg2[%multiple_of3A_837, %dma_start3A_843] : memref<320000x128xf32, #tpu.memory_space<hbm>> -> memref<256x128xf32, #tpu.memory_space<hbm>>
          %dma_start3A_845 = arith.constant 0 : i32
          %dma_start3A_846 = arith.constant 0 : i32
          %dma_start3A_847 = tpu.memref_slice %arg6[%dma_start3A_838, %dma_start3A_845, %dma_start3A_846] : memref<2x256x128xf32, #tpu.memory_space<vmem>> -> memref<1x256x128xf32, #tpu.memory_space<vmem>>
          %dma_start3A_848 = tpu.memref_squeeze %dma_start3A_847 : memref<1x256x128xf32, #tpu.memory_space<vmem>> -> memref<256x128xf32, #tpu.memory_space<vmem>>
          %dma_start3A_849 = arith.constant 0 : i32
          %dma_start3A_850 = tpu.memref_slice %arg2[%multiple_of3A_837, %dma_start3A_849] : memref<320000x128xf32, #tpu.memory_space<hbm>> -> memref<256x128xf32, #tpu.memory_space<hbm>>
          tpu.enqueue_dma source(%dma_start3A_850 : memref<256x128xf32, #tpu.memory_space<hbm>>) target(%dma_start3A_848 : memref<256x128xf32, #tpu.memory_space<vmem>>) target_semaphore(%arg13 : memref<!tpu.dma_semaphore, #tpu.memory_space<semaphore_mem>>)
        } else {
        }
        %mul3A_267 = arith.constant 256 : i32
        %mul3A_268 = arith.muli %add3A_209, %mul3A_267 : i32
        %add3A_269 = arith.addi %and3A_58, %mul3A_268 : i32
        %min3A_270 = arith.constant 319744 : i32
        %min3A_271 = arith.minsi %add3A_269, %min3A_270 : i32
        %multiple_of3A_272 = tpu.assume_multiple %min3A_271, 8 : i32
        %sub3A_273 = arith.subi %multiple_of3A_272, %multiple_of3A : i32
        %max3A = arith.maxsi %add3A_269, %squeeze3A : i32
        %add3A_274 = arith.constant 0 : i32
        %add3A_275 = arith.addi %sub3A_273, %add3A_274 : i32
        %get3A_276 = arith.index_cast %add3A_275 : i32 to index
        %get3A_277 = tpu.vector_load %arg7[%get3A_276] {strides = array<i32>} : memref<2048xi32, #tpu.memory_space<vmem>>, vector<16xi32>,
        %add3A_278 = arith.constant 0 : i32
        %add3A_279 = arith.addi %multiple_of3A_272, %add3A_278 : i32
        %iota3A = tpu.iota {dimensions = array<i32: 0>} : vector<16xi32>
        %add3A_280 = vector.broadcast %add3A_279 : i32 to vector<16xi32>
        %add3A_281 = arith.addi %add3A_280, %iota3A : vector<16xi32>
        %ge3A_282 = vector.broadcast %max3A : i32 to vector<16xi32>
        %ge3A_283 = arith.cmpi sge, %add3A_281, %ge3A_282 : vector<16xi32>
        %lt3A_284 = vector.broadcast %squeeze3A_7 : i32 to vector<16xi32>
        %lt3A_285 = arith.cmpi slt, %add3A_281, %lt3A_284 : vector<16xi32>
        %and3A_286 = arith.andi %ge3A_283, %lt3A_285 : vector<16xi1>
        %sub3A_287 = vector.broadcast %mul3A_2 : i32 to vector<16xi32>
        %sub3A_288 = arith.subi %get3A_277, %sub3A_287 : vector<16xi32>
        %jit3A_289 = arith.constant 320 : i32
        %broadcast_in_dim3A_290 = vector.broadcast %jit3A_289 : i32 to vector<16xi32>
        %select_n3A_291 = arith.select %and3A_286, %sub3A_288, %broadcast_in_dim3A_290 : vector<16xi1>, vector<16xi32>
        %add3A_292 = vector.broadcast %mul3A_4 : i32 to vector<16xi32>
        %add3A_293 = arith.addi %add3A_292, %select_n3A_291 : vector<16xi32>
        %swap3A_294 = arith.constant 0 : i32
        %swap3A_295 = arith.constant 0 : i32
        %swap3A_296 = arith.index_cast %swap3A_294 : i32 to index
        %swap3A_297 = arith.index_cast %swap3A_295 : i32 to index
        %swap3A_298 = arith.constant 0 : index
        %swap3A_299 = tpu.vector_load %arg8[%swap3A_296, %swap3A_297, %swap3A_298] {strides = array<i32>} : memref<2x2x128xi32, #tpu.memory_space<vmem>>, vector<16xi32>,
        tpu.vector_store %arg8[%swap3A_296, %swap3A_297, %swap3A_298], %add3A_293 {strides = array<i32>} : memref<2x2x128xi32, #tpu.memory_space<vmem>>, vector<16xi32>,
        %jit3A_300 = arith.constant 1.000000e+00 : f32
        %jit3A_301 = arith.constant 0.000000e+00 : f32
        %broadcast_in_dim3A_302 = vector.broadcast %jit3A_300 : f32 to vector<16xf32>
        %broadcast_in_dim3A_303 = vector.broadcast %jit3A_301 : f32 to vector<16xf32>
        %select_n3A_304 = arith.select %and3A_286, %broadcast_in_dim3A_302, %broadcast_in_dim3A_303 : vector<16xi1>, vector<16xf32>
        tpu.vector_store_idx %arg9[%select_n3A_291], %select_n3A_304 {add = true} : memref<336xf32, #tpu.memory_space<vmem>>[vector<16xi32>], vector<16xf32>,
        %add3A_305 = arith.constant 16 : i32
        %add3A_306 = arith.addi %sub3A_273, %add3A_305 : i32
        %get3A_307 = arith.index_cast %add3A_306 : i32 to index
        %get3A_308 = tpu.vector_load %arg7[%get3A_307] {strides = array<i32>} : memref<2048xi32, #tpu.memory_space<vmem>>, vector<16xi32>,
        %add3A_309 = arith.constant 16 : i32
        %add3A_310 = arith.addi %multiple_of3A_272, %add3A_309 : i32
        %iota3A_311 = tpu.iota {dimensions = array<i32: 0>} : vector<16xi32>
        %add3A_312 = vector.broadcast %add3A_310 : i32 to vector<16xi32>
        %add3A_313 = arith.addi %add3A_312, %iota3A_311 : vector<16xi32>
        %ge3A_314 = vector.broadcast %max3A : i32 to vector<16xi32>
        %ge3A_315 = arith.cmpi sge, %add3A_313, %ge3A_314 : vector<16xi32>
        %lt3A_316 = vector.broadcast %squeeze3A_7 : i32 to vector<16xi32>
        %lt3A_317 = arith.cmpi slt, %add3A_313, %lt3A_316 : vector<16xi32>
        %and3A_318 = arith.andi %ge3A_315, %lt3A_317 : vector<16xi1>
        %sub3A_319 = vector.broadcast %mul3A_2 : i32 to vector<16xi32>
        %sub3A_320 = arith.subi %get3A_308, %sub3A_319 : vector<16xi32>
        %jit3A_321 = arith.constant 320 : i32
        %broadcast_in_dim3A_322 = vector.broadcast %jit3A_321 : i32 to vector<16xi32>
        %select_n3A_323 = arith.select %and3A_318, %sub3A_320, %broadcast_in_dim3A_322 : vector<16xi1>, vector<16xi32>
        %add3A_324 = vector.broadcast %mul3A_4 : i32 to vector<16xi32>
        %add3A_325 = arith.addi %add3A_324, %select_n3A_323 : vector<16xi32>
        %swap3A_326 = arith.constant 0 : i32
        %swap3A_327 = arith.constant 0 : i32
        %swap3A_328 = arith.index_cast %swap3A_326 : i32 to index
        %swap3A_329 = arith.index_cast %swap3A_327 : i32 to index
        %swap3A_330 = arith.constant 16 : index
        %swap3A_331 = tpu.vector_load %arg8[%swap3A_328, %swap3A_329, %swap3A_330] {strides = array<i32>} : memref<2x2x128xi32, #tpu.memory_space<vmem>>, vector<16xi32>,
        tpu.vector_store %arg8[%swap3A_328, %swap3A_329, %swap3A_330], %add3A_325 {strides = array<i32>} : memref<2x2x128xi32, #tpu.memory_space<vmem>>, vector<16xi32>,
        %jit3A_332 = arith.constant 1.000000e+00 : f32
        %jit3A_333 = arith.constant 0.000000e+00 : f32
        %broadcast_in_dim3A_334 = vector.broadcast %jit3A_332 : f32 to vector<16xf32>
        %broadcast_in_dim3A_335 = vector.broadcast %jit3A_333 : f32 to vector<16xf32>
        %select_n3A_336 = arith.select %and3A_318, %broadcast_in_dim3A_334, %broadcast_in_dim3A_335 : vector<16xi1>, vector<16xf32>
        tpu.vector_store_idx %arg9[%select_n3A_323], %select_n3A_336 {add = true} : memref<336xf32, #tpu.memory_space<vmem>>[vector<16xi32>], vector<16xf32>,
        %add3A_337 = arith.constant 32 : i32
        %add3A_338 = arith.addi %sub3A_273, %add3A_337 : i32
        %get3A_339 = arith.index_cast %add3A_338 : i32 to index
        %get3A_340 = tpu.vector_load %arg7[%get3A_339] {strides = array<i32>} : memref<2048xi32, #tpu.memory_space<vmem>>, vector<16xi32>,
        %add3A_341 = arith.constant 32 : i32
        %add3A_342 = arith.addi %multiple_of3A_272, %add3A_341 : i32
        %iota3A_343 = tpu.iota {dimensions = array<i32: 0>} : vector<16xi32>
        %add3A_344 = vector.broadcast %add3A_342 : i32 to vector<16xi32>
        %add3A_345 = arith.addi %add3A_344, %iota3A_343 : vector<16xi32>
        %ge3A_346 = vector.broadcast %max3A : i32 to vector<16xi32>
        %ge3A_347 = arith.cmpi sge, %add3A_345, %ge3A_346 : vector<16xi32>
        %lt3A_348 = vector.broadcast %squeeze3A_7 : i32 to vector<16xi32>
        %lt3A_349 = arith.cmpi slt, %add3A_345, %lt3A_348 : vector<16xi32>
        %and3A_350 = arith.andi %ge3A_347, %lt3A_349 : vector<16xi1>
        %sub3A_351 = vector.broadcast %mul3A_2 : i32 to vector<16xi32>
        %sub3A_352 = arith.subi %get3A_340, %sub3A_351 : vector<16xi32>
        %jit3A_353 = arith.constant 320 : i32
        %broadcast_in_dim3A_354 = vector.broadcast %jit3A_353 : i32 to vector<16xi32>
        %select_n3A_355 = arith.select %and3A_350, %sub3A_352, %broadcast_in_dim3A_354 : vector<16xi1>, vector<16xi32>
        %add3A_356 = vector.broadcast %mul3A_4 : i32 to vector<16xi32>
        %add3A_357 = arith.addi %add3A_356, %select_n3A_355 : vector<16xi32>
        %swap3A_358 = arith.constant 0 : i32
        %swap3A_359 = arith.constant 0 : i32
        %swap3A_360 = arith.index_cast %swap3A_358 : i32 to index
        %swap3A_361 = arith.index_cast %swap3A_359 : i32 to index
        %swap3A_362 = arith.constant 32 : index
        %swap3A_363 = tpu.vector_load %arg8[%swap3A_360, %swap3A_361, %swap3A_362] {strides = array<i32>} : memref<2x2x128xi32, #tpu.memory_space<vmem>>, vector<16xi32>,
        tpu.vector_store %arg8[%swap3A_360, %swap3A_361, %swap3A_362], %add3A_357 {strides = array<i32>} : memref<2x2x128xi32, #tpu.memory_space<vmem>>, vector<16xi32>,
        %jit3A_364 = arith.constant 1.000000e+00 : f32
        %jit3A_365 = arith.constant 0.000000e+00 : f32
        %broadcast_in_dim3A_366 = vector.broadcast %jit3A_364 : f32 to vector<16xf32>
        %broadcast_in_dim3A_367 = vector.broadcast %jit3A_365 : f32 to vector<16xf32>
        %select_n3A_368 = arith.select %and3A_350, %broadcast_in_dim3A_366, %broadcast_in_dim3A_367 : vector<16xi1>, vector<16xf32>
        tpu.vector_store_idx %arg9[%select_n3A_355], %select_n3A_368 {add = true} : memref<336xf32, #tpu.memory_space<vmem>>[vector<16xi32>], vector<16xf32>,
        %add3A_369 = arith.constant 48 : i32
        %add3A_370 = arith.addi %sub3A_273, %add3A_369 : i32
        %get3A_371 = arith.index_cast %add3A_370 : i32 to index
        %get3A_372 = tpu.vector_load %arg7[%get3A_371] {strides = array<i32>} : memref<2048xi32, #tpu.memory_space<vmem>>, vector<16xi32>,
        %add3A_373 = arith.constant 48 : i32
        %add3A_374 = arith.addi %multiple_of3A_272, %add3A_373 : i32
        %iota3A_375 = tpu.iota {dimensions = array<i32: 0>} : vector<16xi32>
        %add3A_376 = vector.broadcast %add3A_374 : i32 to vector<16xi32>
        %add3A_377 = arith.addi %add3A_376, %iota3A_375 : vector<16xi32>
        %ge3A_378 = vector.broadcast %max3A : i32 to vector<16xi32>
        %ge3A_379 = arith.cmpi sge, %add3A_377, %ge3A_378 : vector<16xi32>
        %lt3A_380 = vector.broadcast %squeeze3A_7 : i32 to vector<16xi32>
        %lt3A_381 = arith.cmpi slt, %add3A_377, %lt3A_380 : vector<16xi32>
        %and3A_382 = arith.andi %ge3A_379, %lt3A_381 : vector<16xi1>
        %sub3A_383 = vector.broadcast %mul3A_2 : i32 to vector<16xi32>
        %sub3A_384 = arith.subi %get3A_372, %sub3A_383 : vector<16xi32>
        %jit3A_385 = arith.constant 320 : i32
        %broadcast_in_dim3A_386 = vector.broadcast %jit3A_385 : i32 to vector<16xi32>
        %select_n3A_387 = arith.select %and3A_382, %sub3A_384, %broadcast_in_dim3A_386 : vector<16xi1>, vector<16xi32>
        %add3A_388 = vector.broadcast %mul3A_4 : i32 to vector<16xi32>
        %add3A_389 = arith.addi %add3A_388, %select_n3A_387 : vector<16xi32>
        %swap3A_390 = arith.constant 0 : i32
        %swap3A_391 = arith.constant 0 : i32
        %swap3A_392 = arith.index_cast %swap3A_390 : i32 to index
        %swap3A_393 = arith.index_cast %swap3A_391 : i32 to index
        %swap3A_394 = arith.constant 48 : index
        %swap3A_395 = tpu.vector_load %arg8[%swap3A_392, %swap3A_393, %swap3A_394] {strides = array<i32>} : memref<2x2x128xi32, #tpu.memory_space<vmem>>, vector<16xi32>,
        tpu.vector_store %arg8[%swap3A_392, %swap3A_393, %swap3A_394], %add3A_389 {strides = array<i32>} : memref<2x2x128xi32, #tpu.memory_space<vmem>>, vector<16xi32>,
        %jit3A_396 = arith.constant 1.000000e+00 : f32
        %jit3A_397 = arith.constant 0.000000e+00 : f32
        %broadcast_in_dim3A_398 = vector.broadcast %jit3A_396 : f32 to vector<16xf32>
        %broadcast_in_dim3A_399 = vector.broadcast %jit3A_397 : f32 to vector<16xf32>
        %select_n3A_400 = arith.select %and3A_382, %broadcast_in_dim3A_398, %broadcast_in_dim3A_399 : vector<16xi1>, vector<16xf32>
        tpu.vector_store_idx %arg9[%select_n3A_387], %select_n3A_400 {add = true} : memref<336xf32, #tpu.memory_space<vmem>>[vector<16xi32>], vector<16xf32>,
        %add3A_401 = arith.constant 64 : i32
        %add3A_402 = arith.addi %sub3A_273, %add3A_401 : i32
        %get3A_403 = arith.index_cast %add3A_402 : i32 to index
        %get3A_404 = tpu.vector_load %arg7[%get3A_403] {strides = array<i32>} : memref<2048xi32, #tpu.memory_space<vmem>>, vector<16xi32>,
        %add3A_405 = arith.constant 64 : i32
        %add3A_406 = arith.addi %multiple_of3A_272, %add3A_405 : i32
        %iota3A_407 = tpu.iota {dimensions = array<i32: 0>} : vector<16xi32>
        %add3A_408 = vector.broadcast %add3A_406 : i32 to vector<16xi32>
        %add3A_409 = arith.addi %add3A_408, %iota3A_407 : vector<16xi32>
        %ge3A_410 = vector.broadcast %max3A : i32 to vector<16xi32>
        %ge3A_411 = arith.cmpi sge, %add3A_409, %ge3A_410 : vector<16xi32>
        %lt3A_412 = vector.broadcast %squeeze3A_7 : i32 to vector<16xi32>
        %lt3A_413 = arith.cmpi slt, %add3A_409, %lt3A_412 : vector<16xi32>
        %and3A_414 = arith.andi %ge3A_411, %lt3A_413 : vector<16xi1>
        %sub3A_415 = vector.broadcast %mul3A_2 : i32 to vector<16xi32>
        %sub3A_416 = arith.subi %get3A_404, %sub3A_415 : vector<16xi32>
        %jit3A_417 = arith.constant 320 : i32
        %broadcast_in_dim3A_418 = vector.broadcast %jit3A_417 : i32 to vector<16xi32>
        %select_n3A_419 = arith.select %and3A_414, %sub3A_416, %broadcast_in_dim3A_418 : vector<16xi1>, vector<16xi32>
        %add3A_420 = vector.broadcast %mul3A_4 : i32 to vector<16xi32>
        %add3A_421 = arith.addi %add3A_420, %select_n3A_419 : vector<16xi32>
        %swap3A_422 = arith.constant 0 : i32
        %swap3A_423 = arith.constant 0 : i32
        %swap3A_424 = arith.index_cast %swap3A_422 : i32 to index
        %swap3A_425 = arith.index_cast %swap3A_423 : i32 to index
        %swap3A_426 = arith.constant 64 : index
        %swap3A_427 = tpu.vector_load %arg8[%swap3A_424, %swap3A_425, %swap3A_426] {strides = array<i32>} : memref<2x2x128xi32, #tpu.memory_space<vmem>>, vector<16xi32>,
        tpu.vector_store %arg8[%swap3A_424, %swap3A_425, %swap3A_426], %add3A_421 {strides = array<i32>} : memref<2x2x128xi32, #tpu.memory_space<vmem>>, vector<16xi32>,
        %jit3A_428 = arith.constant 1.000000e+00 : f32
        %jit3A_429 = arith.constant 0.000000e+00 : f32
        %broadcast_in_dim3A_430 = vector.broadcast %jit3A_428 : f32 to vector<16xf32>
        %broadcast_in_dim3A_431 = vector.broadcast %jit3A_429 : f32 to vector<16xf32>
        %select_n3A_432 = arith.select %and3A_414, %broadcast_in_dim3A_430, %broadcast_in_dim3A_431 : vector<16xi1>, vector<16xf32>
        tpu.vector_store_idx %arg9[%select_n3A_419], %select_n3A_432 {add = true} : memref<336xf32, #tpu.memory_space<vmem>>[vector<16xi32>], vector<16xf32>,
        %add3A_433 = arith.constant 80 : i32
        %add3A_434 = arith.addi %sub3A_273, %add3A_433 : i32
        %get3A_435 = arith.index_cast %add3A_434 : i32 to index
        %get3A_436 = tpu.vector_load %arg7[%get3A_435] {strides = array<i32>} : memref<2048xi32, #tpu.memory_space<vmem>>, vector<16xi32>,
        %add3A_437 = arith.constant 80 : i32
        %add3A_438 = arith.addi %multiple_of3A_272, %add3A_437 : i32
        %iota3A_439 = tpu.iota {dimensions = array<i32: 0>} : vector<16xi32>
        %add3A_440 = vector.broadcast %add3A_438 : i32 to vector<16xi32>
        %add3A_441 = arith.addi %add3A_440, %iota3A_439 : vector<16xi32>
        %ge3A_442 = vector.broadcast %max3A : i32 to vector<16xi32>
        %ge3A_443 = arith.cmpi sge, %add3A_441, %ge3A_442 : vector<16xi32>
        %lt3A_444 = vector.broadcast %squeeze3A_7 : i32 to vector<16xi32>
        %lt3A_445 = arith.cmpi slt, %add3A_441, %lt3A_444 : vector<16xi32>
        %and3A_446 = arith.andi %ge3A_443, %lt3A_445 : vector<16xi1>
        %sub3A_447 = vector.broadcast %mul3A_2 : i32 to vector<16xi32>
        %sub3A_448 = arith.subi %get3A_436, %sub3A_447 : vector<16xi32>
        %jit3A_449 = arith.constant 320 : i32
        %broadcast_in_dim3A_450 = vector.broadcast %jit3A_449 : i32 to vector<16xi32>
        %select_n3A_451 = arith.select %and3A_446, %sub3A_448, %broadcast_in_dim3A_450 : vector<16xi1>, vector<16xi32>
        %add3A_452 = vector.broadcast %mul3A_4 : i32 to vector<16xi32>
        %add3A_453 = arith.addi %add3A_452, %select_n3A_451 : vector<16xi32>
        %swap3A_454 = arith.constant 0 : i32
        %swap3A_455 = arith.constant 0 : i32
        %swap3A_456 = arith.index_cast %swap3A_454 : i32 to index
        %swap3A_457 = arith.index_cast %swap3A_455 : i32 to index
        %swap3A_458 = arith.constant 80 : index
        %swap3A_459 = tpu.vector_load %arg8[%swap3A_456, %swap3A_457, %swap3A_458] {strides = array<i32>} : memref<2x2x128xi32, #tpu.memory_space<vmem>>, vector<16xi32>,
        tpu.vector_store %arg8[%swap3A_456, %swap3A_457, %swap3A_458], %add3A_453 {strides = array<i32>} : memref<2x2x128xi32, #tpu.memory_space<vmem>>, vector<16xi32>,
        %jit3A_460 = arith.constant 1.000000e+00 : f32
        %jit3A_461 = arith.constant 0.000000e+00 : f32
        %broadcast_in_dim3A_462 = vector.broadcast %jit3A_460 : f32 to vector<16xf32>
        %broadcast_in_dim3A_463 = vector.broadcast %jit3A_461 : f32 to vector<16xf32>
        %select_n3A_464 = arith.select %and3A_446, %broadcast_in_dim3A_462, %broadcast_in_dim3A_463 : vector<16xi1>, vector<16xf32>
        tpu.vector_store_idx %arg9[%select_n3A_451], %select_n3A_464 {add = true} : memref<336xf32, #tpu.memory_space<vmem>>[vector<16xi32>], vector<16xf32>,
        %add3A_465 = arith.constant 96 : i32
        %add3A_466 = arith.addi %sub3A_273, %add3A_465 : i32
        %get3A_467 = arith.index_cast %add3A_466 : i32 to index
        %get3A_468 = tpu.vector_load %arg7[%get3A_467] {strides = array<i32>} : memref<2048xi32, #tpu.memory_space<vmem>>, vector<16xi32>,
        %add3A_469 = arith.constant 96 : i32
        %add3A_470 = arith.addi %multiple_of3A_272, %add3A_469 : i32
        %iota3A_471 = tpu.iota {dimensions = array<i32: 0>} : vector<16xi32>
        %add3A_472 = vector.broadcast %add3A_470 : i32 to vector<16xi32>
        %add3A_473 = arith.addi %add3A_472, %iota3A_471 : vector<16xi32>
        %ge3A_474 = vector.broadcast %max3A : i32 to vector<16xi32>
        %ge3A_475 = arith.cmpi sge, %add3A_473, %ge3A_474 : vector<16xi32>
        %lt3A_476 = vector.broadcast %squeeze3A_7 : i32 to vector<16xi32>
        %lt3A_477 = arith.cmpi slt, %add3A_473, %lt3A_476 : vector<16xi32>
        %and3A_478 = arith.andi %ge3A_475, %lt3A_477 : vector<16xi1>
        %sub3A_479 = vector.broadcast %mul3A_2 : i32 to vector<16xi32>
        %sub3A_480 = arith.subi %get3A_468, %sub3A_479 : vector<16xi32>
        %jit3A_481 = arith.constant 320 : i32
        %broadcast_in_dim3A_482 = vector.broadcast %jit3A_481 : i32 to vector<16xi32>
        %select_n3A_483 = arith.select %and3A_478, %sub3A_480, %broadcast_in_dim3A_482 : vector<16xi1>, vector<16xi32>
        %add3A_484 = vector.broadcast %mul3A_4 : i32 to vector<16xi32>
        %add3A_485 = arith.addi %add3A_484, %select_n3A_483 : vector<16xi32>
        %swap3A_486 = arith.constant 0 : i32
        %swap3A_487 = arith.constant 0 : i32
        %swap3A_488 = arith.index_cast %swap3A_486 : i32 to index
        %swap3A_489 = arith.index_cast %swap3A_487 : i32 to index
        %swap3A_490 = arith.constant 96 : index
        %swap3A_491 = tpu.vector_load %arg8[%swap3A_488, %swap3A_489, %swap3A_490] {strides = array<i32>} : memref<2x2x128xi32, #tpu.memory_space<vmem>>, vector<16xi32>,
        tpu.vector_store %arg8[%swap3A_488, %swap3A_489, %swap3A_490], %add3A_485 {strides = array<i32>} : memref<2x2x128xi32, #tpu.memory_space<vmem>>, vector<16xi32>,
        %jit3A_492 = arith.constant 1.000000e+00 : f32
        %jit3A_493 = arith.constant 0.000000e+00 : f32
        %broadcast_in_dim3A_494 = vector.broadcast %jit3A_492 : f32 to vector<16xf32>
        %broadcast_in_dim3A_495 = vector.broadcast %jit3A_493 : f32 to vector<16xf32>
        %select_n3A_496 = arith.select %and3A_478, %broadcast_in_dim3A_494, %broadcast_in_dim3A_495 : vector<16xi1>, vector<16xf32>
        tpu.vector_store_idx %arg9[%select_n3A_483], %select_n3A_496 {add = true} : memref<336xf32, #tpu.memory_space<vmem>>[vector<16xi32>], vector<16xf32>,
        %add3A_497 = arith.constant 112 : i32
        %add3A_498 = arith.addi %sub3A_273, %add3A_497 : i32
        %get3A_499 = arith.index_cast %add3A_498 : i32 to index
        %get3A_500 = tpu.vector_load %arg7[%get3A_499] {strides = array<i32>} : memref<2048xi32, #tpu.memory_space<vmem>>, vector<16xi32>,
        %add3A_501 = arith.constant 112 : i32
        %add3A_502 = arith.addi %multiple_of3A_272, %add3A_501 : i32
        %iota3A_503 = tpu.iota {dimensions = array<i32: 0>} : vector<16xi32>
        %add3A_504 = vector.broadcast %add3A_502 : i32 to vector<16xi32>
        %add3A_505 = arith.addi %add3A_504, %iota3A_503 : vector<16xi32>
        %ge3A_506 = vector.broadcast %max3A : i32 to vector<16xi32>
        %ge3A_507 = arith.cmpi sge, %add3A_505, %ge3A_506 : vector<16xi32>
        %lt3A_508 = vector.broadcast %squeeze3A_7 : i32 to vector<16xi32>
        %lt3A_509 = arith.cmpi slt, %add3A_505, %lt3A_508 : vector<16xi32>
        %and3A_510 = arith.andi %ge3A_507, %lt3A_509 : vector<16xi1>
        %sub3A_511 = vector.broadcast %mul3A_2 : i32 to vector<16xi32>
        %sub3A_512 = arith.subi %get3A_500, %sub3A_511 : vector<16xi32>
        %jit3A_513 = arith.constant 320 : i32
        %broadcast_in_dim3A_514 = vector.broadcast %jit3A_513 : i32 to vector<16xi32>
        %select_n3A_515 = arith.select %and3A_510, %sub3A_512, %broadcast_in_dim3A_514 : vector<16xi1>, vector<16xi32>
        %add3A_516 = vector.broadcast %mul3A_4 : i32 to vector<16xi32>
        %add3A_517 = arith.addi %add3A_516, %select_n3A_515 : vector<16xi32>
        %swap3A_518 = arith.constant 0 : i32
        %swap3A_519 = arith.constant 0 : i32
        %swap3A_520 = arith.index_cast %swap3A_518 : i32 to index
        %swap3A_521 = arith.index_cast %swap3A_519 : i32 to index
        %swap3A_522 = arith.constant 112 : index
        %swap3A_523 = tpu.vector_load %arg8[%swap3A_520, %swap3A_521, %swap3A_522] {strides = array<i32>} : memref<2x2x128xi32, #tpu.memory_space<vmem>>, vector<16xi32>,
        tpu.vector_store %arg8[%swap3A_520, %swap3A_521, %swap3A_522], %add3A_517 {strides = array<i32>} : memref<2x2x128xi32, #tpu.memory_space<vmem>>, vector<16xi32>,
        %jit3A_524 = arith.constant 1.000000e+00 : f32
        %jit3A_525 = arith.constant 0.000000e+00 : f32
        %broadcast_in_dim3A_526 = vector.broadcast %jit3A_524 : f32 to vector<16xf32>
        %broadcast_in_dim3A_527 = vector.broadcast %jit3A_525 : f32 to vector<16xf32>
        %select_n3A_528 = arith.select %and3A_510, %broadcast_in_dim3A_526, %broadcast_in_dim3A_527 : vector<16xi1>, vector<16xf32>
        tpu.vector_store_idx %arg9[%select_n3A_515], %select_n3A_528 {add = true} : memref<336xf32, #tpu.memory_space<vmem>>[vector<16xi32>], vector<16xf32>,
        %add3A_529 = arith.constant 128 : i32
        %add3A_530 = arith.addi %sub3A_273, %add3A_529 : i32
        %get3A_531 = arith.index_cast %add3A_530 : i32 to index
        %get3A_532 = tpu.vector_load %arg7[%get3A_531] {strides = array<i32>} : memref<2048xi32, #tpu.memory_space<vmem>>, vector<16xi32>,
        %add3A_533 = arith.constant 128 : i32
        %add3A_534 = arith.addi %multiple_of3A_272, %add3A_533 : i32
        %iota3A_535 = tpu.iota {dimensions = array<i32: 0>} : vector<16xi32>
        %add3A_536 = vector.broadcast %add3A_534 : i32 to vector<16xi32>
        %add3A_537 = arith.addi %add3A_536, %iota3A_535 : vector<16xi32>
        %ge3A_538 = vector.broadcast %max3A : i32 to vector<16xi32>
        %ge3A_539 = arith.cmpi sge, %add3A_537, %ge3A_538 : vector<16xi32>
        %lt3A_540 = vector.broadcast %squeeze3A_7 : i32 to vector<16xi32>
        %lt3A_541 = arith.cmpi slt, %add3A_537, %lt3A_540 : vector<16xi32>
        %and3A_542 = arith.andi %ge3A_539, %lt3A_541 : vector<16xi1>
        %sub3A_543 = vector.broadcast %mul3A_2 : i32 to vector<16xi32>
        %sub3A_544 = arith.subi %get3A_532, %sub3A_543 : vector<16xi32>
        %jit3A_545 = arith.constant 320 : i32
        %broadcast_in_dim3A_546 = vector.broadcast %jit3A_545 : i32 to vector<16xi32>
        %select_n3A_547 = arith.select %and3A_542, %sub3A_544, %broadcast_in_dim3A_546 : vector<16xi1>, vector<16xi32>
        %add3A_548 = vector.broadcast %mul3A_4 : i32 to vector<16xi32>
        %add3A_549 = arith.addi %add3A_548, %select_n3A_547 : vector<16xi32>
        %swap3A_550 = arith.constant 0 : i32
        %swap3A_551 = arith.constant 1 : i32
        %swap3A_552 = arith.index_cast %swap3A_550 : i32 to index
        %swap3A_553 = arith.index_cast %swap3A_551 : i32 to index
        %swap3A_554 = arith.constant 0 : index
        %swap3A_555 = tpu.vector_load %arg8[%swap3A_552, %swap3A_553, %swap3A_554] {strides = array<i32>} : memref<2x2x128xi32, #tpu.memory_space<vmem>>, vector<16xi32>,
        tpu.vector_store %arg8[%swap3A_552, %swap3A_553, %swap3A_554], %add3A_549 {strides = array<i32>} : memref<2x2x128xi32, #tpu.memory_space<vmem>>, vector<16xi32>,
        %jit3A_556 = arith.constant 1.000000e+00 : f32
        %jit3A_557 = arith.constant 0.000000e+00 : f32
        %broadcast_in_dim3A_558 = vector.broadcast %jit3A_556 : f32 to vector<16xf32>
        %broadcast_in_dim3A_559 = vector.broadcast %jit3A_557 : f32 to vector<16xf32>
        %select_n3A_560 = arith.select %and3A_542, %broadcast_in_dim3A_558, %broadcast_in_dim3A_559 : vector<16xi1>, vector<16xf32>
        tpu.vector_store_idx %arg9[%select_n3A_547], %select_n3A_560 {add = true} : memref<336xf32, #tpu.memory_space<vmem>>[vector<16xi32>], vector<16xf32>,
        %add3A_561 = arith.constant 144 : i32
        %add3A_562 = arith.addi %sub3A_273, %add3A_561 : i32
        %get3A_563 = arith.index_cast %add3A_562 : i32 to index
        %get3A_564 = tpu.vector_load %arg7[%get3A_563] {strides = array<i32>} : memref<2048xi32, #tpu.memory_space<vmem>>, vector<16xi32>,
        %add3A_565 = arith.constant 144 : i32
        %add3A_566 = arith.addi %multiple_of3A_272, %add3A_565 : i32
        %iota3A_567 = tpu.iota {dimensions = array<i32: 0>} : vector<16xi32>
        %add3A_568 = vector.broadcast %add3A_566 : i32 to vector<16xi32>
        %add3A_569 = arith.addi %add3A_568, %iota3A_567 : vector<16xi32>
        %ge3A_570 = vector.broadcast %max3A : i32 to vector<16xi32>
        %ge3A_571 = arith.cmpi sge, %add3A_569, %ge3A_570 : vector<16xi32>
        %lt3A_572 = vector.broadcast %squeeze3A_7 : i32 to vector<16xi32>
        %lt3A_573 = arith.cmpi slt, %add3A_569, %lt3A_572 : vector<16xi32>
        %and3A_574 = arith.andi %ge3A_571, %lt3A_573 : vector<16xi1>
        %sub3A_575 = vector.broadcast %mul3A_2 : i32 to vector<16xi32>
        %sub3A_576 = arith.subi %get3A_564, %sub3A_575 : vector<16xi32>
        %jit3A_577 = arith.constant 320 : i32
        %broadcast_in_dim3A_578 = vector.broadcast %jit3A_577 : i32 to vector<16xi32>
        %select_n3A_579 = arith.select %and3A_574, %sub3A_576, %broadcast_in_dim3A_578 : vector<16xi1>, vector<16xi32>
        %add3A_580 = vector.broadcast %mul3A_4 : i32 to vector<16xi32>
        %add3A_581 = arith.addi %add3A_580, %select_n3A_579 : vector<16xi32>
        %swap3A_582 = arith.constant 0 : i32
        %swap3A_583 = arith.constant 1 : i32
        %swap3A_584 = arith.index_cast %swap3A_582 : i32 to index
        %swap3A_585 = arith.index_cast %swap3A_583 : i32 to index
        %swap3A_586 = arith.constant 16 : index
        %swap3A_587 = tpu.vector_load %arg8[%swap3A_584, %swap3A_585, %swap3A_586] {strides = array<i32>} : memref<2x2x128xi32, #tpu.memory_space<vmem>>, vector<16xi32>,
        tpu.vector_store %arg8[%swap3A_584, %swap3A_585, %swap3A_586], %add3A_581 {strides = array<i32>} : memref<2x2x128xi32, #tpu.memory_space<vmem>>, vector<16xi32>,
        %jit3A_588 = arith.constant 1.000000e+00 : f32
        %jit3A_589 = arith.constant 0.000000e+00 : f32
        %broadcast_in_dim3A_590 = vector.broadcast %jit3A_588 : f32 to vector<16xf32>
        %broadcast_in_dim3A_591 = vector.broadcast %jit3A_589 : f32 to vector<16xf32>
        %select_n3A_592 = arith.select %and3A_574, %broadcast_in_dim3A_590, %broadcast_in_dim3A_591 : vector<16xi1>, vector<16xf32>
        tpu.vector_store_idx %arg9[%select_n3A_579], %select_n3A_592 {add = true} : memref<336xf32, #tpu.memory_space<vmem>>[vector<16xi32>], vector<16xf32>,
        %add3A_593 = arith.constant 160 : i32
        %add3A_594 = arith.addi %sub3A_273, %add3A_593 : i32
        %get3A_595 = arith.index_cast %add3A_594 : i32 to index
        %get3A_596 = tpu.vector_load %arg7[%get3A_595] {strides = array<i32>} : memref<2048xi32, #tpu.memory_space<vmem>>, vector<16xi32>,
        %add3A_597 = arith.constant 160 : i32
        %add3A_598 = arith.addi %multiple_of3A_272, %add3A_597 : i32
        %iota3A_599 = tpu.iota {dimensions = array<i32: 0>} : vector<16xi32>
        %add3A_600 = vector.broadcast %add3A_598 : i32 to vector<16xi32>
        %add3A_601 = arith.addi %add3A_600, %iota3A_599 : vector<16xi32>
        %ge3A_602 = vector.broadcast %max3A : i32 to vector<16xi32>
        %ge3A_603 = arith.cmpi sge, %add3A_601, %ge3A_602 : vector<16xi32>
        %lt3A_604 = vector.broadcast %squeeze3A_7 : i32 to vector<16xi32>
        %lt3A_605 = arith.cmpi slt, %add3A_601, %lt3A_604 : vector<16xi32>
        %and3A_606 = arith.andi %ge3A_603, %lt3A_605 : vector<16xi1>
        %sub3A_607 = vector.broadcast %mul3A_2 : i32 to vector<16xi32>
        %sub3A_608 = arith.subi %get3A_596, %sub3A_607 : vector<16xi32>
        %jit3A_609 = arith.constant 320 : i32
        %broadcast_in_dim3A_610 = vector.broadcast %jit3A_609 : i32 to vector<16xi32>
        %select_n3A_611 = arith.select %and3A_606, %sub3A_608, %broadcast_in_dim3A_610 : vector<16xi1>, vector<16xi32>
        %add3A_612 = vector.broadcast %mul3A_4 : i32 to vector<16xi32>
        %add3A_613 = arith.addi %add3A_612, %select_n3A_611 : vector<16xi32>
        %swap3A_614 = arith.constant 0 : i32
        %swap3A_615 = arith.constant 1 : i32
        %swap3A_616 = arith.index_cast %swap3A_614 : i32 to index
        %swap3A_617 = arith.index_cast %swap3A_615 : i32 to index
        %swap3A_618 = arith.constant 32 : index
        %swap3A_619 = tpu.vector_load %arg8[%swap3A_616, %swap3A_617, %swap3A_618] {strides = array<i32>} : memref<2x2x128xi32, #tpu.memory_space<vmem>>, vector<16xi32>,
        tpu.vector_store %arg8[%swap3A_616, %swap3A_617, %swap3A_618], %add3A_613 {strides = array<i32>} : memref<2x2x128xi32, #tpu.memory_space<vmem>>, vector<16xi32>,
        %jit3A_620 = arith.constant 1.000000e+00 : f32
        %jit3A_621 = arith.constant 0.000000e+00 : f32
        %broadcast_in_dim3A_622 = vector.broadcast %jit3A_620 : f32 to vector<16xf32>
        %broadcast_in_dim3A_623 = vector.broadcast %jit3A_621 : f32 to vector<16xf32>
        %select_n3A_624 = arith.select %and3A_606, %broadcast_in_dim3A_622, %broadcast_in_dim3A_623 : vector<16xi1>, vector<16xf32>
        tpu.vector_store_idx %arg9[%select_n3A_611], %select_n3A_624 {add = true} : memref<336xf32, #tpu.memory_space<vmem>>[vector<16xi32>], vector<16xf32>,
        %add3A_625 = arith.constant 176 : i32
        %add3A_626 = arith.addi %sub3A_273, %add3A_625 : i32
        %get3A_627 = arith.index_cast %add3A_626 : i32 to index
        %get3A_628 = tpu.vector_load %arg7[%get3A_627] {strides = array<i32>} : memref<2048xi32, #tpu.memory_space<vmem>>, vector<16xi32>,
        %add3A_629 = arith.constant 176 : i32
        %add3A_630 = arith.addi %multiple_of3A_272, %add3A_629 : i32
        %iota3A_631 = tpu.iota {dimensions = array<i32: 0>} : vector<16xi32>
        %add3A_632 = vector.broadcast %add3A_630 : i32 to vector<16xi32>
        %add3A_633 = arith.addi %add3A_632, %iota3A_631 : vector<16xi32>
        %ge3A_634 = vector.broadcast %max3A : i32 to vector<16xi32>
        %ge3A_635 = arith.cmpi sge, %add3A_633, %ge3A_634 : vector<16xi32>
        %lt3A_636 = vector.broadcast %squeeze3A_7 : i32 to vector<16xi32>
        %lt3A_637 = arith.cmpi slt, %add3A_633, %lt3A_636 : vector<16xi32>
        %and3A_638 = arith.andi %ge3A_635, %lt3A_637 : vector<16xi1>
        %sub3A_639 = vector.broadcast %mul3A_2 : i32 to vector<16xi32>
        %sub3A_640 = arith.subi %get3A_628, %sub3A_639 : vector<16xi32>
        %jit3A_641 = arith.constant 320 : i32
        %broadcast_in_dim3A_642 = vector.broadcast %jit3A_641 : i32 to vector<16xi32>
        %select_n3A_643 = arith.select %and3A_638, %sub3A_640, %broadcast_in_dim3A_642 : vector<16xi1>, vector<16xi32>
        %add3A_644 = vector.broadcast %mul3A_4 : i32 to vector<16xi32>
        %add3A_645 = arith.addi %add3A_644, %select_n3A_643 : vector<16xi32>
        %swap3A_646 = arith.constant 0 : i32
        %swap3A_647 = arith.constant 1 : i32
        %swap3A_648 = arith.index_cast %swap3A_646 : i32 to index
        %swap3A_649 = arith.index_cast %swap3A_647 : i32 to index
        %swap3A_650 = arith.constant 48 : index
        %swap3A_651 = tpu.vector_load %arg8[%swap3A_648, %swap3A_649, %swap3A_650] {strides = array<i32>} : memref<2x2x128xi32, #tpu.memory_space<vmem>>, vector<16xi32>,
        tpu.vector_store %arg8[%swap3A_648, %swap3A_649, %swap3A_650], %add3A_645 {strides = array<i32>} : memref<2x2x128xi32, #tpu.memory_space<vmem>>, vector<16xi32>,
        %jit3A_652 = arith.constant 1.000000e+00 : f32
        %jit3A_653 = arith.constant 0.000000e+00 : f32
        %broadcast_in_dim3A_654 = vector.broadcast %jit3A_652 : f32 to vector<16xf32>
        %broadcast_in_dim3A_655 = vector.broadcast %jit3A_653 : f32 to vector<16xf32>
        %select_n3A_656 = arith.select %and3A_638, %broadcast_in_dim3A_654, %broadcast_in_dim3A_655 : vector<16xi1>, vector<16xf32>
        tpu.vector_store_idx %arg9[%select_n3A_643], %select_n3A_656 {add = true} : memref<336xf32, #tpu.memory_space<vmem>>[vector<16xi32>], vector<16xf32>,
        %add3A_657 = arith.constant 192 : i32
        %add3A_658 = arith.addi %sub3A_273, %add3A_657 : i32
        %get3A_659 = arith.index_cast %add3A_658 : i32 to index
        %get3A_660 = tpu.vector_load %arg7[%get3A_659] {strides = array<i32>} : memref<2048xi32, #tpu.memory_space<vmem>>, vector<16xi32>,
        %add3A_661 = arith.constant 192 : i32
        %add3A_662 = arith.addi %multiple_of3A_272, %add3A_661 : i32
        %iota3A_663 = tpu.iota {dimensions = array<i32: 0>} : vector<16xi32>
        %add3A_664 = vector.broadcast %add3A_662 : i32 to vector<16xi32>
        %add3A_665 = arith.addi %add3A_664, %iota3A_663 : vector<16xi32>
        %ge3A_666 = vector.broadcast %max3A : i32 to vector<16xi32>
        %ge3A_667 = arith.cmpi sge, %add3A_665, %ge3A_666 : vector<16xi32>
        %lt3A_668 = vector.broadcast %squeeze3A_7 : i32 to vector<16xi32>
        %lt3A_669 = arith.cmpi slt, %add3A_665, %lt3A_668 : vector<16xi32>
        %and3A_670 = arith.andi %ge3A_667, %lt3A_669 : vector<16xi1>
        %sub3A_671 = vector.broadcast %mul3A_2 : i32 to vector<16xi32>
        %sub3A_672 = arith.subi %get3A_660, %sub3A_671 : vector<16xi32>
        %jit3A_673 = arith.constant 320 : i32
        %broadcast_in_dim3A_674 = vector.broadcast %jit3A_673 : i32 to vector<16xi32>
        %select_n3A_675 = arith.select %and3A_670, %sub3A_672, %broadcast_in_dim3A_674 : vector<16xi1>, vector<16xi32>
        %add3A_676 = vector.broadcast %mul3A_4 : i32 to vector<16xi32>
        %add3A_677 = arith.addi %add3A_676, %select_n3A_675 : vector<16xi32>
        %swap3A_678 = arith.constant 0 : i32
        %swap3A_679 = arith.constant 1 : i32
        %swap3A_680 = arith.index_cast %swap3A_678 : i32 to index
        %swap3A_681 = arith.index_cast %swap3A_679 : i32 to index
        %swap3A_682 = arith.constant 64 : index
        %swap3A_683 = tpu.vector_load %arg8[%swap3A_680, %swap3A_681, %swap3A_682] {strides = array<i32>} : memref<2x2x128xi32, #tpu.memory_space<vmem>>, vector<16xi32>,
        tpu.vector_store %arg8[%swap3A_680, %swap3A_681, %swap3A_682], %add3A_677 {strides = array<i32>} : memref<2x2x128xi32, #tpu.memory_space<vmem>>, vector<16xi32>,
        %jit3A_684 = arith.constant 1.000000e+00 : f32
        %jit3A_685 = arith.constant 0.000000e+00 : f32
        %broadcast_in_dim3A_686 = vector.broadcast %jit3A_684 : f32 to vector<16xf32>
        %broadcast_in_dim3A_687 = vector.broadcast %jit3A_685 : f32 to vector<16xf32>
        %select_n3A_688 = arith.select %and3A_670, %broadcast_in_dim3A_686, %broadcast_in_dim3A_687 : vector<16xi1>, vector<16xf32>
        tpu.vector_store_idx %arg9[%select_n3A_675], %select_n3A_688 {add = true} : memref<336xf32, #tpu.memory_space<vmem>>[vector<16xi32>], vector<16xf32>,
        %add3A_689 = arith.constant 208 : i32
        %add3A_690 = arith.addi %sub3A_273, %add3A_689 : i32
        %get3A_691 = arith.index_cast %add3A_690 : i32 to index
        %get3A_692 = tpu.vector_load %arg7[%get3A_691] {strides = array<i32>} : memref<2048xi32, #tpu.memory_space<vmem>>, vector<16xi32>,
        %add3A_693 = arith.constant 208 : i32
        %add3A_694 = arith.addi %multiple_of3A_272, %add3A_693 : i32
        %iota3A_695 = tpu.iota {dimensions = array<i32: 0>} : vector<16xi32>
        %add3A_696 = vector.broadcast %add3A_694 : i32 to vector<16xi32>
        %add3A_697 = arith.addi %add3A_696, %iota3A_695 : vector<16xi32>
        %ge3A_698 = vector.broadcast %max3A : i32 to vector<16xi32>
        %ge3A_699 = arith.cmpi sge, %add3A_697, %ge3A_698 : vector<16xi32>
        %lt3A_700 = vector.broadcast %squeeze3A_7 : i32 to vector<16xi32>
        %lt3A_701 = arith.cmpi slt, %add3A_697, %lt3A_700 : vector<16xi32>
        %and3A_702 = arith.andi %ge3A_699, %lt3A_701 : vector<16xi1>
        %sub3A_703 = vector.broadcast %mul3A_2 : i32 to vector<16xi32>
        %sub3A_704 = arith.subi %get3A_692, %sub3A_703 : vector<16xi32>
        %jit3A_705 = arith.constant 320 : i32
        %broadcast_in_dim3A_706 = vector.broadcast %jit3A_705 : i32 to vector<16xi32>
        %select_n3A_707 = arith.select %and3A_702, %sub3A_704, %broadcast_in_dim3A_706 : vector<16xi1>, vector<16xi32>
        %add3A_708 = vector.broadcast %mul3A_4 : i32 to vector<16xi32>
        %add3A_709 = arith.addi %add3A_708, %select_n3A_707 : vector<16xi32>
        %swap3A_710 = arith.constant 0 : i32
        %swap3A_711 = arith.constant 1 : i32
        %swap3A_712 = arith.index_cast %swap3A_710 : i32 to index
        %swap3A_713 = arith.index_cast %swap3A_711 : i32 to index
        %swap3A_714 = arith.constant 80 : index
        %swap3A_715 = tpu.vector_load %arg8[%swap3A_712, %swap3A_713, %swap3A_714] {strides = array<i32>} : memref<2x2x128xi32, #tpu.memory_space<vmem>>, vector<16xi32>,
        tpu.vector_store %arg8[%swap3A_712, %swap3A_713, %swap3A_714], %add3A_709 {strides = array<i32>} : memref<2x2x128xi32, #tpu.memory_space<vmem>>, vector<16xi32>,
        %jit3A_716 = arith.constant 1.000000e+00 : f32
        %jit3A_717 = arith.constant 0.000000e+00 : f32
        %broadcast_in_dim3A_718 = vector.broadcast %jit3A_716 : f32 to vector<16xf32>
        %broadcast_in_dim3A_719 = vector.broadcast %jit3A_717 : f32 to vector<16xf32>
        %select_n3A_720 = arith.select %and3A_702, %broadcast_in_dim3A_718, %broadcast_in_dim3A_719 : vector<16xi1>, vector<16xf32>
        tpu.vector_store_idx %arg9[%select_n3A_707], %select_n3A_720 {add = true} : memref<336xf32, #tpu.memory_space<vmem>>[vector<16xi32>], vector<16xf32>,
        %add3A_721 = arith.constant 224 : i32
        %add3A_722 = arith.addi %sub3A_273, %add3A_721 : i32
        %get3A_723 = arith.index_cast %add3A_722 : i32 to index
        %get3A_724 = tpu.vector_load %arg7[%get3A_723] {strides = array<i32>} : memref<2048xi32, #tpu.memory_space<vmem>>, vector<16xi32>,
        %add3A_725 = arith.constant 224 : i32
        %add3A_726 = arith.addi %multiple_of3A_272, %add3A_725 : i32
        %iota3A_727 = tpu.iota {dimensions = array<i32: 0>} : vector<16xi32>
        %add3A_728 = vector.broadcast %add3A_726 : i32 to vector<16xi32>
        %add3A_729 = arith.addi %add3A_728, %iota3A_727 : vector<16xi32>
        %ge3A_730 = vector.broadcast %max3A : i32 to vector<16xi32>
        %ge3A_731 = arith.cmpi sge, %add3A_729, %ge3A_730 : vector<16xi32>
        %lt3A_732 = vector.broadcast %squeeze3A_7 : i32 to vector<16xi32>
        %lt3A_733 = arith.cmpi slt, %add3A_729, %lt3A_732 : vector<16xi32>
        %and3A_734 = arith.andi %ge3A_731, %lt3A_733 : vector<16xi1>
        %sub3A_735 = vector.broadcast %mul3A_2 : i32 to vector<16xi32>
        %sub3A_736 = arith.subi %get3A_724, %sub3A_735 : vector<16xi32>
        %jit3A_737 = arith.constant 320 : i32
        %broadcast_in_dim3A_738 = vector.broadcast %jit3A_737 : i32 to vector<16xi32>
        %select_n3A_739 = arith.select %and3A_734, %sub3A_736, %broadcast_in_dim3A_738 : vector<16xi1>, vector<16xi32>
        %add3A_740 = vector.broadcast %mul3A_4 : i32 to vector<16xi32>
        %add3A_741 = arith.addi %add3A_740, %select_n3A_739 : vector<16xi32>
        %swap3A_742 = arith.constant 0 : i32
        %swap3A_743 = arith.constant 1 : i32
        %swap3A_744 = arith.index_cast %swap3A_742 : i32 to index
        %swap3A_745 = arith.index_cast %swap3A_743 : i32 to index
        %swap3A_746 = arith.constant 96 : index
        %swap3A_747 = tpu.vector_load %arg8[%swap3A_744, %swap3A_745, %swap3A_746] {strides = array<i32>} : memref<2x2x128xi32, #tpu.memory_space<vmem>>, vector<16xi32>,
        tpu.vector_store %arg8[%swap3A_744, %swap3A_745, %swap3A_746], %add3A_741 {strides = array<i32>} : memref<2x2x128xi32, #tpu.memory_space<vmem>>, vector<16xi32>,
        %jit3A_748 = arith.constant 1.000000e+00 : f32
        %jit3A_749 = arith.constant 0.000000e+00 : f32
        %broadcast_in_dim3A_750 = vector.broadcast %jit3A_748 : f32 to vector<16xf32>
        %broadcast_in_dim3A_751 = vector.broadcast %jit3A_749 : f32 to vector<16xf32>
        %select_n3A_752 = arith.select %and3A_734, %broadcast_in_dim3A_750, %broadcast_in_dim3A_751 : vector<16xi1>, vector<16xf32>
        tpu.vector_store_idx %arg9[%select_n3A_739], %select_n3A_752 {add = true} : memref<336xf32, #tpu.memory_space<vmem>>[vector<16xi32>], vector<16xf32>,
        %add3A_753 = arith.constant 240 : i32
        %add3A_754 = arith.addi %sub3A_273, %add3A_753 : i32
        %get3A_755 = arith.index_cast %add3A_754 : i32 to index
        %get3A_756 = tpu.vector_load %arg7[%get3A_755] {strides = array<i32>} : memref<2048xi32, #tpu.memory_space<vmem>>, vector<16xi32>,
        %add3A_757 = arith.constant 240 : i32
        %add3A_758 = arith.addi %multiple_of3A_272, %add3A_757 : i32
        %iota3A_759 = tpu.iota {dimensions = array<i32: 0>} : vector<16xi32>
        %add3A_760 = vector.broadcast %add3A_758 : i32 to vector<16xi32>
        %add3A_761 = arith.addi %add3A_760, %iota3A_759 : vector<16xi32>
        %ge3A_762 = vector.broadcast %max3A : i32 to vector<16xi32>
        %ge3A_763 = arith.cmpi sge, %add3A_761, %ge3A_762 : vector<16xi32>
        %lt3A_764 = vector.broadcast %squeeze3A_7 : i32 to vector<16xi32>
        %lt3A_765 = arith.cmpi slt, %add3A_761, %lt3A_764 : vector<16xi32>
        %and3A_766 = arith.andi %ge3A_763, %lt3A_765 : vector<16xi1>
        %sub3A_767 = vector.broadcast %mul3A_2 : i32 to vector<16xi32>
        %sub3A_768 = arith.subi %get3A_756, %sub3A_767 : vector<16xi32>
        %jit3A_769 = arith.constant 320 : i32
        %broadcast_in_dim3A_770 = vector.broadcast %jit3A_769 : i32 to vector<16xi32>
        %select_n3A_771 = arith.select %and3A_766, %sub3A_768, %broadcast_in_dim3A_770 : vector<16xi1>, vector<16xi32>
        %add3A_772 = vector.broadcast %mul3A_4 : i32 to vector<16xi32>
        %add3A_773 = arith.addi %add3A_772, %select_n3A_771 : vector<16xi32>
        %swap3A_774 = arith.constant 0 : i32
        %swap3A_775 = arith.constant 1 : i32
        %swap3A_776 = arith.index_cast %swap3A_774 : i32 to index
        %swap3A_777 = arith.index_cast %swap3A_775 : i32 to index
        %swap3A_778 = arith.constant 112 : index
        %swap3A_779 = tpu.vector_load %arg8[%swap3A_776, %swap3A_777, %swap3A_778] {strides = array<i32>} : memref<2x2x128xi32, #tpu.memory_space<vmem>>, vector<16xi32>,
        tpu.vector_store %arg8[%swap3A_776, %swap3A_777, %swap3A_778], %add3A_773 {strides = array<i32>} : memref<2x2x128xi32, #tpu.memory_space<vmem>>, vector<16xi32>,
        %jit3A_780 = arith.constant 1.000000e+00 : f32
        %jit3A_781 = arith.constant 0.000000e+00 : f32
        %broadcast_in_dim3A_782 = vector.broadcast %jit3A_780 : f32 to vector<16xf32>
        %broadcast_in_dim3A_783 = vector.broadcast %jit3A_781 : f32 to vector<16xf32>
        %select_n3A_784 = arith.select %and3A_766, %broadcast_in_dim3A_782, %broadcast_in_dim3A_783 : vector<16xi1>, vector<16xf32>
        tpu.vector_store_idx %arg9[%select_n3A_771], %select_n3A_784 {add = true} : memref<336xf32, #tpu.memory_space<vmem>>[vector<16xi32>], vector<16xf32>,
        %dma_wait3A = arith.constant 0 : i32
        %dma_wait3A_785 = arith.constant 0 : i32
        %dma_wait3A_786 = arith.constant 0 : i32
        %dma_wait3A_787 = tpu.memref_slice %arg6[%dma_wait3A, %dma_wait3A_785, %dma_wait3A_786] : memref<2x256x128xf32, #tpu.memory_space<vmem>> -> memref<1x256x128xf32, #tpu.memory_space<vmem>>
        %dma_wait3A_788 = tpu.memref_squeeze %dma_wait3A_787 : memref<1x256x128xf32, #tpu.memory_space<vmem>> -> memref<256x128xf32, #tpu.memory_space<vmem>>
        %dma_wait3A_789 = arith.constant 0 : i32
        %dma_wait3A_790 = arith.constant 0 : i32
        %dma_wait3A_791 = tpu.memref_slice %arg2[%dma_wait3A_789, %dma_wait3A_790] : memref<320000x128xf32, #tpu.memory_space<hbm>> -> memref<256x128xf32, #tpu.memory_space<hbm>>
        %dma_wait3A_792 = arith.constant 0 : i32
        %dma_wait3A_793 = arith.constant 0 : i32
        %dma_wait3A_794 = tpu.memref_slice %arg6[%dma_wait3A, %dma_wait3A_792, %dma_wait3A_793] : memref<2x256x128xf32, #tpu.memory_space<vmem>> -> memref<1x256x128xf32, #tpu.memory_space<vmem>>
        %dma_wait3A_795 = tpu.memref_squeeze %dma_wait3A_794 : memref<1x256x128xf32, #tpu.memory_space<vmem>> -> memref<256x128xf32, #tpu.memory_space<vmem>>
        %dma_wait3A_796 = arith.constant 0 : i32
        %dma_wait3A_797 = arith.constant 0 : i32
        %dma_wait3A_798 = tpu.memref_slice %arg2[%dma_wait3A_796, %dma_wait3A_797] : memref<320000x128xf32, #tpu.memory_space<hbm>> -> memref<256x128xf32, #tpu.memory_space<hbm>>
        tpu.wait_dma2 semaphore(%arg12 : memref<!tpu.dma_semaphore, #tpu.memory_space<semaphore_mem>>) src(%dma_wait3A_798 : memref<256x128xf32, #tpu.memory_space<hbm>>) dst(%dma_wait3A_795 : memref<256x128xf32, #tpu.memory_space<vmem>>)
        %dma_start3A = arith.constant 0 : i32
        %dma_start3A_799 = arith.constant 0 : i32
        %dma_start3A_800 = arith.constant 0 : i32
        %dma_start3A_801 = arith.constant 0 : i32
        %dma_start3A_802 = arith.constant 0 : i32
        %dma_start3A_803 = tpu.memref_slice %arg6[%dma_start3A, %dma_start3A_801, %dma_start3A_802] : memref<2x256x128xf32, #tpu.memory_space<vmem>> -> memref<1x256x128xf32, #tpu.memory_space<vmem>>
        %dma_start3A_804 = tpu.memref_squeeze %dma_start3A_803 : memref<1x256x128xf32, #tpu.memory_space<vmem>> -> memref<256x128xf32, #tpu.memory_space<vmem>>
        %dma_start3A_805 = arith.constant 0 : i32
        %dma_start3A_806 = arith.constant 0 : i32
        %dma_start3A_807 = tpu.memref_slice %dma_start3A_804[%dma_start3A_805, %dma_start3A_806] : memref<256x128xf32, #tpu.memory_space<vmem>> -> memref<128x128xf32, #tpu.memory_space<vmem>>
        %dma_start3A_808 = arith.constant 0 : i32
        %dma_start3A_809 = tpu.memref_slice %arg8[%dma_start3A_799, %dma_start3A_800, %dma_start3A_808] : memref<2x2x128xi32, #tpu.memory_space<vmem>> -> memref<1x1x128xi32, #tpu.memory_space<vmem>>
        %dma_start3A_810 = tpu.memref_squeeze %dma_start3A_809 : memref<1x1x128xi32, #tpu.memory_space<vmem>> -> memref<128xi32, #tpu.memory_space<vmem>>
        %dma_start3A_811 = arith.constant 0 : i32
        %dma_start3A_812 = arith.constant 0 : i32
        %dma_start3A_813 = tpu.memref_slice %arg11[%dma_start3A_811, %dma_start3A_812] : memref<5248x128xf32, #tpu.memory_space<vmem_shared>> -> memref<5248x128xf32, #tpu.memory_space<vmem_shared>>
        tpu.enqueue_indirect_dma source(%dma_start3A_807 : memref<128x128xf32, #tpu.memory_space<vmem>>) target(%dma_start3A_813 : memref<5248x128xf32, #tpu.memory_space<vmem_shared>>) offsets(%dma_start3A_810 : memref<128xi32, #tpu.memory_space<vmem>>) semaphore(%arg14 : memref<!tpu.dma_semaphore, #tpu.memory_space<semaphore_mem>>) {add = true}
        %dma_start3A_814 = arith.constant 0 : i32
        %dma_start3A_815 = arith.constant 0 : i32
        %dma_start3A_816 = arith.constant 1 : i32
        %dma_start3A_817 = arith.constant 0 : i32
        %dma_start3A_818 = arith.constant 0 : i32
        %dma_start3A_819 = tpu.memref_slice %arg6[%dma_start3A_814, %dma_start3A_817, %dma_start3A_818] : memref<2x256x128xf32, #tpu.memory_space<vmem>> -> memref<1x256x128xf32, #tpu.memory_space<vmem>>
        %dma_start3A_820 = tpu.memref_squeeze %dma_start3A_819 : memref<1x256x128xf32, #tpu.memory_space<vmem>> -> memref<256x128xf32, #tpu.memory_space<vmem>>
        %dma_start3A_821 = arith.constant 128 : i32
        %dma_start3A_822 = arith.constant 0 : i32
        %dma_start3A_823 = tpu.memref_slice %dma_start3A_820[%dma_start3A_821, %dma_start3A_822] : memref<256x128xf32, #tpu.memory_space<vmem>> -> memref<128x128xf32, #tpu.memory_space<vmem>>
        %dma_start3A_824 = arith.constant 0 : i32
        %dma_start3A_825 = tpu.memref_slice %arg8[%dma_start3A_815, %dma_start3A_816, %dma_start3A_824] : memref<2x2x128xi32, #tpu.memory_space<vmem>> -> memref<1x1x128xi32, #tpu.memory_space<vmem>>
        %dma_start3A_826 = tpu.memref_squeeze %dma_start3A_825 : memref<1x1x128xi32, #tpu.memory_space<vmem>> -> memref<128xi32, #tpu.memory_space<vmem>>
        %dma_start3A_827 = arith.constant 0 : i32
        %dma_start3A_828 = arith.constant 0 : i32
        %dma_start3A_829 = tpu.memref_slice %arg11[%dma_start3A_827, %dma_start3A_828] : memref<5248x128xf32, #tpu.memory_space<vmem_shared>> -> memref<5248x128xf32, #tpu.memory_space<vmem_shared>>
        tpu.enqueue_indirect_dma source(%dma_start3A_823 : memref<128x128xf32, #tpu.memory_space<vmem>>) target(%dma_start3A_829 : memref<5248x128xf32, #tpu.memory_space<vmem_shared>>) offsets(%dma_start3A_826 : memref<128xi32, #tpu.memory_space<vmem>>) semaphore(%arg14 : memref<!tpu.dma_semaphore, #tpu.memory_space<semaphore_mem>>) {add = true}
      } else {
      }
      %mul3A_213 = arith.constant 2 : i32
      %mul3A_214 = arith.muli %mul3A_213, %while3A_205 : i32
      %add3A_215 = arith.constant 1 : i32
      %add3A_216 = arith.addi %mul3A_214, %add3A_215 : i32
      %lt3A_217 = arith.cmpi slt, %add3A_216, %select_n3A : i32
      %convert_element_type3A_218 = arith.extui %lt3A_217 : i1 to i32
      %cond3A_219 = arith.constant 0 : i32
      %cond3A_220 = arith.cmpi ne, %convert_element_type3A_218, %cond3A_219 : i32
      scf.if %cond3A_220 {
        %jit3A_221 = arith.constant 8 : i32
        %div3A_222 = arith.divsi %add3A_216, %jit3A_221 : i32
        %sign3A_223 = arith.constant 0 : i32
        %sign3A_224 = arith.cmpi sgt, %add3A_216, %sign3A_223 : i32
        %sign3A_225 = arith.extui %sign3A_224 : i1 to i32
        %sign3A_226 = arith.constant 0 : i32
        %sign3A_227 = arith.cmpi slt, %add3A_216, %sign3A_226 : i32
        %sign3A_228 = arith.extui %sign3A_227 : i1 to i32
        %sign3A_229 = arith.subi %sign3A_225, %sign3A_228 : i32
        %sign3A_230 = arith.constant 0 : i32
        %sign3A_231 = arith.cmpi sgt, %jit3A_221, %sign3A_230 : i32
        %sign3A_232 = arith.extui %sign3A_231 : i1 to i32
        %sign3A_233 = arith.constant 0 : i32
        %sign3A_234 = arith.cmpi slt, %jit3A_221, %sign3A_233 : i32
        %sign3A_235 = arith.extui %sign3A_234 : i1 to i32
        %sign3A_236 = arith.subi %sign3A_232, %sign3A_235 : i32
        %ne3A_237 = arith.cmpi ne, %sign3A_229, %sign3A_236 : i32
        %rem3A_238 = arith.remsi %add3A_216, %jit3A_221 : i32
        %ne3A_239 = arith.constant 0 : i32
        %ne3A_240 = arith.cmpi ne, %rem3A_238, %ne3A_239 : i32
        %and3A_241 = arith.andi %ne3A_237, %ne3A_240 : i1
        %sub3A_242 = arith.constant 1 : i32
        %sub3A_243 = arith.subi %div3A_222, %sub3A_242 : i32
        %select_n3A_244 = arith.select %and3A_241, %sub3A_243, %div3A_222 : i32
        %mul3A_245 = arith.constant 2048 : i32
        %mul3A_246 = arith.muli %select_n3A_244, %mul3A_245 : i32
        %add3A_247 = arith.addi %and3A_58, %mul3A_246 : i32
        %min3A = arith.constant 317952 : i32
        %min3A_248 = arith.minsi %add3A_247, %min3A : i32
        %multiple_of3A = tpu.assume_multiple %min3A_248, 8 : i32
        %ge3A_249 = arith.constant 1 : i32
        %ge3A_250 = arith.cmpi sge, %add3A_216, %ge3A_249 : i32
        %convert_element_type3A_251 = arith.extui %ge3A_250 : i1 to i32
        %cond3A_252 = arith.constant 0 : i32
        %cond3A_253 = arith.cmpi ne, %convert_element_type3A_251, %cond3A_252 : i32
        scf.if %cond3A_253 {
          %dma_wait3A_823 = arith.constant 0 : i32
          %dma_wait3A_824 = arith.constant 0 : i32
          %dma_wait3A_825 = arith.constant 0 : i32
          %dma_wait3A_826 = arith.constant 0 : i32
          %dma_wait3A_827 = arith.constant 0 : i32
          %dma_wait3A_828 = tpu.memref_slice %arg6[%dma_wait3A_823, %dma_wait3A_826, %dma_wait3A_827] : memref<2x256x128xf32, #tpu.memory_space<vmem>> -> memref<1x256x128xf32, #tpu.memory_space<vmem>>
          %dma_wait3A_829 = tpu.memref_squeeze %dma_wait3A_828 : memref<1x256x128xf32, #tpu.memory_space<vmem>> -> memref<256x128xf32, #tpu.memory_space<vmem>>
          %dma_wait3A_830 = arith.constant 0 : i32
          %dma_wait3A_831 = arith.constant 0 : i32
          %dma_wait3A_832 = tpu.memref_slice %dma_wait3A_829[%dma_wait3A_830, %dma_wait3A_831] : memref<256x128xf32, #tpu.memory_space<vmem>> -> memref<128x128xf32, #tpu.memory_space<vmem>>
          %dma_wait3A_833 = arith.constant 0 : i32
          %dma_wait3A_834 = tpu.memref_slice %arg8[%dma_wait3A_824, %dma_wait3A_825, %dma_wait3A_833] : memref<2x2x128xi32, #tpu.memory_space<vmem>> -> memref<1x1x128xi32, #tpu.memory_space<vmem>>
          %dma_wait3A_835 = tpu.memref_squeeze %dma_wait3A_834 : memref<1x1x128xi32, #tpu.memory_space<vmem>> -> memref<128xi32, #tpu.memory_space<vmem>>
          %dma_wait3A_836 = arith.constant 0 : i32
          %dma_wait3A_837 = arith.constant 0 : i32
          %dma_wait3A_838 = tpu.memref_slice %arg11[%dma_wait3A_836, %dma_wait3A_837] : memref<5248x128xf32, #tpu.memory_space<vmem_shared>> -> memref<5248x128xf32, #tpu.memory_space<vmem_shared>>
          tpu.wait_indirect_dma semaphore(%arg14 : memref<!tpu.dma_semaphore, #tpu.memory_space<semaphore_mem>>) src(%dma_wait3A_832 : memref<128x128xf32, #tpu.memory_space<vmem>>) dst(%dma_wait3A_838 : memref<5248x128xf32, #tpu.memory_space<vmem_shared>>)
          %dma_wait3A_839 = arith.constant 0 : i32
          %dma_wait3A_840 = arith.constant 0 : i32
          %dma_wait3A_841 = arith.constant 1 : i32
          %dma_wait3A_842 = arith.constant 0 : i32
          %dma_wait3A_843 = arith.constant 0 : i32
          %dma_wait3A_844 = tpu.memref_slice %arg6[%dma_wait3A_839, %dma_wait3A_842, %dma_wait3A_843] : memref<2x256x128xf32, #tpu.memory_space<vmem>> -> memref<1x256x128xf32, #tpu.memory_space<vmem>>
          %dma_wait3A_845 = tpu.memref_squeeze %dma_wait3A_844 : memref<1x256x128xf32, #tpu.memory_space<vmem>> -> memref<256x128xf32, #tpu.memory_space<vmem>>
          %dma_wait3A_846 = arith.constant 128 : i32
          %dma_wait3A_847 = arith.constant 0 : i32
          %dma_wait3A_848 = tpu.memref_slice %dma_wait3A_845[%dma_wait3A_846, %dma_wait3A_847] : memref<256x128xf32, #tpu.memory_space<vmem>> -> memref<128x128xf32, #tpu.memory_space<vmem>>
          %dma_wait3A_849 = arith.constant 0 : i32
          %dma_wait3A_850 = tpu.memref_slice %arg8[%dma_wait3A_840, %dma_wait3A_841, %dma_wait3A_849] : memref<2x2x128xi32, #tpu.memory_space<vmem>> -> memref<1x1x128xi32, #tpu.memory_space<vmem>>
          %dma_wait3A_851 = tpu.memref_squeeze %dma_wait3A_850 : memref<1x1x128xi32, #tpu.memory_space<vmem>> -> memref<128xi32, #tpu.memory_space<vmem>>
          %dma_wait3A_852 = arith.constant 0 : i32
          %dma_wait3A_853 = arith.constant 0 : i32
          %dma_wait3A_854 = tpu.memref_slice %arg11[%dma_wait3A_852, %dma_wait3A_853] : memref<5248x128xf32, #tpu.memory_space<vmem_shared>> -> memref<5248x128xf32, #tpu.memory_space<vmem_shared>>
          tpu.wait_indirect_dma semaphore(%arg14 : memref<!tpu.dma_semaphore, #tpu.memory_space<semaphore_mem>>) src(%dma_wait3A_848 : memref<128x128xf32, #tpu.memory_space<vmem>>) dst(%dma_wait3A_854 : memref<5248x128xf32, #tpu.memory_space<vmem_shared>>)
        } else {
        }
        %add3A_254 = arith.constant 1 : i32
        %add3A_255 = arith.addi %add3A_216, %add3A_254 : i32
        %lt3A_256 = arith.cmpi slt, %add3A_255, %select_n3A : i32
        %convert_element_type3A_257 = arith.extui %lt3A_256 : i1 to i32
        %cond3A_258 = arith.constant 0 : i32
        %cond3A_259 = arith.cmpi ne, %convert_element_type3A_257, %cond3A_258 : i32
        scf.if %cond3A_259 {
          %add3A_823 = arith.constant 1 : i32
          %add3A_824 = arith.addi %add3A_216, %add3A_823 : i32
          %mul3A_825 = arith.constant 256 : i32
          %mul3A_826 = arith.muli %add3A_824, %mul3A_825 : i32
          %add3A_827 = arith.addi %and3A_58, %mul3A_826 : i32
          %min3A_828 = arith.constant 319744 : i32
          %min3A_829 = arith.minsi %add3A_827, %min3A_828 : i32
          %multiple_of3A_830 = tpu.assume_multiple %min3A_829, 8 : i32
          %dma_start3A_831 = arith.constant 0 : i32
          %dma_start3A_832 = arith.constant 0 : i32
          %dma_start3A_833 = arith.constant 0 : i32
          %dma_start3A_834 = tpu.memref_slice %arg6[%dma_start3A_831, %dma_start3A_832, %dma_start3A_833] : memref<2x256x128xf32, #tpu.memory_space<vmem>> -> memref<1x256x128xf32, #tpu.memory_space<vmem>>
          %dma_start3A_835 = tpu.memref_squeeze %dma_start3A_834 : memref<1x256x128xf32, #tpu.memory_space<vmem>> -> memref<256x128xf32, #tpu.memory_space<vmem>>
          %dma_start3A_836 = arith.constant 0 : i32
          %dma_start3A_837 = tpu.memref_slice %arg2[%multiple_of3A_830, %dma_start3A_836] : memref<320000x128xf32, #tpu.memory_space<hbm>> -> memref<256x128xf32, #tpu.memory_space<hbm>>
          %dma_start3A_838 = arith.constant 0 : i32
          %dma_start3A_839 = arith.constant 0 : i32
          %dma_start3A_840 = tpu.memref_slice %arg6[%dma_start3A_831, %dma_start3A_838, %dma_start3A_839] : memref<2x256x128xf32, #tpu.memory_space<vmem>> -> memref<1x256x128xf32, #tpu.memory_space<vmem>>
          %dma_start3A_841 = tpu.memref_squeeze %dma_start3A_840 : memref<1x256x128xf32, #tpu.memory_space<vmem>> -> memref<256x128xf32, #tpu.memory_space<vmem>>
          %dma_start3A_842 = arith.constant 0 : i32
          %dma_start3A_843 = tpu.memref_slice %arg2[%multiple_of3A_830, %dma_start3A_842] : memref<320000x128xf32, #tpu.memory_space<hbm>> -> memref<256x128xf32, #tpu.memory_space<hbm>>
          tpu.enqueue_dma source(%dma_start3A_843 : memref<256x128xf32, #tpu.memory_space<hbm>>) target(%dma_start3A_841 : memref<256x128xf32, #tpu.memory_space<vmem>>) target_semaphore(%arg12 : memref<!tpu.dma_semaphore, #tpu.memory_space<semaphore_mem>>)
        } else {
        }
        %mul3A_260 = arith.constant 256 : i32
        %mul3A_261 = arith.muli %add3A_216, %mul3A_260 : i32
        %add3A_262 = arith.addi %and3A_58, %mul3A_261 : i32
        %min3A_263 = arith.constant 319744 : i32
        %min3A_264 = arith.minsi %add3A_262, %min3A_263 : i32
        %multiple_of3A_265 = tpu.assume_multiple %min3A_264, 8 : i32
        %sub3A_266 = arith.subi %multiple_of3A_265, %multiple_of3A : i32
        %max3A = arith.maxsi %add3A_262, %squeeze3A : i32
        %add3A_267 = arith.constant 0 : i32
        %add3A_268 = arith.addi %sub3A_266, %add3A_267 : i32
        %get3A_269 = arith.index_cast %add3A_268 : i32 to index
        %get3A_270 = tpu.vector_load %arg7[%get3A_269] {strides = array<i32>} : memref<2048xi32, #tpu.memory_space<vmem>>, vector<16xi32>,
        %add3A_271 = arith.constant 0 : i32
        %add3A_272 = arith.addi %multiple_of3A_265, %add3A_271 : i32
        %iota3A = tpu.iota {dimensions = array<i32: 0>} : vector<16xi32>
        %add3A_273 = vector.broadcast %add3A_272 : i32 to vector<16xi32>
        %add3A_274 = arith.addi %add3A_273, %iota3A : vector<16xi32>
        %ge3A_275 = vector.broadcast %max3A : i32 to vector<16xi32>
        %ge3A_276 = arith.cmpi sge, %add3A_274, %ge3A_275 : vector<16xi32>
        %lt3A_277 = vector.broadcast %squeeze3A_7 : i32 to vector<16xi32>
        %lt3A_278 = arith.cmpi slt, %add3A_274, %lt3A_277 : vector<16xi32>
        %and3A_279 = arith.andi %ge3A_276, %lt3A_278 : vector<16xi1>
        %sub3A_280 = vector.broadcast %mul3A_2 : i32 to vector<16xi32>
        %sub3A_281 = arith.subi %get3A_270, %sub3A_280 : vector<16xi32>
        %jit3A_282 = arith.constant 320 : i32
        %broadcast_in_dim3A_283 = vector.broadcast %jit3A_282 : i32 to vector<16xi32>
        %select_n3A_284 = arith.select %and3A_279, %sub3A_281, %broadcast_in_dim3A_283 : vector<16xi1>, vector<16xi32>
        %add3A_285 = vector.broadcast %mul3A_4 : i32 to vector<16xi32>
        %add3A_286 = arith.addi %add3A_285, %select_n3A_284 : vector<16xi32>
        %swap3A_287 = arith.constant 1 : i32
        %swap3A_288 = arith.constant 0 : i32
        %swap3A_289 = arith.index_cast %swap3A_287 : i32 to index
        %swap3A_290 = arith.index_cast %swap3A_288 : i32 to index
        %swap3A_291 = arith.constant 0 : index
        %swap3A_292 = tpu.vector_load %arg8[%swap3A_289, %swap3A_290, %swap3A_291] {strides = array<i32>} : memref<2x2x128xi32, #tpu.memory_space<vmem>>, vector<16xi32>,
        tpu.vector_store %arg8[%swap3A_289, %swap3A_290, %swap3A_291], %add3A_286 {strides = array<i32>} : memref<2x2x128xi32, #tpu.memory_space<vmem>>, vector<16xi32>,
        %jit3A_293 = arith.constant 1.000000e+00 : f32
        %jit3A_294 = arith.constant 0.000000e+00 : f32
        %broadcast_in_dim3A_295 = vector.broadcast %jit3A_293 : f32 to vector<16xf32>
        %broadcast_in_dim3A_296 = vector.broadcast %jit3A_294 : f32 to vector<16xf32>
        %select_n3A_297 = arith.select %and3A_279, %broadcast_in_dim3A_295, %broadcast_in_dim3A_296 : vector<16xi1>, vector<16xf32>
        tpu.vector_store_idx %arg9[%select_n3A_284], %select_n3A_297 {add = true} : memref<336xf32, #tpu.memory_space<vmem>>[vector<16xi32>], vector<16xf32>,
        %add3A_298 = arith.constant 16 : i32
        %add3A_299 = arith.addi %sub3A_266, %add3A_298 : i32
        %get3A_300 = arith.index_cast %add3A_299 : i32 to index
        %get3A_301 = tpu.vector_load %arg7[%get3A_300] {strides = array<i32>} : memref<2048xi32, #tpu.memory_space<vmem>>, vector<16xi32>,
        %add3A_302 = arith.constant 16 : i32
        %add3A_303 = arith.addi %multiple_of3A_265, %add3A_302 : i32
        %iota3A_304 = tpu.iota {dimensions = array<i32: 0>} : vector<16xi32>
        %add3A_305 = vector.broadcast %add3A_303 : i32 to vector<16xi32>
        %add3A_306 = arith.addi %add3A_305, %iota3A_304 : vector<16xi32>
        %ge3A_307 = vector.broadcast %max3A : i32 to vector<16xi32>
        %ge3A_308 = arith.cmpi sge, %add3A_306, %ge3A_307 : vector<16xi32>
        %lt3A_309 = vector.broadcast %squeeze3A_7 : i32 to vector<16xi32>
        %lt3A_310 = arith.cmpi slt, %add3A_306, %lt3A_309 : vector<16xi32>
        %and3A_311 = arith.andi %ge3A_308, %lt3A_310 : vector<16xi1>
        %sub3A_312 = vector.broadcast %mul3A_2 : i32 to vector<16xi32>
        %sub3A_313 = arith.subi %get3A_301, %sub3A_312 : vector<16xi32>
        %jit3A_314 = arith.constant 320 : i32
        %broadcast_in_dim3A_315 = vector.broadcast %jit3A_314 : i32 to vector<16xi32>
        %select_n3A_316 = arith.select %and3A_311, %sub3A_313, %broadcast_in_dim3A_315 : vector<16xi1>, vector<16xi32>
        %add3A_317 = vector.broadcast %mul3A_4 : i32 to vector<16xi32>
        %add3A_318 = arith.addi %add3A_317, %select_n3A_316 : vector<16xi32>
        %swap3A_319 = arith.constant 1 : i32
        %swap3A_320 = arith.constant 0 : i32
        %swap3A_321 = arith.index_cast %swap3A_319 : i32 to index
        %swap3A_322 = arith.index_cast %swap3A_320 : i32 to index
        %swap3A_323 = arith.constant 16 : index
        %swap3A_324 = tpu.vector_load %arg8[%swap3A_321, %swap3A_322, %swap3A_323] {strides = array<i32>} : memref<2x2x128xi32, #tpu.memory_space<vmem>>, vector<16xi32>,
        tpu.vector_store %arg8[%swap3A_321, %swap3A_322, %swap3A_323], %add3A_318 {strides = array<i32>} : memref<2x2x128xi32, #tpu.memory_space<vmem>>, vector<16xi32>,
        %jit3A_325 = arith.constant 1.000000e+00 : f32
        %jit3A_326 = arith.constant 0.000000e+00 : f32
        %broadcast_in_dim3A_327 = vector.broadcast %jit3A_325 : f32 to vector<16xf32>
        %broadcast_in_dim3A_328 = vector.broadcast %jit3A_326 : f32 to vector<16xf32>
        %select_n3A_329 = arith.select %and3A_311, %broadcast_in_dim3A_327, %broadcast_in_dim3A_328 : vector<16xi1>, vector<16xf32>
        tpu.vector_store_idx %arg9[%select_n3A_316], %select_n3A_329 {add = true} : memref<336xf32, #tpu.memory_space<vmem>>[vector<16xi32>], vector<16xf32>,
        %add3A_330 = arith.constant 32 : i32
        %add3A_331 = arith.addi %sub3A_266, %add3A_330 : i32
        %get3A_332 = arith.index_cast %add3A_331 : i32 to index
        %get3A_333 = tpu.vector_load %arg7[%get3A_332] {strides = array<i32>} : memref<2048xi32, #tpu.memory_space<vmem>>, vector<16xi32>,
        %add3A_334 = arith.constant 32 : i32
        %add3A_335 = arith.addi %multiple_of3A_265, %add3A_334 : i32
        %iota3A_336 = tpu.iota {dimensions = array<i32: 0>} : vector<16xi32>
        %add3A_337 = vector.broadcast %add3A_335 : i32 to vector<16xi32>
        %add3A_338 = arith.addi %add3A_337, %iota3A_336 : vector<16xi32>
        %ge3A_339 = vector.broadcast %max3A : i32 to vector<16xi32>
        %ge3A_340 = arith.cmpi sge, %add3A_338, %ge3A_339 : vector<16xi32>
        %lt3A_341 = vector.broadcast %squeeze3A_7 : i32 to vector<16xi32>
        %lt3A_342 = arith.cmpi slt, %add3A_338, %lt3A_341 : vector<16xi32>
        %and3A_343 = arith.andi %ge3A_340, %lt3A_342 : vector<16xi1>
        %sub3A_344 = vector.broadcast %mul3A_2 : i32 to vector<16xi32>
        %sub3A_345 = arith.subi %get3A_333, %sub3A_344 : vector<16xi32>
        %jit3A_346 = arith.constant 320 : i32
        %broadcast_in_dim3A_347 = vector.broadcast %jit3A_346 : i32 to vector<16xi32>
        %select_n3A_348 = arith.select %and3A_343, %sub3A_345, %broadcast_in_dim3A_347 : vector<16xi1>, vector<16xi32>
        %add3A_349 = vector.broadcast %mul3A_4 : i32 to vector<16xi32>
        %add3A_350 = arith.addi %add3A_349, %select_n3A_348 : vector<16xi32>
        %swap3A_351 = arith.constant 1 : i32
        %swap3A_352 = arith.constant 0 : i32
        %swap3A_353 = arith.index_cast %swap3A_351 : i32 to index
        %swap3A_354 = arith.index_cast %swap3A_352 : i32 to index
        %swap3A_355 = arith.constant 32 : index
        %swap3A_356 = tpu.vector_load %arg8[%swap3A_353, %swap3A_354, %swap3A_355] {strides = array<i32>} : memref<2x2x128xi32, #tpu.memory_space<vmem>>, vector<16xi32>,
        tpu.vector_store %arg8[%swap3A_353, %swap3A_354, %swap3A_355], %add3A_350 {strides = array<i32>} : memref<2x2x128xi32, #tpu.memory_space<vmem>>, vector<16xi32>,
        %jit3A_357 = arith.constant 1.000000e+00 : f32
        %jit3A_358 = arith.constant 0.000000e+00 : f32
        %broadcast_in_dim3A_359 = vector.broadcast %jit3A_357 : f32 to vector<16xf32>
        %broadcast_in_dim3A_360 = vector.broadcast %jit3A_358 : f32 to vector<16xf32>
        %select_n3A_361 = arith.select %and3A_343, %broadcast_in_dim3A_359, %broadcast_in_dim3A_360 : vector<16xi1>, vector<16xf32>
        tpu.vector_store_idx %arg9[%select_n3A_348], %select_n3A_361 {add = true} : memref<336xf32, #tpu.memory_space<vmem>>[vector<16xi32>], vector<16xf32>,
        %add3A_362 = arith.constant 48 : i32
        %add3A_363 = arith.addi %sub3A_266, %add3A_362 : i32
        %get3A_364 = arith.index_cast %add3A_363 : i32 to index
        %get3A_365 = tpu.vector_load %arg7[%get3A_364] {strides = array<i32>} : memref<2048xi32, #tpu.memory_space<vmem>>, vector<16xi32>,
        %add3A_366 = arith.constant 48 : i32
        %add3A_367 = arith.addi %multiple_of3A_265, %add3A_366 : i32
        %iota3A_368 = tpu.iota {dimensions = array<i32: 0>} : vector<16xi32>
        %add3A_369 = vector.broadcast %add3A_367 : i32 to vector<16xi32>
        %add3A_370 = arith.addi %add3A_369, %iota3A_368 : vector<16xi32>
        %ge3A_371 = vector.broadcast %max3A : i32 to vector<16xi32>
        %ge3A_372 = arith.cmpi sge, %add3A_370, %ge3A_371 : vector<16xi32>
        %lt3A_373 = vector.broadcast %squeeze3A_7 : i32 to vector<16xi32>
        %lt3A_374 = arith.cmpi slt, %add3A_370, %lt3A_373 : vector<16xi32>
        %and3A_375 = arith.andi %ge3A_372, %lt3A_374 : vector<16xi1>
        %sub3A_376 = vector.broadcast %mul3A_2 : i32 to vector<16xi32>
        %sub3A_377 = arith.subi %get3A_365, %sub3A_376 : vector<16xi32>
        %jit3A_378 = arith.constant 320 : i32
        %broadcast_in_dim3A_379 = vector.broadcast %jit3A_378 : i32 to vector<16xi32>
        %select_n3A_380 = arith.select %and3A_375, %sub3A_377, %broadcast_in_dim3A_379 : vector<16xi1>, vector<16xi32>
        %add3A_381 = vector.broadcast %mul3A_4 : i32 to vector<16xi32>
        %add3A_382 = arith.addi %add3A_381, %select_n3A_380 : vector<16xi32>
        %swap3A_383 = arith.constant 1 : i32
        %swap3A_384 = arith.constant 0 : i32
        %swap3A_385 = arith.index_cast %swap3A_383 : i32 to index
        %swap3A_386 = arith.index_cast %swap3A_384 : i32 to index
        %swap3A_387 = arith.constant 48 : index
        %swap3A_388 = tpu.vector_load %arg8[%swap3A_385, %swap3A_386, %swap3A_387] {strides = array<i32>} : memref<2x2x128xi32, #tpu.memory_space<vmem>>, vector<16xi32>,
        tpu.vector_store %arg8[%swap3A_385, %swap3A_386, %swap3A_387], %add3A_382 {strides = array<i32>} : memref<2x2x128xi32, #tpu.memory_space<vmem>>, vector<16xi32>,
        %jit3A_389 = arith.constant 1.000000e+00 : f32
        %jit3A_390 = arith.constant 0.000000e+00 : f32
        %broadcast_in_dim3A_391 = vector.broadcast %jit3A_389 : f32 to vector<16xf32>
        %broadcast_in_dim3A_392 = vector.broadcast %jit3A_390 : f32 to vector<16xf32>
        %select_n3A_393 = arith.select %and3A_375, %broadcast_in_dim3A_391, %broadcast_in_dim3A_392 : vector<16xi1>, vector<16xf32>
        tpu.vector_store_idx %arg9[%select_n3A_380], %select_n3A_393 {add = true} : memref<336xf32, #tpu.memory_space<vmem>>[vector<16xi32>], vector<16xf32>,
        %add3A_394 = arith.constant 64 : i32
        %add3A_395 = arith.addi %sub3A_266, %add3A_394 : i32
        %get3A_396 = arith.index_cast %add3A_395 : i32 to index
        %get3A_397 = tpu.vector_load %arg7[%get3A_396] {strides = array<i32>} : memref<2048xi32, #tpu.memory_space<vmem>>, vector<16xi32>,
        %add3A_398 = arith.constant 64 : i32
        %add3A_399 = arith.addi %multiple_of3A_265, %add3A_398 : i32
        %iota3A_400 = tpu.iota {dimensions = array<i32: 0>} : vector<16xi32>
        %add3A_401 = vector.broadcast %add3A_399 : i32 to vector<16xi32>
        %add3A_402 = arith.addi %add3A_401, %iota3A_400 : vector<16xi32>
        %ge3A_403 = vector.broadcast %max3A : i32 to vector<16xi32>
        %ge3A_404 = arith.cmpi sge, %add3A_402, %ge3A_403 : vector<16xi32>
        %lt3A_405 = vector.broadcast %squeeze3A_7 : i32 to vector<16xi32>
        %lt3A_406 = arith.cmpi slt, %add3A_402, %lt3A_405 : vector<16xi32>
        %and3A_407 = arith.andi %ge3A_404, %lt3A_406 : vector<16xi1>
        %sub3A_408 = vector.broadcast %mul3A_2 : i32 to vector<16xi32>
        %sub3A_409 = arith.subi %get3A_397, %sub3A_408 : vector<16xi32>
        %jit3A_410 = arith.constant 320 : i32
        %broadcast_in_dim3A_411 = vector.broadcast %jit3A_410 : i32 to vector<16xi32>
        %select_n3A_412 = arith.select %and3A_407, %sub3A_409, %broadcast_in_dim3A_411 : vector<16xi1>, vector<16xi32>
        %add3A_413 = vector.broadcast %mul3A_4 : i32 to vector<16xi32>
        %add3A_414 = arith.addi %add3A_413, %select_n3A_412 : vector<16xi32>
        %swap3A_415 = arith.constant 1 : i32
        %swap3A_416 = arith.constant 0 : i32
        %swap3A_417 = arith.index_cast %swap3A_415 : i32 to index
        %swap3A_418 = arith.index_cast %swap3A_416 : i32 to index
        %swap3A_419 = arith.constant 64 : index
        %swap3A_420 = tpu.vector_load %arg8[%swap3A_417, %swap3A_418, %swap3A_419] {strides = array<i32>} : memref<2x2x128xi32, #tpu.memory_space<vmem>>, vector<16xi32>,
        tpu.vector_store %arg8[%swap3A_417, %swap3A_418, %swap3A_419], %add3A_414 {strides = array<i32>} : memref<2x2x128xi32, #tpu.memory_space<vmem>>, vector<16xi32>,
        %jit3A_421 = arith.constant 1.000000e+00 : f32
        %jit3A_422 = arith.constant 0.000000e+00 : f32
        %broadcast_in_dim3A_423 = vector.broadcast %jit3A_421 : f32 to vector<16xf32>
        %broadcast_in_dim3A_424 = vector.broadcast %jit3A_422 : f32 to vector<16xf32>
        %select_n3A_425 = arith.select %and3A_407, %broadcast_in_dim3A_423, %broadcast_in_dim3A_424 : vector<16xi1>, vector<16xf32>
        tpu.vector_store_idx %arg9[%select_n3A_412], %select_n3A_425 {add = true} : memref<336xf32, #tpu.memory_space<vmem>>[vector<16xi32>], vector<16xf32>,
        %add3A_426 = arith.constant 80 : i32
        %add3A_427 = arith.addi %sub3A_266, %add3A_426 : i32
        %get3A_428 = arith.index_cast %add3A_427 : i32 to index
        %get3A_429 = tpu.vector_load %arg7[%get3A_428] {strides = array<i32>} : memref<2048xi32, #tpu.memory_space<vmem>>, vector<16xi32>,
        %add3A_430 = arith.constant 80 : i32
        %add3A_431 = arith.addi %multiple_of3A_265, %add3A_430 : i32
        %iota3A_432 = tpu.iota {dimensions = array<i32: 0>} : vector<16xi32>
        %add3A_433 = vector.broadcast %add3A_431 : i32 to vector<16xi32>
        %add3A_434 = arith.addi %add3A_433, %iota3A_432 : vector<16xi32>
        %ge3A_435 = vector.broadcast %max3A : i32 to vector<16xi32>
        %ge3A_436 = arith.cmpi sge, %add3A_434, %ge3A_435 : vector<16xi32>
        %lt3A_437 = vector.broadcast %squeeze3A_7 : i32 to vector<16xi32>
        %lt3A_438 = arith.cmpi slt, %add3A_434, %lt3A_437 : vector<16xi32>
        %and3A_439 = arith.andi %ge3A_436, %lt3A_438 : vector<16xi1>
        %sub3A_440 = vector.broadcast %mul3A_2 : i32 to vector<16xi32>
        %sub3A_441 = arith.subi %get3A_429, %sub3A_440 : vector<16xi32>
        %jit3A_442 = arith.constant 320 : i32
        %broadcast_in_dim3A_443 = vector.broadcast %jit3A_442 : i32 to vector<16xi32>
        %select_n3A_444 = arith.select %and3A_439, %sub3A_441, %broadcast_in_dim3A_443 : vector<16xi1>, vector<16xi32>
        %add3A_445 = vector.broadcast %mul3A_4 : i32 to vector<16xi32>
        %add3A_446 = arith.addi %add3A_445, %select_n3A_444 : vector<16xi32>
        %swap3A_447 = arith.constant 1 : i32
        %swap3A_448 = arith.constant 0 : i32
        %swap3A_449 = arith.index_cast %swap3A_447 : i32 to index
        %swap3A_450 = arith.index_cast %swap3A_448 : i32 to index
        %swap3A_451 = arith.constant 80 : index
        %swap3A_452 = tpu.vector_load %arg8[%swap3A_449, %swap3A_450, %swap3A_451] {strides = array<i32>} : memref<2x2x128xi32, #tpu.memory_space<vmem>>, vector<16xi32>,
        tpu.vector_store %arg8[%swap3A_449, %swap3A_450, %swap3A_451], %add3A_446 {strides = array<i32>} : memref<2x2x128xi32, #tpu.memory_space<vmem>>, vector<16xi32>,
        %jit3A_453 = arith.constant 1.000000e+00 : f32
        %jit3A_454 = arith.constant 0.000000e+00 : f32
        %broadcast_in_dim3A_455 = vector.broadcast %jit3A_453 : f32 to vector<16xf32>
        %broadcast_in_dim3A_456 = vector.broadcast %jit3A_454 : f32 to vector<16xf32>
        %select_n3A_457 = arith.select %and3A_439, %broadcast_in_dim3A_455, %broadcast_in_dim3A_456 : vector<16xi1>, vector<16xf32>
        tpu.vector_store_idx %arg9[%select_n3A_444], %select_n3A_457 {add = true} : memref<336xf32, #tpu.memory_space<vmem>>[vector<16xi32>], vector<16xf32>,
        %add3A_458 = arith.constant 96 : i32
        %add3A_459 = arith.addi %sub3A_266, %add3A_458 : i32
        %get3A_460 = arith.index_cast %add3A_459 : i32 to index
        %get3A_461 = tpu.vector_load %arg7[%get3A_460] {strides = array<i32>} : memref<2048xi32, #tpu.memory_space<vmem>>, vector<16xi32>,
        %add3A_462 = arith.constant 96 : i32
        %add3A_463 = arith.addi %multiple_of3A_265, %add3A_462 : i32
        %iota3A_464 = tpu.iota {dimensions = array<i32: 0>} : vector<16xi32>
        %add3A_465 = vector.broadcast %add3A_463 : i32 to vector<16xi32>
        %add3A_466 = arith.addi %add3A_465, %iota3A_464 : vector<16xi32>
        %ge3A_467 = vector.broadcast %max3A : i32 to vector<16xi32>
        %ge3A_468 = arith.cmpi sge, %add3A_466, %ge3A_467 : vector<16xi32>
        %lt3A_469 = vector.broadcast %squeeze3A_7 : i32 to vector<16xi32>
        %lt3A_470 = arith.cmpi slt, %add3A_466, %lt3A_469 : vector<16xi32>
        %and3A_471 = arith.andi %ge3A_468, %lt3A_470 : vector<16xi1>
        %sub3A_472 = vector.broadcast %mul3A_2 : i32 to vector<16xi32>
        %sub3A_473 = arith.subi %get3A_461, %sub3A_472 : vector<16xi32>
        %jit3A_474 = arith.constant 320 : i32
        %broadcast_in_dim3A_475 = vector.broadcast %jit3A_474 : i32 to vector<16xi32>
        %select_n3A_476 = arith.select %and3A_471, %sub3A_473, %broadcast_in_dim3A_475 : vector<16xi1>, vector<16xi32>
        %add3A_477 = vector.broadcast %mul3A_4 : i32 to vector<16xi32>
        %add3A_478 = arith.addi %add3A_477, %select_n3A_476 : vector<16xi32>
        %swap3A_479 = arith.constant 1 : i32
        %swap3A_480 = arith.constant 0 : i32
        %swap3A_481 = arith.index_cast %swap3A_479 : i32 to index
        %swap3A_482 = arith.index_cast %swap3A_480 : i32 to index
        %swap3A_483 = arith.constant 96 : index
        %swap3A_484 = tpu.vector_load %arg8[%swap3A_481, %swap3A_482, %swap3A_483] {strides = array<i32>} : memref<2x2x128xi32, #tpu.memory_space<vmem>>, vector<16xi32>,
        tpu.vector_store %arg8[%swap3A_481, %swap3A_482, %swap3A_483], %add3A_478 {strides = array<i32>} : memref<2x2x128xi32, #tpu.memory_space<vmem>>, vector<16xi32>,
        %jit3A_485 = arith.constant 1.000000e+00 : f32
        %jit3A_486 = arith.constant 0.000000e+00 : f32
        %broadcast_in_dim3A_487 = vector.broadcast %jit3A_485 : f32 to vector<16xf32>
        %broadcast_in_dim3A_488 = vector.broadcast %jit3A_486 : f32 to vector<16xf32>
        %select_n3A_489 = arith.select %and3A_471, %broadcast_in_dim3A_487, %broadcast_in_dim3A_488 : vector<16xi1>, vector<16xf32>
        tpu.vector_store_idx %arg9[%select_n3A_476], %select_n3A_489 {add = true} : memref<336xf32, #tpu.memory_space<vmem>>[vector<16xi32>], vector<16xf32>,
        %add3A_490 = arith.constant 112 : i32
        %add3A_491 = arith.addi %sub3A_266, %add3A_490 : i32
        %get3A_492 = arith.index_cast %add3A_491 : i32 to index
        %get3A_493 = tpu.vector_load %arg7[%get3A_492] {strides = array<i32>} : memref<2048xi32, #tpu.memory_space<vmem>>, vector<16xi32>,
        %add3A_494 = arith.constant 112 : i32
        %add3A_495 = arith.addi %multiple_of3A_265, %add3A_494 : i32
        %iota3A_496 = tpu.iota {dimensions = array<i32: 0>} : vector<16xi32>
        %add3A_497 = vector.broadcast %add3A_495 : i32 to vector<16xi32>
        %add3A_498 = arith.addi %add3A_497, %iota3A_496 : vector<16xi32>
        %ge3A_499 = vector.broadcast %max3A : i32 to vector<16xi32>
        %ge3A_500 = arith.cmpi sge, %add3A_498, %ge3A_499 : vector<16xi32>
        %lt3A_501 = vector.broadcast %squeeze3A_7 : i32 to vector<16xi32>
        %lt3A_502 = arith.cmpi slt, %add3A_498, %lt3A_501 : vector<16xi32>
        %and3A_503 = arith.andi %ge3A_500, %lt3A_502 : vector<16xi1>
        %sub3A_504 = vector.broadcast %mul3A_2 : i32 to vector<16xi32>
        %sub3A_505 = arith.subi %get3A_493, %sub3A_504 : vector<16xi32>
        %jit3A_506 = arith.constant 320 : i32
        %broadcast_in_dim3A_507 = vector.broadcast %jit3A_506 : i32 to vector<16xi32>
        %select_n3A_508 = arith.select %and3A_503, %sub3A_505, %broadcast_in_dim3A_507 : vector<16xi1>, vector<16xi32>
        %add3A_509 = vector.broadcast %mul3A_4 : i32 to vector<16xi32>
        %add3A_510 = arith.addi %add3A_509, %select_n3A_508 : vector<16xi32>
        %swap3A_511 = arith.constant 1 : i32
        %swap3A_512 = arith.constant 0 : i32
        %swap3A_513 = arith.index_cast %swap3A_511 : i32 to index
        %swap3A_514 = arith.index_cast %swap3A_512 : i32 to index
        %swap3A_515 = arith.constant 112 : index
        %swap3A_516 = tpu.vector_load %arg8[%swap3A_513, %swap3A_514, %swap3A_515] {strides = array<i32>} : memref<2x2x128xi32, #tpu.memory_space<vmem>>, vector<16xi32>,
        tpu.vector_store %arg8[%swap3A_513, %swap3A_514, %swap3A_515], %add3A_510 {strides = array<i32>} : memref<2x2x128xi32, #tpu.memory_space<vmem>>, vector<16xi32>,
        %jit3A_517 = arith.constant 1.000000e+00 : f32
        %jit3A_518 = arith.constant 0.000000e+00 : f32
        %broadcast_in_dim3A_519 = vector.broadcast %jit3A_517 : f32 to vector<16xf32>
        %broadcast_in_dim3A_520 = vector.broadcast %jit3A_518 : f32 to vector<16xf32>
        %select_n3A_521 = arith.select %and3A_503, %broadcast_in_dim3A_519, %broadcast_in_dim3A_520 : vector<16xi1>, vector<16xf32>
        tpu.vector_store_idx %arg9[%select_n3A_508], %select_n3A_521 {add = true} : memref<336xf32, #tpu.memory_space<vmem>>[vector<16xi32>], vector<16xf32>,
        %add3A_522 = arith.constant 128 : i32
        %add3A_523 = arith.addi %sub3A_266, %add3A_522 : i32
        %get3A_524 = arith.index_cast %add3A_523 : i32 to index
        %get3A_525 = tpu.vector_load %arg7[%get3A_524] {strides = array<i32>} : memref<2048xi32, #tpu.memory_space<vmem>>, vector<16xi32>,
        %add3A_526 = arith.constant 128 : i32
        %add3A_527 = arith.addi %multiple_of3A_265, %add3A_526 : i32
        %iota3A_528 = tpu.iota {dimensions = array<i32: 0>} : vector<16xi32>
        %add3A_529 = vector.broadcast %add3A_527 : i32 to vector<16xi32>
        %add3A_530 = arith.addi %add3A_529, %iota3A_528 : vector<16xi32>
        %ge3A_531 = vector.broadcast %max3A : i32 to vector<16xi32>
        %ge3A_532 = arith.cmpi sge, %add3A_530, %ge3A_531 : vector<16xi32>
        %lt3A_533 = vector.broadcast %squeeze3A_7 : i32 to vector<16xi32>
        %lt3A_534 = arith.cmpi slt, %add3A_530, %lt3A_533 : vector<16xi32>
        %and3A_535 = arith.andi %ge3A_532, %lt3A_534 : vector<16xi1>
        %sub3A_536 = vector.broadcast %mul3A_2 : i32 to vector<16xi32>
        %sub3A_537 = arith.subi %get3A_525, %sub3A_536 : vector<16xi32>
        %jit3A_538 = arith.constant 320 : i32
        %broadcast_in_dim3A_539 = vector.broadcast %jit3A_538 : i32 to vector<16xi32>
        %select_n3A_540 = arith.select %and3A_535, %sub3A_537, %broadcast_in_dim3A_539 : vector<16xi1>, vector<16xi32>
        %add3A_541 = vector.broadcast %mul3A_4 : i32 to vector<16xi32>
        %add3A_542 = arith.addi %add3A_541, %select_n3A_540 : vector<16xi32>
        %swap3A_543 = arith.constant 1 : i32
        %swap3A_544 = arith.constant 1 : i32
        %swap3A_545 = arith.index_cast %swap3A_543 : i32 to index
        %swap3A_546 = arith.index_cast %swap3A_544 : i32 to index
        %swap3A_547 = arith.constant 0 : index
        %swap3A_548 = tpu.vector_load %arg8[%swap3A_545, %swap3A_546, %swap3A_547] {strides = array<i32>} : memref<2x2x128xi32, #tpu.memory_space<vmem>>, vector<16xi32>,
        tpu.vector_store %arg8[%swap3A_545, %swap3A_546, %swap3A_547], %add3A_542 {strides = array<i32>} : memref<2x2x128xi32, #tpu.memory_space<vmem>>, vector<16xi32>,
        %jit3A_549 = arith.constant 1.000000e+00 : f32
        %jit3A_550 = arith.constant 0.000000e+00 : f32
        %broadcast_in_dim3A_551 = vector.broadcast %jit3A_549 : f32 to vector<16xf32>
        %broadcast_in_dim3A_552 = vector.broadcast %jit3A_550 : f32 to vector<16xf32>
        %select_n3A_553 = arith.select %and3A_535, %broadcast_in_dim3A_551, %broadcast_in_dim3A_552 : vector<16xi1>, vector<16xf32>
        tpu.vector_store_idx %arg9[%select_n3A_540], %select_n3A_553 {add = true} : memref<336xf32, #tpu.memory_space<vmem>>[vector<16xi32>], vector<16xf32>,
        %add3A_554 = arith.constant 144 : i32
        %add3A_555 = arith.addi %sub3A_266, %add3A_554 : i32
        %get3A_556 = arith.index_cast %add3A_555 : i32 to index
        %get3A_557 = tpu.vector_load %arg7[%get3A_556] {strides = array<i32>} : memref<2048xi32, #tpu.memory_space<vmem>>, vector<16xi32>,
        %add3A_558 = arith.constant 144 : i32
        %add3A_559 = arith.addi %multiple_of3A_265, %add3A_558 : i32
        %iota3A_560 = tpu.iota {dimensions = array<i32: 0>} : vector<16xi32>
        %add3A_561 = vector.broadcast %add3A_559 : i32 to vector<16xi32>
        %add3A_562 = arith.addi %add3A_561, %iota3A_560 : vector<16xi32>
        %ge3A_563 = vector.broadcast %max3A : i32 to vector<16xi32>
        %ge3A_564 = arith.cmpi sge, %add3A_562, %ge3A_563 : vector<16xi32>
        %lt3A_565 = vector.broadcast %squeeze3A_7 : i32 to vector<16xi32>
        %lt3A_566 = arith.cmpi slt, %add3A_562, %lt3A_565 : vector<16xi32>
        %and3A_567 = arith.andi %ge3A_564, %lt3A_566 : vector<16xi1>
        %sub3A_568 = vector.broadcast %mul3A_2 : i32 to vector<16xi32>
        %sub3A_569 = arith.subi %get3A_557, %sub3A_568 : vector<16xi32>
        %jit3A_570 = arith.constant 320 : i32
        %broadcast_in_dim3A_571 = vector.broadcast %jit3A_570 : i32 to vector<16xi32>
        %select_n3A_572 = arith.select %and3A_567, %sub3A_569, %broadcast_in_dim3A_571 : vector<16xi1>, vector<16xi32>
        %add3A_573 = vector.broadcast %mul3A_4 : i32 to vector<16xi32>
        %add3A_574 = arith.addi %add3A_573, %select_n3A_572 : vector<16xi32>
        %swap3A_575 = arith.constant 1 : i32
        %swap3A_576 = arith.constant 1 : i32
        %swap3A_577 = arith.index_cast %swap3A_575 : i32 to index
        %swap3A_578 = arith.index_cast %swap3A_576 : i32 to index
        %swap3A_579 = arith.constant 16 : index
        %swap3A_580 = tpu.vector_load %arg8[%swap3A_577, %swap3A_578, %swap3A_579] {strides = array<i32>} : memref<2x2x128xi32, #tpu.memory_space<vmem>>, vector<16xi32>,
        tpu.vector_store %arg8[%swap3A_577, %swap3A_578, %swap3A_579], %add3A_574 {strides = array<i32>} : memref<2x2x128xi32, #tpu.memory_space<vmem>>, vector<16xi32>,
        %jit3A_581 = arith.constant 1.000000e+00 : f32
        %jit3A_582 = arith.constant 0.000000e+00 : f32
        %broadcast_in_dim3A_583 = vector.broadcast %jit3A_581 : f32 to vector<16xf32>
        %broadcast_in_dim3A_584 = vector.broadcast %jit3A_582 : f32 to vector<16xf32>
        %select_n3A_585 = arith.select %and3A_567, %broadcast_in_dim3A_583, %broadcast_in_dim3A_584 : vector<16xi1>, vector<16xf32>
        tpu.vector_store_idx %arg9[%select_n3A_572], %select_n3A_585 {add = true} : memref<336xf32, #tpu.memory_space<vmem>>[vector<16xi32>], vector<16xf32>,
        %add3A_586 = arith.constant 160 : i32
        %add3A_587 = arith.addi %sub3A_266, %add3A_586 : i32
        %get3A_588 = arith.index_cast %add3A_587 : i32 to index
        %get3A_589 = tpu.vector_load %arg7[%get3A_588] {strides = array<i32>} : memref<2048xi32, #tpu.memory_space<vmem>>, vector<16xi32>,
        %add3A_590 = arith.constant 160 : i32
        %add3A_591 = arith.addi %multiple_of3A_265, %add3A_590 : i32
        %iota3A_592 = tpu.iota {dimensions = array<i32: 0>} : vector<16xi32>
        %add3A_593 = vector.broadcast %add3A_591 : i32 to vector<16xi32>
        %add3A_594 = arith.addi %add3A_593, %iota3A_592 : vector<16xi32>
        %ge3A_595 = vector.broadcast %max3A : i32 to vector<16xi32>
        %ge3A_596 = arith.cmpi sge, %add3A_594, %ge3A_595 : vector<16xi32>
        %lt3A_597 = vector.broadcast %squeeze3A_7 : i32 to vector<16xi32>
        %lt3A_598 = arith.cmpi slt, %add3A_594, %lt3A_597 : vector<16xi32>
        %and3A_599 = arith.andi %ge3A_596, %lt3A_598 : vector<16xi1>
        %sub3A_600 = vector.broadcast %mul3A_2 : i32 to vector<16xi32>
        %sub3A_601 = arith.subi %get3A_589, %sub3A_600 : vector<16xi32>
        %jit3A_602 = arith.constant 320 : i32
        %broadcast_in_dim3A_603 = vector.broadcast %jit3A_602 : i32 to vector<16xi32>
        %select_n3A_604 = arith.select %and3A_599, %sub3A_601, %broadcast_in_dim3A_603 : vector<16xi1>, vector<16xi32>
        %add3A_605 = vector.broadcast %mul3A_4 : i32 to vector<16xi32>
        %add3A_606 = arith.addi %add3A_605, %select_n3A_604 : vector<16xi32>
        %swap3A_607 = arith.constant 1 : i32
        %swap3A_608 = arith.constant 1 : i32
        %swap3A_609 = arith.index_cast %swap3A_607 : i32 to index
        %swap3A_610 = arith.index_cast %swap3A_608 : i32 to index
        %swap3A_611 = arith.constant 32 : index
        %swap3A_612 = tpu.vector_load %arg8[%swap3A_609, %swap3A_610, %swap3A_611] {strides = array<i32>} : memref<2x2x128xi32, #tpu.memory_space<vmem>>, vector<16xi32>,
        tpu.vector_store %arg8[%swap3A_609, %swap3A_610, %swap3A_611], %add3A_606 {strides = array<i32>} : memref<2x2x128xi32, #tpu.memory_space<vmem>>, vector<16xi32>,
        %jit3A_613 = arith.constant 1.000000e+00 : f32
        %jit3A_614 = arith.constant 0.000000e+00 : f32
        %broadcast_in_dim3A_615 = vector.broadcast %jit3A_613 : f32 to vector<16xf32>
        %broadcast_in_dim3A_616 = vector.broadcast %jit3A_614 : f32 to vector<16xf32>
        %select_n3A_617 = arith.select %and3A_599, %broadcast_in_dim3A_615, %broadcast_in_dim3A_616 : vector<16xi1>, vector<16xf32>
        tpu.vector_store_idx %arg9[%select_n3A_604], %select_n3A_617 {add = true} : memref<336xf32, #tpu.memory_space<vmem>>[vector<16xi32>], vector<16xf32>,
        %add3A_618 = arith.constant 176 : i32
        %add3A_619 = arith.addi %sub3A_266, %add3A_618 : i32
        %get3A_620 = arith.index_cast %add3A_619 : i32 to index
        %get3A_621 = tpu.vector_load %arg7[%get3A_620] {strides = array<i32>} : memref<2048xi32, #tpu.memory_space<vmem>>, vector<16xi32>,
        %add3A_622 = arith.constant 176 : i32
        %add3A_623 = arith.addi %multiple_of3A_265, %add3A_622 : i32
        %iota3A_624 = tpu.iota {dimensions = array<i32: 0>} : vector<16xi32>
        %add3A_625 = vector.broadcast %add3A_623 : i32 to vector<16xi32>
        %add3A_626 = arith.addi %add3A_625, %iota3A_624 : vector<16xi32>
        %ge3A_627 = vector.broadcast %max3A : i32 to vector<16xi32>
        %ge3A_628 = arith.cmpi sge, %add3A_626, %ge3A_627 : vector<16xi32>
        %lt3A_629 = vector.broadcast %squeeze3A_7 : i32 to vector<16xi32>
        %lt3A_630 = arith.cmpi slt, %add3A_626, %lt3A_629 : vector<16xi32>
        %and3A_631 = arith.andi %ge3A_628, %lt3A_630 : vector<16xi1>
        %sub3A_632 = vector.broadcast %mul3A_2 : i32 to vector<16xi32>
        %sub3A_633 = arith.subi %get3A_621, %sub3A_632 : vector<16xi32>
        %jit3A_634 = arith.constant 320 : i32
        %broadcast_in_dim3A_635 = vector.broadcast %jit3A_634 : i32 to vector<16xi32>
        %select_n3A_636 = arith.select %and3A_631, %sub3A_633, %broadcast_in_dim3A_635 : vector<16xi1>, vector<16xi32>
        %add3A_637 = vector.broadcast %mul3A_4 : i32 to vector<16xi32>
        %add3A_638 = arith.addi %add3A_637, %select_n3A_636 : vector<16xi32>
        %swap3A_639 = arith.constant 1 : i32
        %swap3A_640 = arith.constant 1 : i32
        %swap3A_641 = arith.index_cast %swap3A_639 : i32 to index
        %swap3A_642 = arith.index_cast %swap3A_640 : i32 to index
        %swap3A_643 = arith.constant 48 : index
        %swap3A_644 = tpu.vector_load %arg8[%swap3A_641, %swap3A_642, %swap3A_643] {strides = array<i32>} : memref<2x2x128xi32, #tpu.memory_space<vmem>>, vector<16xi32>,
        tpu.vector_store %arg8[%swap3A_641, %swap3A_642, %swap3A_643], %add3A_638 {strides = array<i32>} : memref<2x2x128xi32, #tpu.memory_space<vmem>>, vector<16xi32>,
        %jit3A_645 = arith.constant 1.000000e+00 : f32
        %jit3A_646 = arith.constant 0.000000e+00 : f32
        %broadcast_in_dim3A_647 = vector.broadcast %jit3A_645 : f32 to vector<16xf32>
        %broadcast_in_dim3A_648 = vector.broadcast %jit3A_646 : f32 to vector<16xf32>
        %select_n3A_649 = arith.select %and3A_631, %broadcast_in_dim3A_647, %broadcast_in_dim3A_648 : vector<16xi1>, vector<16xf32>
        tpu.vector_store_idx %arg9[%select_n3A_636], %select_n3A_649 {add = true} : memref<336xf32, #tpu.memory_space<vmem>>[vector<16xi32>], vector<16xf32>,
        %add3A_650 = arith.constant 192 : i32
        %add3A_651 = arith.addi %sub3A_266, %add3A_650 : i32
        %get3A_652 = arith.index_cast %add3A_651 : i32 to index
        %get3A_653 = tpu.vector_load %arg7[%get3A_652] {strides = array<i32>} : memref<2048xi32, #tpu.memory_space<vmem>>, vector<16xi32>,
        %add3A_654 = arith.constant 192 : i32
        %add3A_655 = arith.addi %multiple_of3A_265, %add3A_654 : i32
        %iota3A_656 = tpu.iota {dimensions = array<i32: 0>} : vector<16xi32>
        %add3A_657 = vector.broadcast %add3A_655 : i32 to vector<16xi32>
        %add3A_658 = arith.addi %add3A_657, %iota3A_656 : vector<16xi32>
        %ge3A_659 = vector.broadcast %max3A : i32 to vector<16xi32>
        %ge3A_660 = arith.cmpi sge, %add3A_658, %ge3A_659 : vector<16xi32>
        %lt3A_661 = vector.broadcast %squeeze3A_7 : i32 to vector<16xi32>
        %lt3A_662 = arith.cmpi slt, %add3A_658, %lt3A_661 : vector<16xi32>
        %and3A_663 = arith.andi %ge3A_660, %lt3A_662 : vector<16xi1>
        %sub3A_664 = vector.broadcast %mul3A_2 : i32 to vector<16xi32>
        %sub3A_665 = arith.subi %get3A_653, %sub3A_664 : vector<16xi32>
        %jit3A_666 = arith.constant 320 : i32
        %broadcast_in_dim3A_667 = vector.broadcast %jit3A_666 : i32 to vector<16xi32>
        %select_n3A_668 = arith.select %and3A_663, %sub3A_665, %broadcast_in_dim3A_667 : vector<16xi1>, vector<16xi32>
        %add3A_669 = vector.broadcast %mul3A_4 : i32 to vector<16xi32>
        %add3A_670 = arith.addi %add3A_669, %select_n3A_668 : vector<16xi32>
        %swap3A_671 = arith.constant 1 : i32
        %swap3A_672 = arith.constant 1 : i32
        %swap3A_673 = arith.index_cast %swap3A_671 : i32 to index
        %swap3A_674 = arith.index_cast %swap3A_672 : i32 to index
        %swap3A_675 = arith.constant 64 : index
        %swap3A_676 = tpu.vector_load %arg8[%swap3A_673, %swap3A_674, %swap3A_675] {strides = array<i32>} : memref<2x2x128xi32, #tpu.memory_space<vmem>>, vector<16xi32>,
        tpu.vector_store %arg8[%swap3A_673, %swap3A_674, %swap3A_675], %add3A_670 {strides = array<i32>} : memref<2x2x128xi32, #tpu.memory_space<vmem>>, vector<16xi32>,
        %jit3A_677 = arith.constant 1.000000e+00 : f32
        %jit3A_678 = arith.constant 0.000000e+00 : f32
        %broadcast_in_dim3A_679 = vector.broadcast %jit3A_677 : f32 to vector<16xf32>
        %broadcast_in_dim3A_680 = vector.broadcast %jit3A_678 : f32 to vector<16xf32>
        %select_n3A_681 = arith.select %and3A_663, %broadcast_in_dim3A_679, %broadcast_in_dim3A_680 : vector<16xi1>, vector<16xf32>
        tpu.vector_store_idx %arg9[%select_n3A_668], %select_n3A_681 {add = true} : memref<336xf32, #tpu.memory_space<vmem>>[vector<16xi32>], vector<16xf32>,
        %add3A_682 = arith.constant 208 : i32
        %add3A_683 = arith.addi %sub3A_266, %add3A_682 : i32
        %get3A_684 = arith.index_cast %add3A_683 : i32 to index
        %get3A_685 = tpu.vector_load %arg7[%get3A_684] {strides = array<i32>} : memref<2048xi32, #tpu.memory_space<vmem>>, vector<16xi32>,
        %add3A_686 = arith.constant 208 : i32
        %add3A_687 = arith.addi %multiple_of3A_265, %add3A_686 : i32
        %iota3A_688 = tpu.iota {dimensions = array<i32: 0>} : vector<16xi32>
        %add3A_689 = vector.broadcast %add3A_687 : i32 to vector<16xi32>
        %add3A_690 = arith.addi %add3A_689, %iota3A_688 : vector<16xi32>
        %ge3A_691 = vector.broadcast %max3A : i32 to vector<16xi32>
        %ge3A_692 = arith.cmpi sge, %add3A_690, %ge3A_691 : vector<16xi32>
        %lt3A_693 = vector.broadcast %squeeze3A_7 : i32 to vector<16xi32>
        %lt3A_694 = arith.cmpi slt, %add3A_690, %lt3A_693 : vector<16xi32>
        %and3A_695 = arith.andi %ge3A_692, %lt3A_694 : vector<16xi1>
        %sub3A_696 = vector.broadcast %mul3A_2 : i32 to vector<16xi32>
        %sub3A_697 = arith.subi %get3A_685, %sub3A_696 : vector<16xi32>
        %jit3A_698 = arith.constant 320 : i32
        %broadcast_in_dim3A_699 = vector.broadcast %jit3A_698 : i32 to vector<16xi32>
        %select_n3A_700 = arith.select %and3A_695, %sub3A_697, %broadcast_in_dim3A_699 : vector<16xi1>, vector<16xi32>
        %add3A_701 = vector.broadcast %mul3A_4 : i32 to vector<16xi32>
        %add3A_702 = arith.addi %add3A_701, %select_n3A_700 : vector<16xi32>
        %swap3A_703 = arith.constant 1 : i32
        %swap3A_704 = arith.constant 1 : i32
        %swap3A_705 = arith.index_cast %swap3A_703 : i32 to index
        %swap3A_706 = arith.index_cast %swap3A_704 : i32 to index
        %swap3A_707 = arith.constant 80 : index
        %swap3A_708 = tpu.vector_load %arg8[%swap3A_705, %swap3A_706, %swap3A_707] {strides = array<i32>} : memref<2x2x128xi32, #tpu.memory_space<vmem>>, vector<16xi32>,
        tpu.vector_store %arg8[%swap3A_705, %swap3A_706, %swap3A_707], %add3A_702 {strides = array<i32>} : memref<2x2x128xi32, #tpu.memory_space<vmem>>, vector<16xi32>,
        %jit3A_709 = arith.constant 1.000000e+00 : f32
        %jit3A_710 = arith.constant 0.000000e+00 : f32
        %broadcast_in_dim3A_711 = vector.broadcast %jit3A_709 : f32 to vector<16xf32>
        %broadcast_in_dim3A_712 = vector.broadcast %jit3A_710 : f32 to vector<16xf32>
        %select_n3A_713 = arith.select %and3A_695, %broadcast_in_dim3A_711, %broadcast_in_dim3A_712 : vector<16xi1>, vector<16xf32>
        tpu.vector_store_idx %arg9[%select_n3A_700], %select_n3A_713 {add = true} : memref<336xf32, #tpu.memory_space<vmem>>[vector<16xi32>], vector<16xf32>,
        %add3A_714 = arith.constant 224 : i32
        %add3A_715 = arith.addi %sub3A_266, %add3A_714 : i32
        %get3A_716 = arith.index_cast %add3A_715 : i32 to index
        %get3A_717 = tpu.vector_load %arg7[%get3A_716] {strides = array<i32>} : memref<2048xi32, #tpu.memory_space<vmem>>, vector<16xi32>,
        %add3A_718 = arith.constant 224 : i32
        %add3A_719 = arith.addi %multiple_of3A_265, %add3A_718 : i32
        %iota3A_720 = tpu.iota {dimensions = array<i32: 0>} : vector<16xi32>
        %add3A_721 = vector.broadcast %add3A_719 : i32 to vector<16xi32>
        %add3A_722 = arith.addi %add3A_721, %iota3A_720 : vector<16xi32>
        %ge3A_723 = vector.broadcast %max3A : i32 to vector<16xi32>
        %ge3A_724 = arith.cmpi sge, %add3A_722, %ge3A_723 : vector<16xi32>
        %lt3A_725 = vector.broadcast %squeeze3A_7 : i32 to vector<16xi32>
        %lt3A_726 = arith.cmpi slt, %add3A_722, %lt3A_725 : vector<16xi32>
        %and3A_727 = arith.andi %ge3A_724, %lt3A_726 : vector<16xi1>
        %sub3A_728 = vector.broadcast %mul3A_2 : i32 to vector<16xi32>
        %sub3A_729 = arith.subi %get3A_717, %sub3A_728 : vector<16xi32>
        %jit3A_730 = arith.constant 320 : i32
        %broadcast_in_dim3A_731 = vector.broadcast %jit3A_730 : i32 to vector<16xi32>
        %select_n3A_732 = arith.select %and3A_727, %sub3A_729, %broadcast_in_dim3A_731 : vector<16xi1>, vector<16xi32>
        %add3A_733 = vector.broadcast %mul3A_4 : i32 to vector<16xi32>
        %add3A_734 = arith.addi %add3A_733, %select_n3A_732 : vector<16xi32>
        %swap3A_735 = arith.constant 1 : i32
        %swap3A_736 = arith.constant 1 : i32
        %swap3A_737 = arith.index_cast %swap3A_735 : i32 to index
        %swap3A_738 = arith.index_cast %swap3A_736 : i32 to index
        %swap3A_739 = arith.constant 96 : index
        %swap3A_740 = tpu.vector_load %arg8[%swap3A_737, %swap3A_738, %swap3A_739] {strides = array<i32>} : memref<2x2x128xi32, #tpu.memory_space<vmem>>, vector<16xi32>,
        tpu.vector_store %arg8[%swap3A_737, %swap3A_738, %swap3A_739], %add3A_734 {strides = array<i32>} : memref<2x2x128xi32, #tpu.memory_space<vmem>>, vector<16xi32>,
        %jit3A_741 = arith.constant 1.000000e+00 : f32
        %jit3A_742 = arith.constant 0.000000e+00 : f32
        %broadcast_in_dim3A_743 = vector.broadcast %jit3A_741 : f32 to vector<16xf32>
        %broadcast_in_dim3A_744 = vector.broadcast %jit3A_742 : f32 to vector<16xf32>
        %select_n3A_745 = arith.select %and3A_727, %broadcast_in_dim3A_743, %broadcast_in_dim3A_744 : vector<16xi1>, vector<16xf32>
        tpu.vector_store_idx %arg9[%select_n3A_732], %select_n3A_745 {add = true} : memref<336xf32, #tpu.memory_space<vmem>>[vector<16xi32>], vector<16xf32>,
        %add3A_746 = arith.constant 240 : i32
        %add3A_747 = arith.addi %sub3A_266, %add3A_746 : i32
        %get3A_748 = arith.index_cast %add3A_747 : i32 to index
        %get3A_749 = tpu.vector_load %arg7[%get3A_748] {strides = array<i32>} : memref<2048xi32, #tpu.memory_space<vmem>>, vector<16xi32>,
        %add3A_750 = arith.constant 240 : i32
        %add3A_751 = arith.addi %multiple_of3A_265, %add3A_750 : i32
        %iota3A_752 = tpu.iota {dimensions = array<i32: 0>} : vector<16xi32>
        %add3A_753 = vector.broadcast %add3A_751 : i32 to vector<16xi32>
        %add3A_754 = arith.addi %add3A_753, %iota3A_752 : vector<16xi32>
        %ge3A_755 = vector.broadcast %max3A : i32 to vector<16xi32>
        %ge3A_756 = arith.cmpi sge, %add3A_754, %ge3A_755 : vector<16xi32>
        %lt3A_757 = vector.broadcast %squeeze3A_7 : i32 to vector<16xi32>
        %lt3A_758 = arith.cmpi slt, %add3A_754, %lt3A_757 : vector<16xi32>
        %and3A_759 = arith.andi %ge3A_756, %lt3A_758 : vector<16xi1>
        %sub3A_760 = vector.broadcast %mul3A_2 : i32 to vector<16xi32>
        %sub3A_761 = arith.subi %get3A_749, %sub3A_760 : vector<16xi32>
        %jit3A_762 = arith.constant 320 : i32
        %broadcast_in_dim3A_763 = vector.broadcast %jit3A_762 : i32 to vector<16xi32>
        %select_n3A_764 = arith.select %and3A_759, %sub3A_761, %broadcast_in_dim3A_763 : vector<16xi1>, vector<16xi32>
        %add3A_765 = vector.broadcast %mul3A_4 : i32 to vector<16xi32>
        %add3A_766 = arith.addi %add3A_765, %select_n3A_764 : vector<16xi32>
        %swap3A_767 = arith.constant 1 : i32
        %swap3A_768 = arith.constant 1 : i32
        %swap3A_769 = arith.index_cast %swap3A_767 : i32 to index
        %swap3A_770 = arith.index_cast %swap3A_768 : i32 to index
        %swap3A_771 = arith.constant 112 : index
        %swap3A_772 = tpu.vector_load %arg8[%swap3A_769, %swap3A_770, %swap3A_771] {strides = array<i32>} : memref<2x2x128xi32, #tpu.memory_space<vmem>>, vector<16xi32>,
        tpu.vector_store %arg8[%swap3A_769, %swap3A_770, %swap3A_771], %add3A_766 {strides = array<i32>} : memref<2x2x128xi32, #tpu.memory_space<vmem>>, vector<16xi32>,
        %jit3A_773 = arith.constant 1.000000e+00 : f32
        %jit3A_774 = arith.constant 0.000000e+00 : f32
        %broadcast_in_dim3A_775 = vector.broadcast %jit3A_773 : f32 to vector<16xf32>
        %broadcast_in_dim3A_776 = vector.broadcast %jit3A_774 : f32 to vector<16xf32>
        %select_n3A_777 = arith.select %and3A_759, %broadcast_in_dim3A_775, %broadcast_in_dim3A_776 : vector<16xi1>, vector<16xf32>
        tpu.vector_store_idx %arg9[%select_n3A_764], %select_n3A_777 {add = true} : memref<336xf32, #tpu.memory_space<vmem>>[vector<16xi32>], vector<16xf32>,
        %dma_wait3A = arith.constant 1 : i32
        %dma_wait3A_778 = arith.constant 0 : i32
        %dma_wait3A_779 = arith.constant 0 : i32
        %dma_wait3A_780 = tpu.memref_slice %arg6[%dma_wait3A, %dma_wait3A_778, %dma_wait3A_779] : memref<2x256x128xf32, #tpu.memory_space<vmem>> -> memref<1x256x128xf32, #tpu.memory_space<vmem>>
        %dma_wait3A_781 = tpu.memref_squeeze %dma_wait3A_780 : memref<1x256x128xf32, #tpu.memory_space<vmem>> -> memref<256x128xf32, #tpu.memory_space<vmem>>
        %dma_wait3A_782 = arith.constant 0 : i32
        %dma_wait3A_783 = arith.constant 0 : i32
        %dma_wait3A_784 = tpu.memref_slice %arg2[%dma_wait3A_782, %dma_wait3A_783] : memref<320000x128xf32, #tpu.memory_space<hbm>> -> memref<256x128xf32, #tpu.memory_space<hbm>>
        %dma_wait3A_785 = arith.constant 0 : i32
        %dma_wait3A_786 = arith.constant 0 : i32
        %dma_wait3A_787 = tpu.memref_slice %arg6[%dma_wait3A, %dma_wait3A_785, %dma_wait3A_786] : memref<2x256x128xf32, #tpu.memory_space<vmem>> -> memref<1x256x128xf32, #tpu.memory_space<vmem>>
        %dma_wait3A_788 = tpu.memref_squeeze %dma_wait3A_787 : memref<1x256x128xf32, #tpu.memory_space<vmem>> -> memref<256x128xf32, #tpu.memory_space<vmem>>
        %dma_wait3A_789 = arith.constant 0 : i32
        %dma_wait3A_790 = arith.constant 0 : i32
        %dma_wait3A_791 = tpu.memref_slice %arg2[%dma_wait3A_789, %dma_wait3A_790] : memref<320000x128xf32, #tpu.memory_space<hbm>> -> memref<256x128xf32, #tpu.memory_space<hbm>>
        tpu.wait_dma2 semaphore(%arg13 : memref<!tpu.dma_semaphore, #tpu.memory_space<semaphore_mem>>) src(%dma_wait3A_791 : memref<256x128xf32, #tpu.memory_space<hbm>>) dst(%dma_wait3A_788 : memref<256x128xf32, #tpu.memory_space<vmem>>)
        %dma_start3A = arith.constant 1 : i32
        %dma_start3A_792 = arith.constant 1 : i32
        %dma_start3A_793 = arith.constant 0 : i32
        %dma_start3A_794 = arith.constant 0 : i32
        %dma_start3A_795 = arith.constant 0 : i32
        %dma_start3A_796 = tpu.memref_slice %arg6[%dma_start3A, %dma_start3A_794, %dma_start3A_795] : memref<2x256x128xf32, #tpu.memory_space<vmem>> -> memref<1x256x128xf32, #tpu.memory_space<vmem>>
        %dma_start3A_797 = tpu.memref_squeeze %dma_start3A_796 : memref<1x256x128xf32, #tpu.memory_space<vmem>> -> memref<256x128xf32, #tpu.memory_space<vmem>>
        %dma_start3A_798 = arith.constant 0 : i32
        %dma_start3A_799 = arith.constant 0 : i32
        %dma_start3A_800 = tpu.memref_slice %dma_start3A_797[%dma_start3A_798, %dma_start3A_799] : memref<256x128xf32, #tpu.memory_space<vmem>> -> memref<128x128xf32, #tpu.memory_space<vmem>>
        %dma_start3A_801 = arith.constant 0 : i32
        %dma_start3A_802 = tpu.memref_slice %arg8[%dma_start3A_792, %dma_start3A_793, %dma_start3A_801] : memref<2x2x128xi32, #tpu.memory_space<vmem>> -> memref<1x1x128xi32, #tpu.memory_space<vmem>>
        %dma_start3A_803 = tpu.memref_squeeze %dma_start3A_802 : memref<1x1x128xi32, #tpu.memory_space<vmem>> -> memref<128xi32, #tpu.memory_space<vmem>>
        %dma_start3A_804 = arith.constant 0 : i32
        %dma_start3A_805 = arith.constant 0 : i32
        %dma_start3A_806 = tpu.memref_slice %arg11[%dma_start3A_804, %dma_start3A_805] : memref<5248x128xf32, #tpu.memory_space<vmem_shared>> -> memref<5248x128xf32, #tpu.memory_space<vmem_shared>>
        tpu.enqueue_indirect_dma source(%dma_start3A_800 : memref<128x128xf32, #tpu.memory_space<vmem>>) target(%dma_start3A_806 : memref<5248x128xf32, #tpu.memory_space<vmem_shared>>) offsets(%dma_start3A_803 : memref<128xi32, #tpu.memory_space<vmem>>) semaphore(%arg15 : memref<!tpu.dma_semaphore, #tpu.memory_space<semaphore_mem>>) {add = true}
        %dma_start3A_807 = arith.constant 1 : i32
        %dma_start3A_808 = arith.constant 1 : i32
        %dma_start3A_809 = arith.constant 1 : i32
        %dma_start3A_810 = arith.constant 0 : i32
        %dma_start3A_811 = arith.constant 0 : i32
        %dma_start3A_812 = tpu.memref_slice %arg6[%dma_start3A_807, %dma_start3A_810, %dma_start3A_811] : memref<2x256x128xf32, #tpu.memory_space<vmem>> -> memref<1x256x128xf32, #tpu.memory_space<vmem>>
        %dma_start3A_813 = tpu.memref_squeeze %dma_start3A_812 : memref<1x256x128xf32, #tpu.memory_space<vmem>> -> memref<256x128xf32, #tpu.memory_space<vmem>>
        %dma_start3A_814 = arith.constant 128 : i32
        %dma_start3A_815 = arith.constant 0 : i32
        %dma_start3A_816 = tpu.memref_slice %dma_start3A_813[%dma_start3A_814, %dma_start3A_815] : memref<256x128xf32, #tpu.memory_space<vmem>> -> memref<128x128xf32, #tpu.memory_space<vmem>>
        %dma_start3A_817 = arith.constant 0 : i32
        %dma_start3A_818 = tpu.memref_slice %arg8[%dma_start3A_808, %dma_start3A_809, %dma_start3A_817] : memref<2x2x128xi32, #tpu.memory_space<vmem>> -> memref<1x1x128xi32, #tpu.memory_space<vmem>>
        %dma_start3A_819 = tpu.memref_squeeze %dma_start3A_818 : memref<1x1x128xi32, #tpu.memory_space<vmem>> -> memref<128xi32, #tpu.memory_space<vmem>>
        %dma_start3A_820 = arith.constant 0 : i32
        %dma_start3A_821 = arith.constant 0 : i32
        %dma_start3A_822 = tpu.memref_slice %arg11[%dma_start3A_820, %dma_start3A_821] : memref<5248x128xf32, #tpu.memory_space<vmem_shared>> -> memref<5248x128xf32, #tpu.memory_space<vmem_shared>>
        tpu.enqueue_indirect_dma source(%dma_start3A_816 : memref<128x128xf32, #tpu.memory_space<vmem>>) target(%dma_start3A_822 : memref<5248x128xf32, #tpu.memory_space<vmem_shared>>) offsets(%dma_start3A_819 : memref<128xi32, #tpu.memory_space<vmem>>) semaphore(%arg15 : memref<!tpu.dma_semaphore, #tpu.memory_space<semaphore_mem>>) {add = true}
      } else {
      }
    }
    %ge3A = arith.constant 1 : i32
    %ge3A_120 = arith.cmpi sge, %select_n3A, %ge3A : i32
    %sub3A_121 = arith.constant 1 : i32
    %sub3A_122 = arith.subi %select_n3A, %sub3A_121 : i32
    %rem3A_123 = arith.constant 2 : i32
    %rem3A_124 = arith.remsi %sub3A_122, %rem3A_123 : i32
    %eq3A = arith.constant 0 : i32
    %eq3A_125 = arith.cmpi eq, %rem3A_124, %eq3A : i32
    %and3A_126 = arith.andi %ge3A_120, %eq3A_125 : i1
    %or3A = arith.constant false
    %or3A_127 = arith.ori %or3A, %and3A_126 : i1
    %convert_element_type3A_128 = arith.extui %or3A_127 : i1 to i32
    %cond3A_129 = arith.constant 0 : i32
    %cond3A_130 = arith.cmpi ne, %convert_element_type3A_128, %cond3A_129 : i32
    scf.if %cond3A_130 {
      %dma_wait3A = arith.constant 0 : i32
      %dma_wait3A_205 = arith.constant 0 : i32
      %dma_wait3A_206 = arith.constant 0 : i32
      %dma_wait3A_207 = arith.constant 0 : i32
      %dma_wait3A_208 = arith.constant 0 : i32
      %dma_wait3A_209 = tpu.memref_slice %arg6[%dma_wait3A, %dma_wait3A_207, %dma_wait3A_208] : memref<2x256x128xf32, #tpu.memory_space<vmem>> -> memref<1x256x128xf32, #tpu.memory_space<vmem>>
      %dma_wait3A_210 = tpu.memref_squeeze %dma_wait3A_209 : memref<1x256x128xf32, #tpu.memory_space<vmem>> -> memref<256x128xf32, #tpu.memory_space<vmem>>
      %dma_wait3A_211 = arith.constant 0 : i32
      %dma_wait3A_212 = arith.constant 0 : i32
      %dma_wait3A_213 = tpu.memref_slice %dma_wait3A_210[%dma_wait3A_211, %dma_wait3A_212] : memref<256x128xf32, #tpu.memory_space<vmem>> -> memref<128x128xf32, #tpu.memory_space<vmem>>
      %dma_wait3A_214 = arith.constant 0 : i32
      %dma_wait3A_215 = tpu.memref_slice %arg8[%dma_wait3A_205, %dma_wait3A_206, %dma_wait3A_214] : memref<2x2x128xi32, #tpu.memory_space<vmem>> -> memref<1x1x128xi32, #tpu.memory_space<vmem>>
      %dma_wait3A_216 = tpu.memref_squeeze %dma_wait3A_215 : memref<1x1x128xi32, #tpu.memory_space<vmem>> -> memref<128xi32, #tpu.memory_space<vmem>>
      %dma_wait3A_217 = arith.constant 0 : i32
      %dma_wait3A_218 = arith.constant 0 : i32
      %dma_wait3A_219 = tpu.memref_slice %arg11[%dma_wait3A_217, %dma_wait3A_218] : memref<5248x128xf32, #tpu.memory_space<vmem_shared>> -> memref<5248x128xf32, #tpu.memory_space<vmem_shared>>
      tpu.wait_indirect_dma semaphore(%arg14 : memref<!tpu.dma_semaphore, #tpu.memory_space<semaphore_mem>>) src(%dma_wait3A_213 : memref<128x128xf32, #tpu.memory_space<vmem>>) dst(%dma_wait3A_219 : memref<5248x128xf32, #tpu.memory_space<vmem_shared>>)
      %dma_wait3A_220 = arith.constant 0 : i32
      %dma_wait3A_221 = arith.constant 0 : i32
      %dma_wait3A_222 = arith.constant 1 : i32
      %dma_wait3A_223 = arith.constant 0 : i32
      %dma_wait3A_224 = arith.constant 0 : i32
      %dma_wait3A_225 = tpu.memref_slice %arg6[%dma_wait3A_220, %dma_wait3A_223, %dma_wait3A_224] : memref<2x256x128xf32, #tpu.memory_space<vmem>> -> memref<1x256x128xf32, #tpu.memory_space<vmem>>
      %dma_wait3A_226 = tpu.memref_squeeze %dma_wait3A_225 : memref<1x256x128xf32, #tpu.memory_space<vmem>> -> memref<256x128xf32, #tpu.memory_space<vmem>>
      %dma_wait3A_227 = arith.constant 128 : i32
      %dma_wait3A_228 = arith.constant 0 : i32
      %dma_wait3A_229 = tpu.memref_slice %dma_wait3A_226[%dma_wait3A_227, %dma_wait3A_228] : memref<256x128xf32, #tpu.memory_space<vmem>> -> memref<128x128xf32, #tpu.memory_space<vmem>>
      %dma_wait3A_230 = arith.constant 0 : i32
      %dma_wait3A_231 = tpu.memref_slice %arg8[%dma_wait3A_221, %dma_wait3A_222, %dma_wait3A_230] : memref<2x2x128xi32, #tpu.memory_space<vmem>> -> memref<1x1x128xi32, #tpu.memory_space<vmem>>
      %dma_wait3A_232 = tpu.memref_squeeze %dma_wait3A_231 : memref<1x1x128xi32, #tpu.memory_space<vmem>> -> memref<128xi32, #tpu.memory_space<vmem>>
      %dma_wait3A_233 = arith.constant 0 : i32
      %dma_wait3A_234 = arith.constant 0 : i32
      %dma_wait3A_235 = tpu.memref_slice %arg11[%dma_wait3A_233, %dma_wait3A_234] : memref<5248x128xf32, #tpu.memory_space<vmem_shared>> -> memref<5248x128xf32, #tpu.memory_space<vmem_shared>>
      tpu.wait_indirect_dma semaphore(%arg14 : memref<!tpu.dma_semaphore, #tpu.memory_space<semaphore_mem>>) src(%dma_wait3A_229 : memref<128x128xf32, #tpu.memory_space<vmem>>) dst(%dma_wait3A_235 : memref<5248x128xf32, #tpu.memory_space<vmem_shared>>)
    } else {
    }
    %ge3A_131 = arith.constant 1 : i32
    %ge3A_132 = arith.cmpi sge, %select_n3A, %ge3A_131 : i32
    %sub3A_133 = arith.constant 1 : i32
    %sub3A_134 = arith.subi %select_n3A, %sub3A_133 : i32
    %rem3A_135 = arith.constant 2 : i32
    %rem3A_136 = arith.remsi %sub3A_134, %rem3A_135 : i32
    %eq3A_137 = arith.constant 1 : i32
    %eq3A_138 = arith.cmpi eq, %rem3A_136, %eq3A_137 : i32
    %and3A_139 = arith.andi %ge3A_132, %eq3A_138 : i1
    %or3A_140 = arith.constant false
    %or3A_141 = arith.ori %or3A_140, %and3A_139 : i1
    %convert_element_type3A_142 = arith.extui %or3A_141 : i1 to i32
    %cond3A_143 = arith.constant 0 : i32
    %cond3A_144 = arith.cmpi ne, %convert_element_type3A_142, %cond3A_143 : i32
    scf.if %cond3A_144 {
      %dma_wait3A = arith.constant 1 : i32
      %dma_wait3A_205 = arith.constant 1 : i32
      %dma_wait3A_206 = arith.constant 0 : i32
      %dma_wait3A_207 = arith.constant 0 : i32
      %dma_wait3A_208 = arith.constant 0 : i32
      %dma_wait3A_209 = tpu.memref_slice %arg6[%dma_wait3A, %dma_wait3A_207, %dma_wait3A_208] : memref<2x256x128xf32, #tpu.memory_space<vmem>> -> memref<1x256x128xf32, #tpu.memory_space<vmem>>
      %dma_wait3A_210 = tpu.memref_squeeze %dma_wait3A_209 : memref<1x256x128xf32, #tpu.memory_space<vmem>> -> memref<256x128xf32, #tpu.memory_space<vmem>>
      %dma_wait3A_211 = arith.constant 0 : i32
      %dma_wait3A_212 = arith.constant 0 : i32
      %dma_wait3A_213 = tpu.memref_slice %dma_wait3A_210[%dma_wait3A_211, %dma_wait3A_212] : memref<256x128xf32, #tpu.memory_space<vmem>> -> memref<128x128xf32, #tpu.memory_space<vmem>>
      %dma_wait3A_214 = arith.constant 0 : i32
      %dma_wait3A_215 = tpu.memref_slice %arg8[%dma_wait3A_205, %dma_wait3A_206, %dma_wait3A_214] : memref<2x2x128xi32, #tpu.memory_space<vmem>> -> memref<1x1x128xi32, #tpu.memory_space<vmem>>
      %dma_wait3A_216 = tpu.memref_squeeze %dma_wait3A_215 : memref<1x1x128xi32, #tpu.memory_space<vmem>> -> memref<128xi32, #tpu.memory_space<vmem>>
      %dma_wait3A_217 = arith.constant 0 : i32
      %dma_wait3A_218 = arith.constant 0 : i32
      %dma_wait3A_219 = tpu.memref_slice %arg11[%dma_wait3A_217, %dma_wait3A_218] : memref<5248x128xf32, #tpu.memory_space<vmem_shared>> -> memref<5248x128xf32, #tpu.memory_space<vmem_shared>>
      tpu.wait_indirect_dma semaphore(%arg15 : memref<!tpu.dma_semaphore, #tpu.memory_space<semaphore_mem>>) src(%dma_wait3A_213 : memref<128x128xf32, #tpu.memory_space<vmem>>) dst(%dma_wait3A_219 : memref<5248x128xf32, #tpu.memory_space<vmem_shared>>)
      %dma_wait3A_220 = arith.constant 1 : i32
      %dma_wait3A_221 = arith.constant 1 : i32
      %dma_wait3A_222 = arith.constant 1 : i32
      %dma_wait3A_223 = arith.constant 0 : i32
      %dma_wait3A_224 = arith.constant 0 : i32
      %dma_wait3A_225 = tpu.memref_slice %arg6[%dma_wait3A_220, %dma_wait3A_223, %dma_wait3A_224] : memref<2x256x128xf32, #tpu.memory_space<vmem>> -> memref<1x256x128xf32, #tpu.memory_space<vmem>>
      %dma_wait3A_226 = tpu.memref_squeeze %dma_wait3A_225 : memref<1x256x128xf32, #tpu.memory_space<vmem>> -> memref<256x128xf32, #tpu.memory_space<vmem>>
      %dma_wait3A_227 = arith.constant 128 : i32
      %dma_wait3A_228 = arith.constant 0 : i32
      %dma_wait3A_229 = tpu.memref_slice %dma_wait3A_226[%dma_wait3A_227, %dma_wait3A_228] : memref<256x128xf32, #tpu.memory_space<vmem>> -> memref<128x128xf32, #tpu.memory_space<vmem>>
      %dma_wait3A_230 = arith.constant 0 : i32
      %dma_wait3A_231 = tpu.memref_slice %arg8[%dma_wait3A_221, %dma_wait3A_222, %dma_wait3A_230] : memref<2x2x128xi32, #tpu.memory_space<vmem>> -> memref<1x1x128xi32, #tpu.memory_space<vmem>>
      %dma_wait3A_232 = tpu.memref_squeeze %dma_wait3A_231 : memref<1x1x128xi32, #tpu.memory_space<vmem>> -> memref<128xi32, #tpu.memory_space<vmem>>
      %dma_wait3A_233 = arith.constant 0 : i32
      %dma_wait3A_234 = arith.constant 0 : i32
      %dma_wait3A_235 = tpu.memref_slice %arg11[%dma_wait3A_233, %dma_wait3A_234] : memref<5248x128xf32, #tpu.memory_space<vmem_shared>> -> memref<5248x128xf32, #tpu.memory_space<vmem_shared>>
      tpu.wait_indirect_dma semaphore(%arg15 : memref<!tpu.dma_semaphore, #tpu.memory_space<semaphore_mem>>) src(%dma_wait3A_229 : memref<128x128xf32, #tpu.memory_space<vmem>>) dst(%dma_wait3A_235 : memref<5248x128xf32, #tpu.memory_space<vmem_shared>>)
    } else {
    }
    %add3A_145 = arith.constant 0 : i32
    %add3A_146 = arith.addi %mul3A_4, %add3A_145 : i32
    %run_scoped3A_147 = arith.constant 0 : i32
    "tpu.region"() ({
      %run_scoped3A_205 = tpu.sem_alloc : memref<!tpu.dma_semaphore, #tpu.memory_space<semaphore_mem>>
      %dma_start3A = arith.constant 0 : i32
      %dma_start3A_206 = arith.constant 0 : i32
      %dma_start3A_207 = tpu.memref_slice %arg6[%run_scoped3A_147, %dma_start3A, %dma_start3A_206] : memref<2x256x128xf32, #tpu.memory_space<vmem>> -> memref<1x256x128xf32, #tpu.memory_space<vmem>>
      %dma_start3A_208 = tpu.memref_squeeze %dma_start3A_207 : memref<1x256x128xf32, #tpu.memory_space<vmem>> -> memref<256x128xf32, #tpu.memory_space<vmem>>
      %dma_start3A_209 = arith.constant 0 : i32
      %dma_start3A_210 = arith.constant 0 : i32
      %dma_start3A_211 = tpu.memref_slice %dma_start3A_208[%dma_start3A_209, %dma_start3A_210] : memref<256x128xf32, #tpu.memory_space<vmem>> -> memref<64x128xf32, #tpu.memory_space<vmem>>
      %dma_start3A_212 = arith.constant 0 : i32
      %dma_start3A_213 = tpu.memref_slice %arg11[%add3A_146, %dma_start3A_212] : memref<5248x128xf32, #tpu.memory_space<vmem_shared>> -> memref<64x128xf32, #tpu.memory_space<vmem_shared>>
      %dma_start3A_214 = arith.constant 0 : i32
      %dma_start3A_215 = arith.constant 0 : i32
      %dma_start3A_216 = tpu.memref_slice %arg6[%run_scoped3A_147, %dma_start3A_214, %dma_start3A_215] : memref<2x256x128xf32, #tpu.memory_space<vmem>> -> memref<1x256x128xf32, #tpu.memory_space<vmem>>
      %dma_start3A_217 = tpu.memref_squeeze %dma_start3A_216 : memref<1x256x128xf32, #tpu.memory_space<vmem>> -> memref<256x128xf32, #tpu.memory_space<vmem>>
      %dma_start3A_218 = arith.constant 0 : i32
      %dma_start3A_219 = arith.constant 0 : i32
      %dma_start3A_220 = tpu.memref_slice %dma_start3A_217[%dma_start3A_218, %dma_start3A_219] : memref<256x128xf32, #tpu.memory_space<vmem>> -> memref<64x128xf32, #tpu.memory_space<vmem>>
      %dma_start3A_221 = arith.constant 0 : i32
      %dma_start3A_222 = tpu.memref_slice %arg11[%add3A_146, %dma_start3A_221] : memref<5248x128xf32, #tpu.memory_space<vmem_shared>> -> memref<64x128xf32, #tpu.memory_space<vmem_shared>>
      tpu.enqueue_dma source(%dma_start3A_222 : memref<64x128xf32, #tpu.memory_space<vmem_shared>>) target(%dma_start3A_220 : memref<64x128xf32, #tpu.memory_space<vmem>>) target_semaphore(%run_scoped3A_205 : memref<!tpu.dma_semaphore, #tpu.memory_space<semaphore_mem>>)
      %dma_wait3A = arith.constant 0 : i32
      %dma_wait3A_223 = arith.constant 0 : i32
      %dma_wait3A_224 = tpu.memref_slice %arg6[%run_scoped3A_147, %dma_wait3A, %dma_wait3A_223] : memref<2x256x128xf32, #tpu.memory_space<vmem>> -> memref<1x256x128xf32, #tpu.memory_space<vmem>>
      %dma_wait3A_225 = tpu.memref_squeeze %dma_wait3A_224 : memref<1x256x128xf32, #tpu.memory_space<vmem>> -> memref<256x128xf32, #tpu.memory_space<vmem>>
      %dma_wait3A_226 = arith.constant 0 : i32
      %dma_wait3A_227 = arith.constant 0 : i32
      %dma_wait3A_228 = tpu.memref_slice %dma_wait3A_225[%dma_wait3A_226, %dma_wait3A_227] : memref<256x128xf32, #tpu.memory_space<vmem>> -> memref<64x128xf32, #tpu.memory_space<vmem>>
      %dma_wait3A_229 = arith.constant 0 : i32
      %dma_wait3A_230 = tpu.memref_slice %arg11[%add3A_146, %dma_wait3A_229] : memref<5248x128xf32, #tpu.memory_space<vmem_shared>> -> memref<64x128xf32, #tpu.memory_space<vmem_shared>>
      %dma_wait3A_231 = arith.constant 0 : i32
      %dma_wait3A_232 = arith.constant 0 : i32
      %dma_wait3A_233 = tpu.memref_slice %arg6[%run_scoped3A_147, %dma_wait3A_231, %dma_wait3A_232] : memref<2x256x128xf32, #tpu.memory_space<vmem>> -> memref<1x256x128xf32, #tpu.memory_space<vmem>>
      %dma_wait3A_234 = tpu.memref_squeeze %dma_wait3A_233 : memref<1x256x128xf32, #tpu.memory_space<vmem>> -> memref<256x128xf32, #tpu.memory_space<vmem>>
      %dma_wait3A_235 = arith.constant 0 : i32
      %dma_wait3A_236 = arith.constant 0 : i32
      %dma_wait3A_237 = tpu.memref_slice %dma_wait3A_234[%dma_wait3A_235, %dma_wait3A_236] : memref<256x128xf32, #tpu.memory_space<vmem>> -> memref<64x128xf32, #tpu.memory_space<vmem>>
      %dma_wait3A_238 = arith.constant 0 : i32
      %dma_wait3A_239 = tpu.memref_slice %arg11[%add3A_146, %dma_wait3A_238] : memref<5248x128xf32, #tpu.memory_space<vmem_shared>> -> memref<64x128xf32, #tpu.memory_space<vmem_shared>>
      tpu.wait_dma2 semaphore(%run_scoped3A_205 : memref<!tpu.dma_semaphore, #tpu.memory_space<semaphore_mem>>) src(%dma_wait3A_239 : memref<64x128xf32, #tpu.memory_space<vmem_shared>>) dst(%dma_wait3A_237 : memref<64x128xf32, #tpu.memory_space<vmem>>)
      tpu.yield
    }) : () -> ()
    %scan3A_148 = arith.constant 0 : i32
    %scan3A_149 = arith.constant 0 : i32
    %scan3A_150 = arith.constant 64 : i32
    %scan3A_151 = arith.addi %scan3A_149, %scan3A_150 : i32
    %scan3A_152 = arith.constant 1 : i32
    scf.for %scan3A_205 = %scan3A_149 to %scan3A_151 step %scan3A_152  : i32 {
      %add3A_206 = arith.constant 0 : i32
      %add3A_207 = arith.addi %add3A_206, %scan3A_205 : i32
      %get3A_208 = arith.index_cast %add3A_207 : i32 to index
      %get3A_209 = tpu.vector_load %arg9[%get3A_208] {strides = array<i32>} : memref<336xf32, #tpu.memory_space<vmem>>, vector<16xf32>,
      %broadcast_in_dim3A_210 = arith.constant 1.000000e+00 : f32
      %broadcast_in_dim3A_211 = vector.broadcast %broadcast_in_dim3A_210 : f32 to vector<16xf32>
      %max3A = arith.constant 1.000000e+00 : f32
      %max3A_212 = vector.broadcast %max3A : f32 to vector<16xf32>
      %max3A_213 = arith.maximumf %get3A_209, %max3A_212 : vector<16xf32>
      %div3A_214 = arith.divf %broadcast_in_dim3A_211, %max3A_213 : vector<16xf32>
      %slice3A_215 = vector.extract_strided_slice %div3A_214 {offsets = [0], sizes = [1], strides = [1]} : vector<16xf32> to vector<1xf32>
      %squeeze3A_216 = vector.extract %slice3A_215[0] : f32 from vector<1xf32>
      %get3A_217 = arith.constant 0 : i32
      %get3A_218 = arith.index_cast %get3A_217 : i32 to index
      %get3A_219 = arith.index_cast %scan3A_205 : i32 to index
      %get3A_220 = arith.constant 0 : index
      %get3A_221 = tpu.vector_load %arg6[%get3A_218, %get3A_219, %get3A_220] {strides = array<i32>} : memref<2x256x128xf32, #tpu.memory_space<vmem>>, vector<16xf32>,
      %mul3A_222 = vector.broadcast %squeeze3A_216 : f32 to vector<16xf32>
      %mul3A_223 = arith.mulf %get3A_221, %mul3A_222 : vector<16xf32>
      %swap3A_224 = arith.constant 0 : i32
      %swap3A_225 = arith.index_cast %swap3A_224 : i32 to index
      %swap3A_226 = arith.index_cast %scan3A_205 : i32 to index
      %swap3A_227 = arith.constant 0 : index
      %swap3A_228 = tpu.vector_load %arg6[%swap3A_225, %swap3A_226, %swap3A_227] {strides = array<i32>} : memref<2x256x128xf32, #tpu.memory_space<vmem>>, vector<16xf32>,
      tpu.vector_store %arg6[%swap3A_225, %swap3A_226, %swap3A_227], %mul3A_223 {strides = array<i32>} : memref<2x256x128xf32, #tpu.memory_space<vmem>>, vector<16xf32>,
      %get3A_229 = arith.constant 0 : i32
      %get3A_230 = arith.index_cast %get3A_229 : i32 to index
      %get3A_231 = arith.index_cast %scan3A_205 : i32 to index
      %get3A_232 = arith.constant 16 : index
      %get3A_233 = tpu.vector_load %arg6[%get3A_230, %get3A_231, %get3A_232] {strides = array<i32>} : memref<2x256x128xf32, #tpu.memory_space<vmem>>, vector<16xf32>,
      %mul3A_234 = vector.broadcast %squeeze3A_216 : f32 to vector<16xf32>
      %mul3A_235 = arith.mulf %get3A_233, %mul3A_234 : vector<16xf32>
      %swap3A_236 = arith.constant 0 : i32
      %swap3A_237 = arith.index_cast %swap3A_236 : i32 to index
      %swap3A_238 = arith.index_cast %scan3A_205 : i32 to index
      %swap3A_239 = arith.constant 16 : index
      %swap3A_240 = tpu.vector_load %arg6[%swap3A_237, %swap3A_238, %swap3A_239] {strides = array<i32>} : memref<2x256x128xf32, #tpu.memory_space<vmem>>, vector<16xf32>,
      tpu.vector_store %arg6[%swap3A_237, %swap3A_238, %swap3A_239], %mul3A_235 {strides = array<i32>} : memref<2x256x128xf32, #tpu.memory_space<vmem>>, vector<16xf32>,
      %get3A_241 = arith.constant 0 : i32
      %get3A_242 = arith.index_cast %get3A_241 : i32 to index
      %get3A_243 = arith.index_cast %scan3A_205 : i32 to index
      %get3A_244 = arith.constant 32 : index
      %get3A_245 = tpu.vector_load %arg6[%get3A_242, %get3A_243, %get3A_244] {strides = array<i32>} : memref<2x256x128xf32, #tpu.memory_space<vmem>>, vector<16xf32>,
      %mul3A_246 = vector.broadcast %squeeze3A_216 : f32 to vector<16xf32>
      %mul3A_247 = arith.mulf %get3A_245, %mul3A_246 : vector<16xf32>
      %swap3A_248 = arith.constant 0 : i32
      %swap3A_249 = arith.index_cast %swap3A_248 : i32 to index
      %swap3A_250 = arith.index_cast %scan3A_205 : i32 to index
      %swap3A_251 = arith.constant 32 : index
      %swap3A_252 = tpu.vector_load %arg6[%swap3A_249, %swap3A_250, %swap3A_251] {strides = array<i32>} : memref<2x256x128xf32, #tpu.memory_space<vmem>>, vector<16xf32>,
      tpu.vector_store %arg6[%swap3A_249, %swap3A_250, %swap3A_251], %mul3A_247 {strides = array<i32>} : memref<2x256x128xf32, #tpu.memory_space<vmem>>, vector<16xf32>,
      %get3A_253 = arith.constant 0 : i32
      %get3A_254 = arith.index_cast %get3A_253 : i32 to index
      %get3A_255 = arith.index_cast %scan3A_205 : i32 to index
      %get3A_256 = arith.constant 48 : index
      %get3A_257 = tpu.vector_load %arg6[%get3A_254, %get3A_255, %get3A_256] {strides = array<i32>} : memref<2x256x128xf32, #tpu.memory_space<vmem>>, vector<16xf32>,
      %mul3A_258 = vector.broadcast %squeeze3A_216 : f32 to vector<16xf32>
      %mul3A_259 = arith.mulf %get3A_257, %mul3A_258 : vector<16xf32>
      %swap3A_260 = arith.constant 0 : i32
      %swap3A_261 = arith.index_cast %swap3A_260 : i32 to index
      %swap3A_262 = arith.index_cast %scan3A_205 : i32 to index
      %swap3A_263 = arith.constant 48 : index
      %swap3A_264 = tpu.vector_load %arg6[%swap3A_261, %swap3A_262, %swap3A_263] {strides = array<i32>} : memref<2x256x128xf32, #tpu.memory_space<vmem>>, vector<16xf32>,
      tpu.vector_store %arg6[%swap3A_261, %swap3A_262, %swap3A_263], %mul3A_259 {strides = array<i32>} : memref<2x256x128xf32, #tpu.memory_space<vmem>>, vector<16xf32>,
      %get3A_265 = arith.constant 0 : i32
      %get3A_266 = arith.index_cast %get3A_265 : i32 to index
      %get3A_267 = arith.index_cast %scan3A_205 : i32 to index
      %get3A_268 = arith.constant 64 : index
      %get3A_269 = tpu.vector_load %arg6[%get3A_266, %get3A_267, %get3A_268] {strides = array<i32>} : memref<2x256x128xf32, #tpu.memory_space<vmem>>, vector<16xf32>,
      %mul3A_270 = vector.broadcast %squeeze3A_216 : f32 to vector<16xf32>
      %mul3A_271 = arith.mulf %get3A_269, %mul3A_270 : vector<16xf32>
      %swap3A_272 = arith.constant 0 : i32
      %swap3A_273 = arith.index_cast %swap3A_272 : i32 to index
      %swap3A_274 = arith.index_cast %scan3A_205 : i32 to index
      %swap3A_275 = arith.constant 64 : index
      %swap3A_276 = tpu.vector_load %arg6[%swap3A_273, %swap3A_274, %swap3A_275] {strides = array<i32>} : memref<2x256x128xf32, #tpu.memory_space<vmem>>, vector<16xf32>,
      tpu.vector_store %arg6[%swap3A_273, %swap3A_274, %swap3A_275], %mul3A_271 {strides = array<i32>} : memref<2x256x128xf32, #tpu.memory_space<vmem>>, vector<16xf32>,
      %get3A_277 = arith.constant 0 : i32
      %get3A_278 = arith.index_cast %get3A_277 : i32 to index
      %get3A_279 = arith.index_cast %scan3A_205 : i32 to index
      %get3A_280 = arith.constant 80 : index
      %get3A_281 = tpu.vector_load %arg6[%get3A_278, %get3A_279, %get3A_280] {strides = array<i32>} : memref<2x256x128xf32, #tpu.memory_space<vmem>>, vector<16xf32>,
      %mul3A_282 = vector.broadcast %squeeze3A_216 : f32 to vector<16xf32>
      %mul3A_283 = arith.mulf %get3A_281, %mul3A_282 : vector<16xf32>
      %swap3A_284 = arith.constant 0 : i32
      %swap3A_285 = arith.index_cast %swap3A_284 : i32 to index
      %swap3A_286 = arith.index_cast %scan3A_205 : i32 to index
      %swap3A_287 = arith.constant 80 : index
      %swap3A_288 = tpu.vector_load %arg6[%swap3A_285, %swap3A_286, %swap3A_287] {strides = array<i32>} : memref<2x256x128xf32, #tpu.memory_space<vmem>>, vector<16xf32>,
      tpu.vector_store %arg6[%swap3A_285, %swap3A_286, %swap3A_287], %mul3A_283 {strides = array<i32>} : memref<2x256x128xf32, #tpu.memory_space<vmem>>, vector<16xf32>,
      %get3A_289 = arith.constant 0 : i32
      %get3A_290 = arith.index_cast %get3A_289 : i32 to index
      %get3A_291 = arith.index_cast %scan3A_205 : i32 to index
      %get3A_292 = arith.constant 96 : index
      %get3A_293 = tpu.vector_load %arg6[%get3A_290, %get3A_291, %get3A_292] {strides = array<i32>} : memref<2x256x128xf32, #tpu.memory_space<vmem>>, vector<16xf32>,
      %mul3A_294 = vector.broadcast %squeeze3A_216 : f32 to vector<16xf32>
      %mul3A_295 = arith.mulf %get3A_293, %mul3A_294 : vector<16xf32>
      %swap3A_296 = arith.constant 0 : i32
      %swap3A_297 = arith.index_cast %swap3A_296 : i32 to index
      %swap3A_298 = arith.index_cast %scan3A_205 : i32 to index
      %swap3A_299 = arith.constant 96 : index
      %swap3A_300 = tpu.vector_load %arg6[%swap3A_297, %swap3A_298, %swap3A_299] {strides = array<i32>} : memref<2x256x128xf32, #tpu.memory_space<vmem>>, vector<16xf32>,
      tpu.vector_store %arg6[%swap3A_297, %swap3A_298, %swap3A_299], %mul3A_295 {strides = array<i32>} : memref<2x256x128xf32, #tpu.memory_space<vmem>>, vector<16xf32>,
      %get3A_301 = arith.constant 0 : i32
      %get3A_302 = arith.index_cast %get3A_301 : i32 to index
      %get3A_303 = arith.index_cast %scan3A_205 : i32 to index
      %get3A_304 = arith.constant 112 : index
      %get3A_305 = tpu.vector_load %arg6[%get3A_302, %get3A_303, %get3A_304] {strides = array<i32>} : memref<2x256x128xf32, #tpu.memory_space<vmem>>, vector<16xf32>,
      %mul3A_306 = vector.broadcast %squeeze3A_216 : f32 to vector<16xf32>
      %mul3A_307 = arith.mulf %get3A_305, %mul3A_306 : vector<16xf32>
      %swap3A_308 = arith.constant 0 : i32
      %swap3A_309 = arith.index_cast %swap3A_308 : i32 to index
      %swap3A_310 = arith.index_cast %scan3A_205 : i32 to index
      %swap3A_311 = arith.constant 112 : index
      %swap3A_312 = tpu.vector_load %arg6[%swap3A_309, %swap3A_310, %swap3A_311] {strides = array<i32>} : memref<2x256x128xf32, #tpu.memory_space<vmem>>, vector<16xf32>,
      tpu.vector_store %arg6[%swap3A_309, %swap3A_310, %swap3A_311], %mul3A_307 {strides = array<i32>} : memref<2x256x128xf32, #tpu.memory_space<vmem>>, vector<16xf32>,
    }
    %scan3A_153 = arith.constant 64 : i32
    %add3A_154 = arith.constant 0 : i32
    %add3A_155 = arith.addi %mul3A_2, %add3A_154 : i32
    %run_scoped3A_156 = arith.constant 0 : i32
    "tpu.region"() ({
      %run_scoped3A_205 = tpu.sem_alloc : memref<!tpu.dma_semaphore, #tpu.memory_space<semaphore_mem>>
      %dma_start3A = arith.constant 0 : i32
      %dma_start3A_206 = arith.constant 0 : i32
      %dma_start3A_207 = tpu.memref_slice %arg6[%run_scoped3A_156, %dma_start3A, %dma_start3A_206] : memref<2x256x128xf32, #tpu.memory_space<vmem>> -> memref<1x256x128xf32, #tpu.memory_space<vmem>>
      %dma_start3A_208 = tpu.memref_squeeze %dma_start3A_207 : memref<1x256x128xf32, #tpu.memory_space<vmem>> -> memref<256x128xf32, #tpu.memory_space<vmem>>
      %dma_start3A_209 = arith.constant 0 : i32
      %dma_start3A_210 = arith.constant 0 : i32
      %dma_start3A_211 = tpu.memref_slice %dma_start3A_208[%dma_start3A_209, %dma_start3A_210] : memref<256x128xf32, #tpu.memory_space<vmem>> -> memref<64x128xf32, #tpu.memory_space<vmem>>
      %dma_start3A_212 = arith.constant 0 : i32
      %dma_start3A_213 = tpu.memref_slice %arg5[%add3A_155, %dma_start3A_212] : memref<10240x128xf32, #tpu.memory_space<hbm>> -> memref<64x128xf32, #tpu.memory_space<hbm>>
      %dma_start3A_214 = arith.constant 0 : i32
      %dma_start3A_215 = tpu.memref_slice %arg5[%add3A_155, %dma_start3A_214] : memref<10240x128xf32, #tpu.memory_space<hbm>> -> memref<64x128xf32, #tpu.memory_space<hbm>>
      %dma_start3A_216 = arith.constant 0 : i32
      %dma_start3A_217 = arith.constant 0 : i32
      %dma_start3A_218 = tpu.memref_slice %arg6[%run_scoped3A_156, %dma_start3A_216, %dma_start3A_217] : memref<2x256x128xf32, #tpu.memory_space<vmem>> -> memref<1x256x128xf32, #tpu.memory_space<vmem>>
      %dma_start3A_219 = tpu.memref_squeeze %dma_start3A_218 : memref<1x256x128xf32, #tpu.memory_space<vmem>> -> memref<256x128xf32, #tpu.memory_space<vmem>>
      %dma_start3A_220 = arith.constant 0 : i32
      %dma_start3A_221 = arith.constant 0 : i32
      %dma_start3A_222 = tpu.memref_slice %dma_start3A_219[%dma_start3A_220, %dma_start3A_221] : memref<256x128xf32, #tpu.memory_space<vmem>> -> memref<64x128xf32, #tpu.memory_space<vmem>>
      tpu.enqueue_dma source(%dma_start3A_222 : memref<64x128xf32, #tpu.memory_space<vmem>>) target(%dma_start3A_215 : memref<64x128xf32, #tpu.memory_space<hbm>>) target_semaphore(%run_scoped3A_205 : memref<!tpu.dma_semaphore, #tpu.memory_space<semaphore_mem>>)
      %dma_wait3A = arith.constant 0 : i32
      %dma_wait3A_223 = arith.constant 0 : i32
      %dma_wait3A_224 = tpu.memref_slice %arg6[%run_scoped3A_156, %dma_wait3A, %dma_wait3A_223] : memref<2x256x128xf32, #tpu.memory_space<vmem>> -> memref<1x256x128xf32, #tpu.memory_space<vmem>>
      %dma_wait3A_225 = tpu.memref_squeeze %dma_wait3A_224 : memref<1x256x128xf32, #tpu.memory_space<vmem>> -> memref<256x128xf32, #tpu.memory_space<vmem>>
      %dma_wait3A_226 = arith.constant 0 : i32
      %dma_wait3A_227 = arith.constant 0 : i32
      %dma_wait3A_228 = tpu.memref_slice %dma_wait3A_225[%dma_wait3A_226, %dma_wait3A_227] : memref<256x128xf32, #tpu.memory_space<vmem>> -> memref<64x128xf32, #tpu.memory_space<vmem>>
      %dma_wait3A_229 = arith.constant 0 : i32
      %dma_wait3A_230 = tpu.memref_slice %arg5[%add3A_155, %dma_wait3A_229] : memref<10240x128xf32, #tpu.memory_space<hbm>> -> memref<64x128xf32, #tpu.memory_space<hbm>>
      %dma_wait3A_231 = arith.constant 0 : i32
      %dma_wait3A_232 = tpu.memref_slice %arg5[%add3A_155, %dma_wait3A_231] : memref<10240x128xf32, #tpu.memory_space<hbm>> -> memref<64x128xf32, #tpu.memory_space<hbm>>
      %dma_wait3A_233 = arith.constant 0 : i32
      %dma_wait3A_234 = arith.constant 0 : i32
      %dma_wait3A_235 = tpu.memref_slice %arg6[%run_scoped3A_156, %dma_wait3A_233, %dma_wait3A_234] : memref<2x256x128xf32, #tpu.memory_space<vmem>> -> memref<1x256x128xf32, #tpu.memory_space<vmem>>
      %dma_wait3A_236 = tpu.memref_squeeze %dma_wait3A_235 : memref<1x256x128xf32, #tpu.memory_space<vmem>> -> memref<256x128xf32, #tpu.memory_space<vmem>>
      %dma_wait3A_237 = arith.constant 0 : i32
      %dma_wait3A_238 = arith.constant 0 : i32
      %dma_wait3A_239 = tpu.memref_slice %dma_wait3A_236[%dma_wait3A_237, %dma_wait3A_238] : memref<256x128xf32, #tpu.memory_space<vmem>> -> memref<64x128xf32, #tpu.memory_space<vmem>>
      tpu.wait_dma2 semaphore(%run_scoped3A_205 : memref<!tpu.dma_semaphore, #tpu.memory_space<semaphore_mem>>) src(%dma_wait3A_239 : memref<64x128xf32, #tpu.memory_space<vmem>>) dst(%dma_wait3A_232 : memref<64x128xf32, #tpu.memory_space<hbm>>)
      tpu.yield
    }) : () -> ()
    %add3A_157 = arith.constant 64 : i32
    %add3A_158 = arith.addi %mul3A_4, %add3A_157 : i32
    %run_scoped3A_159 = arith.constant 0 : i32
    "tpu.region"() ({
      %run_scoped3A_205 = tpu.sem_alloc : memref<!tpu.dma_semaphore, #tpu.memory_space<semaphore_mem>>
      %dma_start3A = arith.constant 0 : i32
      %dma_start3A_206 = arith.constant 0 : i32
      %dma_start3A_207 = tpu.memref_slice %arg6[%run_scoped3A_159, %dma_start3A, %dma_start3A_206] : memref<2x256x128xf32, #tpu.memory_space<vmem>> -> memref<1x256x128xf32, #tpu.memory_space<vmem>>
      %dma_start3A_208 = tpu.memref_squeeze %dma_start3A_207 : memref<1x256x128xf32, #tpu.memory_space<vmem>> -> memref<256x128xf32, #tpu.memory_space<vmem>>
      %dma_start3A_209 = arith.constant 0 : i32
      %dma_start3A_210 = arith.constant 0 : i32
      %dma_start3A_211 = tpu.memref_slice %dma_start3A_208[%dma_start3A_209, %dma_start3A_210] : memref<256x128xf32, #tpu.memory_space<vmem>> -> memref<64x128xf32, #tpu.memory_space<vmem>>
      %dma_start3A_212 = arith.constant 0 : i32
      %dma_start3A_213 = tpu.memref_slice %arg11[%add3A_158, %dma_start3A_212] : memref<5248x128xf32, #tpu.memory_space<vmem_shared>> -> memref<64x128xf32, #tpu.memory_space<vmem_shared>>
      %dma_start3A_214 = arith.constant 0 : i32
      %dma_start3A_215 = arith.constant 0 : i32
      %dma_start3A_216 = tpu.memref_slice %arg6[%run_scoped3A_159, %dma_start3A_214, %dma_start3A_215] : memref<2x256x128xf32, #tpu.memory_space<vmem>> -> memref<1x256x128xf32, #tpu.memory_space<vmem>>
      %dma_start3A_217 = tpu.memref_squeeze %dma_start3A_216 : memref<1x256x128xf32, #tpu.memory_space<vmem>> -> memref<256x128xf32, #tpu.memory_space<vmem>>
      %dma_start3A_218 = arith.constant 0 : i32
      %dma_start3A_219 = arith.constant 0 : i32
      %dma_start3A_220 = tpu.memref_slice %dma_start3A_217[%dma_start3A_218, %dma_start3A_219] : memref<256x128xf32, #tpu.memory_space<vmem>> -> memref<64x128xf32, #tpu.memory_space<vmem>>
      %dma_start3A_221 = arith.constant 0 : i32
      %dma_start3A_222 = tpu.memref_slice %arg11[%add3A_158, %dma_start3A_221] : memref<5248x128xf32, #tpu.memory_space<vmem_shared>> -> memref<64x128xf32, #tpu.memory_space<vmem_shared>>
      tpu.enqueue_dma source(%dma_start3A_222 : memref<64x128xf32, #tpu.memory_space<vmem_shared>>) target(%dma_start3A_220 : memref<64x128xf32, #tpu.memory_space<vmem>>) target_semaphore(%run_scoped3A_205 : memref<!tpu.dma_semaphore, #tpu.memory_space<semaphore_mem>>)
      %dma_wait3A = arith.constant 0 : i32
      %dma_wait3A_223 = arith.constant 0 : i32
      %dma_wait3A_224 = tpu.memref_slice %arg6[%run_scoped3A_159, %dma_wait3A, %dma_wait3A_223] : memref<2x256x128xf32, #tpu.memory_space<vmem>> -> memref<1x256x128xf32, #tpu.memory_space<vmem>>
      %dma_wait3A_225 = tpu.memref_squeeze %dma_wait3A_224 : memref<1x256x128xf32, #tpu.memory_space<vmem>> -> memref<256x128xf32, #tpu.memory_space<vmem>>
      %dma_wait3A_226 = arith.constant 0 : i32
      %dma_wait3A_227 = arith.constant 0 : i32
      %dma_wait3A_228 = tpu.memref_slice %dma_wait3A_225[%dma_wait3A_226, %dma_wait3A_227] : memref<256x128xf32, #tpu.memory_space<vmem>> -> memref<64x128xf32, #tpu.memory_space<vmem>>
      %dma_wait3A_229 = arith.constant 0 : i32
      %dma_wait3A_230 = tpu.memref_slice %arg11[%add3A_158, %dma_wait3A_229] : memref<5248x128xf32, #tpu.memory_space<vmem_shared>> -> memref<64x128xf32, #tpu.memory_space<vmem_shared>>
      %dma_wait3A_231 = arith.constant 0 : i32
      %dma_wait3A_232 = arith.constant 0 : i32
      %dma_wait3A_233 = tpu.memref_slice %arg6[%run_scoped3A_159, %dma_wait3A_231, %dma_wait3A_232] : memref<2x256x128xf32, #tpu.memory_space<vmem>> -> memref<1x256x128xf32, #tpu.memory_space<vmem>>
      %dma_wait3A_234 = tpu.memref_squeeze %dma_wait3A_233 : memref<1x256x128xf32, #tpu.memory_space<vmem>> -> memref<256x128xf32, #tpu.memory_space<vmem>>
      %dma_wait3A_235 = arith.constant 0 : i32
      %dma_wait3A_236 = arith.constant 0 : i32
      %dma_wait3A_237 = tpu.memref_slice %dma_wait3A_234[%dma_wait3A_235, %dma_wait3A_236] : memref<256x128xf32, #tpu.memory_space<vmem>> -> memref<64x128xf32, #tpu.memory_space<vmem>>
      %dma_wait3A_238 = arith.constant 0 : i32
      %dma_wait3A_239 = tpu.memref_slice %arg11[%add3A_158, %dma_wait3A_238] : memref<5248x128xf32, #tpu.memory_space<vmem_shared>> -> memref<64x128xf32, #tpu.memory_space<vmem_shared>>
      tpu.wait_dma2 semaphore(%run_scoped3A_205 : memref<!tpu.dma_semaphore, #tpu.memory_space<semaphore_mem>>) src(%dma_wait3A_239 : memref<64x128xf32, #tpu.memory_space<vmem_shared>>) dst(%dma_wait3A_237 : memref<64x128xf32, #tpu.memory_space<vmem>>)
      tpu.yield
    }) : () -> ()
    %scan3A_160 = arith.constant 0 : i32
    %scan3A_161 = arith.constant 0 : i32
    %scan3A_162 = arith.constant 64 : i32
    %scan3A_163 = arith.addi %scan3A_161, %scan3A_162 : i32
    %scan3A_164 = arith.constant 1 : i32
    scf.for %scan3A_205 = %scan3A_161 to %scan3A_163 step %scan3A_164  : i32 {
      %add3A_206 = arith.constant 64 : i32
      %add3A_207 = arith.addi %add3A_206, %scan3A_205 : i32
      %get3A_208 = arith.index_cast %add3A_207 : i32 to index
      %get3A_209 = tpu.vector_load %arg9[%get3A_208] {strides = array<i32>} : memref<336xf32, #tpu.memory_space<vmem>>, vector<16xf32>,
      %broadcast_in_dim3A_210 = arith.constant 1.000000e+00 : f32
      %broadcast_in_dim3A_211 = vector.broadcast %broadcast_in_dim3A_210 : f32 to vector<16xf32>
      %max3A = arith.constant 1.000000e+00 : f32
      %max3A_212 = vector.broadcast %max3A : f32 to vector<16xf32>
      %max3A_213 = arith.maximumf %get3A_209, %max3A_212 : vector<16xf32>
      %div3A_214 = arith.divf %broadcast_in_dim3A_211, %max3A_213 : vector<16xf32>
      %slice3A_215 = vector.extract_strided_slice %div3A_214 {offsets = [0], sizes = [1], strides = [1]} : vector<16xf32> to vector<1xf32>
      %squeeze3A_216 = vector.extract %slice3A_215[0] : f32 from vector<1xf32>
      %get3A_217 = arith.constant 0 : i32
      %get3A_218 = arith.index_cast %get3A_217 : i32 to index
      %get3A_219 = arith.index_cast %scan3A_205 : i32 to index
      %get3A_220 = arith.constant 0 : index
      %get3A_221 = tpu.vector_load %arg6[%get3A_218, %get3A_219, %get3A_220] {strides = array<i32>} : memref<2x256x128xf32, #tpu.memory_space<vmem>>, vector<16xf32>,
      %mul3A_222 = vector.broadcast %squeeze3A_216 : f32 to vector<16xf32>
      %mul3A_223 = arith.mulf %get3A_221, %mul3A_222 : vector<16xf32>
      %swap3A_224 = arith.constant 0 : i32
      %swap3A_225 = arith.index_cast %swap3A_224 : i32 to index
      %swap3A_226 = arith.index_cast %scan3A_205 : i32 to index
      %swap3A_227 = arith.constant 0 : index
      %swap3A_228 = tpu.vector_load %arg6[%swap3A_225, %swap3A_226, %swap3A_227] {strides = array<i32>} : memref<2x256x128xf32, #tpu.memory_space<vmem>>, vector<16xf32>,
      tpu.vector_store %arg6[%swap3A_225, %swap3A_226, %swap3A_227], %mul3A_223 {strides = array<i32>} : memref<2x256x128xf32, #tpu.memory_space<vmem>>, vector<16xf32>,
      %get3A_229 = arith.constant 0 : i32
      %get3A_230 = arith.index_cast %get3A_229 : i32 to index
      %get3A_231 = arith.index_cast %scan3A_205 : i32 to index
      %get3A_232 = arith.constant 16 : index
      %get3A_233 = tpu.vector_load %arg6[%get3A_230, %get3A_231, %get3A_232] {strides = array<i32>} : memref<2x256x128xf32, #tpu.memory_space<vmem>>, vector<16xf32>,
      %mul3A_234 = vector.broadcast %squeeze3A_216 : f32 to vector<16xf32>
      %mul3A_235 = arith.mulf %get3A_233, %mul3A_234 : vector<16xf32>
      %swap3A_236 = arith.constant 0 : i32
      %swap3A_237 = arith.index_cast %swap3A_236 : i32 to index
      %swap3A_238 = arith.index_cast %scan3A_205 : i32 to index
      %swap3A_239 = arith.constant 16 : index
      %swap3A_240 = tpu.vector_load %arg6[%swap3A_237, %swap3A_238, %swap3A_239] {strides = array<i32>} : memref<2x256x128xf32, #tpu.memory_space<vmem>>, vector<16xf32>,
      tpu.vector_store %arg6[%swap3A_237, %swap3A_238, %swap3A_239], %mul3A_235 {strides = array<i32>} : memref<2x256x128xf32, #tpu.memory_space<vmem>>, vector<16xf32>,
      %get3A_241 = arith.constant 0 : i32
      %get3A_242 = arith.index_cast %get3A_241 : i32 to index
      %get3A_243 = arith.index_cast %scan3A_205 : i32 to index
      %get3A_244 = arith.constant 32 : index
      %get3A_245 = tpu.vector_load %arg6[%get3A_242, %get3A_243, %get3A_244] {strides = array<i32>} : memref<2x256x128xf32, #tpu.memory_space<vmem>>, vector<16xf32>,
      %mul3A_246 = vector.broadcast %squeeze3A_216 : f32 to vector<16xf32>
      %mul3A_247 = arith.mulf %get3A_245, %mul3A_246 : vector<16xf32>
      %swap3A_248 = arith.constant 0 : i32
      %swap3A_249 = arith.index_cast %swap3A_248 : i32 to index
      %swap3A_250 = arith.index_cast %scan3A_205 : i32 to index
      %swap3A_251 = arith.constant 32 : index
      %swap3A_252 = tpu.vector_load %arg6[%swap3A_249, %swap3A_250, %swap3A_251] {strides = array<i32>} : memref<2x256x128xf32, #tpu.memory_space<vmem>>, vector<16xf32>,
      tpu.vector_store %arg6[%swap3A_249, %swap3A_250, %swap3A_251], %mul3A_247 {strides = array<i32>} : memref<2x256x128xf32, #tpu.memory_space<vmem>>, vector<16xf32>,
      %get3A_253 = arith.constant 0 : i32
      %get3A_254 = arith.index_cast %get3A_253 : i32 to index
      %get3A_255 = arith.index_cast %scan3A_205 : i32 to index
      %get3A_256 = arith.constant 48 : index
      %get3A_257 = tpu.vector_load %arg6[%get3A_254, %get3A_255, %get3A_256] {strides = array<i32>} : memref<2x256x128xf32, #tpu.memory_space<vmem>>, vector<16xf32>,
      %mul3A_258 = vector.broadcast %squeeze3A_216 : f32 to vector<16xf32>
      %mul3A_259 = arith.mulf %get3A_257, %mul3A_258 : vector<16xf32>
      %swap3A_260 = arith.constant 0 : i32
      %swap3A_261 = arith.index_cast %swap3A_260 : i32 to index
      %swap3A_262 = arith.index_cast %scan3A_205 : i32 to index
      %swap3A_263 = arith.constant 48 : index
      %swap3A_264 = tpu.vector_load %arg6[%swap3A_261, %swap3A_262, %swap3A_263] {strides = array<i32>} : memref<2x256x128xf32, #tpu.memory_space<vmem>>, vector<16xf32>,
      tpu.vector_store %arg6[%swap3A_261, %swap3A_262, %swap3A_263], %mul3A_259 {strides = array<i32>} : memref<2x256x128xf32, #tpu.memory_space<vmem>>, vector<16xf32>,
      %get3A_265 = arith.constant 0 : i32
      %get3A_266 = arith.index_cast %get3A_265 : i32 to index
      %get3A_267 = arith.index_cast %scan3A_205 : i32 to index
      %get3A_268 = arith.constant 64 : index
      %get3A_269 = tpu.vector_load %arg6[%get3A_266, %get3A_267, %get3A_268] {strides = array<i32>} : memref<2x256x128xf32, #tpu.memory_space<vmem>>, vector<16xf32>,
      %mul3A_270 = vector.broadcast %squeeze3A_216 : f32 to vector<16xf32>
      %mul3A_271 = arith.mulf %get3A_269, %mul3A_270 : vector<16xf32>
      %swap3A_272 = arith.constant 0 : i32
      %swap3A_273 = arith.index_cast %swap3A_272 : i32 to index
      %swap3A_274 = arith.index_cast %scan3A_205 : i32 to index
      %swap3A_275 = arith.constant 64 : index
      %swap3A_276 = tpu.vector_load %arg6[%swap3A_273, %swap3A_274, %swap3A_275] {strides = array<i32>} : memref<2x256x128xf32, #tpu.memory_space<vmem>>, vector<16xf32>,
      tpu.vector_store %arg6[%swap3A_273, %swap3A_274, %swap3A_275], %mul3A_271 {strides = array<i32>} : memref<2x256x128xf32, #tpu.memory_space<vmem>>, vector<16xf32>,
      %get3A_277 = arith.constant 0 : i32
      %get3A_278 = arith.index_cast %get3A_277 : i32 to index
      %get3A_279 = arith.index_cast %scan3A_205 : i32 to index
      %get3A_280 = arith.constant 80 : index
      %get3A_281 = tpu.vector_load %arg6[%get3A_278, %get3A_279, %get3A_280] {strides = array<i32>} : memref<2x256x128xf32, #tpu.memory_space<vmem>>, vector<16xf32>,
      %mul3A_282 = vector.broadcast %squeeze3A_216 : f32 to vector<16xf32>
      %mul3A_283 = arith.mulf %get3A_281, %mul3A_282 : vector<16xf32>
      %swap3A_284 = arith.constant 0 : i32
      %swap3A_285 = arith.index_cast %swap3A_284 : i32 to index
      %swap3A_286 = arith.index_cast %scan3A_205 : i32 to index
      %swap3A_287 = arith.constant 80 : index
      %swap3A_288 = tpu.vector_load %arg6[%swap3A_285, %swap3A_286, %swap3A_287] {strides = array<i32>} : memref<2x256x128xf32, #tpu.memory_space<vmem>>, vector<16xf32>,
      tpu.vector_store %arg6[%swap3A_285, %swap3A_286, %swap3A_287], %mul3A_283 {strides = array<i32>} : memref<2x256x128xf32, #tpu.memory_space<vmem>>, vector<16xf32>,
      %get3A_289 = arith.constant 0 : i32
      %get3A_290 = arith.index_cast %get3A_289 : i32 to index
      %get3A_291 = arith.index_cast %scan3A_205 : i32 to index
      %get3A_292 = arith.constant 96 : index
      %get3A_293 = tpu.vector_load %arg6[%get3A_290, %get3A_291, %get3A_292] {strides = array<i32>} : memref<2x256x128xf32, #tpu.memory_space<vmem>>, vector<16xf32>,
      %mul3A_294 = vector.broadcast %squeeze3A_216 : f32 to vector<16xf32>
      %mul3A_295 = arith.mulf %get3A_293, %mul3A_294 : vector<16xf32>
      %swap3A_296 = arith.constant 0 : i32
      %swap3A_297 = arith.index_cast %swap3A_296 : i32 to index
      %swap3A_298 = arith.index_cast %scan3A_205 : i32 to index
      %swap3A_299 = arith.constant 96 : index
      %swap3A_300 = tpu.vector_load %arg6[%swap3A_297, %swap3A_298, %swap3A_299] {strides = array<i32>} : memref<2x256x128xf32, #tpu.memory_space<vmem>>, vector<16xf32>,
      tpu.vector_store %arg6[%swap3A_297, %swap3A_298, %swap3A_299], %mul3A_295 {strides = array<i32>} : memref<2x256x128xf32, #tpu.memory_space<vmem>>, vector<16xf32>,
      %get3A_301 = arith.constant 0 : i32
      %get3A_302 = arith.index_cast %get3A_301 : i32 to index
      %get3A_303 = arith.index_cast %scan3A_205 : i32 to index
      %get3A_304 = arith.constant 112 : index
      %get3A_305 = tpu.vector_load %arg6[%get3A_302, %get3A_303, %get3A_304] {strides = array<i32>} : memref<2x256x128xf32, #tpu.memory_space<vmem>>, vector<16xf32>,
      %mul3A_306 = vector.broadcast %squeeze3A_216 : f32 to vector<16xf32>
      %mul3A_307 = arith.mulf %get3A_305, %mul3A_306 : vector<16xf32>
      %swap3A_308 = arith.constant 0 : i32
      %swap3A_309 = arith.index_cast %swap3A_308 : i32 to index
      %swap3A_310 = arith.index_cast %scan3A_205 : i32 to index
      %swap3A_311 = arith.constant 112 : index
      %swap3A_312 = tpu.vector_load %arg6[%swap3A_309, %swap3A_310, %swap3A_311] {strides = array<i32>} : memref<2x256x128xf32, #tpu.memory_space<vmem>>, vector<16xf32>,
      tpu.vector_store %arg6[%swap3A_309, %swap3A_310, %swap3A_311], %mul3A_307 {strides = array<i32>} : memref<2x256x128xf32, #tpu.memory_space<vmem>>, vector<16xf32>,
    }
    %scan3A_165 = arith.constant 64 : i32
    %add3A_166 = arith.constant 64 : i32
    %add3A_167 = arith.addi %mul3A_2, %add3A_166 : i32
    %run_scoped3A_168 = arith.constant 0 : i32
    "tpu.region"() ({
      %run_scoped3A_205 = tpu.sem_alloc : memref<!tpu.dma_semaphore, #tpu.memory_space<semaphore_mem>>
      %dma_start3A = arith.constant 0 : i32
      %dma_start3A_206 = arith.constant 0 : i32
      %dma_start3A_207 = tpu.memref_slice %arg6[%run_scoped3A_168, %dma_start3A, %dma_start3A_206] : memref<2x256x128xf32, #tpu.memory_space<vmem>> -> memref<1x256x128xf32, #tpu.memory_space<vmem>>
      %dma_start3A_208 = tpu.memref_squeeze %dma_start3A_207 : memref<1x256x128xf32, #tpu.memory_space<vmem>> -> memref<256x128xf32, #tpu.memory_space<vmem>>
      %dma_start3A_209 = arith.constant 0 : i32
      %dma_start3A_210 = arith.constant 0 : i32
      %dma_start3A_211 = tpu.memref_slice %dma_start3A_208[%dma_start3A_209, %dma_start3A_210] : memref<256x128xf32, #tpu.memory_space<vmem>> -> memref<64x128xf32, #tpu.memory_space<vmem>>
      %dma_start3A_212 = arith.constant 0 : i32
      %dma_start3A_213 = tpu.memref_slice %arg5[%add3A_167, %dma_start3A_212] : memref<10240x128xf32, #tpu.memory_space<hbm>> -> memref<64x128xf32, #tpu.memory_space<hbm>>
      %dma_start3A_214 = arith.constant 0 : i32
      %dma_start3A_215 = tpu.memref_slice %arg5[%add3A_167, %dma_start3A_214] : memref<10240x128xf32, #tpu.memory_space<hbm>> -> memref<64x128xf32, #tpu.memory_space<hbm>>
      %dma_start3A_216 = arith.constant 0 : i32
      %dma_start3A_217 = arith.constant 0 : i32
      %dma_start3A_218 = tpu.memref_slice %arg6[%run_scoped3A_168, %dma_start3A_216, %dma_start3A_217] : memref<2x256x128xf32, #tpu.memory_space<vmem>> -> memref<1x256x128xf32, #tpu.memory_space<vmem>>
      %dma_start3A_219 = tpu.memref_squeeze %dma_start3A_218 : memref<1x256x128xf32, #tpu.memory_space<vmem>> -> memref<256x128xf32, #tpu.memory_space<vmem>>
      %dma_start3A_220 = arith.constant 0 : i32
      %dma_start3A_221 = arith.constant 0 : i32
      %dma_start3A_222 = tpu.memref_slice %dma_start3A_219[%dma_start3A_220, %dma_start3A_221] : memref<256x128xf32, #tpu.memory_space<vmem>> -> memref<64x128xf32, #tpu.memory_space<vmem>>
      tpu.enqueue_dma source(%dma_start3A_222 : memref<64x128xf32, #tpu.memory_space<vmem>>) target(%dma_start3A_215 : memref<64x128xf32, #tpu.memory_space<hbm>>) target_semaphore(%run_scoped3A_205 : memref<!tpu.dma_semaphore, #tpu.memory_space<semaphore_mem>>)
      %dma_wait3A = arith.constant 0 : i32
      %dma_wait3A_223 = arith.constant 0 : i32
      %dma_wait3A_224 = tpu.memref_slice %arg6[%run_scoped3A_168, %dma_wait3A, %dma_wait3A_223] : memref<2x256x128xf32, #tpu.memory_space<vmem>> -> memref<1x256x128xf32, #tpu.memory_space<vmem>>
      %dma_wait3A_225 = tpu.memref_squeeze %dma_wait3A_224 : memref<1x256x128xf32, #tpu.memory_space<vmem>> -> memref<256x128xf32, #tpu.memory_space<vmem>>
      %dma_wait3A_226 = arith.constant 0 : i32
      %dma_wait3A_227 = arith.constant 0 : i32
      %dma_wait3A_228 = tpu.memref_slice %dma_wait3A_225[%dma_wait3A_226, %dma_wait3A_227] : memref<256x128xf32, #tpu.memory_space<vmem>> -> memref<64x128xf32, #tpu.memory_space<vmem>>
      %dma_wait3A_229 = arith.constant 0 : i32
      %dma_wait3A_230 = tpu.memref_slice %arg5[%add3A_167, %dma_wait3A_229] : memref<10240x128xf32, #tpu.memory_space<hbm>> -> memref<64x128xf32, #tpu.memory_space<hbm>>
      %dma_wait3A_231 = arith.constant 0 : i32
      %dma_wait3A_232 = tpu.memref_slice %arg5[%add3A_167, %dma_wait3A_231] : memref<10240x128xf32, #tpu.memory_space<hbm>> -> memref<64x128xf32, #tpu.memory_space<hbm>>
      %dma_wait3A_233 = arith.constant 0 : i32
      %dma_wait3A_234 = arith.constant 0 : i32
      %dma_wait3A_235 = tpu.memref_slice %arg6[%run_scoped3A_168, %dma_wait3A_233, %dma_wait3A_234] : memref<2x256x128xf32, #tpu.memory_space<vmem>> -> memref<1x256x128xf32, #tpu.memory_space<vmem>>
      %dma_wait3A_236 = tpu.memref_squeeze %dma_wait3A_235 : memref<1x256x128xf32, #tpu.memory_space<vmem>> -> memref<256x128xf32, #tpu.memory_space<vmem>>
      %dma_wait3A_237 = arith.constant 0 : i32
      %dma_wait3A_238 = arith.constant 0 : i32
      %dma_wait3A_239 = tpu.memref_slice %dma_wait3A_236[%dma_wait3A_237, %dma_wait3A_238] : memref<256x128xf32, #tpu.memory_space<vmem>> -> memref<64x128xf32, #tpu.memory_space<vmem>>
      tpu.wait_dma2 semaphore(%run_scoped3A_205 : memref<!tpu.dma_semaphore, #tpu.memory_space<semaphore_mem>>) src(%dma_wait3A_239 : memref<64x128xf32, #tpu.memory_space<vmem>>) dst(%dma_wait3A_232 : memref<64x128xf32, #tpu.memory_space<hbm>>)
      tpu.yield
    }) : () -> ()
    %add3A_169 = arith.constant 128 : i32
    %add3A_170 = arith.addi %mul3A_4, %add3A_169 : i32
    %run_scoped3A_171 = arith.constant 0 : i32
    "tpu.region"() ({
      %run_scoped3A_205 = tpu.sem_alloc : memref<!tpu.dma_semaphore, #tpu.memory_space<semaphore_mem>>
      %dma_start3A = arith.constant 0 : i32
      %dma_start3A_206 = arith.constant 0 : i32
      %dma_start3A_207 = tpu.memref_slice %arg6[%run_scoped3A_171, %dma_start3A, %dma_start3A_206] : memref<2x256x128xf32, #tpu.memory_space<vmem>> -> memref<1x256x128xf32, #tpu.memory_space<vmem>>
      %dma_start3A_208 = tpu.memref_squeeze %dma_start3A_207 : memref<1x256x128xf32, #tpu.memory_space<vmem>> -> memref<256x128xf32, #tpu.memory_space<vmem>>
      %dma_start3A_209 = arith.constant 0 : i32
      %dma_start3A_210 = arith.constant 0 : i32
      %dma_start3A_211 = tpu.memref_slice %dma_start3A_208[%dma_start3A_209, %dma_start3A_210] : memref<256x128xf32, #tpu.memory_space<vmem>> -> memref<64x128xf32, #tpu.memory_space<vmem>>
      %dma_start3A_212 = arith.constant 0 : i32
      %dma_start3A_213 = tpu.memref_slice %arg11[%add3A_170, %dma_start3A_212] : memref<5248x128xf32, #tpu.memory_space<vmem_shared>> -> memref<64x128xf32, #tpu.memory_space<vmem_shared>>
      %dma_start3A_214 = arith.constant 0 : i32
      %dma_start3A_215 = arith.constant 0 : i32
      %dma_start3A_216 = tpu.memref_slice %arg6[%run_scoped3A_171, %dma_start3A_214, %dma_start3A_215] : memref<2x256x128xf32, #tpu.memory_space<vmem>> -> memref<1x256x128xf32, #tpu.memory_space<vmem>>
      %dma_start3A_217 = tpu.memref_squeeze %dma_start3A_216 : memref<1x256x128xf32, #tpu.memory_space<vmem>> -> memref<256x128xf32, #tpu.memory_space<vmem>>
      %dma_start3A_218 = arith.constant 0 : i32
      %dma_start3A_219 = arith.constant 0 : i32
      %dma_start3A_220 = tpu.memref_slice %dma_start3A_217[%dma_start3A_218, %dma_start3A_219] : memref<256x128xf32, #tpu.memory_space<vmem>> -> memref<64x128xf32, #tpu.memory_space<vmem>>
      %dma_start3A_221 = arith.constant 0 : i32
      %dma_start3A_222 = tpu.memref_slice %arg11[%add3A_170, %dma_start3A_221] : memref<5248x128xf32, #tpu.memory_space<vmem_shared>> -> memref<64x128xf32, #tpu.memory_space<vmem_shared>>
      tpu.enqueue_dma source(%dma_start3A_222 : memref<64x128xf32, #tpu.memory_space<vmem_shared>>) target(%dma_start3A_220 : memref<64x128xf32, #tpu.memory_space<vmem>>) target_semaphore(%run_scoped3A_205 : memref<!tpu.dma_semaphore, #tpu.memory_space<semaphore_mem>>)
      %dma_wait3A = arith.constant 0 : i32
      %dma_wait3A_223 = arith.constant 0 : i32
      %dma_wait3A_224 = tpu.memref_slice %arg6[%run_scoped3A_171, %dma_wait3A, %dma_wait3A_223] : memref<2x256x128xf32, #tpu.memory_space<vmem>> -> memref<1x256x128xf32, #tpu.memory_space<vmem>>
      %dma_wait3A_225 = tpu.memref_squeeze %dma_wait3A_224 : memref<1x256x128xf32, #tpu.memory_space<vmem>> -> memref<256x128xf32, #tpu.memory_space<vmem>>
      %dma_wait3A_226 = arith.constant 0 : i32
      %dma_wait3A_227 = arith.constant 0 : i32
      %dma_wait3A_228 = tpu.memref_slice %dma_wait3A_225[%dma_wait3A_226, %dma_wait3A_227] : memref<256x128xf32, #tpu.memory_space<vmem>> -> memref<64x128xf32, #tpu.memory_space<vmem>>
      %dma_wait3A_229 = arith.constant 0 : i32
      %dma_wait3A_230 = tpu.memref_slice %arg11[%add3A_170, %dma_wait3A_229] : memref<5248x128xf32, #tpu.memory_space<vmem_shared>> -> memref<64x128xf32, #tpu.memory_space<vmem_shared>>
      %dma_wait3A_231 = arith.constant 0 : i32
      %dma_wait3A_232 = arith.constant 0 : i32
      %dma_wait3A_233 = tpu.memref_slice %arg6[%run_scoped3A_171, %dma_wait3A_231, %dma_wait3A_232] : memref<2x256x128xf32, #tpu.memory_space<vmem>> -> memref<1x256x128xf32, #tpu.memory_space<vmem>>
      %dma_wait3A_234 = tpu.memref_squeeze %dma_wait3A_233 : memref<1x256x128xf32, #tpu.memory_space<vmem>> -> memref<256x128xf32, #tpu.memory_space<vmem>>
      %dma_wait3A_235 = arith.constant 0 : i32
      %dma_wait3A_236 = arith.constant 0 : i32
      %dma_wait3A_237 = tpu.memref_slice %dma_wait3A_234[%dma_wait3A_235, %dma_wait3A_236] : memref<256x128xf32, #tpu.memory_space<vmem>> -> memref<64x128xf32, #tpu.memory_space<vmem>>
      %dma_wait3A_238 = arith.constant 0 : i32
      %dma_wait3A_239 = tpu.memref_slice %arg11[%add3A_170, %dma_wait3A_238] : memref<5248x128xf32, #tpu.memory_space<vmem_shared>> -> memref<64x128xf32, #tpu.memory_space<vmem_shared>>
      tpu.wait_dma2 semaphore(%run_scoped3A_205 : memref<!tpu.dma_semaphore, #tpu.memory_space<semaphore_mem>>) src(%dma_wait3A_239 : memref<64x128xf32, #tpu.memory_space<vmem_shared>>) dst(%dma_wait3A_237 : memref<64x128xf32, #tpu.memory_space<vmem>>)
      tpu.yield
    }) : () -> ()
    %scan3A_172 = arith.constant 0 : i32
    %scan3A_173 = arith.constant 0 : i32
    %scan3A_174 = arith.constant 64 : i32
    %scan3A_175 = arith.addi %scan3A_173, %scan3A_174 : i32
    %scan3A_176 = arith.constant 1 : i32
    scf.for %scan3A_205 = %scan3A_173 to %scan3A_175 step %scan3A_176  : i32 {
      %add3A_206 = arith.constant 128 : i32
      %add3A_207 = arith.addi %add3A_206, %scan3A_205 : i32
      %get3A_208 = arith.index_cast %add3A_207 : i32 to index
      %get3A_209 = tpu.vector_load %arg9[%get3A_208] {strides = array<i32>} : memref<336xf32, #tpu.memory_space<vmem>>, vector<16xf32>,
      %broadcast_in_dim3A_210 = arith.constant 1.000000e+00 : f32
      %broadcast_in_dim3A_211 = vector.broadcast %broadcast_in_dim3A_210 : f32 to vector<16xf32>
      %max3A = arith.constant 1.000000e+00 : f32
      %max3A_212 = vector.broadcast %max3A : f32 to vector<16xf32>
      %max3A_213 = arith.maximumf %get3A_209, %max3A_212 : vector<16xf32>
      %div3A_214 = arith.divf %broadcast_in_dim3A_211, %max3A_213 : vector<16xf32>
      %slice3A_215 = vector.extract_strided_slice %div3A_214 {offsets = [0], sizes = [1], strides = [1]} : vector<16xf32> to vector<1xf32>
      %squeeze3A_216 = vector.extract %slice3A_215[0] : f32 from vector<1xf32>
      %get3A_217 = arith.constant 0 : i32
      %get3A_218 = arith.index_cast %get3A_217 : i32 to index
      %get3A_219 = arith.index_cast %scan3A_205 : i32 to index
      %get3A_220 = arith.constant 0 : index
      %get3A_221 = tpu.vector_load %arg6[%get3A_218, %get3A_219, %get3A_220] {strides = array<i32>} : memref<2x256x128xf32, #tpu.memory_space<vmem>>, vector<16xf32>,
      %mul3A_222 = vector.broadcast %squeeze3A_216 : f32 to vector<16xf32>
      %mul3A_223 = arith.mulf %get3A_221, %mul3A_222 : vector<16xf32>
      %swap3A_224 = arith.constant 0 : i32
      %swap3A_225 = arith.index_cast %swap3A_224 : i32 to index
      %swap3A_226 = arith.index_cast %scan3A_205 : i32 to index
      %swap3A_227 = arith.constant 0 : index
      %swap3A_228 = tpu.vector_load %arg6[%swap3A_225, %swap3A_226, %swap3A_227] {strides = array<i32>} : memref<2x256x128xf32, #tpu.memory_space<vmem>>, vector<16xf32>,
      tpu.vector_store %arg6[%swap3A_225, %swap3A_226, %swap3A_227], %mul3A_223 {strides = array<i32>} : memref<2x256x128xf32, #tpu.memory_space<vmem>>, vector<16xf32>,
      %get3A_229 = arith.constant 0 : i32
      %get3A_230 = arith.index_cast %get3A_229 : i32 to index
      %get3A_231 = arith.index_cast %scan3A_205 : i32 to index
      %get3A_232 = arith.constant 16 : index
      %get3A_233 = tpu.vector_load %arg6[%get3A_230, %get3A_231, %get3A_232] {strides = array<i32>} : memref<2x256x128xf32, #tpu.memory_space<vmem>>, vector<16xf32>,
      %mul3A_234 = vector.broadcast %squeeze3A_216 : f32 to vector<16xf32>
      %mul3A_235 = arith.mulf %get3A_233, %mul3A_234 : vector<16xf32>
      %swap3A_236 = arith.constant 0 : i32
      %swap3A_237 = arith.index_cast %swap3A_236 : i32 to index
      %swap3A_238 = arith.index_cast %scan3A_205 : i32 to index
      %swap3A_239 = arith.constant 16 : index
      %swap3A_240 = tpu.vector_load %arg6[%swap3A_237, %swap3A_238, %swap3A_239] {strides = array<i32>} : memref<2x256x128xf32, #tpu.memory_space<vmem>>, vector<16xf32>,
      tpu.vector_store %arg6[%swap3A_237, %swap3A_238, %swap3A_239], %mul3A_235 {strides = array<i32>} : memref<2x256x128xf32, #tpu.memory_space<vmem>>, vector<16xf32>,
      %get3A_241 = arith.constant 0 : i32
      %get3A_242 = arith.index_cast %get3A_241 : i32 to index
      %get3A_243 = arith.index_cast %scan3A_205 : i32 to index
      %get3A_244 = arith.constant 32 : index
      %get3A_245 = tpu.vector_load %arg6[%get3A_242, %get3A_243, %get3A_244] {strides = array<i32>} : memref<2x256x128xf32, #tpu.memory_space<vmem>>, vector<16xf32>,
      %mul3A_246 = vector.broadcast %squeeze3A_216 : f32 to vector<16xf32>
      %mul3A_247 = arith.mulf %get3A_245, %mul3A_246 : vector<16xf32>
      %swap3A_248 = arith.constant 0 : i32
      %swap3A_249 = arith.index_cast %swap3A_248 : i32 to index
      %swap3A_250 = arith.index_cast %scan3A_205 : i32 to index
      %swap3A_251 = arith.constant 32 : index
      %swap3A_252 = tpu.vector_load %arg6[%swap3A_249, %swap3A_250, %swap3A_251] {strides = array<i32>} : memref<2x256x128xf32, #tpu.memory_space<vmem>>, vector<16xf32>,
      tpu.vector_store %arg6[%swap3A_249, %swap3A_250, %swap3A_251], %mul3A_247 {strides = array<i32>} : memref<2x256x128xf32, #tpu.memory_space<vmem>>, vector<16xf32>,
      %get3A_253 = arith.constant 0 : i32
      %get3A_254 = arith.index_cast %get3A_253 : i32 to index
      %get3A_255 = arith.index_cast %scan3A_205 : i32 to index
      %get3A_256 = arith.constant 48 : index
      %get3A_257 = tpu.vector_load %arg6[%get3A_254, %get3A_255, %get3A_256] {strides = array<i32>} : memref<2x256x128xf32, #tpu.memory_space<vmem>>, vector<16xf32>,
      %mul3A_258 = vector.broadcast %squeeze3A_216 : f32 to vector<16xf32>
      %mul3A_259 = arith.mulf %get3A_257, %mul3A_258 : vector<16xf32>
      %swap3A_260 = arith.constant 0 : i32
      %swap3A_261 = arith.index_cast %swap3A_260 : i32 to index
      %swap3A_262 = arith.index_cast %scan3A_205 : i32 to index
      %swap3A_263 = arith.constant 48 : index
      %swap3A_264 = tpu.vector_load %arg6[%swap3A_261, %swap3A_262, %swap3A_263] {strides = array<i32>} : memref<2x256x128xf32, #tpu.memory_space<vmem>>, vector<16xf32>,
      tpu.vector_store %arg6[%swap3A_261, %swap3A_262, %swap3A_263], %mul3A_259 {strides = array<i32>} : memref<2x256x128xf32, #tpu.memory_space<vmem>>, vector<16xf32>,
      %get3A_265 = arith.constant 0 : i32
      %get3A_266 = arith.index_cast %get3A_265 : i32 to index
      %get3A_267 = arith.index_cast %scan3A_205 : i32 to index
      %get3A_268 = arith.constant 64 : index
      %get3A_269 = tpu.vector_load %arg6[%get3A_266, %get3A_267, %get3A_268] {strides = array<i32>} : memref<2x256x128xf32, #tpu.memory_space<vmem>>, vector<16xf32>,
      %mul3A_270 = vector.broadcast %squeeze3A_216 : f32 to vector<16xf32>
      %mul3A_271 = arith.mulf %get3A_269, %mul3A_270 : vector<16xf32>
      %swap3A_272 = arith.constant 0 : i32
      %swap3A_273 = arith.index_cast %swap3A_272 : i32 to index
      %swap3A_274 = arith.index_cast %scan3A_205 : i32 to index
      %swap3A_275 = arith.constant 64 : index
      %swap3A_276 = tpu.vector_load %arg6[%swap3A_273, %swap3A_274, %swap3A_275] {strides = array<i32>} : memref<2x256x128xf32, #tpu.memory_space<vmem>>, vector<16xf32>,
      tpu.vector_store %arg6[%swap3A_273, %swap3A_274, %swap3A_275], %mul3A_271 {strides = array<i32>} : memref<2x256x128xf32, #tpu.memory_space<vmem>>, vector<16xf32>,
      %get3A_277 = arith.constant 0 : i32
      %get3A_278 = arith.index_cast %get3A_277 : i32 to index
      %get3A_279 = arith.index_cast %scan3A_205 : i32 to index
      %get3A_280 = arith.constant 80 : index
      %get3A_281 = tpu.vector_load %arg6[%get3A_278, %get3A_279, %get3A_280] {strides = array<i32>} : memref<2x256x128xf32, #tpu.memory_space<vmem>>, vector<16xf32>,
      %mul3A_282 = vector.broadcast %squeeze3A_216 : f32 to vector<16xf32>
      %mul3A_283 = arith.mulf %get3A_281, %mul3A_282 : vector<16xf32>
      %swap3A_284 = arith.constant 0 : i32
      %swap3A_285 = arith.index_cast %swap3A_284 : i32 to index
      %swap3A_286 = arith.index_cast %scan3A_205 : i32 to index
      %swap3A_287 = arith.constant 80 : index
      %swap3A_288 = tpu.vector_load %arg6[%swap3A_285, %swap3A_286, %swap3A_287] {strides = array<i32>} : memref<2x256x128xf32, #tpu.memory_space<vmem>>, vector<16xf32>,
      tpu.vector_store %arg6[%swap3A_285, %swap3A_286, %swap3A_287], %mul3A_283 {strides = array<i32>} : memref<2x256x128xf32, #tpu.memory_space<vmem>>, vector<16xf32>,
      %get3A_289 = arith.constant 0 : i32
      %get3A_290 = arith.index_cast %get3A_289 : i32 to index
      %get3A_291 = arith.index_cast %scan3A_205 : i32 to index
      %get3A_292 = arith.constant 96 : index
      %get3A_293 = tpu.vector_load %arg6[%get3A_290, %get3A_291, %get3A_292] {strides = array<i32>} : memref<2x256x128xf32, #tpu.memory_space<vmem>>, vector<16xf32>,
      %mul3A_294 = vector.broadcast %squeeze3A_216 : f32 to vector<16xf32>
      %mul3A_295 = arith.mulf %get3A_293, %mul3A_294 : vector<16xf32>
      %swap3A_296 = arith.constant 0 : i32
      %swap3A_297 = arith.index_cast %swap3A_296 : i32 to index
      %swap3A_298 = arith.index_cast %scan3A_205 : i32 to index
      %swap3A_299 = arith.constant 96 : index
      %swap3A_300 = tpu.vector_load %arg6[%swap3A_297, %swap3A_298, %swap3A_299] {strides = array<i32>} : memref<2x256x128xf32, #tpu.memory_space<vmem>>, vector<16xf32>,
      tpu.vector_store %arg6[%swap3A_297, %swap3A_298, %swap3A_299], %mul3A_295 {strides = array<i32>} : memref<2x256x128xf32, #tpu.memory_space<vmem>>, vector<16xf32>,
      %get3A_301 = arith.constant 0 : i32
      %get3A_302 = arith.index_cast %get3A_301 : i32 to index
      %get3A_303 = arith.index_cast %scan3A_205 : i32 to index
      %get3A_304 = arith.constant 112 : index
      %get3A_305 = tpu.vector_load %arg6[%get3A_302, %get3A_303, %get3A_304] {strides = array<i32>} : memref<2x256x128xf32, #tpu.memory_space<vmem>>, vector<16xf32>,
      %mul3A_306 = vector.broadcast %squeeze3A_216 : f32 to vector<16xf32>
      %mul3A_307 = arith.mulf %get3A_305, %mul3A_306 : vector<16xf32>
      %swap3A_308 = arith.constant 0 : i32
      %swap3A_309 = arith.index_cast %swap3A_308 : i32 to index
      %swap3A_310 = arith.index_cast %scan3A_205 : i32 to index
      %swap3A_311 = arith.constant 112 : index
      %swap3A_312 = tpu.vector_load %arg6[%swap3A_309, %swap3A_310, %swap3A_311] {strides = array<i32>} : memref<2x256x128xf32, #tpu.memory_space<vmem>>, vector<16xf32>,
      tpu.vector_store %arg6[%swap3A_309, %swap3A_310, %swap3A_311], %mul3A_307 {strides = array<i32>} : memref<2x256x128xf32, #tpu.memory_space<vmem>>, vector<16xf32>,
    }
    %scan3A_177 = arith.constant 64 : i32
    %add3A_178 = arith.constant 128 : i32
    %add3A_179 = arith.addi %mul3A_2, %add3A_178 : i32
    %run_scoped3A_180 = arith.constant 0 : i32
    "tpu.region"() ({
      %run_scoped3A_205 = tpu.sem_alloc : memref<!tpu.dma_semaphore, #tpu.memory_space<semaphore_mem>>
      %dma_start3A = arith.constant 0 : i32
      %dma_start3A_206 = arith.constant 0 : i32
      %dma_start3A_207 = tpu.memref_slice %arg6[%run_scoped3A_180, %dma_start3A, %dma_start3A_206] : memref<2x256x128xf32, #tpu.memory_space<vmem>> -> memref<1x256x128xf32, #tpu.memory_space<vmem>>
      %dma_start3A_208 = tpu.memref_squeeze %dma_start3A_207 : memref<1x256x128xf32, #tpu.memory_space<vmem>> -> memref<256x128xf32, #tpu.memory_space<vmem>>
      %dma_start3A_209 = arith.constant 0 : i32
      %dma_start3A_210 = arith.constant 0 : i32
      %dma_start3A_211 = tpu.memref_slice %dma_start3A_208[%dma_start3A_209, %dma_start3A_210] : memref<256x128xf32, #tpu.memory_space<vmem>> -> memref<64x128xf32, #tpu.memory_space<vmem>>
      %dma_start3A_212 = arith.constant 0 : i32
      %dma_start3A_213 = tpu.memref_slice %arg5[%add3A_179, %dma_start3A_212] : memref<10240x128xf32, #tpu.memory_space<hbm>> -> memref<64x128xf32, #tpu.memory_space<hbm>>
      %dma_start3A_214 = arith.constant 0 : i32
      %dma_start3A_215 = tpu.memref_slice %arg5[%add3A_179, %dma_start3A_214] : memref<10240x128xf32, #tpu.memory_space<hbm>> -> memref<64x128xf32, #tpu.memory_space<hbm>>
      %dma_start3A_216 = arith.constant 0 : i32
      %dma_start3A_217 = arith.constant 0 : i32
      %dma_start3A_218 = tpu.memref_slice %arg6[%run_scoped3A_180, %dma_start3A_216, %dma_start3A_217] : memref<2x256x128xf32, #tpu.memory_space<vmem>> -> memref<1x256x128xf32, #tpu.memory_space<vmem>>
      %dma_start3A_219 = tpu.memref_squeeze %dma_start3A_218 : memref<1x256x128xf32, #tpu.memory_space<vmem>> -> memref<256x128xf32, #tpu.memory_space<vmem>>
      %dma_start3A_220 = arith.constant 0 : i32
      %dma_start3A_221 = arith.constant 0 : i32
      %dma_start3A_222 = tpu.memref_slice %dma_start3A_219[%dma_start3A_220, %dma_start3A_221] : memref<256x128xf32, #tpu.memory_space<vmem>> -> memref<64x128xf32, #tpu.memory_space<vmem>>
      tpu.enqueue_dma source(%dma_start3A_222 : memref<64x128xf32, #tpu.memory_space<vmem>>) target(%dma_start3A_215 : memref<64x128xf32, #tpu.memory_space<hbm>>) target_semaphore(%run_scoped3A_205 : memref<!tpu.dma_semaphore, #tpu.memory_space<semaphore_mem>>)
      %dma_wait3A = arith.constant 0 : i32
      %dma_wait3A_223 = arith.constant 0 : i32
      %dma_wait3A_224 = tpu.memref_slice %arg6[%run_scoped3A_180, %dma_wait3A, %dma_wait3A_223] : memref<2x256x128xf32, #tpu.memory_space<vmem>> -> memref<1x256x128xf32, #tpu.memory_space<vmem>>
      %dma_wait3A_225 = tpu.memref_squeeze %dma_wait3A_224 : memref<1x256x128xf32, #tpu.memory_space<vmem>> -> memref<256x128xf32, #tpu.memory_space<vmem>>
      %dma_wait3A_226 = arith.constant 0 : i32
      %dma_wait3A_227 = arith.constant 0 : i32
      %dma_wait3A_228 = tpu.memref_slice %dma_wait3A_225[%dma_wait3A_226, %dma_wait3A_227] : memref<256x128xf32, #tpu.memory_space<vmem>> -> memref<64x128xf32, #tpu.memory_space<vmem>>
      %dma_wait3A_229 = arith.constant 0 : i32
      %dma_wait3A_230 = tpu.memref_slice %arg5[%add3A_179, %dma_wait3A_229] : memref<10240x128xf32, #tpu.memory_space<hbm>> -> memref<64x128xf32, #tpu.memory_space<hbm>>
      %dma_wait3A_231 = arith.constant 0 : i32
      %dma_wait3A_232 = tpu.memref_slice %arg5[%add3A_179, %dma_wait3A_231] : memref<10240x128xf32, #tpu.memory_space<hbm>> -> memref<64x128xf32, #tpu.memory_space<hbm>>
      %dma_wait3A_233 = arith.constant 0 : i32
      %dma_wait3A_234 = arith.constant 0 : i32
      %dma_wait3A_235 = tpu.memref_slice %arg6[%run_scoped3A_180, %dma_wait3A_233, %dma_wait3A_234] : memref<2x256x128xf32, #tpu.memory_space<vmem>> -> memref<1x256x128xf32, #tpu.memory_space<vmem>>
      %dma_wait3A_236 = tpu.memref_squeeze %dma_wait3A_235 : memref<1x256x128xf32, #tpu.memory_space<vmem>> -> memref<256x128xf32, #tpu.memory_space<vmem>>
      %dma_wait3A_237 = arith.constant 0 : i32
      %dma_wait3A_238 = arith.constant 0 : i32
      %dma_wait3A_239 = tpu.memref_slice %dma_wait3A_236[%dma_wait3A_237, %dma_wait3A_238] : memref<256x128xf32, #tpu.memory_space<vmem>> -> memref<64x128xf32, #tpu.memory_space<vmem>>
      tpu.wait_dma2 semaphore(%run_scoped3A_205 : memref<!tpu.dma_semaphore, #tpu.memory_space<semaphore_mem>>) src(%dma_wait3A_239 : memref<64x128xf32, #tpu.memory_space<vmem>>) dst(%dma_wait3A_232 : memref<64x128xf32, #tpu.memory_space<hbm>>)
      tpu.yield
    }) : () -> ()
    %add3A_181 = arith.constant 192 : i32
    %add3A_182 = arith.addi %mul3A_4, %add3A_181 : i32
    %run_scoped3A_183 = arith.constant 0 : i32
    "tpu.region"() ({
      %run_scoped3A_205 = tpu.sem_alloc : memref<!tpu.dma_semaphore, #tpu.memory_space<semaphore_mem>>
      %dma_start3A = arith.constant 0 : i32
      %dma_start3A_206 = arith.constant 0 : i32
      %dma_start3A_207 = tpu.memref_slice %arg6[%run_scoped3A_183, %dma_start3A, %dma_start3A_206] : memref<2x256x128xf32, #tpu.memory_space<vmem>> -> memref<1x256x128xf32, #tpu.memory_space<vmem>>
      %dma_start3A_208 = tpu.memref_squeeze %dma_start3A_207 : memref<1x256x128xf32, #tpu.memory_space<vmem>> -> memref<256x128xf32, #tpu.memory_space<vmem>>
      %dma_start3A_209 = arith.constant 0 : i32
      %dma_start3A_210 = arith.constant 0 : i32
      %dma_start3A_211 = tpu.memref_slice %dma_start3A_208[%dma_start3A_209, %dma_start3A_210] : memref<256x128xf32, #tpu.memory_space<vmem>> -> memref<64x128xf32, #tpu.memory_space<vmem>>
      %dma_start3A_212 = arith.constant 0 : i32
      %dma_start3A_213 = tpu.memref_slice %arg11[%add3A_182, %dma_start3A_212] : memref<5248x128xf32, #tpu.memory_space<vmem_shared>> -> memref<64x128xf32, #tpu.memory_space<vmem_shared>>
      %dma_start3A_214 = arith.constant 0 : i32
      %dma_start3A_215 = arith.constant 0 : i32
      %dma_start3A_216 = tpu.memref_slice %arg6[%run_scoped3A_183, %dma_start3A_214, %dma_start3A_215] : memref<2x256x128xf32, #tpu.memory_space<vmem>> -> memref<1x256x128xf32, #tpu.memory_space<vmem>>
      %dma_start3A_217 = tpu.memref_squeeze %dma_start3A_216 : memref<1x256x128xf32, #tpu.memory_space<vmem>> -> memref<256x128xf32, #tpu.memory_space<vmem>>
      %dma_start3A_218 = arith.constant 0 : i32
      %dma_start3A_219 = arith.constant 0 : i32
      %dma_start3A_220 = tpu.memref_slice %dma_start3A_217[%dma_start3A_218, %dma_start3A_219] : memref<256x128xf32, #tpu.memory_space<vmem>> -> memref<64x128xf32, #tpu.memory_space<vmem>>
      %dma_start3A_221 = arith.constant 0 : i32
      %dma_start3A_222 = tpu.memref_slice %arg11[%add3A_182, %dma_start3A_221] : memref<5248x128xf32, #tpu.memory_space<vmem_shared>> -> memref<64x128xf32, #tpu.memory_space<vmem_shared>>
      tpu.enqueue_dma source(%dma_start3A_222 : memref<64x128xf32, #tpu.memory_space<vmem_shared>>) target(%dma_start3A_220 : memref<64x128xf32, #tpu.memory_space<vmem>>) target_semaphore(%run_scoped3A_205 : memref<!tpu.dma_semaphore, #tpu.memory_space<semaphore_mem>>)
      %dma_wait3A = arith.constant 0 : i32
      %dma_wait3A_223 = arith.constant 0 : i32
      %dma_wait3A_224 = tpu.memref_slice %arg6[%run_scoped3A_183, %dma_wait3A, %dma_wait3A_223] : memref<2x256x128xf32, #tpu.memory_space<vmem>> -> memref<1x256x128xf32, #tpu.memory_space<vmem>>
      %dma_wait3A_225 = tpu.memref_squeeze %dma_wait3A_224 : memref<1x256x128xf32, #tpu.memory_space<vmem>> -> memref<256x128xf32, #tpu.memory_space<vmem>>
      %dma_wait3A_226 = arith.constant 0 : i32
      %dma_wait3A_227 = arith.constant 0 : i32
      %dma_wait3A_228 = tpu.memref_slice %dma_wait3A_225[%dma_wait3A_226, %dma_wait3A_227] : memref<256x128xf32, #tpu.memory_space<vmem>> -> memref<64x128xf32, #tpu.memory_space<vmem>>
      %dma_wait3A_229 = arith.constant 0 : i32
      %dma_wait3A_230 = tpu.memref_slice %arg11[%add3A_182, %dma_wait3A_229] : memref<5248x128xf32, #tpu.memory_space<vmem_shared>> -> memref<64x128xf32, #tpu.memory_space<vmem_shared>>
      %dma_wait3A_231 = arith.constant 0 : i32
      %dma_wait3A_232 = arith.constant 0 : i32
      %dma_wait3A_233 = tpu.memref_slice %arg6[%run_scoped3A_183, %dma_wait3A_231, %dma_wait3A_232] : memref<2x256x128xf32, #tpu.memory_space<vmem>> -> memref<1x256x128xf32, #tpu.memory_space<vmem>>
      %dma_wait3A_234 = tpu.memref_squeeze %dma_wait3A_233 : memref<1x256x128xf32, #tpu.memory_space<vmem>> -> memref<256x128xf32, #tpu.memory_space<vmem>>
      %dma_wait3A_235 = arith.constant 0 : i32
      %dma_wait3A_236 = arith.constant 0 : i32
      %dma_wait3A_237 = tpu.memref_slice %dma_wait3A_234[%dma_wait3A_235, %dma_wait3A_236] : memref<256x128xf32, #tpu.memory_space<vmem>> -> memref<64x128xf32, #tpu.memory_space<vmem>>
      %dma_wait3A_238 = arith.constant 0 : i32
      %dma_wait3A_239 = tpu.memref_slice %arg11[%add3A_182, %dma_wait3A_238] : memref<5248x128xf32, #tpu.memory_space<vmem_shared>> -> memref<64x128xf32, #tpu.memory_space<vmem_shared>>
      tpu.wait_dma2 semaphore(%run_scoped3A_205 : memref<!tpu.dma_semaphore, #tpu.memory_space<semaphore_mem>>) src(%dma_wait3A_239 : memref<64x128xf32, #tpu.memory_space<vmem_shared>>) dst(%dma_wait3A_237 : memref<64x128xf32, #tpu.memory_space<vmem>>)
      tpu.yield
    }) : () -> ()
    %scan3A_184 = arith.constant 0 : i32
    %scan3A_185 = arith.constant 0 : i32
    %scan3A_186 = arith.constant 64 : i32
    %scan3A_187 = arith.addi %scan3A_185, %scan3A_186 : i32
    %scan3A_188 = arith.constant 1 : i32
    scf.for %scan3A_205 = %scan3A_185 to %scan3A_187 step %scan3A_188  : i32 {
      %add3A_206 = arith.constant 192 : i32
      %add3A_207 = arith.addi %add3A_206, %scan3A_205 : i32
      %get3A_208 = arith.index_cast %add3A_207 : i32 to index
      %get3A_209 = tpu.vector_load %arg9[%get3A_208] {strides = array<i32>} : memref<336xf32, #tpu.memory_space<vmem>>, vector<16xf32>,
      %broadcast_in_dim3A_210 = arith.constant 1.000000e+00 : f32
      %broadcast_in_dim3A_211 = vector.broadcast %broadcast_in_dim3A_210 : f32 to vector<16xf32>
      %max3A = arith.constant 1.000000e+00 : f32
      %max3A_212 = vector.broadcast %max3A : f32 to vector<16xf32>
      %max3A_213 = arith.maximumf %get3A_209, %max3A_212 : vector<16xf32>
      %div3A_214 = arith.divf %broadcast_in_dim3A_211, %max3A_213 : vector<16xf32>
      %slice3A_215 = vector.extract_strided_slice %div3A_214 {offsets = [0], sizes = [1], strides = [1]} : vector<16xf32> to vector<1xf32>
      %squeeze3A_216 = vector.extract %slice3A_215[0] : f32 from vector<1xf32>
      %get3A_217 = arith.constant 0 : i32
      %get3A_218 = arith.index_cast %get3A_217 : i32 to index
      %get3A_219 = arith.index_cast %scan3A_205 : i32 to index
      %get3A_220 = arith.constant 0 : index
      %get3A_221 = tpu.vector_load %arg6[%get3A_218, %get3A_219, %get3A_220] {strides = array<i32>} : memref<2x256x128xf32, #tpu.memory_space<vmem>>, vector<16xf32>,
      %mul3A_222 = vector.broadcast %squeeze3A_216 : f32 to vector<16xf32>
      %mul3A_223 = arith.mulf %get3A_221, %mul3A_222 : vector<16xf32>
      %swap3A_224 = arith.constant 0 : i32
      %swap3A_225 = arith.index_cast %swap3A_224 : i32 to index
      %swap3A_226 = arith.index_cast %scan3A_205 : i32 to index
      %swap3A_227 = arith.constant 0 : index
      %swap3A_228 = tpu.vector_load %arg6[%swap3A_225, %swap3A_226, %swap3A_227] {strides = array<i32>} : memref<2x256x128xf32, #tpu.memory_space<vmem>>, vector<16xf32>,
      tpu.vector_store %arg6[%swap3A_225, %swap3A_226, %swap3A_227], %mul3A_223 {strides = array<i32>} : memref<2x256x128xf32, #tpu.memory_space<vmem>>, vector<16xf32>,
      %get3A_229 = arith.constant 0 : i32
      %get3A_230 = arith.index_cast %get3A_229 : i32 to index
      %get3A_231 = arith.index_cast %scan3A_205 : i32 to index
      %get3A_232 = arith.constant 16 : index
      %get3A_233 = tpu.vector_load %arg6[%get3A_230, %get3A_231, %get3A_232] {strides = array<i32>} : memref<2x256x128xf32, #tpu.memory_space<vmem>>, vector<16xf32>,
      %mul3A_234 = vector.broadcast %squeeze3A_216 : f32 to vector<16xf32>
      %mul3A_235 = arith.mulf %get3A_233, %mul3A_234 : vector<16xf32>
      %swap3A_236 = arith.constant 0 : i32
      %swap3A_237 = arith.index_cast %swap3A_236 : i32 to index
      %swap3A_238 = arith.index_cast %scan3A_205 : i32 to index
      %swap3A_239 = arith.constant 16 : index
      %swap3A_240 = tpu.vector_load %arg6[%swap3A_237, %swap3A_238, %swap3A_239] {strides = array<i32>} : memref<2x256x128xf32, #tpu.memory_space<vmem>>, vector<16xf32>,
      tpu.vector_store %arg6[%swap3A_237, %swap3A_238, %swap3A_239], %mul3A_235 {strides = array<i32>} : memref<2x256x128xf32, #tpu.memory_space<vmem>>, vector<16xf32>,
      %get3A_241 = arith.constant 0 : i32
      %get3A_242 = arith.index_cast %get3A_241 : i32 to index
      %get3A_243 = arith.index_cast %scan3A_205 : i32 to index
      %get3A_244 = arith.constant 32 : index
      %get3A_245 = tpu.vector_load %arg6[%get3A_242, %get3A_243, %get3A_244] {strides = array<i32>} : memref<2x256x128xf32, #tpu.memory_space<vmem>>, vector<16xf32>,
      %mul3A_246 = vector.broadcast %squeeze3A_216 : f32 to vector<16xf32>
      %mul3A_247 = arith.mulf %get3A_245, %mul3A_246 : vector<16xf32>
      %swap3A_248 = arith.constant 0 : i32
      %swap3A_249 = arith.index_cast %swap3A_248 : i32 to index
      %swap3A_250 = arith.index_cast %scan3A_205 : i32 to index
      %swap3A_251 = arith.constant 32 : index
      %swap3A_252 = tpu.vector_load %arg6[%swap3A_249, %swap3A_250, %swap3A_251] {strides = array<i32>} : memref<2x256x128xf32, #tpu.memory_space<vmem>>, vector<16xf32>,
      tpu.vector_store %arg6[%swap3A_249, %swap3A_250, %swap3A_251], %mul3A_247 {strides = array<i32>} : memref<2x256x128xf32, #tpu.memory_space<vmem>>, vector<16xf32>,
      %get3A_253 = arith.constant 0 : i32
      %get3A_254 = arith.index_cast %get3A_253 : i32 to index
      %get3A_255 = arith.index_cast %scan3A_205 : i32 to index
      %get3A_256 = arith.constant 48 : index
      %get3A_257 = tpu.vector_load %arg6[%get3A_254, %get3A_255, %get3A_256] {strides = array<i32>} : memref<2x256x128xf32, #tpu.memory_space<vmem>>, vector<16xf32>,
      %mul3A_258 = vector.broadcast %squeeze3A_216 : f32 to vector<16xf32>
      %mul3A_259 = arith.mulf %get3A_257, %mul3A_258 : vector<16xf32>
      %swap3A_260 = arith.constant 0 : i32
      %swap3A_261 = arith.index_cast %swap3A_260 : i32 to index
      %swap3A_262 = arith.index_cast %scan3A_205 : i32 to index
      %swap3A_263 = arith.constant 48 : index
      %swap3A_264 = tpu.vector_load %arg6[%swap3A_261, %swap3A_262, %swap3A_263] {strides = array<i32>} : memref<2x256x128xf32, #tpu.memory_space<vmem>>, vector<16xf32>,
      tpu.vector_store %arg6[%swap3A_261, %swap3A_262, %swap3A_263], %mul3A_259 {strides = array<i32>} : memref<2x256x128xf32, #tpu.memory_space<vmem>>, vector<16xf32>,
      %get3A_265 = arith.constant 0 : i32
      %get3A_266 = arith.index_cast %get3A_265 : i32 to index
      %get3A_267 = arith.index_cast %scan3A_205 : i32 to index
      %get3A_268 = arith.constant 64 : index
      %get3A_269 = tpu.vector_load %arg6[%get3A_266, %get3A_267, %get3A_268] {strides = array<i32>} : memref<2x256x128xf32, #tpu.memory_space<vmem>>, vector<16xf32>,
      %mul3A_270 = vector.broadcast %squeeze3A_216 : f32 to vector<16xf32>
      %mul3A_271 = arith.mulf %get3A_269, %mul3A_270 : vector<16xf32>
      %swap3A_272 = arith.constant 0 : i32
      %swap3A_273 = arith.index_cast %swap3A_272 : i32 to index
      %swap3A_274 = arith.index_cast %scan3A_205 : i32 to index
      %swap3A_275 = arith.constant 64 : index
      %swap3A_276 = tpu.vector_load %arg6[%swap3A_273, %swap3A_274, %swap3A_275] {strides = array<i32>} : memref<2x256x128xf32, #tpu.memory_space<vmem>>, vector<16xf32>,
      tpu.vector_store %arg6[%swap3A_273, %swap3A_274, %swap3A_275], %mul3A_271 {strides = array<i32>} : memref<2x256x128xf32, #tpu.memory_space<vmem>>, vector<16xf32>,
      %get3A_277 = arith.constant 0 : i32
      %get3A_278 = arith.index_cast %get3A_277 : i32 to index
      %get3A_279 = arith.index_cast %scan3A_205 : i32 to index
      %get3A_280 = arith.constant 80 : index
      %get3A_281 = tpu.vector_load %arg6[%get3A_278, %get3A_279, %get3A_280] {strides = array<i32>} : memref<2x256x128xf32, #tpu.memory_space<vmem>>, vector<16xf32>,
      %mul3A_282 = vector.broadcast %squeeze3A_216 : f32 to vector<16xf32>
      %mul3A_283 = arith.mulf %get3A_281, %mul3A_282 : vector<16xf32>
      %swap3A_284 = arith.constant 0 : i32
      %swap3A_285 = arith.index_cast %swap3A_284 : i32 to index
      %swap3A_286 = arith.index_cast %scan3A_205 : i32 to index
      %swap3A_287 = arith.constant 80 : index
      %swap3A_288 = tpu.vector_load %arg6[%swap3A_285, %swap3A_286, %swap3A_287] {strides = array<i32>} : memref<2x256x128xf32, #tpu.memory_space<vmem>>, vector<16xf32>,
      tpu.vector_store %arg6[%swap3A_285, %swap3A_286, %swap3A_287], %mul3A_283 {strides = array<i32>} : memref<2x256x128xf32, #tpu.memory_space<vmem>>, vector<16xf32>,
      %get3A_289 = arith.constant 0 : i32
      %get3A_290 = arith.index_cast %get3A_289 : i32 to index
      %get3A_291 = arith.index_cast %scan3A_205 : i32 to index
      %get3A_292 = arith.constant 96 : index
      %get3A_293 = tpu.vector_load %arg6[%get3A_290, %get3A_291, %get3A_292] {strides = array<i32>} : memref<2x256x128xf32, #tpu.memory_space<vmem>>, vector<16xf32>,
      %mul3A_294 = vector.broadcast %squeeze3A_216 : f32 to vector<16xf32>
      %mul3A_295 = arith.mulf %get3A_293, %mul3A_294 : vector<16xf32>
      %swap3A_296 = arith.constant 0 : i32
      %swap3A_297 = arith.index_cast %swap3A_296 : i32 to index
      %swap3A_298 = arith.index_cast %scan3A_205 : i32 to index
      %swap3A_299 = arith.constant 96 : index
      %swap3A_300 = tpu.vector_load %arg6[%swap3A_297, %swap3A_298, %swap3A_299] {strides = array<i32>} : memref<2x256x128xf32, #tpu.memory_space<vmem>>, vector<16xf32>,
      tpu.vector_store %arg6[%swap3A_297, %swap3A_298, %swap3A_299], %mul3A_295 {strides = array<i32>} : memref<2x256x128xf32, #tpu.memory_space<vmem>>, vector<16xf32>,
      %get3A_301 = arith.constant 0 : i32
      %get3A_302 = arith.index_cast %get3A_301 : i32 to index
      %get3A_303 = arith.index_cast %scan3A_205 : i32 to index
      %get3A_304 = arith.constant 112 : index
      %get3A_305 = tpu.vector_load %arg6[%get3A_302, %get3A_303, %get3A_304] {strides = array<i32>} : memref<2x256x128xf32, #tpu.memory_space<vmem>>, vector<16xf32>,
      %mul3A_306 = vector.broadcast %squeeze3A_216 : f32 to vector<16xf32>
      %mul3A_307 = arith.mulf %get3A_305, %mul3A_306 : vector<16xf32>
      %swap3A_308 = arith.constant 0 : i32
      %swap3A_309 = arith.index_cast %swap3A_308 : i32 to index
      %swap3A_310 = arith.index_cast %scan3A_205 : i32 to index
      %swap3A_311 = arith.constant 112 : index
      %swap3A_312 = tpu.vector_load %arg6[%swap3A_309, %swap3A_310, %swap3A_311] {strides = array<i32>} : memref<2x256x128xf32, #tpu.memory_space<vmem>>, vector<16xf32>,
      tpu.vector_store %arg6[%swap3A_309, %swap3A_310, %swap3A_311], %mul3A_307 {strides = array<i32>} : memref<2x256x128xf32, #tpu.memory_space<vmem>>, vector<16xf32>,
    }
    %scan3A_189 = arith.constant 64 : i32
    %add3A_190 = arith.constant 192 : i32
    %add3A_191 = arith.addi %mul3A_2, %add3A_190 : i32
    %run_scoped3A_192 = arith.constant 0 : i32
    "tpu.region"() ({
      %run_scoped3A_205 = tpu.sem_alloc : memref<!tpu.dma_semaphore, #tpu.memory_space<semaphore_mem>>
      %dma_start3A = arith.constant 0 : i32
      %dma_start3A_206 = arith.constant 0 : i32
      %dma_start3A_207 = tpu.memref_slice %arg6[%run_scoped3A_192, %dma_start3A, %dma_start3A_206] : memref<2x256x128xf32, #tpu.memory_space<vmem>> -> memref<1x256x128xf32, #tpu.memory_space<vmem>>
      %dma_start3A_208 = tpu.memref_squeeze %dma_start3A_207 : memref<1x256x128xf32, #tpu.memory_space<vmem>> -> memref<256x128xf32, #tpu.memory_space<vmem>>
      %dma_start3A_209 = arith.constant 0 : i32
      %dma_start3A_210 = arith.constant 0 : i32
      %dma_start3A_211 = tpu.memref_slice %dma_start3A_208[%dma_start3A_209, %dma_start3A_210] : memref<256x128xf32, #tpu.memory_space<vmem>> -> memref<64x128xf32, #tpu.memory_space<vmem>>
      %dma_start3A_212 = arith.constant 0 : i32
      %dma_start3A_213 = tpu.memref_slice %arg5[%add3A_191, %dma_start3A_212] : memref<10240x128xf32, #tpu.memory_space<hbm>> -> memref<64x128xf32, #tpu.memory_space<hbm>>
      %dma_start3A_214 = arith.constant 0 : i32
      %dma_start3A_215 = tpu.memref_slice %arg5[%add3A_191, %dma_start3A_214] : memref<10240x128xf32, #tpu.memory_space<hbm>> -> memref<64x128xf32, #tpu.memory_space<hbm>>
      %dma_start3A_216 = arith.constant 0 : i32
      %dma_start3A_217 = arith.constant 0 : i32
      %dma_start3A_218 = tpu.memref_slice %arg6[%run_scoped3A_192, %dma_start3A_216, %dma_start3A_217] : memref<2x256x128xf32, #tpu.memory_space<vmem>> -> memref<1x256x128xf32, #tpu.memory_space<vmem>>
      %dma_start3A_219 = tpu.memref_squeeze %dma_start3A_218 : memref<1x256x128xf32, #tpu.memory_space<vmem>> -> memref<256x128xf32, #tpu.memory_space<vmem>>
      %dma_start3A_220 = arith.constant 0 : i32
      %dma_start3A_221 = arith.constant 0 : i32
      %dma_start3A_222 = tpu.memref_slice %dma_start3A_219[%dma_start3A_220, %dma_start3A_221] : memref<256x128xf32, #tpu.memory_space<vmem>> -> memref<64x128xf32, #tpu.memory_space<vmem>>
      tpu.enqueue_dma source(%dma_start3A_222 : memref<64x128xf32, #tpu.memory_space<vmem>>) target(%dma_start3A_215 : memref<64x128xf32, #tpu.memory_space<hbm>>) target_semaphore(%run_scoped3A_205 : memref<!tpu.dma_semaphore, #tpu.memory_space<semaphore_mem>>)
      %dma_wait3A = arith.constant 0 : i32
      %dma_wait3A_223 = arith.constant 0 : i32
      %dma_wait3A_224 = tpu.memref_slice %arg6[%run_scoped3A_192, %dma_wait3A, %dma_wait3A_223] : memref<2x256x128xf32, #tpu.memory_space<vmem>> -> memref<1x256x128xf32, #tpu.memory_space<vmem>>
      %dma_wait3A_225 = tpu.memref_squeeze %dma_wait3A_224 : memref<1x256x128xf32, #tpu.memory_space<vmem>> -> memref<256x128xf32, #tpu.memory_space<vmem>>
      %dma_wait3A_226 = arith.constant 0 : i32
      %dma_wait3A_227 = arith.constant 0 : i32
      %dma_wait3A_228 = tpu.memref_slice %dma_wait3A_225[%dma_wait3A_226, %dma_wait3A_227] : memref<256x128xf32, #tpu.memory_space<vmem>> -> memref<64x128xf32, #tpu.memory_space<vmem>>
      %dma_wait3A_229 = arith.constant 0 : i32
      %dma_wait3A_230 = tpu.memref_slice %arg5[%add3A_191, %dma_wait3A_229] : memref<10240x128xf32, #tpu.memory_space<hbm>> -> memref<64x128xf32, #tpu.memory_space<hbm>>
      %dma_wait3A_231 = arith.constant 0 : i32
      %dma_wait3A_232 = tpu.memref_slice %arg5[%add3A_191, %dma_wait3A_231] : memref<10240x128xf32, #tpu.memory_space<hbm>> -> memref<64x128xf32, #tpu.memory_space<hbm>>
      %dma_wait3A_233 = arith.constant 0 : i32
      %dma_wait3A_234 = arith.constant 0 : i32
      %dma_wait3A_235 = tpu.memref_slice %arg6[%run_scoped3A_192, %dma_wait3A_233, %dma_wait3A_234] : memref<2x256x128xf32, #tpu.memory_space<vmem>> -> memref<1x256x128xf32, #tpu.memory_space<vmem>>
      %dma_wait3A_236 = tpu.memref_squeeze %dma_wait3A_235 : memref<1x256x128xf32, #tpu.memory_space<vmem>> -> memref<256x128xf32, #tpu.memory_space<vmem>>
      %dma_wait3A_237 = arith.constant 0 : i32
      %dma_wait3A_238 = arith.constant 0 : i32
      %dma_wait3A_239 = tpu.memref_slice %dma_wait3A_236[%dma_wait3A_237, %dma_wait3A_238] : memref<256x128xf32, #tpu.memory_space<vmem>> -> memref<64x128xf32, #tpu.memory_space<vmem>>
      tpu.wait_dma2 semaphore(%run_scoped3A_205 : memref<!tpu.dma_semaphore, #tpu.memory_space<semaphore_mem>>) src(%dma_wait3A_239 : memref<64x128xf32, #tpu.memory_space<vmem>>) dst(%dma_wait3A_232 : memref<64x128xf32, #tpu.memory_space<hbm>>)
      tpu.yield
    }) : () -> ()
    %add3A_193 = arith.constant 256 : i32
    %add3A_194 = arith.addi %mul3A_4, %add3A_193 : i32
    %run_scoped3A_195 = arith.constant 0 : i32
    "tpu.region"() ({
      %run_scoped3A_205 = tpu.sem_alloc : memref<!tpu.dma_semaphore, #tpu.memory_space<semaphore_mem>>
      %dma_start3A = arith.constant 0 : i32
      %dma_start3A_206 = arith.constant 0 : i32
      %dma_start3A_207 = tpu.memref_slice %arg6[%run_scoped3A_195, %dma_start3A, %dma_start3A_206] : memref<2x256x128xf32, #tpu.memory_space<vmem>> -> memref<1x256x128xf32, #tpu.memory_space<vmem>>
      %dma_start3A_208 = tpu.memref_squeeze %dma_start3A_207 : memref<1x256x128xf32, #tpu.memory_space<vmem>> -> memref<256x128xf32, #tpu.memory_space<vmem>>
      %dma_start3A_209 = arith.constant 0 : i32
      %dma_start3A_210 = arith.constant 0 : i32
      %dma_start3A_211 = tpu.memref_slice %dma_start3A_208[%dma_start3A_209, %dma_start3A_210] : memref<256x128xf32, #tpu.memory_space<vmem>> -> memref<64x128xf32, #tpu.memory_space<vmem>>
      %dma_start3A_212 = arith.constant 0 : i32
      %dma_start3A_213 = tpu.memref_slice %arg11[%add3A_194, %dma_start3A_212] : memref<5248x128xf32, #tpu.memory_space<vmem_shared>> -> memref<64x128xf32, #tpu.memory_space<vmem_shared>>
      %dma_start3A_214 = arith.constant 0 : i32
      %dma_start3A_215 = arith.constant 0 : i32
      %dma_start3A_216 = tpu.memref_slice %arg6[%run_scoped3A_195, %dma_start3A_214, %dma_start3A_215] : memref<2x256x128xf32, #tpu.memory_space<vmem>> -> memref<1x256x128xf32, #tpu.memory_space<vmem>>
      %dma_start3A_217 = tpu.memref_squeeze %dma_start3A_216 : memref<1x256x128xf32, #tpu.memory_space<vmem>> -> memref<256x128xf32, #tpu.memory_space<vmem>>
      %dma_start3A_218 = arith.constant 0 : i32
      %dma_start3A_219 = arith.constant 0 : i32
      %dma_start3A_220 = tpu.memref_slice %dma_start3A_217[%dma_start3A_218, %dma_start3A_219] : memref<256x128xf32, #tpu.memory_space<vmem>> -> memref<64x128xf32, #tpu.memory_space<vmem>>
      %dma_start3A_221 = arith.constant 0 : i32
      %dma_start3A_222 = tpu.memref_slice %arg11[%add3A_194, %dma_start3A_221] : memref<5248x128xf32, #tpu.memory_space<vmem_shared>> -> memref<64x128xf32, #tpu.memory_space<vmem_shared>>
      tpu.enqueue_dma source(%dma_start3A_222 : memref<64x128xf32, #tpu.memory_space<vmem_shared>>) target(%dma_start3A_220 : memref<64x128xf32, #tpu.memory_space<vmem>>) target_semaphore(%run_scoped3A_205 : memref<!tpu.dma_semaphore, #tpu.memory_space<semaphore_mem>>)
      %dma_wait3A = arith.constant 0 : i32
      %dma_wait3A_223 = arith.constant 0 : i32
      %dma_wait3A_224 = tpu.memref_slice %arg6[%run_scoped3A_195, %dma_wait3A, %dma_wait3A_223] : memref<2x256x128xf32, #tpu.memory_space<vmem>> -> memref<1x256x128xf32, #tpu.memory_space<vmem>>
      %dma_wait3A_225 = tpu.memref_squeeze %dma_wait3A_224 : memref<1x256x128xf32, #tpu.memory_space<vmem>> -> memref<256x128xf32, #tpu.memory_space<vmem>>
      %dma_wait3A_226 = arith.constant 0 : i32
      %dma_wait3A_227 = arith.constant 0 : i32
      %dma_wait3A_228 = tpu.memref_slice %dma_wait3A_225[%dma_wait3A_226, %dma_wait3A_227] : memref<256x128xf32, #tpu.memory_space<vmem>> -> memref<64x128xf32, #tpu.memory_space<vmem>>
      %dma_wait3A_229 = arith.constant 0 : i32
      %dma_wait3A_230 = tpu.memref_slice %arg11[%add3A_194, %dma_wait3A_229] : memref<5248x128xf32, #tpu.memory_space<vmem_shared>> -> memref<64x128xf32, #tpu.memory_space<vmem_shared>>
      %dma_wait3A_231 = arith.constant 0 : i32
      %dma_wait3A_232 = arith.constant 0 : i32
      %dma_wait3A_233 = tpu.memref_slice %arg6[%run_scoped3A_195, %dma_wait3A_231, %dma_wait3A_232] : memref<2x256x128xf32, #tpu.memory_space<vmem>> -> memref<1x256x128xf32, #tpu.memory_space<vmem>>
      %dma_wait3A_234 = tpu.memref_squeeze %dma_wait3A_233 : memref<1x256x128xf32, #tpu.memory_space<vmem>> -> memref<256x128xf32, #tpu.memory_space<vmem>>
      %dma_wait3A_235 = arith.constant 0 : i32
      %dma_wait3A_236 = arith.constant 0 : i32
      %dma_wait3A_237 = tpu.memref_slice %dma_wait3A_234[%dma_wait3A_235, %dma_wait3A_236] : memref<256x128xf32, #tpu.memory_space<vmem>> -> memref<64x128xf32, #tpu.memory_space<vmem>>
      %dma_wait3A_238 = arith.constant 0 : i32
      %dma_wait3A_239 = tpu.memref_slice %arg11[%add3A_194, %dma_wait3A_238] : memref<5248x128xf32, #tpu.memory_space<vmem_shared>> -> memref<64x128xf32, #tpu.memory_space<vmem_shared>>
      tpu.wait_dma2 semaphore(%run_scoped3A_205 : memref<!tpu.dma_semaphore, #tpu.memory_space<semaphore_mem>>) src(%dma_wait3A_239 : memref<64x128xf32, #tpu.memory_space<vmem_shared>>) dst(%dma_wait3A_237 : memref<64x128xf32, #tpu.memory_space<vmem>>)
      tpu.yield
    }) : () -> ()
    %scan3A_196 = arith.constant 0 : i32
    %scan3A_197 = arith.constant 0 : i32
    %scan3A_198 = arith.constant 64 : i32
    %scan3A_199 = arith.addi %scan3A_197, %scan3A_198 : i32
    %scan3A_200 = arith.constant 1 : i32
    scf.for %scan3A_205 = %scan3A_197 to %scan3A_199 step %scan3A_200  : i32 {
      %add3A_206 = arith.constant 256 : i32
      %add3A_207 = arith.addi %add3A_206, %scan3A_205 : i32
      %get3A_208 = arith.index_cast %add3A_207 : i32 to index
      %get3A_209 = tpu.vector_load %arg9[%get3A_208] {strides = array<i32>} : memref<336xf32, #tpu.memory_space<vmem>>, vector<16xf32>,
      %broadcast_in_dim3A_210 = arith.constant 1.000000e+00 : f32
      %broadcast_in_dim3A_211 = vector.broadcast %broadcast_in_dim3A_210 : f32 to vector<16xf32>
      %max3A = arith.constant 1.000000e+00 : f32
      %max3A_212 = vector.broadcast %max3A : f32 to vector<16xf32>
      %max3A_213 = arith.maximumf %get3A_209, %max3A_212 : vector<16xf32>
      %div3A_214 = arith.divf %broadcast_in_dim3A_211, %max3A_213 : vector<16xf32>
      %slice3A_215 = vector.extract_strided_slice %div3A_214 {offsets = [0], sizes = [1], strides = [1]} : vector<16xf32> to vector<1xf32>
      %squeeze3A_216 = vector.extract %slice3A_215[0] : f32 from vector<1xf32>
      %get3A_217 = arith.constant 0 : i32
      %get3A_218 = arith.index_cast %get3A_217 : i32 to index
      %get3A_219 = arith.index_cast %scan3A_205 : i32 to index
      %get3A_220 = arith.constant 0 : index
      %get3A_221 = tpu.vector_load %arg6[%get3A_218, %get3A_219, %get3A_220] {strides = array<i32>} : memref<2x256x128xf32, #tpu.memory_space<vmem>>, vector<16xf32>,
      %mul3A_222 = vector.broadcast %squeeze3A_216 : f32 to vector<16xf32>
      %mul3A_223 = arith.mulf %get3A_221, %mul3A_222 : vector<16xf32>
      %swap3A_224 = arith.constant 0 : i32
      %swap3A_225 = arith.index_cast %swap3A_224 : i32 to index
      %swap3A_226 = arith.index_cast %scan3A_205 : i32 to index
      %swap3A_227 = arith.constant 0 : index
      %swap3A_228 = tpu.vector_load %arg6[%swap3A_225, %swap3A_226, %swap3A_227] {strides = array<i32>} : memref<2x256x128xf32, #tpu.memory_space<vmem>>, vector<16xf32>,
      tpu.vector_store %arg6[%swap3A_225, %swap3A_226, %swap3A_227], %mul3A_223 {strides = array<i32>} : memref<2x256x128xf32, #tpu.memory_space<vmem>>, vector<16xf32>,
      %get3A_229 = arith.constant 0 : i32
      %get3A_230 = arith.index_cast %get3A_229 : i32 to index
      %get3A_231 = arith.index_cast %scan3A_205 : i32 to index
      %get3A_232 = arith.constant 16 : index
      %get3A_233 = tpu.vector_load %arg6[%get3A_230, %get3A_231, %get3A_232] {strides = array<i32>} : memref<2x256x128xf32, #tpu.memory_space<vmem>>, vector<16xf32>,
      %mul3A_234 = vector.broadcast %squeeze3A_216 : f32 to vector<16xf32>
      %mul3A_235 = arith.mulf %get3A_233, %mul3A_234 : vector<16xf32>
      %swap3A_236 = arith.constant 0 : i32
      %swap3A_237 = arith.index_cast %swap3A_236 : i32 to index
      %swap3A_238 = arith.index_cast %scan3A_205 : i32 to index
      %swap3A_239 = arith.constant 16 : index
      %swap3A_240 = tpu.vector_load %arg6[%swap3A_237, %swap3A_238, %swap3A_239] {strides = array<i32>} : memref<2x256x128xf32, #tpu.memory_space<vmem>>, vector<16xf32>,
      tpu.vector_store %arg6[%swap3A_237, %swap3A_238, %swap3A_239], %mul3A_235 {strides = array<i32>} : memref<2x256x128xf32, #tpu.memory_space<vmem>>, vector<16xf32>,
      %get3A_241 = arith.constant 0 : i32
      %get3A_242 = arith.index_cast %get3A_241 : i32 to index
      %get3A_243 = arith.index_cast %scan3A_205 : i32 to index
      %get3A_244 = arith.constant 32 : index
      %get3A_245 = tpu.vector_load %arg6[%get3A_242, %get3A_243, %get3A_244] {strides = array<i32>} : memref<2x256x128xf32, #tpu.memory_space<vmem>>, vector<16xf32>,
      %mul3A_246 = vector.broadcast %squeeze3A_216 : f32 to vector<16xf32>
      %mul3A_247 = arith.mulf %get3A_245, %mul3A_246 : vector<16xf32>
      %swap3A_248 = arith.constant 0 : i32
      %swap3A_249 = arith.index_cast %swap3A_248 : i32 to index
      %swap3A_250 = arith.index_cast %scan3A_205 : i32 to index
      %swap3A_251 = arith.constant 32 : index
      %swap3A_252 = tpu.vector_load %arg6[%swap3A_249, %swap3A_250, %swap3A_251] {strides = array<i32>} : memref<2x256x128xf32, #tpu.memory_space<vmem>>, vector<16xf32>,
      tpu.vector_store %arg6[%swap3A_249, %swap3A_250, %swap3A_251], %mul3A_247 {strides = array<i32>} : memref<2x256x128xf32, #tpu.memory_space<vmem>>, vector<16xf32>,
      %get3A_253 = arith.constant 0 : i32
      %get3A_254 = arith.index_cast %get3A_253 : i32 to index
      %get3A_255 = arith.index_cast %scan3A_205 : i32 to index
      %get3A_256 = arith.constant 48 : index
      %get3A_257 = tpu.vector_load %arg6[%get3A_254, %get3A_255, %get3A_256] {strides = array<i32>} : memref<2x256x128xf32, #tpu.memory_space<vmem>>, vector<16xf32>,
      %mul3A_258 = vector.broadcast %squeeze3A_216 : f32 to vector<16xf32>
      %mul3A_259 = arith.mulf %get3A_257, %mul3A_258 : vector<16xf32>
      %swap3A_260 = arith.constant 0 : i32
      %swap3A_261 = arith.index_cast %swap3A_260 : i32 to index
      %swap3A_262 = arith.index_cast %scan3A_205 : i32 to index
      %swap3A_263 = arith.constant 48 : index
      %swap3A_264 = tpu.vector_load %arg6[%swap3A_261, %swap3A_262, %swap3A_263] {strides = array<i32>} : memref<2x256x128xf32, #tpu.memory_space<vmem>>, vector<16xf32>,
      tpu.vector_store %arg6[%swap3A_261, %swap3A_262, %swap3A_263], %mul3A_259 {strides = array<i32>} : memref<2x256x128xf32, #tpu.memory_space<vmem>>, vector<16xf32>,
      %get3A_265 = arith.constant 0 : i32
      %get3A_266 = arith.index_cast %get3A_265 : i32 to index
      %get3A_267 = arith.index_cast %scan3A_205 : i32 to index
      %get3A_268 = arith.constant 64 : index
      %get3A_269 = tpu.vector_load %arg6[%get3A_266, %get3A_267, %get3A_268] {strides = array<i32>} : memref<2x256x128xf32, #tpu.memory_space<vmem>>, vector<16xf32>,
      %mul3A_270 = vector.broadcast %squeeze3A_216 : f32 to vector<16xf32>
      %mul3A_271 = arith.mulf %get3A_269, %mul3A_270 : vector<16xf32>
      %swap3A_272 = arith.constant 0 : i32
      %swap3A_273 = arith.index_cast %swap3A_272 : i32 to index
      %swap3A_274 = arith.index_cast %scan3A_205 : i32 to index
      %swap3A_275 = arith.constant 64 : index
      %swap3A_276 = tpu.vector_load %arg6[%swap3A_273, %swap3A_274, %swap3A_275] {strides = array<i32>} : memref<2x256x128xf32, #tpu.memory_space<vmem>>, vector<16xf32>,
      tpu.vector_store %arg6[%swap3A_273, %swap3A_274, %swap3A_275], %mul3A_271 {strides = array<i32>} : memref<2x256x128xf32, #tpu.memory_space<vmem>>, vector<16xf32>,
      %get3A_277 = arith.constant 0 : i32
      %get3A_278 = arith.index_cast %get3A_277 : i32 to index
      %get3A_279 = arith.index_cast %scan3A_205 : i32 to index
      %get3A_280 = arith.constant 80 : index
      %get3A_281 = tpu.vector_load %arg6[%get3A_278, %get3A_279, %get3A_280] {strides = array<i32>} : memref<2x256x128xf32, #tpu.memory_space<vmem>>, vector<16xf32>,
      %mul3A_282 = vector.broadcast %squeeze3A_216 : f32 to vector<16xf32>
      %mul3A_283 = arith.mulf %get3A_281, %mul3A_282 : vector<16xf32>
      %swap3A_284 = arith.constant 0 : i32
      %swap3A_285 = arith.index_cast %swap3A_284 : i32 to index
      %swap3A_286 = arith.index_cast %scan3A_205 : i32 to index
      %swap3A_287 = arith.constant 80 : index
      %swap3A_288 = tpu.vector_load %arg6[%swap3A_285, %swap3A_286, %swap3A_287] {strides = array<i32>} : memref<2x256x128xf32, #tpu.memory_space<vmem>>, vector<16xf32>,
      tpu.vector_store %arg6[%swap3A_285, %swap3A_286, %swap3A_287], %mul3A_283 {strides = array<i32>} : memref<2x256x128xf32, #tpu.memory_space<vmem>>, vector<16xf32>,
      %get3A_289 = arith.constant 0 : i32
      %get3A_290 = arith.index_cast %get3A_289 : i32 to index
      %get3A_291 = arith.index_cast %scan3A_205 : i32 to index
      %get3A_292 = arith.constant 96 : index
      %get3A_293 = tpu.vector_load %arg6[%get3A_290, %get3A_291, %get3A_292] {strides = array<i32>} : memref<2x256x128xf32, #tpu.memory_space<vmem>>, vector<16xf32>,
      %mul3A_294 = vector.broadcast %squeeze3A_216 : f32 to vector<16xf32>
      %mul3A_295 = arith.mulf %get3A_293, %mul3A_294 : vector<16xf32>
      %swap3A_296 = arith.constant 0 : i32
      %swap3A_297 = arith.index_cast %swap3A_296 : i32 to index
      %swap3A_298 = arith.index_cast %scan3A_205 : i32 to index
      %swap3A_299 = arith.constant 96 : index
      %swap3A_300 = tpu.vector_load %arg6[%swap3A_297, %swap3A_298, %swap3A_299] {strides = array<i32>} : memref<2x256x128xf32, #tpu.memory_space<vmem>>, vector<16xf32>,
      tpu.vector_store %arg6[%swap3A_297, %swap3A_298, %swap3A_299], %mul3A_295 {strides = array<i32>} : memref<2x256x128xf32, #tpu.memory_space<vmem>>, vector<16xf32>,
      %get3A_301 = arith.constant 0 : i32
      %get3A_302 = arith.index_cast %get3A_301 : i32 to index
      %get3A_303 = arith.index_cast %scan3A_205 : i32 to index
      %get3A_304 = arith.constant 112 : index
      %get3A_305 = tpu.vector_load %arg6[%get3A_302, %get3A_303, %get3A_304] {strides = array<i32>} : memref<2x256x128xf32, #tpu.memory_space<vmem>>, vector<16xf32>,
      %mul3A_306 = vector.broadcast %squeeze3A_216 : f32 to vector<16xf32>
      %mul3A_307 = arith.mulf %get3A_305, %mul3A_306 : vector<16xf32>
      %swap3A_308 = arith.constant 0 : i32
      %swap3A_309 = arith.index_cast %swap3A_308 : i32 to index
      %swap3A_310 = arith.index_cast %scan3A_205 : i32 to index
      %swap3A_311 = arith.constant 112 : index
      %swap3A_312 = tpu.vector_load %arg6[%swap3A_309, %swap3A_310, %swap3A_311] {strides = array<i32>} : memref<2x256x128xf32, #tpu.memory_space<vmem>>, vector<16xf32>,
      tpu.vector_store %arg6[%swap3A_309, %swap3A_310, %swap3A_311], %mul3A_307 {strides = array<i32>} : memref<2x256x128xf32, #tpu.memory_space<vmem>>, vector<16xf32>,
    }
    %scan3A_201 = arith.constant 64 : i32
    %add3A_202 = arith.constant 256 : i32
    %add3A_203 = arith.addi %mul3A_2, %add3A_202 : i32
    %run_scoped3A_204 = arith.constant 0 : i32
    "tpu.region"() ({
      %run_scoped3A_205 = tpu.sem_alloc : memref<!tpu.dma_semaphore, #tpu.memory_space<semaphore_mem>>
      %dma_start3A = arith.constant 0 : i32
      %dma_start3A_206 = arith.constant 0 : i32
      %dma_start3A_207 = tpu.memref_slice %arg6[%run_scoped3A_204, %dma_start3A, %dma_start3A_206] : memref<2x256x128xf32, #tpu.memory_space<vmem>> -> memref<1x256x128xf32, #tpu.memory_space<vmem>>
      %dma_start3A_208 = tpu.memref_squeeze %dma_start3A_207 : memref<1x256x128xf32, #tpu.memory_space<vmem>> -> memref<256x128xf32, #tpu.memory_space<vmem>>
      %dma_start3A_209 = arith.constant 0 : i32
      %dma_start3A_210 = arith.constant 0 : i32
      %dma_start3A_211 = tpu.memref_slice %dma_start3A_208[%dma_start3A_209, %dma_start3A_210] : memref<256x128xf32, #tpu.memory_space<vmem>> -> memref<64x128xf32, #tpu.memory_space<vmem>>
      %dma_start3A_212 = arith.constant 0 : i32
      %dma_start3A_213 = tpu.memref_slice %arg5[%add3A_203, %dma_start3A_212] : memref<10240x128xf32, #tpu.memory_space<hbm>> -> memref<64x128xf32, #tpu.memory_space<hbm>>
      %dma_start3A_214 = arith.constant 0 : i32
      %dma_start3A_215 = tpu.memref_slice %arg5[%add3A_203, %dma_start3A_214] : memref<10240x128xf32, #tpu.memory_space<hbm>> -> memref<64x128xf32, #tpu.memory_space<hbm>>
      %dma_start3A_216 = arith.constant 0 : i32
      %dma_start3A_217 = arith.constant 0 : i32
      %dma_start3A_218 = tpu.memref_slice %arg6[%run_scoped3A_204, %dma_start3A_216, %dma_start3A_217] : memref<2x256x128xf32, #tpu.memory_space<vmem>> -> memref<1x256x128xf32, #tpu.memory_space<vmem>>
      %dma_start3A_219 = tpu.memref_squeeze %dma_start3A_218 : memref<1x256x128xf32, #tpu.memory_space<vmem>> -> memref<256x128xf32, #tpu.memory_space<vmem>>
      %dma_start3A_220 = arith.constant 0 : i32
      %dma_start3A_221 = arith.constant 0 : i32
      %dma_start3A_222 = tpu.memref_slice %dma_start3A_219[%dma_start3A_220, %dma_start3A_221] : memref<256x128xf32, #tpu.memory_space<vmem>> -> memref<64x128xf32, #tpu.memory_space<vmem>>
      tpu.enqueue_dma source(%dma_start3A_222 : memref<64x128xf32, #tpu.memory_space<vmem>>) target(%dma_start3A_215 : memref<64x128xf32, #tpu.memory_space<hbm>>) target_semaphore(%run_scoped3A_205 : memref<!tpu.dma_semaphore, #tpu.memory_space<semaphore_mem>>)
      %dma_wait3A = arith.constant 0 : i32
      %dma_wait3A_223 = arith.constant 0 : i32
      %dma_wait3A_224 = tpu.memref_slice %arg6[%run_scoped3A_204, %dma_wait3A, %dma_wait3A_223] : memref<2x256x128xf32, #tpu.memory_space<vmem>> -> memref<1x256x128xf32, #tpu.memory_space<vmem>>
      %dma_wait3A_225 = tpu.memref_squeeze %dma_wait3A_224 : memref<1x256x128xf32, #tpu.memory_space<vmem>> -> memref<256x128xf32, #tpu.memory_space<vmem>>
      %dma_wait3A_226 = arith.constant 0 : i32
      %dma_wait3A_227 = arith.constant 0 : i32
      %dma_wait3A_228 = tpu.memref_slice %dma_wait3A_225[%dma_wait3A_226, %dma_wait3A_227] : memref<256x128xf32, #tpu.memory_space<vmem>> -> memref<64x128xf32, #tpu.memory_space<vmem>>
      %dma_wait3A_229 = arith.constant 0 : i32
      %dma_wait3A_230 = tpu.memref_slice %arg5[%add3A_203, %dma_wait3A_229] : memref<10240x128xf32, #tpu.memory_space<hbm>> -> memref<64x128xf32, #tpu.memory_space<hbm>>
      %dma_wait3A_231 = arith.constant 0 : i32
      %dma_wait3A_232 = tpu.memref_slice %arg5[%add3A_203, %dma_wait3A_231] : memref<10240x128xf32, #tpu.memory_space<hbm>> -> memref<64x128xf32, #tpu.memory_space<hbm>>
      %dma_wait3A_233 = arith.constant 0 : i32
      %dma_wait3A_234 = arith.constant 0 : i32
      %dma_wait3A_235 = tpu.memref_slice %arg6[%run_scoped3A_204, %dma_wait3A_233, %dma_wait3A_234] : memref<2x256x128xf32, #tpu.memory_space<vmem>> -> memref<1x256x128xf32, #tpu.memory_space<vmem>>
      %dma_wait3A_236 = tpu.memref_squeeze %dma_wait3A_235 : memref<1x256x128xf32, #tpu.memory_space<vmem>> -> memref<256x128xf32, #tpu.memory_space<vmem>>
      %dma_wait3A_237 = arith.constant 0 : i32
      %dma_wait3A_238 = arith.constant 0 : i32
      %dma_wait3A_239 = tpu.memref_slice %dma_wait3A_236[%dma_wait3A_237, %dma_wait3A_238] : memref<256x128xf32, #tpu.memory_space<vmem>> -> memref<64x128xf32, #tpu.memory_space<vmem>>
      tpu.wait_dma2 semaphore(%run_scoped3A_205 : memref<!tpu.dma_semaphore, #tpu.memory_space<semaphore_mem>>) src(%dma_wait3A_239 : memref<64x128xf32, #tpu.memory_space<vmem>>) dst(%dma_wait3A_232 : memref<64x128xf32, #tpu.memory_space<hbm>>)
      tpu.yield
    }) : () -> ()
    return
  }
}

</mosaic_0001>

<sc_bundles>
// kernel: kernel.3.cloned.1.call-start
scs
__scs_entry_jumppad:
0x0: {  	(pc) =	sbr.rel $0x88, $3  }
0x1: {  	(tag) =	ssettag $0x0;
	lr =	simm.s32 $0x1  }
0x2: {  	[smem:$0x3F9F] =	sst lr;
	_ =	strace $0xD0000000  }
0x3: {  	_ = 	snop  }
0x4: {  	_ = 	snop  }
0x5: {  	_ = 	snop  }
0x6: {  	_ = 	snop  }
0x7: {  	_ = 	snop  }
__scs_overlays_trampoline_lowered:
0x8: {  	[smem:$0x3FAE] =	sst s0  }
0x9: {  	[smem:$0x3FAF] =	sst s1  }
0xa: {  	[smem:$0x3FB0] =	sst s2  }
0xb: {  	[smem:$0x3FB1] =	sst s3  }
0xc: {  	[smem:$0x3FB2] =	sst s4  }
0xd: {  	[smem:$0x3FB3] =	sst s5  }
0xe: {  	[smem:$0x3FB4] =	sst s6  }
0xf: {  	[smem:$0x3FB5] =	sst s7  }
0x10: {  	[smem:$0x3FB6] =	sst s8  }
0x11: {  	[smem:$0x3FB7] =	sst s9;
	s0 =	simm.s32 @!p0 $0x0  }
0x12: {  	s1 =	sld [smem:$0x3F9D];
	s0 =	simm.s32 @p0 $0x1  }
0x13: {  	[smem:$0x3FB8] =	sst s0;
	s0 =	simm.s32 @!p1 $0x0  }
0x14: {  	s2 =	sld [smem:$0x3F9C];
	s0 =	simm.s32 @p1 $0x1  }
0x15: {  	[smem:$0x3FB9] =	sst s0;
	s0 =	simm.s32 @!p2 $0x0  }
0x16: {  	s3 =	sld [smem:$0x3FDB];
	s0 =	simm.s32 @p2 $0x1  }
0x17: {  	s4 =	simm.s32 $0x1BF5;
	[smem:$0x3FBB] =	sst s0  }
0x18: {  	s0 =	sld [smem:$0x3F9E];
	_ =	swait.ge [sflag:s4], $0x0  }
0x19: {  	s7 =	sld [smem:$0x3F9F]  }
0x1a: {  	s8 =	sadd.s32 $0xFFFFE003, lr  }
0x1b: {  	s9 =	sadd.s32 $0xFFFFFEF7, lr;
	s5 =	simm.s32 $0xFFFFFFFF;
	p2 =	slt.u32 s8, $0xFFFFF086  }
0x1c: {  	p1 =	slt.u32 s9, $0xF7A;
	s5 =	simm.s32 @!p2 $0x0  }
0x1d: {  	s5 =	simm.s32 @p1 $0x1;
	p0 =	seq.s32 s7, s2  }
0x1e: {  	s7 =	smul.u32 @!p0 $0xF7A, s2;
	p2 =	seq.s32 @!p0 s5, $0x0  }
0x1f: {  	s9 =	smul.u32 $0xF7A, s1;
	s8 =	simm.s32 @!p0 $0x1BF5;
	p2 =	por !p2, p0  }
0x20: {  	[sflag:s8] =	ssyncset.s32 @!p0 $0xFFFFF086;
	s6 =	sadd.s32 @!p0 s3, s7;
	s7 =	simm.s32 @!p0 $0x108  }
0x21: {  	s3 =	sadd.s32 s3, s9;
	s6 =	sadd.s32 @!p0 $0x88, s6;
	s7 =	simm.s32 @p2 $0x1082  }
0x22: {  	[simem:s7], [sflag:s8] =	dma.local @!p0 [hbm:s6], $0xF7A  }
0x23: {  	s9 =	sor.u32 $0xD0000000, s2;
	s6 =	simm.s32 $0x108;
	_ =	swait.ge @!p0 [sflag:s8], $0x0  }
0x24: {  	s3 =	sadd.s32 $0x88, s3;
	s6 =	simm.s32 @!p1 $0x1082;
	[sflag:s4] =	ssyncset.s32 $0xFFFFF086  }
0x25: {  	[simem:s6], [sflag:s4] =	dma.local [hbm:s3], $0xF7A  }
0x26: {  	[smem:$0x3F9F] =	sst s1;
	(tag) =	ssettag s2;
	_ =	strace s9  }
0x27: {  	s1 =	sld [smem:$0x3FAF]  }
0x28: {  	s2 =	sld [smem:$0x3FB0]  }
0x29: {  	s4 =	sld [smem:$0x3FB2]  }
0x2a: {  	p0 =	seq.s32 s5, $0x0;
	s5 =	sld [smem:$0x3FB3]  }
0x2b: {  	s6 =	sld [smem:$0x3FB4]  }
0x2c: {  	s7 =	sld [smem:$0x3FB5]  }
0x2d: {  	s3 =	simm.s32 $0x108;
	s8 =	sld [smem:$0x3FB6]  }
0x2e: {  	s3 =	simm.s32 @!p0 $0x1082;
	s9 =	sld [smem:$0x3FB7]  }
0x2f: {  	lr =	sadd.s32 s0, s3;
	s0 =	sld [smem:$0x3FAE]  }
0x30: {  	s3 =	sld [smem:$0x3FB1]  }
0x31: {  	[smem:$0x3FBA] =	sst s10  }
0x32: {  	s10 =	sld [smem:$0x3FB8];
	_ =	sdelay $0x3  }
0x33: {  	p0 =	seq.s32 s10, $0x1;
	s10 =	sld [smem:$0x3FBA];
	_ =	sdelay $0x3  }
0x34: {  	[smem:$0x3FBA] =	sst s10  }
0x35: {  	s10 =	sld [smem:$0x3FB9];
	_ =	sdelay $0x3  }
0x36: {  	p1 =	seq.s32 s10, $0x1;
	s10 =	sld [smem:$0x3FBA];
	_ =	sdelay $0x3  }
0x37: {  	[smem:$0x3FBA] =	sst s10  }
0x38: {  	s10 =	sld [smem:$0x3FBB]  }
0x39: {  	_ = 	snop;
	(pc) =	sbr.ind lr, $3  }
0x3a: {  	_ = 	snop  }
0x3b: {  	_ = 	snop  }
0x3c: {  	p2 =	seq.s32 s10, $0x1;
	s10 =	sld [smem:$0x3FBA]  }
0x3d: {  	_ =	shalt  }
0x3e: {  	_ =	shalt  }
0x3f: {  	_ =	shalt  }
0x40: {  	_ =	shalt  }
0x41: {  	_ =	shalt  }
0x42: {  	_ =	shalt  }
0x43: {  	_ =	shalt  }
0x44: {  	_ =	shalt  }
0x45: {  	_ =	shalt  }
0x46: {  	_ =	shalt  }
0x47: {  	_ =	shalt  }
0x48: {  	_ =	shalt  }
0x49: {  	_ =	shalt  }
0x4a: {  	_ =	shalt  }
0x4b: {  	_ =	shalt  }
0x4c: {  	_ =	shalt  }
0x4d: {  	_ =	shalt  }
0x4e: {  	_ =	shalt  }
0x4f: {  	_ =	shalt  }
0x50: {  	_ =	shalt  }
0x51: {  	_ =	shalt  }
0x52: {  	_ =	shalt  }
0x53: {  	_ =	shalt  }
0x54: {  	_ =	shalt  }
0x55: {  	_ =	shalt  }
0x56: {  	_ =	shalt  }
0x57: {  	_ =	shalt  }
0x58: {  	_ =	shalt  }
0x59: {  	_ =	shalt  }
0x5a: {  	_ =	shalt  }
0x5b: {  	_ =	shalt  }
0x5c: {  	_ =	shalt  }
0x5d: {  	_ =	shalt  }
0x5e: {  	_ =	shalt  }
0x5f: {  	_ =	shalt  }
0x60: {  	_ =	shalt  }
0x61: {  	_ =	shalt  }
0x62: {  	_ =	shalt  }
0x63: {  	_ =	shalt  }
0x64: {  	_ =	shalt  }
0x65: {  	_ =	shalt  }
0x66: {  	_ =	shalt  }
0x67: {  	_ =	shalt  }
0x68: {  	_ =	shalt  }
0x69: {  	_ =	shalt  }
0x6a: {  	_ =	shalt  }
0x6b: {  	_ =	shalt  }
0x6c: {  	_ =	shalt  }
0x6d: {  	_ =	shalt  }
0x6e: {  	_ =	shalt  }
0x6f: {  	_ =	shalt  }
0x70: {  	_ =	shalt  }
0x71: {  	_ =	shalt  }
0x72: {  	_ =	shalt  }
0x73: {  	_ =	shalt  }
0x74: {  	_ =	shalt  }
0x75: {  	_ =	shalt  }
0x76: {  	_ =	shalt  }
0x77: {  	_ =	shalt  }
0x78: {  	_ =	shalt  }
0x79: {  	_ =	shalt  }
0x7a: {  	_ =	shalt  }
0x7b: {  	_ =	shalt  }
0x7c: {  	_ =	shalt  }
0x7d: {  	_ =	shalt  }
0x7e: {  	_ =	shalt  }
0x7f: {  	_ =	shalt  }
0x80: {  	_ =	shalt  }
0x81: {  	_ =	shalt  }
0x82: {  	_ =	shalt  }
0x83: {  	_ =	shalt  }
0x84: {  	_ =	shalt  }
0x85: {  	_ =	shalt  }
0x86: {  	_ =	shalt  }
0x87: {  	_ =	shalt  }
.Lfunc_end0:
.L_simem_size_0:
called_computation_lowered:
.L_overlay_start_0:
0x88: {  	s2 =	sld [smem:$0x3FD9]  }
0x89: {  	s3 =	sld [smem:$0x3FFE];
	_ =	sdelay $0x1  }
0x8a: {  	s1 =	srdreg.scid  }
0x8b: {  	s0 =	sand.u32 $0x1, s1  }
0x8c: {  	s17 =	sshll.u32 s0, $0xA;
	s2 =	sadd.s32 s3, s2  }
0x8d: {  	s2 =	sadd.s32 s2, s17  }
0x8e: {  	[smem:$0x3FC6] =	sst s2  }
0x8f: {  	_ = 	snop  }
0x90: {  	s2 =	sld [smem:$0x3FC9]  }
0x91: {  	s18 =	sld [smem:$0x3FC8]  }
0x92: {  	s4 =	sld [smem:$0x3FD0];
	(tm) =	ssettm $0x1  }
0x93: {  	s5 =	sld [smem:$0x3FFB];
	_ =	sdelay $0x3  }
0x94: {  	_ =	strace s5  }
0x95: {  	s5 =	sld [smem:$0x3FFC];
	_ =	sdelay $0x3  }
0x96: {  	_ =	strace s5  }
0x97: {  	s5 =	sld [smem:$0x3FFD];
	_ =	sdelay $0x3  }
0x98: {  	_ =	strace s5  }
0x99: {  	_ =	strace $0x8FFFFFFF  }
0x9a: {  	s19 =	sld [smem:$0x3FDB];
	_ =	sdelay $0x1  }
0x9b: {  	s6 =	simm.s32 $_scs_section_size  }
0x9c: {  	s7 =	simm.s32 $_size__tile_overlayer_lowered;
	s8 =	simm.s32 $_tile_overlayer_lowered  }
0x9d: {  	s22 =	simm.s32 $0x1BFF;
	s21 =	sshll.u32 s8, $0x1;
	s5 =	sadd.s32 s6, s19  }
0x9e: {  	s9 =	simm.s32 $0x0;
	s20 =	sshll.u32 s7, $0x1;
	s7 =	sadd.s32 s21, s5  }
0x9f: {  	[timem:s9], [sflag:s22] =	dma.local [hbm:s7], s20  }
0xa0: {  	_ =	swait.ge [sflag:s22], s20  }
0xa1: {  	s6 =	ssub.s32 $0x0, s20;
	[sflag:s22] =	ssyncset.done $0x0  }
0xa2: {  	[sflag:s22] =	ssyncadd.s32 s6;
	_ =	sdelay $0x1  }
0xa3: {  	s23 =	simm.s32 $0x1B8B  }
0xa4: {  	_ =	swait.ge [sflag:s23], $0x1  }
0xa5: {  	[sflag:s23] =	ssyncset.done $0x0  }
0xa6: {  	s25 =	simm.s32 $0x1B8E;
	s24 =	sld [smem:$0x3FFE];
	[sflag:s23] =	ssyncadd.s32 $0xFFFFFFFF  }
0xa7: {  	s26 =	simm.s32 $execute0_lowered;
	[smem:$0x3FD2] =	sst s25  }
0xa8: {  	s7 =	sshll.u32 s26, $0x1;
	_ =	strace $0x80000046;
	[dreg:$0x1] =	wrdreg $0xFFFFFFFF  }
0xa9: {  	s28 =	simm.s32 $_size_execute0_lowered;
	s5 =	sadd.s32 s5, s7;
	[dreg:$0x0] =	wrdreg $0x0  }
0xaa: {  	s7 =	sshll.u32 s28, $0x1;
	[dreg:$0x2] =	wrdreg s5  }
0xab: {  	[dreg:$0x3] =	wrdreg s7  }
0xac: {  	[dreg:$0x4] =	wrdreg $0xC0  }
0xad: {  	_ =	task [dreg:s9], $0x5FFFF  }
0xae: {  	[dreg:$0x1] =	wrdreg $0xFFFFFFFF  }
0xaf: {  	[dreg:$0x0] =	wrdreg $0x60  }
0xb0: {  	[dreg:$0x2] =	wrdreg s2  }
0xb1: {  	[dreg:$0x3] =	wrdreg s18  }
0xb2: {  	[dreg:$0x4] =	wrdreg s4  }
0xb3: {  	[dreg:$0x5] =	wrdreg s24  }
0xb4: {  	[dreg:$0x6] =	wrdreg $0x10C000  }
0xb5: {  	[dreg:$0x7] =	wrdreg $0x9  }
0xb6: {  	_ =	task.clear_ibuf [dreg:s9], $0x8FFFF;
	_ =	strace $0x90000046  }
0xb7: {  	s29 =	simm.s32 $0x9;
	_ =	strace $0x80000048  }
0xb8: {  	_ =	swait.ge [sflag:s29], $0x1  }
0xb9: {  	[sflag:s29] =	ssyncadd.s32 $0xFFFFFFFF  }
0xba: {  	_ =	strace $0x90000048  }
0xbb: {  	_ =	sfence  }
0xbc: {  	s30 =	sld [smem:$0x0];
	_ =	sdelay $0x2  }
0xbd: {  	s31 =	sshll.u32 s1, $0xD;
	s1 =	sshrl.u32 s1, $0x2  }
0xbe: {  	s3 =	sand.u32 $0x4000, s31;
	s1 =	sadd.s32 s1, s30  }
0xbf: {  	s0 =	sor.u32 s3, s0;
	s1 =	sshll.u32 s1, $0x11  }
0xc0: {  	s0 =	sor.u32 s1, s0  }
0xc1: {  	s0 =	sadd.s32 $0x8F2B, s0  }
0xc2: {  	[sflag:s0] =	ssyncadd.remote.s32 $0x1  }
0xc3: {  	_ =	sfence.sel $0xFFFF  }
0xc4: {  	[dreg:$0x0] =	wrdreg $0xFFFFFFFF;
	(pc) =	sbr.abs _section_cstart, $3  }
0xc5: {  	[dreg:$0x1] =	wrdreg $0xFFFFFFFF  }
0xc6: {  	_ =	task.clear_ibuf [dreg:s9], $0x2FFFF;
	_ =	strace $0x9FFFFFFF  }
0xc7: {  	(tm) =	ssettm $0x7FFFFFFF  }
tec
execute0_lowered:
.L_overlay_start_1:
0x0: {  	(tag) =	ssettag $0x1  }
0x1: {  	s1 =	rddreg [dreg:$0x0]  }
0x2: {  	s2 =	rddreg [dreg:$0x1]  }
0x3: {  	s0 =	srdreg.scid;
	s3 =	rddreg [dreg:$0x3]  }
0x4: {  	s11 =	stileid.u32;
	s5 =	rddreg [dreg:$0x4];
	s7 =	simm.s32 $0x0  }
0x5: {  	s28 =	simm.s32 $0x4;
	s0 =	sand.u32 $0x1, s0;
	s4 =	sshll.u32 s11, $0x1  }
0x6: {  	s29 =	simm.s32 $0x3;
	s6 =	smul.u32 $0x29000, s11;
	s10 =	sor.u32 s0, s4  }
0x7: {  	[smem:$0x7FF] =	sst s7;
	s0 =	ssub.s32 $0x2, s0;
	s4 =	smul.u32 $0x140, s10  }
0x8: {  	_ =	strace $0x80000047;
	s8 =	sshrl.u32 s0, $0x1;
	s9 =	smul.u32 $0xA000, s10  }
0x9: {  	s6 =	sshrl.u32 s6, $0x2;
	[dreg:$0x6] =	wrdreg s10;
	s10 =	smul.u32 $0x1400, s10  }
0xa: {  	s30 =	simm.s32 $0x2;
	s0 =	ssub.s32 s0, s8;
	s8 =	sadd.s32 s6, s5  }
0xb: {  	s31 =	simm.s32 $0x10900;
	s10 =	sadd.s32 s3, s10;
	[dreg:$0x7] =	wrdreg s8  }
0xc: {  	s19 =	simm.s32 $0x0;
	s21 =	sadd.s32 $0x2000, s8;
	[dreg:$0x9] =	wrdreg s10  }
0xd: {  	s11 =	smul.u32 $0x148, s11;
	s23 =	sadd.s32 $0x4000, s8;
	[dreg:$0xa] =	wrdreg s21  }
0xe: {  	s20 =	sshrl.u32 s9, $0x3;
	s25 =	sadd.s32 $0x6000, s8;
	[dreg:$0xc] =	wrdreg s23  }
0xf: {  	s9 =	sadd.s32 $0x8000, s8;
	s0 =	smax.u32 s0, $0x1;
	[dreg:$0xe] =	wrdreg s25  }
0x10: {  	v0 =	vmov s4;
	s4 =	simm.s32 $0x8000;
	s3 =	sadd.s32 s3, s20;
	[dreg:$0x11] =	wrdreg s0  }
0x11: {  	s20 =	simm.s32 $0x5;
	[dreg:$0x8] =	wrdreg s9;
	s22 =	sadd.s32 $0x400, s3  }
0x12: {  	s21 =	simm.s32 $0x1;
	s24 =	sadd.s32 $0x800, s3;
	[dreg:$0xb] =	wrdreg s22  }
0x13: {  	s23 =	simm.s32 $0x80;
	s26 =	sadd.s32 $0xC00, s3;
	[dreg:$0xd] =	wrdreg s24  }
0x14: {  	s25 =	simm.s32 $0x10880;
	s3 =	sadd.s32 $0x1000, s3;
	[dreg:$0xf] =	wrdreg s26  }
0x15: {  	s0 =	simm.s32 $0x10980;
	[dreg:$0x10] =	wrdreg s3;
	s22 =	simm.s32 $0x10A00  }
0x16: {  	v2 =	vimm.f32 $0.0e+00;
	v3 =	vlaneseq.u32;
	v1 =	vmov s11;
	s24 =	simm.s32 $0x10800;
	s26 =	simm.s32 $0x4000;
	s3 =	simm.s32 $0xC000  }
.LBB2_1:
0x17: {  	s6 =	rddreg [dreg:$0x2];
	s10 =	simm.s32 $0x10B80  }
0x18: {  	[tilespmem:s10], [sflag:$0x5] =	stream.linear.gather [hbm4b:s6+s7], $0x80, $0x38;
	[tilespmem:$0x1B000] =	vst v63  }
0x19: {  	_ =	swait.ge [sflag:s20], $0x80  }
0x1a: {  	[sflag:s20] =	ssyncset.done $0x0  }
0x1b: {  	s18 =	rddreg [dreg:$0x6];
	[sflag:s20] =	ssyncadd.s32 $0xFFFFFF80  }
0x1c: {  	s10 =	simm.s32 $0x0;
	s6 =	simm.s32 $0x200;
	v4 =	vld [tilespmem:s18+$0x10B80]  }
.LBB2_2:
0x1d: {  	p0 =	sne.s32 s6, $0x1FE00;
	[tilespmem:s10+$0x70] =	vst v2  }
0x1e: {  	[tilespmem:s10+$0x0] =	vst v2  }
0x1f: {  	[tilespmem:s10+$0x10] =	vst v2  }
.Ltmp0:
0x20: {  	[tilespmem:s10+$0x20] =	vst v2;
	(pc) =	sbr.rel @p0 .LBB2_2-.Ltmp0, $4  }
0x21: {  	[tilespmem:s10+$0x30] =	vst v2  }
0x22: {  	[tilespmem:s10+$0x40] =	vst v2  }
0x23: {  	[tilespmem:s10+$0x50] =	vst v2  }
0x24: {  	[tilespmem:s10+$0x60] =	vst v2;
	s10 =	sshra.s32 s6, $0x2;
	s6 =	sadd.s32 $0x200, s6  }
0x25: {  	(v2sf) =	vpush v4, $0x0  }
0x26: {  	(v2sf) =	vpush v4, $0x1;
	_ =	sdelay $0x4  }
0x27: {  	[tilespmem:s10+$0x70] =	vst v2  }
0x28: {  	[tilespmem:s10+$0x0] =	vst v2  }
0x29: {  	[tilespmem:s10+$0x10] =	vst v2  }
0x2a: {  	[tilespmem:s10+$0x20] =	vst v2  }
0x2b: {  	[tilespmem:s10+$0x30] =	vst v2  }
0x2c: {  	[tilespmem:s10+$0x40] =	vst v2  }
0x2d: {  	[tilespmem:s10+$0x50] =	vst v2  }
0x2e: {  	[tilespmem:s10+$0x60] =	vst v2  }
0x2f: {  	[spmem:s8] =	stream.linear.scatter [tilespmem:s7], [sflag:$0x5], $0x8000, $0x38;
	[tilespmem:$0x1B000] =	vst v63  }
0x30: {  	s6 =	spop (v2sf)  }
0x31: {  	s14 =	spop (v2sf)  }
0x32: {  	_ =	swait.ge [sflag:s20], $0x8000  }
0x33: {  	[sflag:s20] =	ssyncset.done $0x0  }
0x34: {  	[sflag:s20] =	ssyncadd.s32 $0xFFFF8000  }
0x35: {  	[spmem:s9] =	stream.linear.scatter [tilespmem:s7], [sflag:$0x5], $0x2400, $0x38;
	[tilespmem:$0x1B000] =	vst v63  }
0x36: {  	_ =	swait.ge [sflag:s20], $0x2400  }
0x37: {  	[sflag:s20] =	ssyncset.done $0x0  }
0x38: {  	[sflag:s20] =	ssyncadd.s32 $0xFFFFDC00  }
0x39: {  	[tilespmem:$0x10A00] =	vst v2  }
0x3a: {  	[tilespmem:$0x10A10] =	vst v2  }
0x3b: {  	[tilespmem:$0x10A20] =	vst v2  }
0x3c: {  	[tilespmem:$0x10A30] =	vst v2  }
0x3d: {  	[tilespmem:$0x10A40] =	vst v2  }
0x3e: {  	[tilespmem:$0x10A50] =	vst v2  }
0x3f: {  	s11 =	sand.u32 $0xFFFFFFF8, s6;
	[tilespmem:$0x10A60] =	vst v2  }
0x40: {  	s10 =	ssub.s32 s14, s11;
	[tilespmem:$0x10A70] =	vst v2  }
0x41: {  	s10 =	sadd.s32 $0xFF, s10;
	[tilespmem:$0x10A80] =	vst v2  }
0x42: {  	s12 =	sand.u32 $0xFF, s10;
	[tilespmem:$0x10A90] =	vst v2  }
0x43: {  	s13 =	sshra.s32 s10, $0x1F;
	p0 =	slt.s32 s10, $0x1;
	p1 =	sne.s32 s12, $0x0;
	[tilespmem:$0x10AA0] =	vst v2  }
0x44: {  	s15 =	sshrl.u32 s13, $0x18;
	p0 =	por !p0, !p1;
	[tilespmem:$0x10AB0] =	vst v2  }
0x45: {  	s12 =	simm.s32 $0x1;
	s10 =	sadd.s32 s15, s10;
	p0 =	por !p0, !p0;
	[tilespmem:$0x10AC0] =	vst v2  }
0x46: {  	s10 =	sshra.s32 s10, $0x8;
	s12 =	simm.s32 @!p0 $0x0;
	[tilespmem:$0x10AD0] =	vst v2  }
0x47: {  	[tilespmem:$0x10AE0] =	vst v2;
	s12 =	ssub.s32 s10, s12  }
0x48: {  	[tilespmem:$0x10AF0] =	vst v2;
	p0 =	slt.s32 s12, $0x1  }
0x49: {  	[tilespmem:$0x10B00] =	vst v2;
	p1 =	slt.s32 @!p0 s11, $0x4E100  }
0x4a: {  	[tilespmem:$0x10B10] =	vst v2;
	s10 =	smov.u32 s11;
	s16 =	sadd.s32 $0x1, s12;
	p1 =	por !p1, p0  }
0x4b: {  	[tilespmem:$0x10B20] =	vst v2;
	p6 =	slt.s32 s12, $0x0;
	s17 =	sand.u32 $0x1, s16;
	s10 =	simm.s32 @p1 $0x4E100  }
0x4c: {  	[tilespmem:$0x10B30] =	vst v2;
	s13 =	simm.s32 @!p0 $0x0;
	p2 =	seq.s32 s17, $0x1;
	s10 =	sshll.u32 @!p0 s10, $0x4  }
0x4d: {  	[tilespmem:$0x10B40] =	vst v2;
	s18 =	sshrl.u32 s16, $0x1F;
	p1 =	por !p6, !p2;
	s10 =	sadd.s32 @!p0 s1, s10  }
0x4e: {  	[tilespmem:s13], [sflag:$0x1] =	stream.linear.gather @!p0 [hbm4b:s10+s13], $0x8000, $0x38;
	[tilespmem:$0x1B000] =	vst v63  }
0x4f: {  	p1 =	por !p1, !p1;
	s10 =	sadd.s32 s18, s16;
	s13 =	simm.s32 $0x1  }
0x50: {  	s10 =	sshra.s32 s10, $0x1;
	s13 =	simm.s32 @!p1 $0x0  }
0x51: {  	s13 =	ssub.s32 s10, s13  }
0x52: {  	p1 =	slt.s32 s13, $0x1  }
.Ltmp1:
0x53: {  	_ = 	snop;
	(pc) =	sbr.rel @p1 .LBB2_10-.Ltmp1, $1  }
0x54: {  	_ =	sdelay $0x3  }
.Ltmp2:
0x55: {  	(pc) =	sbr.rel .LBB2_5-.Ltmp2, $2  }
0x56: {  	_ =	sdelay $0x2  }
0x57: {  	v4 =	vbroadcast v4, $0x1;
	s14 =	simm.s32 $0x0;
	s15 =	simm.s32 $0x0;
	s16 =	simm.s32 $0x0  }
.LBB2_9:
0x58: {  	s16 =	sadd.s32 $0x1, s16  }
0x59: {  	p1 =	sne.s32 s13, s16  }
.Ltmp3:
0x5a: {  	_ = 	snop;
	(pc) =	sbr.rel @!p1 .LBB2_10-.Ltmp3, $2  }
0x5b: {  	_ =	sdelay $0x2  }
0x5c: {  	s15 =	sadd.s32 $0x200, s15;
	s14 =	sadd.s32 $0x2, s14  }
.LBB2_5:
0x5d: {  	p1 =	sge.s32 s14, s12  }
.Ltmp4:
0x5e: {  	_ = 	snop;
	(pc) =	sbr.rel @p1 .LBB2_7-.Ltmp4, $1  }
0x5f: {  	_ =	sdelay $0x3  }
0x60: {  	s10 =	sand.u32 $0xFFFFF800, s15  }
0x61: {  	s10 =	sadd.s32 s11, s10  }
0x62: {  	s17 =	sand.u32 $0x3, s16;
	p1 =	slt.s32 s10, $0x4DA00  }
0x63: {  	s10 =	simm.s32 @!p1 $0x4DA00;
	p1 =	sne.s32 s17, $0x0  }
0x64: {  	s17 =	sshrl.u32 @!p1 s10, $0x3  }
0x65: {  	s18 =	simm.s32 @!p1 $0x0;
	s9 =	simm.s32 @!p1 $0x10000;
	s17 =	sadd.s32 @!p1 s2, s17  }
0x66: {  	[tilespmem:s9], [sflag:$0x5] =	stream.linear.gather @!p1 [hbm4b:s17+s18], $0x800, $0x38;
	[tilespmem:$0x1B000] =	vst v63  }
0x67: {  	s9 =	simm.s32 @!p1 $0x5  }
0x68: {  	_ =	swait.ge @!p1 [sflag:s9], $0x800  }
0x69: {  	p2 =	seq.s32 @!p1 s16, $0x0;
	[sflag:s9] =	ssyncset.done @!p1 $0x0  }
0x6a: {  	p2 =	por p1, !p2;
	[sflag:s9] =	ssyncadd.s32 @!p1 $0xFFFFF800  }
0x6b: {  	_ =	swait.ge @p2 [sflag:s28], $0x4000  }
0x6c: {  	s18 =	sadd.s32 $0x1, s14;
	[sflag:s28] =	ssyncset.done @p2 $0x0  }
0x6d: {  	p1 =	sge.s32 s18, s12;
	[sflag:s28] =	ssyncadd.s32 @p2 $0xFFFFC000  }
0x6e: {  	s9 =	sadd.s32 @!p1 s15, s11;
	_ =	swait.ge @p2 [sflag:s28], $0x4000  }
0x6f: {  	s9 =	sadd.s32 @!p1 $0x100, s9;
	[sflag:s28] =	ssyncset.done @p2 $0x0  }
0x70: {  	[sflag:s28] =	ssyncadd.s32 @p2 $0xFFFFC000;
	p2 =	slt.s32 @!p1 s9, $0x4E100  }
0x71: {  	p2 =	por !p2, p1  }
0x72: {  	s9 =	simm.s32 @p2 $0x4E100  }
0x73: {  	s9 =	sshll.u32 @!p1 s9, $0x4  }
0x74: {  	s17 =	simm.s32 @!p1 $0x0;
	s18 =	simm.s32 @!p1 $0x8000;
	s9 =	sadd.s32 @!p1 s1, s9  }
0x75: {  	[tilespmem:s18], [sflag:$0x2] =	stream.linear.gather @!p1 [hbm4b:s9+s17], $0x8000, $0x38;
	[tilespmem:$0x1B000] =	vst v63  }
0x76: {  	s9 =	sadd.s32 s15, s11  }
0x77: {  	p1 =	slt.s32 s9, $0x4E100;
	s17 =	smov.u32 s9  }
0x78: {  	s17 =	simm.s32 @!p1 $0x4E100  }
0x79: {  	s18 =	ssub.s32 s17, s10  }
0x7a: {  	v5 =	vld [tilespmem:s18+$0x10000];
	_ =	sdelay $0x1  }
0x7b: {  	p1 =	sgt.s32 s9, s6;
	s10 =	smov.u32 s6  }
0x7c: {  	v6 =	vadd.s32 s17, v3;
	s10 =	smov.u32 @p1 s9  }
0x7d: {  	vm1 =	vlt.s32 v6, v4;
	vm0 =	vge.s32 v6, s10  }
0x7e: {  	vm0 =	vmand vm0, vm1;
	v5 =	vsub.s32 v5, v0  }
0x7f: {  	v5 =	vnsel vm0, $0x140, v5;
	_ =	sdelay $0x2  }
0x80: {  	v6 =	vadd.s32 v1, v5  }
0x81: {  	[tilespmem:$0x10800] =	vst v6;
	v6 =	vsel vm0, $0x3F800000, v2  }
0x82: {  	[tilespmem:v5+s22+$0x0] =	vst.idx.add.f32.msk $0xffff, v6  }
0x83: {  	v5 =	vld [tilespmem:s18+$0x10010];
	_ =	sdelay $0x1  }
0x84: {  	s8 =	sadd.s32 $0x10, s17  }
0x85: {  	v6 =	vadd.s32 s8, v3  }
0x86: {  	vm10 =	vge.s32 v6, s10;
	vm11 =	vlt.s32 v6, v4  }
0x87: {  	vm0 =	vmand vm10, vm11;
	v5 =	vsub.s32 v5, v0  }
0x88: {  	v5 =	vnsel vm0, $0x140, v5;
	_ =	sdelay $0x2  }
0x89: {  	v6 =	vadd.s32 v1, v5  }
0x8a: {  	[tilespmem:$0x10810] =	vst v6;
	v6 =	vsel vm0, $0x3F800000, v2  }
0x8b: {  	[tilespmem:v5+s22+$0x0] =	vst.idx.add.f32.msk $0xffff, v6  }
0x8c: {  	v5 =	vld [tilespmem:s18+$0x10020];
	_ =	sdelay $0x1  }
0x8d: {  	s8 =	sadd.s32 $0x20, s17  }
0x8e: {  	v6 =	vadd.s32 s8, v3  }
0x8f: {  	vm12 =	vge.s32 v6, s10;
	vm13 =	vlt.s32 v6, v4  }
0x90: {  	vm0 =	vmand vm12, vm13;
	v5 =	vsub.s32 v5, v0  }
0x91: {  	v5 =	vnsel vm0, $0x140, v5;
	_ =	sdelay $0x2  }
0x92: {  	v6 =	vadd.s32 v1, v5  }
0x93: {  	[tilespmem:$0x10820] =	vst v6;
	v6 =	vsel vm0, $0x3F800000, v2  }
0x94: {  	[tilespmem:v5+s22+$0x0] =	vst.idx.add.f32.msk $0xffff, v6  }
0x95: {  	v5 =	vld [tilespmem:s18+$0x10030];
	_ =	sdelay $0x1  }
0x96: {  	s8 =	sadd.s32 $0x30, s17  }
0x97: {  	v6 =	vadd.s32 s8, v3  }
0x98: {  	vm14 =	vge.s32 v6, s10;
	vm15 =	vlt.s32 v6, v4  }
0x99: {  	vm0 =	vmand vm14, vm15;
	v5 =	vsub.s32 v5, v0  }
0x9a: {  	v5 =	vnsel vm0, $0x140, v5;
	_ =	sdelay $0x2  }
0x9b: {  	v6 =	vadd.s32 v1, v5  }
0x9c: {  	[tilespmem:$0x10830] =	vst v6;
	v6 =	vsel vm0, $0x3F800000, v2  }
0x9d: {  	[tilespmem:v5+s22+$0x0] =	vst.idx.add.f32.msk $0xffff, v6  }
0x9e: {  	v5 =	vld [tilespmem:s18+$0x10040];
	_ =	sdelay $0x1  }
0x9f: {  	s8 =	sadd.s32 $0x40, s17  }
0xa0: {  	v6 =	vadd.s32 s8, v3  }
0xa1: {  	vm4 =	vge.s32 v6, s10;
	vm5 =	vlt.s32 v6, v4  }
0xa2: {  	vm0 =	vmand vm4, vm5;
	v5 =	vsub.s32 v5, v0  }
0xa3: {  	v5 =	vnsel vm0, $0x140, v5;
	_ =	sdelay $0x2  }
0xa4: {  	v6 =	vadd.s32 v1, v5  }
0xa5: {  	[tilespmem:$0x10840] =	vst v6;
	v6 =	vsel vm0, $0x3F800000, v2  }
0xa6: {  	[tilespmem:v5+s22+$0x0] =	vst.idx.add.f32.msk $0xffff, v6  }
0xa7: {  	v5 =	vld [tilespmem:s18+$0x10050];
	_ =	sdelay $0x1  }
0xa8: {  	s8 =	sadd.s32 $0x50, s17  }
0xa9: {  	v6 =	vadd.s32 s8, v3  }
0xaa: {  	vm6 =	vge.s32 v6, s10;
	vm7 =	vlt.s32 v6, v4  }
0xab: {  	vm0 =	vmand vm6, vm7;
	v5 =	vsub.s32 v5, v0  }
0xac: {  	v5 =	vnsel vm0, $0x140, v5;
	_ =	sdelay $0x2  }
0xad: {  	v6 =	vadd.s32 v1, v5  }
0xae: {  	[tilespmem:$0x10850] =	vst v6;
	v6 =	vsel vm0, $0x3F800000, v2  }
0xaf: {  	[tilespmem:v5+s22+$0x0] =	vst.idx.add.f32.msk $0xffff, v6  }
0xb0: {  	v5 =	vld [tilespmem:s18+$0x10060];
	_ =	sdelay $0x1  }
0xb1: {  	s8 =	sadd.s32 $0x60, s17  }
0xb2: {  	v6 =	vadd.s32 s8, v3  }
0xb3: {  	vm8 =	vge.s32 v6, s10;
	vm9 =	vlt.s32 v6, v4  }
0xb4: {  	vm0 =	vmand vm8, vm9;
	v5 =	vsub.s32 v5, v0  }
0xb5: {  	v5 =	vnsel vm0, $0x140, v5;
	_ =	sdelay $0x2  }
0xb6: {  	v6 =	vadd.s32 v1, v5  }
0xb7: {  	[tilespmem:$0x10860] =	vst v6;
	v6 =	vsel vm0, $0x3F800000, v2  }
0xb8: {  	[tilespmem:v5+s22+$0x0] =	vst.idx.add.f32.msk $0xffff, v6  }
0xb9: {  	v5 =	vld [tilespmem:s18+$0x10070];
	_ =	sdelay $0x1  }
0xba: {  	s8 =	sadd.s32 $0x70, s17  }
0xbb: {  	v6 =	vadd.s32 s8, v3  }
0xbc: {  	vm10 =	vge.s32 v6, s10;
	vm11 =	vlt.s32 v6, v4  }
0xbd: {  	vm0 =	vmand vm10, vm11;
	v5 =	vsub.s32 v5, v0  }
0xbe: {  	v5 =	vnsel vm0, $0x140, v5;
	_ =	sdelay $0x2  }
0xbf: {  	v6 =	vadd.s32 v1, v5  }
0xc0: {  	[tilespmem:$0x10870] =	vst v6;
	v6 =	vsel vm0, $0x3F800000, v2  }
0xc1: {  	s8 =	sand.u32 $0xFFFFFFF8, s18;
	[tilespmem:v5+s22+$0x0] =	vst.idx.add.f32.msk $0xffff, v6  }
0xc2: {  	v5 =	vld [tilespmem:s8+$0x10080];
	_ =	sdelay $0x1  }
0xc3: {  	s8 =	sadd.s32 $0x80, s17  }
0xc4: {  	v6 =	vadd.s32 s8, v3  }
0xc5: {  	vm12 =	vge.s32 v6, s10;
	vm13 =	vlt.s32 v6, v4  }
0xc6: {  	vm0 =	vmand vm12, vm13;
	v5 =	vsub.s32 v5, v0  }
0xc7: {  	v5 =	vnsel vm0, $0x140, v5;
	_ =	sdelay $0x2  }
0xc8: {  	v6 =	vadd.s32 v1, v5  }
0xc9: {  	[tilespmem:$0x10880] =	vst v6;
	v6 =	vsel vm0, $0x3F800000, v2  }
0xca: {  	[tilespmem:v5+s22+$0x0] =	vst.idx.add.f32.msk $0xffff, v6  }
0xcb: {  	v5 =	vld [tilespmem:s18+$0x10090];
	_ =	sdelay $0x1  }
0xcc: {  	s8 =	sadd.s32 $0x90, s17  }
0xcd: {  	v6 =	vadd.s32 s8, v3  }
0xce: {  	vm14 =	vge.s32 v6, s10;
	vm15 =	vlt.s32 v6, v4  }
0xcf: {  	vm0 =	vmand vm14, vm15;
	v5 =	vsub.s32 v5, v0  }
0xd0: {  	v5 =	vnsel vm0, $0x140, v5;
	_ =	sdelay $0x2  }
0xd1: {  	v6 =	vadd.s32 v1, v5  }
0xd2: {  	[tilespmem:$0x10890] =	vst v6;
	v6 =	vsel vm0, $0x3F800000, v2  }
0xd3: {  	[tilespmem:v5+s22+$0x0] =	vst.idx.add.f32.msk $0xffff, v6  }
0xd4: {  	v5 =	vld [tilespmem:s18+$0x100A0];
	_ =	sdelay $0x1  }
0xd5: {  	s8 =	sadd.s32 $0xA0, s17  }
0xd6: {  	v6 =	vadd.s32 s8, v3  }
0xd7: {  	vm4 =	vge.s32 v6, s10;
	vm5 =	vlt.s32 v6, v4  }
0xd8: {  	vm0 =	vmand vm4, vm5;
	v5 =	vsub.s32 v5, v0  }
0xd9: {  	v5 =	vnsel vm0, $0x140, v5;
	_ =	sdelay $0x2  }
0xda: {  	v6 =	vadd.s32 v1, v5  }
0xdb: {  	[tilespmem:$0x108A0] =	vst v6;
	v6 =	vsel vm0, $0x3F800000, v2  }
0xdc: {  	[tilespmem:v5+s22+$0x0] =	vst.idx.add.f32.msk $0xffff, v6  }
0xdd: {  	v5 =	vld [tilespmem:s18+$0x100B0];
	_ =	sdelay $0x1  }
0xde: {  	s8 =	sadd.s32 $0xB0, s17  }
0xdf: {  	v6 =	vadd.s32 s8, v3  }
0xe0: {  	vm6 =	vge.s32 v6, s10;
	vm7 =	vlt.s32 v6, v4  }
0xe1: {  	vm0 =	vmand vm6, vm7;
	v5 =	vsub.s32 v5, v0  }
0xe2: {  	v5 =	vnsel vm0, $0x140, v5;
	_ =	sdelay $0x2  }
0xe3: {  	v6 =	vadd.s32 v1, v5  }
0xe4: {  	[tilespmem:$0x108B0] =	vst v6;
	v6 =	vsel vm0, $0x3F800000, v2  }
0xe5: {  	[tilespmem:v5+s22+$0x0] =	vst.idx.add.f32.msk $0xffff, v6  }
0xe6: {  	v5 =	vld [tilespmem:s18+$0x100C0];
	_ =	sdelay $0x1  }
0xe7: {  	s8 =	sadd.s32 $0xC0, s17  }
0xe8: {  	v6 =	vadd.s32 s8, v3  }
0xe9: {  	vm8 =	vge.s32 v6, s10;
	vm9 =	vlt.s32 v6, v4  }
0xea: {  	vm0 =	vmand vm8, vm9;
	v5 =	vsub.s32 v5, v0  }
0xeb: {  	v5 =	vnsel vm0, $0x140, v5;
	_ =	sdelay $0x2  }
0xec: {  	v6 =	vadd.s32 v1, v5  }
0xed: {  	[tilespmem:$0x108C0] =	vst v6;
	v6 =	vsel vm0, $0x3F800000, v2  }
0xee: {  	[tilespmem:v5+s22+$0x0] =	vst.idx.add.f32.msk $0xffff, v6  }
0xef: {  	v5 =	vld [tilespmem:s18+$0x100D0];
	_ =	sdelay $0x1  }
0xf0: {  	s8 =	sadd.s32 $0xD0, s17  }
0xf1: {  	v6 =	vadd.s32 s8, v3  }
0xf2: {  	vm10 =	vge.s32 v6, s10;
	vm11 =	vlt.s32 v6, v4  }
0xf3: {  	vm0 =	vmand vm10, vm11;
	v5 =	vsub.s32 v5, v0  }
0xf4: {  	v5 =	vnsel vm0, $0x140, v5;
	_ =	sdelay $0x2  }
0xf5: {  	v6 =	vadd.s32 v1, v5  }
0xf6: {  	[tilespmem:$0x108D0] =	vst v6;
	v6 =	vsel vm0, $0x3F800000, v2  }
0xf7: {  	[tilespmem:v5+s22+$0x0] =	vst.idx.add.f32.msk $0xffff, v6  }
0xf8: {  	v5 =	vld [tilespmem:s18+$0x100E0];
	_ =	sdelay $0x1  }
0xf9: {  	s8 =	sadd.s32 $0xE0, s17  }
0xfa: {  	v6 =	vadd.s32 s8, v3  }
0xfb: {  	vm12 =	vge.s32 v6, s10;
	vm13 =	vlt.s32 v6, v4  }
0xfc: {  	vm0 =	vmand vm12, vm13;
	v5 =	vsub.s32 v5, v0  }
0xfd: {  	v5 =	vnsel vm0, $0x140, v5;
	_ =	sdelay $0x2  }
0xfe: {  	v6 =	vadd.s32 v1, v5  }
0xff: {  	[tilespmem:$0x108E0] =	vst v6;
	v6 =	vsel vm0, $0x3F800000, v2  }
0x100: {  	[tilespmem:v5+s22+$0x0] =	vst.idx.add.f32.msk $0xffff, v6  }
0x101: {  	v5 =	vld [tilespmem:s18+$0x100F0];
	_ =	sdelay $0x1  }
0x102: {  	s18 =	sadd.s32 $0xF0, s17  }
0x103: {  	v6 =	vadd.s32 s18, v3  }
0x104: {  	vm14 =	vge.s32 v6, s10;
	vm15 =	vlt.s32 v6, v4  }
0x105: {  	vm0 =	vmand vm14, vm15;
	v5 =	vsub.s32 v5, v0  }
0x106: {  	v5 =	vnsel vm0, $0x140, v5;
	_ =	sdelay $0x2  }
0x107: {  	v6 =	vadd.s32 v1, v5  }
0x108: {  	[tilespmem:$0x108F0] =	vst v6;
	v6 =	vsel vm0, $0x3F800000, v2  }
0x109: {  	[tilespmem:v5+s22+$0x0] =	vst.idx.add.f32.msk $0xffff, v6  }
0x10a: {  	_ =	swait.ge [sflag:s21], $0x8000  }
0x10b: {  	[sflag:s21] =	ssyncset.done $0x0  }
0x10c: {  	[sflag:s21] =	ssyncadd.s32 $0xFFFF8000  }
0x10d: {  	[spmem:s5] =	stream.indirect.scatter.add.f32 [tilespmem:s7], [sflag:$0x3], $0x80, s24, s23, $0xb8;
	[tilespmem:$0x1B000] =	vst v63  }
0x10e: {  	_ = 	snop  }
0x10f: {  	[spmem:s5] =	stream.indirect.scatter.add.f32 [tilespmem:s26], [sflag:$0x3], $0x80, s25, s23, $0xb8;
	[tilespmem:$0x1B000] =	vst v63  }
.LBB2_7:
0x110: {  	s9 =	sadd.s32 $0x1, s14  }
0x111: {  	p1 =	sge.s32 s9, s12  }
.Ltmp5:
0x112: {  	_ = 	snop;
	(pc) =	sbr.rel @p1 .LBB2_9-.Ltmp5, $1  }
0x113: {  	_ =	sdelay $0x3  }
0x114: {  	s9 =	sadd.s32 $0x2, s14  }
0x115: {  	p1 =	sge.s32 s9, s12  }
0x116: {  	s9 =	sadd.s32 @!p1 s15, s11  }
0x117: {  	_ =	swait.ge [sflag:s29], $0x4000;
	s10 =	sshrl.u32 s16, $0x2;
	s9 =	sadd.s32 @!p1 $0x200, s9  }
0x118: {  	s17 =	sshra.s32 s14, $0x1F;
	[sflag:s29] =	ssyncset.done $0x0;
	p2 =	slt.s32 @!p1 s9, $0x4E100  }
0x119: {  	s8 =	sadd.s32 s15, s11;
	[sflag:s29] =	ssyncadd.s32 $0xFFFFC000;
	p2 =	por !p2, p1  }
0x11a: {  	s10 =	sadd.s32 s17, s10;
	_ =	swait.ge [sflag:s29], $0x4000;
	s9 =	simm.s32 @p2 $0x4E100  }
0x11b: {  	s17 =	simm.s32 @!p1 $0x0;
	[sflag:s29] =	ssyncset.done $0x0;
	s9 =	sshll.u32 @!p1 s9, $0x4  }
0x11c: {  	s18 =	sshll.u32 s10, $0xB;
	[sflag:s29] =	ssyncadd.s32 $0xFFFFC000;
	s9 =	sadd.s32 @!p1 s1, s9  }
0x11d: {  	[tilespmem:s17], [sflag:$0x1] =	stream.linear.gather @!p1 [hbm4b:s9+s17], $0x8000, $0x38;
	[tilespmem:$0x1B000] =	vst v63  }
0x11e: {  	s9 =	sadd.s32 s11, s18;
	s17 =	sadd.s32 $0x100, s8  }
0x11f: {  	p1 =	slt.s32 s9, $0x4DA00;
	p2 =	slt.s32 s17, $0x4E100;
	s8 =	smov.u32 s17  }
0x120: {  	s9 =	simm.s32 @!p1 $0x4DA00;
	s8 =	simm.s32 @!p2 $0x4E100  }
0x121: {  	s10 =	ssub.s32 s8, s9  }
0x122: {  	v5 =	vld [tilespmem:s10+$0x10000];
	_ =	sdelay $0x1  }
0x123: {  	s18 =	smov.u32 s6;
	p1 =	sgt.s32 s17, s6  }
0x124: {  	s18 =	smov.u32 @p1 s17;
	v6 =	vadd.s32 s8, v3  }
0x125: {  	vm0 =	vge.s32 v6, s18;
	vm1 =	vlt.s32 v6, v4  }
0x126: {  	vm0 =	vmand vm0, vm1;
	v5 =	vsub.s32 v5, v0  }
0x127: {  	v5 =	vnsel vm0, $0x140, v5;
	_ =	sdelay $0x2  }
0x128: {  	v6 =	vadd.s32 v1, v5  }
0x129: {  	[tilespmem:$0x10900] =	vst v6;
	v6 =	vsel vm0, $0x3F800000, v2  }
0x12a: {  	[tilespmem:v5+s22+$0x0] =	vst.idx.add.f32.msk $0xffff, v6  }
0x12b: {  	v5 =	vld [tilespmem:s10+$0x10010];
	_ =	sdelay $0x1  }
0x12c: {  	s17 =	sadd.s32 $0x10, s8  }
0x12d: {  	v6 =	vadd.s32 s17, v3  }
0x12e: {  	vm10 =	vge.s32 v6, s18;
	vm11 =	vlt.s32 v6, v4  }
0x12f: {  	vm0 =	vmand vm10, vm11;
	v5 =	vsub.s32 v5, v0  }
0x130: {  	v5 =	vnsel vm0, $0x140, v5;
	_ =	sdelay $0x2  }
0x131: {  	v6 =	vadd.s32 v1, v5  }
0x132: {  	[tilespmem:$0x10910] =	vst v6;
	v6 =	vsel vm0, $0x3F800000, v2  }
0x133: {  	[tilespmem:v5+s22+$0x0] =	vst.idx.add.f32.msk $0xffff, v6  }
0x134: {  	v5 =	vld [tilespmem:s10+$0x10020];
	_ =	sdelay $0x1  }
0x135: {  	s17 =	sadd.s32 $0x20, s8  }
0x136: {  	v6 =	vadd.s32 s17, v3  }
0x137: {  	vm12 =	vge.s32 v6, s18;
	vm13 =	vlt.s32 v6, v4  }
0x138: {  	vm0 =	vmand vm12, vm13;
	v5 =	vsub.s32 v5, v0  }
0x139: {  	v5 =	vnsel vm0, $0x140, v5;
	_ =	sdelay $0x2  }
0x13a: {  	v6 =	vadd.s32 v1, v5  }
0x13b: {  	[tilespmem:$0x10920] =	vst v6;
	v6 =	vsel vm0, $0x3F800000, v2  }
0x13c: {  	[tilespmem:v5+s22+$0x0] =	vst.idx.add.f32.msk $0xffff, v6  }
0x13d: {  	v5 =	vld [tilespmem:s10+$0x10030];
	_ =	sdelay $0x1  }
0x13e: {  	s17 =	sadd.s32 $0x30, s8  }
0x13f: {  	v6 =	vadd.s32 s17, v3  }
0x140: {  	vm14 =	vge.s32 v6, s18;
	vm15 =	vlt.s32 v6, v4  }
0x141: {  	vm0 =	vmand vm14, vm15;
	v5 =	vsub.s32 v5, v0  }
0x142: {  	v5 =	vnsel vm0, $0x140, v5;
	_ =	sdelay $0x2  }
0x143: {  	v6 =	vadd.s32 v1, v5  }
0x144: {  	[tilespmem:$0x10930] =	vst v6;
	v6 =	vsel vm0, $0x3F800000, v2  }
0x145: {  	[tilespmem:v5+s22+$0x0] =	vst.idx.add.f32.msk $0xffff, v6  }
0x146: {  	v5 =	vld [tilespmem:s10+$0x10040];
	_ =	sdelay $0x1  }
0x147: {  	s17 =	sadd.s32 $0x40, s8  }
0x148: {  	v6 =	vadd.s32 s17, v3  }
0x149: {  	vm4 =	vge.s32 v6, s18;
	vm5 =	vlt.s32 v6, v4  }
0x14a: {  	vm0 =	vmand vm4, vm5;
	v5 =	vsub.s32 v5, v0  }
0x14b: {  	v5 =	vnsel vm0, $0x140, v5;
	_ =	sdelay $0x2  }
0x14c: {  	v6 =	vadd.s32 v1, v5  }
0x14d: {  	[tilespmem:$0x10940] =	vst v6;
	v6 =	vsel vm0, $0x3F800000, v2  }
0x14e: {  	[tilespmem:v5+s22+$0x0] =	vst.idx.add.f32.msk $0xffff, v6  }
0x14f: {  	v5 =	vld [tilespmem:s10+$0x10050];
	_ =	sdelay $0x1  }
0x150: {  	s17 =	sadd.s32 $0x50, s8  }
0x151: {  	v6 =	vadd.s32 s17, v3  }
0x152: {  	vm6 =	vge.s32 v6, s18;
	vm7 =	vlt.s32 v6, v4  }
0x153: {  	vm0 =	vmand vm6, vm7;
	v5 =	vsub.s32 v5, v0  }
0x154: {  	v5 =	vnsel vm0, $0x140, v5;
	_ =	sdelay $0x2  }
0x155: {  	v6 =	vadd.s32 v1, v5  }
0x156: {  	[tilespmem:$0x10950] =	vst v6;
	v6 =	vsel vm0, $0x3F800000, v2  }
0x157: {  	[tilespmem:v5+s22+$0x0] =	vst.idx.add.f32.msk $0xffff, v6  }
0x158: {  	v5 =	vld [tilespmem:s10+$0x10060];
	_ =	sdelay $0x1  }
0x159: {  	s17 =	sadd.s32 $0x60, s8  }
0x15a: {  	v6 =	vadd.s32 s17, v3  }
0x15b: {  	vm8 =	vge.s32 v6, s18;
	vm9 =	vlt.s32 v6, v4  }
0x15c: {  	vm0 =	vmand vm8, vm9;
	v5 =	vsub.s32 v5, v0  }
0x15d: {  	v5 =	vnsel vm0, $0x140, v5;
	_ =	sdelay $0x2  }
0x15e: {  	v6 =	vadd.s32 v1, v5  }
0x15f: {  	[tilespmem:$0x10960] =	vst v6;
	v6 =	vsel vm0, $0x3F800000, v2  }
0x160: {  	[tilespmem:v5+s22+$0x0] =	vst.idx.add.f32.msk $0xffff, v6  }
0x161: {  	v5 =	vld [tilespmem:s10+$0x10070];
	_ =	sdelay $0x1  }
0x162: {  	s17 =	sadd.s32 $0x70, s8  }
0x163: {  	v6 =	vadd.s32 s17, v3  }
0x164: {  	vm10 =	vge.s32 v6, s18;
	vm11 =	vlt.s32 v6, v4  }
0x165: {  	vm0 =	vmand vm10, vm11;
	v5 =	vsub.s32 v5, v0  }
0x166: {  	v5 =	vnsel vm0, $0x140, v5;
	_ =	sdelay $0x2  }
0x167: {  	v6 =	vadd.s32 v1, v5  }
0x168: {  	[tilespmem:$0x10970] =	vst v6;
	v6 =	vsel vm0, $0x3F800000, v2  }
0x169: {  	s17 =	sand.u32 $0xFFFFFFF8, s10;
	[tilespmem:v5+s22+$0x0] =	vst.idx.add.f32.msk $0xffff, v6  }
0x16a: {  	v5 =	vld [tilespmem:s17+$0x10080];
	_ =	sdelay $0x1  }
0x16b: {  	s17 =	sadd.s32 $0x80, s8  }
0x16c: {  	v6 =	vadd.s32 s17, v3  }
0x16d: {  	vm12 =	vge.s32 v6, s18;
	vm13 =	vlt.s32 v6, v4  }
0x16e: {  	vm0 =	vmand vm12, vm13;
	v5 =	vsub.s32 v5, v0  }
0x16f: {  	v5 =	vnsel vm0, $0x140, v5;
	_ =	sdelay $0x2  }
0x170: {  	v6 =	vadd.s32 v1, v5  }
0x171: {  	[tilespmem:$0x10980] =	vst v6;
	v6 =	vsel vm0, $0x3F800000, v2  }
0x172: {  	[tilespmem:v5+s22+$0x0] =	vst.idx.add.f32.msk $0xffff, v6  }
0x173: {  	v5 =	vld [tilespmem:s10+$0x10090];
	_ =	sdelay $0x1  }
0x174: {  	s17 =	sadd.s32 $0x90, s8  }
0x175: {  	v6 =	vadd.s32 s17, v3  }
0x176: {  	vm14 =	vge.s32 v6, s18;
	vm15 =	vlt.s32 v6, v4  }
0x177: {  	vm0 =	vmand vm14, vm15;
	v5 =	vsub.s32 v5, v0  }
0x178: {  	v5 =	vnsel vm0, $0x140, v5;
	_ =	sdelay $0x2  }
0x179: {  	v6 =	vadd.s32 v1, v5  }
0x17a: {  	[tilespmem:$0x10990] =	vst v6;
	v6 =	vsel vm0, $0x3F800000, v2  }
0x17b: {  	[tilespmem:v5+s22+$0x0] =	vst.idx.add.f32.msk $0xffff, v6  }
0x17c: {  	v5 =	vld [tilespmem:s10+$0x100A0];
	_ =	sdelay $0x1  }
0x17d: {  	s17 =	sadd.s32 $0xA0, s8  }
0x17e: {  	v6 =	vadd.s32 s17, v3  }
0x17f: {  	vm4 =	vge.s32 v6, s18;
	vm5 =	vlt.s32 v6, v4  }
0x180: {  	vm0 =	vmand vm4, vm5;
	v5 =	vsub.s32 v5, v0  }
0x181: {  	v5 =	vnsel vm0, $0x140, v5;
	_ =	sdelay $0x2  }
0x182: {  	v6 =	vadd.s32 v1, v5  }
0x183: {  	[tilespmem:$0x109A0] =	vst v6;
	v6 =	vsel vm0, $0x3F800000, v2  }
0x184: {  	[tilespmem:v5+s22+$0x0] =	vst.idx.add.f32.msk $0xffff, v6  }
0x185: {  	v5 =	vld [tilespmem:s10+$0x100B0];
	_ =	sdelay $0x1  }
0x186: {  	s17 =	sadd.s32 $0xB0, s8  }
0x187: {  	v6 =	vadd.s32 s17, v3  }
0x188: {  	vm6 =	vge.s32 v6, s18;
	vm7 =	vlt.s32 v6, v4  }
0x189: {  	vm0 =	vmand vm6, vm7;
	v5 =	vsub.s32 v5, v0  }
0x18a: {  	v5 =	vnsel vm0, $0x140, v5;
	_ =	sdelay $0x2  }
0x18b: {  	v6 =	vadd.s32 v1, v5  }
0x18c: {  	[tilespmem:$0x109B0] =	vst v6;
	v6 =	vsel vm0, $0x3F800000, v2  }
0x18d: {  	[tilespmem:v5+s22+$0x0] =	vst.idx.add.f32.msk $0xffff, v6  }
0x18e: {  	v5 =	vld [tilespmem:s10+$0x100C0];
	_ =	sdelay $0x1  }
0x18f: {  	s17 =	sadd.s32 $0xC0, s8  }
0x190: {  	v6 =	vadd.s32 s17, v3  }
0x191: {  	vm8 =	vge.s32 v6, s18;
	vm9 =	vlt.s32 v6, v4  }
0x192: {  	vm0 =	vmand vm8, vm9;
	v5 =	vsub.s32 v5, v0  }
0x193: {  	v5 =	vnsel vm0, $0x140, v5;
	_ =	sdelay $0x2  }
0x194: {  	v6 =	vadd.s32 v1, v5  }
0x195: {  	[tilespmem:$0x109C0] =	vst v6;
	v6 =	vsel vm0, $0x3F800000, v2  }
0x196: {  	[tilespmem:v5+s22+$0x0] =	vst.idx.add.f32.msk $0xffff, v6  }
0x197: {  	v5 =	vld [tilespmem:s10+$0x100D0];
	_ =	sdelay $0x1  }
0x198: {  	s17 =	sadd.s32 $0xD0, s8  }
0x199: {  	v6 =	vadd.s32 s17, v3  }
0x19a: {  	vm10 =	vge.s32 v6, s18;
	vm11 =	vlt.s32 v6, v4  }
0x19b: {  	vm0 =	vmand vm10, vm11;
	v5 =	vsub.s32 v5, v0  }
0x19c: {  	v5 =	vnsel vm0, $0x140, v5;
	_ =	sdelay $0x2  }
0x19d: {  	v6 =	vadd.s32 v1, v5  }
0x19e: {  	[tilespmem:$0x109D0] =	vst v6;
	v6 =	vsel vm0, $0x3F800000, v2  }
0x19f: {  	[tilespmem:v5+s22+$0x0] =	vst.idx.add.f32.msk $0xffff, v6  }
0x1a0: {  	v5 =	vld [tilespmem:s10+$0x100E0];
	_ =	sdelay $0x1  }
0x1a1: {  	s17 =	sadd.s32 $0xE0, s8  }
0x1a2: {  	v6 =	vadd.s32 s17, v3  }
0x1a3: {  	vm12 =	vge.s32 v6, s18;
	vm13 =	vlt.s32 v6, v4  }
0x1a4: {  	vm0 =	vmand vm12, vm13;
	v5 =	vsub.s32 v5, v0  }
0x1a5: {  	v5 =	vnsel vm0, $0x140, v5;
	_ =	sdelay $0x2  }
0x1a6: {  	v6 =	vadd.s32 v1, v5  }
0x1a7: {  	[tilespmem:$0x109E0] =	vst v6;
	v6 =	vsel vm0, $0x3F800000, v2  }
0x1a8: {  	[tilespmem:v5+s22+$0x0] =	vst.idx.add.f32.msk $0xffff, v6  }
0x1a9: {  	v5 =	vld [tilespmem:s10+$0x100F0];
	_ =	sdelay $0x1  }
0x1aa: {  	s8 =	sadd.s32 $0xF0, s8  }
0x1ab: {  	v6 =	vadd.s32 s8, v3  }
0x1ac: {  	vm14 =	vge.s32 v6, s18;
	vm15 =	vlt.s32 v6, v4  }
0x1ad: {  	vm0 =	vmand vm14, vm15;
	v5 =	vsub.s32 v5, v0  }
0x1ae: {  	v5 =	vnsel vm0, $0x140, v5;
	_ =	sdelay $0x2  }
0x1af: {  	v6 =	vadd.s32 v1, v5  }
0x1b0: {  	[tilespmem:$0x109F0] =	vst v6;
	v6 =	vsel vm0, $0x3F800000, v2  }
0x1b1: {  	[tilespmem:v5+s22+$0x0] =	vst.idx.add.f32.msk $0xffff, v6  }
0x1b2: {  	_ =	swait.ge [sflag:s30], $0x8000  }
.Ltmp6:
0x1b3: {  	[sflag:s30] =	ssyncset.done $0x0;
	(pc) =	sbr.rel .LBB2_9-.Ltmp6, $4  }
0x1b4: {  	[sflag:s30] =	ssyncadd.s32 $0xFFFF8000  }
0x1b5: {  	[spmem:s5] =	stream.indirect.scatter.add.f32 [tilespmem:s4], [sflag:$0x4], $0x80, s31, s23, $0xb8;
	[tilespmem:$0x1B000] =	vst v63  }
0x1b6: {  	_ = 	snop  }
0x1b7: {  	[spmem:s5] =	stream.indirect.scatter.add.f32 [tilespmem:s3], [sflag:$0x4], $0x80, s0, s23, $0xb8;
	[tilespmem:$0x1B000] =	vst v63  }
.LBB2_10:
0x1b8: {  	s6 =	sadd.s32 $0xFFFFFFFF, s12  }
0x1b9: {  	s8 =	sshrl.u32 s6, $0x1F  }
0x1ba: {  	s8 =	sadd.s32 s8, s6  }
0x1bb: {  	s8 =	sand.u32 $0xFFFFFFFE, s8  }
0x1bc: {  	s6 =	ssub.s32 s6, s8  }
0x1bd: {  	p1 =	seq.s32 @!p0 s6, $0x0  }
0x1be: {  	p0 =	por p0, !p1  }
0x1bf: {  	p1 =	slt.s32 @p0 s12, $0x1  }
0x1c0: {  	p2 =	por p1, !p0  }
0x1c1: {  	p2 =	sne.s32 @!p2 s6, $0x1  }
0x1c2: {  	p1 =	por @p0 p1, p2  }
0x1c3: {  	p1 =	por !p0, !p1  }
.Ltmp7:
0x1c4: {  	_ = 	snop;
	(pc) =	sbr.rel @!p1 .LBB2_12-.Ltmp7, $1  }
0x1c5: {  	_ =	sdelay $0x3  }
0x1c6: {  	s6 =	simm.s32 $0x3  }
0x1c7: {  	s6 =	simm.s32 @p0 $0x4  }
0x1c8: {  	_ =	swait.ge [sflag:s6], $0x4000  }
0x1c9: {  	[sflag:s6] =	ssyncset.done $0x0  }
0x1ca: {  	[sflag:s6] =	ssyncadd.s32 $0xFFFFC000  }
0x1cb: {  	_ =	swait.ge [sflag:s6], $0x4000  }
0x1cc: {  	[sflag:s6] =	ssyncset.done $0x0  }
0x1cd: {  	[sflag:s6] =	ssyncadd.s32 $0xFFFFC000  }
.LBB2_12:
0x1ce: {  	s6 =	simm.s32 $0x0;
	s8 =	rddreg [dreg:$0x7]  }
0x1cf: {  	[tilespmem:s6], [sflag:$0x5] =	stream.linear.gather [spmem:s8], $0x2000, $0x38;
	[tilespmem:$0x1B000] =	vst v63  }
0x1d0: {  	_ =	swait.ge [sflag:s20], $0x2000  }
0x1d1: {  	[sflag:s20] =	ssyncset.done $0x0  }
0x1d2: {  	s18 =	simm.s32 $0x0;
	[sflag:s20] =	ssyncadd.s32 $0xFFFFE000  }
0x1d3: {  	v4 =	vld [tilespmem:s18+$0x10A00];
	_ =	sdelay $0x4  }
0x1d4: {  	v4 =	vmax.f32 v4, $1.000000000e+00  }
0x1d5: {  	(erf) = vrcp.f32 v4;
	_ =	sdelay $0x5  }
0x1d6: {  	s6 =	simm.s32 $0x40  }
0x1d7: {  	v4 =	vld [tilespmem:s6+$0xFFFFFFC0]  }
0x1d8: {  	v5 =	vld [tilespmem:s6+$0xFFFFFFD0]  }
0x1d9: {  	v6 =	vld [tilespmem:s6+$0xFFFFFFE0];
	v7 =	vpop (erf)  }
0x1da: {  	v10 =	vld [tilespmem:s6+$0x10];
	v7 =	vbroadcast v7, $0x0  }
0x1db: {  	v8 =	vld [tilespmem:s6+$0xFFFFFFF0]  }
0x1dc: {  	v9 =	vld [tilespmem:s6+$0x0];
	v4 =	vmul.f32 v7, v4  }
0x1dd: {  	v11 =	vld [tilespmem:s6+$0x20];
	v5 =	vmul.f32 v7, v5  }
0x1de: {  	v12 =	vld [tilespmem:s6+$0x30];
	v6 =	vmul.f32 v6, v7;
	[tilespmem:s6+$0xFFFFFFC0] =	vst v4  }
0x1df: {  	v63 =	vmul.f32 v10, v7;
	[tilespmem:s6+$0xFFFFFFD0] =	vst v5  }
0x1e0: {  	v4 =	vmul.f32 v8, v7;
	[tilespmem:s6+$0xFFFFFFE0] =	vst v6  }
0x1e1: {  	v5 =	vmul.f32 v9, v7;
	[tilespmem:s6+$0x10] =	vst v63  }
0x1e2: {  	[tilespmem:s6+$0xFFFFFFF0] =	vst v4;
	v4 =	vmul.f32 v11, v7  }
0x1e3: {  	[tilespmem:s6+$0x0] =	vst v5;
	v5 =	vmul.f32 v12, v7  }
0x1e4: {  	[tilespmem:s6+$0x20] =	vst v4  }
0x1e5: {  	s11 =	simm.s32 $0x1;
	s10 =	simm.s32 $0x8;
	s9 =	rddreg [dreg:$0x8];
	[tilespmem:s6+$0x30] =	vst v5  }
.LBB2_13:
0x1e6: {  	p0 =	sne.s32 s10, $0xFC;
	v4 =	vld [tilespmem:s11+$0x10A00];
	_ =	sdelay $0x4  }
0x1e7: {  	v4 =	vmax.f32 v4, $1.000000000e+00  }
0x1e8: {  	(erf) = vrcp.f32 v4;
	_ =	sdelay $0x1  }
0x1e9: {  	s6 =	sadd.s32 $0x80, s6  }
0x1ea: {  	v4 =	vld [tilespmem:s6+$0xFFFFFFF0]  }
0x1eb: {  	v5 =	vld [tilespmem:s6+$0x30]  }
0x1ec: {  	v6 =	vld [tilespmem:s6+$0x10]  }
0x1ed: {  	v7 =	vld [tilespmem:s6+$0xFFFFFFD0]  }
0x1ee: {  	v8 =	vld [tilespmem:s6+$0xFFFFFFC0]  }
0x1ef: {  	v9 =	vld [tilespmem:s6+$0xFFFFFFE0]  }
0x1f0: {  	v10 =	vld [tilespmem:s6+$0x0];
	v11 =	vpop (erf)  }
0x1f1: {  	v11 =	vbroadcast v11, $0x0;
	v12 =	vld [tilespmem:s6+$0x20];
	_ =	sdelay $0x1  }
0x1f2: {  	v8 =	vmul.f32 v11, v8;
	v7 =	vmul.f32 v11, v7  }
0x1f3: {  	v4 =	vmul.f32 v4, v11;
	v9 =	vmul.f32 v9, v11  }
0x1f4: {  	v6 =	vmul.f32 v6, v11;
	[tilespmem:s6+$0xFFFFFFC0] =	vst v8;
	v8 =	vmul.f32 v10, v11  }
0x1f5: {  	v5 =	vmul.f32 v5, v11;
	[tilespmem:s6+$0xFFFFFFD0] =	vst v7;
	v7 =	vmul.f32 v12, v11  }
0x1f6: {  	[tilespmem:s6+$0xFFFFFFE0] =	vst v9  }
.Ltmp8:
0x1f7: {  	[tilespmem:s6+$0xFFFFFFF0] =	vst v4;
	(pc) =	sbr.rel @p0 .LBB2_13-.Ltmp8, $4  }
0x1f8: {  	[tilespmem:s6+$0x0] =	vst v8  }
0x1f9: {  	[tilespmem:s6+$0x10] =	vst v6  }
0x1fa: {  	[tilespmem:s6+$0x20] =	vst v7  }
0x1fb: {  	s11 =	sshra.s32 s10, $0x2;
	s10 =	sadd.s32 $0x4, s10;
	[tilespmem:s6+$0x30] =	vst v5  }
0x1fc: {  	v4 =	vld [tilespmem:s11+$0x10A00];
	_ =	sdelay $0x4  }
0x1fd: {  	v4 =	vmax.f32 v4, $1.000000000e+00  }
0x1fe: {  	(erf) = vrcp.f32 v4;
	_ =	sdelay $0x5  }
0x1ff: {  	s6 =	sadd.s32 $0x80, s6  }
0x200: {  	v4 =	vld [tilespmem:s6+$0xFFFFFFC0]  }
0x201: {  	v5 =	vld [tilespmem:s6+$0xFFFFFFD0]  }
0x202: {  	v6 =	vld [tilespmem:s6+$0xFFFFFFE0];
	v7 =	vpop (erf)  }
0x203: {  	v10 =	vld [tilespmem:s6+$0x10];
	v7 =	vbroadcast v7, $0x0  }
0x204: {  	v8 =	vld [tilespmem:s6+$0xFFFFFFF0]  }
0x205: {  	v9 =	vld [tilespmem:s6+$0x0];
	v4 =	vmul.f32 v7, v4  }
0x206: {  	v11 =	vld [tilespmem:s6+$0x20];
	v5 =	vmul.f32 v7, v5  }
0x207: {  	v12 =	vld [tilespmem:s6+$0x30];
	v6 =	vmul.f32 v6, v7;
	[tilespmem:s6+$0xFFFFFFC0] =	vst v4  }
0x208: {  	v55 =	vmul.f32 v10, v7;
	[tilespmem:s6+$0xFFFFFFD0] =	vst v5  }
0x209: {  	v4 =	vmul.f32 v8, v7;
	[tilespmem:s6+$0xFFFFFFE0] =	vst v6  }
0x20a: {  	v5 =	vmul.f32 v9, v7;
	[tilespmem:s6+$0x10] =	vst v55  }
0x20b: {  	[tilespmem:s6+$0xFFFFFFF0] =	vst v4;
	v4 =	vmul.f32 v11, v7  }
0x20c: {  	[tilespmem:s6+$0x0] =	vst v5;
	v5 =	vmul.f32 v12, v7  }
0x20d: {  	[tilespmem:s6+$0x20] =	vst v4  }
0x20e: {  	s16 =	simm.s32 $0x0;
	s10 =	rddreg [dreg:$0x9];
	[tilespmem:s6+$0x30] =	vst v5  }
0x20f: {  	[hbm4b:s10+s16] =	stream.linear.scatter [tilespmem:s16], [sflag:$0x5], $0x2000, $0x38;
	[tilespmem:$0x1B000] =	vst v63  }
0x210: {  	_ =	swait.ge [sflag:s20], $0x2000  }
0x211: {  	[sflag:s20] =	ssyncset.done $0x0  }
0x212: {  	s17 =	rddreg [dreg:$0xa];
	[sflag:s20] =	ssyncadd.s32 $0xFFFFE000  }
0x213: {  	[tilespmem:s16], [sflag:$0x5] =	stream.linear.gather [spmem:s17], $0x2000, $0x38;
	[tilespmem:$0x1B000] =	vst v63  }
0x214: {  	_ =	swait.ge [sflag:s20], $0x2000  }
0x215: {  	[sflag:s20] =	ssyncset.done $0x0  }
0x216: {  	s18 =	simm.s32 $0x0;
	[sflag:s20] =	ssyncadd.s32 $0xFFFFE000  }
0x217: {  	v4 =	vld [tilespmem:s18+$0x10A40];
	_ =	sdelay $0x4  }
0x218: {  	v4 =	vmax.f32 v4, $1.000000000e+00  }
0x219: {  	(erf) = vrcp.f32 v4;
	_ =	sdelay $0x5  }
0x21a: {  	s6 =	simm.s32 $0x40  }
0x21b: {  	v4 =	vld [tilespmem:s6+$0xFFFFFFC0]  }
0x21c: {  	v5 =	vld [tilespmem:s6+$0xFFFFFFD0]  }
0x21d: {  	v56 =	vld [tilespmem:s6+$0xFFFFFFE0];
	v57 =	vpop (erf)  }
0x21e: {  	v60 =	vld [tilespmem:s6+$0x10];
	v7 =	vbroadcast v57, $0x0  }
0x21f: {  	v58 =	vld [tilespmem:s6+$0xFFFFFFF0]  }
0x220: {  	v59 =	vld [tilespmem:s6+$0x0];
	v4 =	vmul.f32 v7, v4  }
0x221: {  	v61 =	vld [tilespmem:s6+$0x20];
	v5 =	vmul.f32 v7, v5  }
0x222: {  	v62 =	vld [tilespmem:s6+$0x30];
	v6 =	vmul.f32 v56, v7;
	[tilespmem:s6+$0xFFFFFFC0] =	vst v4  }
0x223: {  	v63 =	vmul.f32 v60, v7;
	[tilespmem:s6+$0xFFFFFFD0] =	vst v5  }
0x224: {  	v4 =	vmul.f32 v58, v7;
	[tilespmem:s6+$0xFFFFFFE0] =	vst v6  }
0x225: {  	v5 =	vmul.f32 v59, v7;
	[tilespmem:s6+$0x10] =	vst v63  }
0x226: {  	[tilespmem:s6+$0xFFFFFFF0] =	vst v4;
	v4 =	vmul.f32 v61, v7  }
0x227: {  	[tilespmem:s6+$0x0] =	vst v5;
	v5 =	vmul.f32 v62, v7  }
0x228: {  	[tilespmem:s6+$0x20] =	vst v4  }
0x229: {  	s11 =	simm.s32 $0x1;
	s10 =	simm.s32 $0x8;
	[tilespmem:s6+$0x30] =	vst v5  }
.LBB2_15:
0x22a: {  	p0 =	sne.s32 s10, $0xFC;
	v4 =	vld [tilespmem:s11+$0x10A40];
	_ =	sdelay $0x4  }
0x22b: {  	v4 =	vmax.f32 v4, $1.000000000e+00  }
0x22c: {  	(erf) = vrcp.f32 v4;
	_ =	sdelay $0x1  }
0x22d: {  	s6 =	sadd.s32 $0x80, s6  }
0x22e: {  	v4 =	vld [tilespmem:s6+$0xFFFFFFF0]  }
0x22f: {  	v5 =	vld [tilespmem:s6+$0x30]  }
0x230: {  	v6 =	vld [tilespmem:s6+$0x10]  }
0x231: {  	v7 =	vld [tilespmem:s6+$0xFFFFFFD0]  }
0x232: {  	v8 =	vld [tilespmem:s6+$0xFFFFFFC0]  }
0x233: {  	v9 =	vld [tilespmem:s6+$0xFFFFFFE0]  }
0x234: {  	v10 =	vld [tilespmem:s6+$0x0];
	v11 =	vpop (erf)  }
0x235: {  	v11 =	vbroadcast v11, $0x0;
	v12 =	vld [tilespmem:s6+$0x20];
	_ =	sdelay $0x1  }
0x236: {  	v8 =	vmul.f32 v11, v8;
	v7 =	vmul.f32 v11, v7  }
0x237: {  	v4 =	vmul.f32 v4, v11;
	v9 =	vmul.f32 v9, v11  }
0x238: {  	v6 =	vmul.f32 v6, v11;
	[tilespmem:s6+$0xFFFFFFC0] =	vst v8;
	v8 =	vmul.f32 v10, v11  }
0x239: {  	v5 =	vmul.f32 v5, v11;
	[tilespmem:s6+$0xFFFFFFD0] =	vst v7;
	v7 =	vmul.f32 v12, v11  }
0x23a: {  	[tilespmem:s6+$0xFFFFFFE0] =	vst v9  }
.Ltmp9:
0x23b: {  	[tilespmem:s6+$0xFFFFFFF0] =	vst v4;
	(pc) =	sbr.rel @p0 .LBB2_15-.Ltmp9, $4  }
0x23c: {  	[tilespmem:s6+$0x0] =	vst v8  }
0x23d: {  	[tilespmem:s6+$0x10] =	vst v6  }
0x23e: {  	[tilespmem:s6+$0x20] =	vst v7  }
0x23f: {  	s11 =	sshra.s32 s10, $0x2;
	s10 =	sadd.s32 $0x4, s10;
	[tilespmem:s6+$0x30] =	vst v5  }
0x240: {  	v4 =	vld [tilespmem:s11+$0x10A40];
	_ =	sdelay $0x4  }
0x241: {  	v4 =	vmax.f32 v4, $1.000000000e+00  }
0x242: {  	(erf) = vrcp.f32 v4;
	_ =	sdelay $0x5  }
0x243: {  	s6 =	sadd.s32 $0x80, s6  }
0x244: {  	v4 =	vld [tilespmem:s6+$0xFFFFFFC0]  }
0x245: {  	v5 =	vld [tilespmem:s6+$0xFFFFFFD0]  }
0x246: {  	v6 =	vld [tilespmem:s6+$0xFFFFFFE0];
	v7 =	vpop (erf)  }
0x247: {  	v10 =	vld [tilespmem:s6+$0x10];
	v7 =	vbroadcast v7, $0x0  }
0x248: {  	v8 =	vld [tilespmem:s6+$0xFFFFFFF0]  }
0x249: {  	v9 =	vld [tilespmem:s6+$0x0];
	v4 =	vmul.f32 v7, v4  }
0x24a: {  	v11 =	vld [tilespmem:s6+$0x20];
	v5 =	vmul.f32 v7, v5  }
0x24b: {  	v12 =	vld [tilespmem:s6+$0x30];
	v6 =	vmul.f32 v6, v7;
	[tilespmem:s6+$0xFFFFFFC0] =	vst v4  }
0x24c: {  	v55 =	vmul.f32 v10, v7;
	[tilespmem:s6+$0xFFFFFFD0] =	vst v5  }
0x24d: {  	v4 =	vmul.f32 v8, v7;
	[tilespmem:s6+$0xFFFFFFE0] =	vst v6  }
0x24e: {  	v5 =	vmul.f32 v9, v7;
	[tilespmem:s6+$0x10] =	vst v55  }
0x24f: {  	[tilespmem:s6+$0xFFFFFFF0] =	vst v4;
	v4 =	vmul.f32 v11, v7  }
0x250: {  	[tilespmem:s6+$0x0] =	vst v5;
	v5 =	vmul.f32 v12, v7  }
0x251: {  	[tilespmem:s6+$0x20] =	vst v4  }
0x252: {  	s16 =	simm.s32 $0x0;
	s10 =	rddreg [dreg:$0xb];
	[tilespmem:s6+$0x30] =	vst v5  }
0x253: {  	[hbm4b:s10+s16] =	stream.linear.scatter [tilespmem:s16], [sflag:$0x5], $0x2000, $0x38;
	[tilespmem:$0x1B000] =	vst v63  }
0x254: {  	_ =	swait.ge [sflag:s20], $0x2000  }
0x255: {  	[sflag:s20] =	ssyncset.done $0x0  }
0x256: {  	s17 =	rddreg [dreg:$0xc];
	[sflag:s20] =	ssyncadd.s32 $0xFFFFE000  }
0x257: {  	[tilespmem:s16], [sflag:$0x5] =	stream.linear.gather [spmem:s17], $0x2000, $0x38;
	[tilespmem:$0x1B000] =	vst v63  }
0x258: {  	_ =	swait.ge [sflag:s20], $0x2000  }
0x259: {  	[sflag:s20] =	ssyncset.done $0x0  }
0x25a: {  	s18 =	simm.s32 $0x0;
	[sflag:s20] =	ssyncadd.s32 $0xFFFFE000  }
0x25b: {  	v4 =	vld [tilespmem:s18+$0x10A80];
	_ =	sdelay $0x4  }
0x25c: {  	v4 =	vmax.f32 v4, $1.000000000e+00  }
0x25d: {  	(erf) = vrcp.f32 v4;
	_ =	sdelay $0x5  }
0x25e: {  	s6 =	simm.s32 $0x40  }
0x25f: {  	v4 =	vld [tilespmem:s6+$0xFFFFFFC0]  }
0x260: {  	v5 =	vld [tilespmem:s6+$0xFFFFFFD0]  }
0x261: {  	v56 =	vld [tilespmem:s6+$0xFFFFFFE0];
	v57 =	vpop (erf)  }
0x262: {  	v60 =	vld [tilespmem:s6+$0x10];
	v7 =	vbroadcast v57, $0x0  }
0x263: {  	v58 =	vld [tilespmem:s6+$0xFFFFFFF0]  }
0x264: {  	v59 =	vld [tilespmem:s6+$0x0];
	v4 =	vmul.f32 v7, v4  }
0x265: {  	v61 =	vld [tilespmem:s6+$0x20];
	v5 =	vmul.f32 v7, v5  }
0x266: {  	v62 =	vld [tilespmem:s6+$0x30];
	v6 =	vmul.f32 v56, v7;
	[tilespmem:s6+$0xFFFFFFC0] =	vst v4  }
0x267: {  	v63 =	vmul.f32 v60, v7;
	[tilespmem:s6+$0xFFFFFFD0] =	vst v5  }
0x268: {  	v4 =	vmul.f32 v58, v7;
	[tilespmem:s6+$0xFFFFFFE0] =	vst v6  }
0x269: {  	v5 =	vmul.f32 v59, v7;
	[tilespmem:s6+$0x10] =	vst v63  }
0x26a: {  	[tilespmem:s6+$0xFFFFFFF0] =	vst v4;
	v4 =	vmul.f32 v61, v7  }
0x26b: {  	[tilespmem:s6+$0x0] =	vst v5;
	v5 =	vmul.f32 v62, v7  }
0x26c: {  	[tilespmem:s6+$0x20] =	vst v4  }
0x26d: {  	s11 =	simm.s32 $0x1;
	s10 =	simm.s32 $0x8;
	[tilespmem:s6+$0x30] =	vst v5  }
.LBB2_17:
0x26e: {  	p0 =	sne.s32 s10, $0xFC;
	v4 =	vld [tilespmem:s11+$0x10A80];
	_ =	sdelay $0x4  }
0x26f: {  	v4 =	vmax.f32 v4, $1.000000000e+00  }
0x270: {  	(erf) = vrcp.f32 v4;
	_ =	sdelay $0x1  }
0x271: {  	s6 =	sadd.s32 $0x80, s6  }
0x272: {  	v4 =	vld [tilespmem:s6+$0xFFFFFFF0]  }
0x273: {  	v5 =	vld [tilespmem:s6+$0x30]  }
0x274: {  	v6 =	vld [tilespmem:s6+$0x10]  }
0x275: {  	v7 =	vld [tilespmem:s6+$0xFFFFFFD0]  }
0x276: {  	v8 =	vld [tilespmem:s6+$0xFFFFFFC0]  }
0x277: {  	v9 =	vld [tilespmem:s6+$0xFFFFFFE0]  }
0x278: {  	v10 =	vld [tilespmem:s6+$0x0];
	v11 =	vpop (erf)  }
0x279: {  	v11 =	vbroadcast v11, $0x0;
	v12 =	vld [tilespmem:s6+$0x20];
	_ =	sdelay $0x1  }
0x27a: {  	v8 =	vmul.f32 v11, v8;
	v7 =	vmul.f32 v11, v7  }
0x27b: {  	v4 =	vmul.f32 v4, v11;
	v9 =	vmul.f32 v9, v11  }
0x27c: {  	v6 =	vmul.f32 v6, v11;
	[tilespmem:s6+$0xFFFFFFC0] =	vst v8;
	v8 =	vmul.f32 v10, v11  }
0x27d: {  	v5 =	vmul.f32 v5, v11;
	[tilespmem:s6+$0xFFFFFFD0] =	vst v7;
	v7 =	vmul.f32 v12, v11  }
0x27e: {  	[tilespmem:s6+$0xFFFFFFE0] =	vst v9  }
.Ltmp10:
0x27f: {  	[tilespmem:s6+$0xFFFFFFF0] =	vst v4;
	(pc) =	sbr.rel @p0 .LBB2_17-.Ltmp10, $4  }
0x280: {  	[tilespmem:s6+$0x0] =	vst v8  }
0x281: {  	[tilespmem:s6+$0x10] =	vst v6  }
0x282: {  	[tilespmem:s6+$0x20] =	vst v7  }
0x283: {  	s11 =	sshra.s32 s10, $0x2;
	s10 =	sadd.s32 $0x4, s10;
	[tilespmem:s6+$0x30] =	vst v5  }
0x284: {  	v4 =	vld [tilespmem:s11+$0x10A80];
	_ =	sdelay $0x4  }
0x285: {  	v4 =	vmax.f32 v4, $1.000000000e+00  }
0x286: {  	(erf) = vrcp.f32 v4;
	_ =	sdelay $0x5  }
0x287: {  	s6 =	sadd.s32 $0x80, s6  }
0x288: {  	v4 =	vld [tilespmem:s6+$0xFFFFFFC0]  }
0x289: {  	v5 =	vld [tilespmem:s6+$0xFFFFFFD0]  }
0x28a: {  	v6 =	vld [tilespmem:s6+$0xFFFFFFE0];
	v7 =	vpop (erf)  }
0x28b: {  	v10 =	vld [tilespmem:s6+$0x10];
	v7 =	vbroadcast v7, $0x0  }
0x28c: {  	v8 =	vld [tilespmem:s6+$0xFFFFFFF0]  }
0x28d: {  	v9 =	vld [tilespmem:s6+$0x0];
	v4 =	vmul.f32 v7, v4  }
0x28e: {  	v11 =	vld [tilespmem:s6+$0x20];
	v5 =	vmul.f32 v7, v5  }
0x28f: {  	v12 =	vld [tilespmem:s6+$0x30];
	v6 =	vmul.f32 v6, v7;
	[tilespmem:s6+$0xFFFFFFC0] =	vst v4  }
0x290: {  	v55 =	vmul.f32 v10, v7;
	[tilespmem:s6+$0xFFFFFFD0] =	vst v5  }
0x291: {  	v4 =	vmul.f32 v8, v7;
	[tilespmem:s6+$0xFFFFFFE0] =	vst v6  }
0x292: {  	v5 =	vmul.f32 v9, v7;
	[tilespmem:s6+$0x10] =	vst v55  }
0x293: {  	[tilespmem:s6+$0xFFFFFFF0] =	vst v4;
	v4 =	vmul.f32 v11, v7  }
0x294: {  	[tilespmem:s6+$0x0] =	vst v5;
	v5 =	vmul.f32 v12, v7  }
0x295: {  	[tilespmem:s6+$0x20] =	vst v4  }
0x296: {  	s16 =	simm.s32 $0x0;
	s10 =	rddreg [dreg:$0xd];
	[tilespmem:s6+$0x30] =	vst v5  }
0x297: {  	[hbm4b:s10+s16] =	stream.linear.scatter [tilespmem:s16], [sflag:$0x5], $0x2000, $0x38;
	[tilespmem:$0x1B000] =	vst v63  }
0x298: {  	_ =	swait.ge [sflag:s20], $0x2000  }
0x299: {  	[sflag:s20] =	ssyncset.done $0x0  }
0x29a: {  	s17 =	rddreg [dreg:$0xe];
	[sflag:s20] =	ssyncadd.s32 $0xFFFFE000  }
0x29b: {  	[tilespmem:s16], [sflag:$0x5] =	stream.linear.gather [spmem:s17], $0x2000, $0x38;
	[tilespmem:$0x1B000] =	vst v63  }
0x29c: {  	_ =	swait.ge [sflag:s20], $0x2000  }
0x29d: {  	[sflag:s20] =	ssyncset.done $0x0  }
0x29e: {  	s18 =	simm.s32 $0x0;
	[sflag:s20] =	ssyncadd.s32 $0xFFFFE000  }
0x29f: {  	v4 =	vld [tilespmem:s18+$0x10AC0];
	_ =	sdelay $0x4  }
0x2a0: {  	v4 =	vmax.f32 v4, $1.000000000e+00  }
0x2a1: {  	(erf) = vrcp.f32 v4;
	_ =	sdelay $0x5  }
0x2a2: {  	s6 =	simm.s32 $0x40  }
0x2a3: {  	v4 =	vld [tilespmem:s6+$0xFFFFFFC0]  }
0x2a4: {  	v5 =	vld [tilespmem:s6+$0xFFFFFFD0]  }
0x2a5: {  	v56 =	vld [tilespmem:s6+$0xFFFFFFE0];
	v57 =	vpop (erf)  }
0x2a6: {  	v60 =	vld [tilespmem:s6+$0x10];
	v7 =	vbroadcast v57, $0x0  }
0x2a7: {  	v58 =	vld [tilespmem:s6+$0xFFFFFFF0]  }
0x2a8: {  	v59 =	vld [tilespmem:s6+$0x0];
	v4 =	vmul.f32 v7, v4  }
0x2a9: {  	v61 =	vld [tilespmem:s6+$0x20];
	v5 =	vmul.f32 v7, v5  }
0x2aa: {  	v62 =	vld [tilespmem:s6+$0x30];
	v6 =	vmul.f32 v56, v7;
	[tilespmem:s6+$0xFFFFFFC0] =	vst v4  }
0x2ab: {  	v63 =	vmul.f32 v60, v7;
	[tilespmem:s6+$0xFFFFFFD0] =	vst v5  }
0x2ac: {  	v4 =	vmul.f32 v58, v7;
	[tilespmem:s6+$0xFFFFFFE0] =	vst v6  }
0x2ad: {  	v5 =	vmul.f32 v59, v7;
	[tilespmem:s6+$0x10] =	vst v63  }
0x2ae: {  	[tilespmem:s6+$0xFFFFFFF0] =	vst v4;
	v4 =	vmul.f32 v61, v7  }
0x2af: {  	[tilespmem:s6+$0x0] =	vst v5;
	v5 =	vmul.f32 v62, v7  }
0x2b0: {  	[tilespmem:s6+$0x20] =	vst v4  }
0x2b1: {  	s11 =	simm.s32 $0x1;
	s10 =	simm.s32 $0x8;
	[tilespmem:s6+$0x30] =	vst v5  }
.LBB2_19:
0x2b2: {  	p0 =	sne.s32 s10, $0xFC;
	v4 =	vld [tilespmem:s11+$0x10AC0];
	_ =	sdelay $0x4  }
0x2b3: {  	v4 =	vmax.f32 v4, $1.000000000e+00  }
0x2b4: {  	(erf) = vrcp.f32 v4;
	_ =	sdelay $0x1  }
0x2b5: {  	s6 =	sadd.s32 $0x80, s6  }
0x2b6: {  	v4 =	vld [tilespmem:s6+$0xFFFFFFF0]  }
0x2b7: {  	v5 =	vld [tilespmem:s6+$0x30]  }
0x2b8: {  	v6 =	vld [tilespmem:s6+$0x10]  }
0x2b9: {  	v7 =	vld [tilespmem:s6+$0xFFFFFFD0]  }
0x2ba: {  	v8 =	vld [tilespmem:s6+$0xFFFFFFC0]  }
0x2bb: {  	v9 =	vld [tilespmem:s6+$0xFFFFFFE0]  }
0x2bc: {  	v10 =	vld [tilespmem:s6+$0x0];
	v11 =	vpop (erf)  }
0x2bd: {  	v11 =	vbroadcast v11, $0x0;
	v12 =	vld [tilespmem:s6+$0x20];
	_ =	sdelay $0x1  }
0x2be: {  	v8 =	vmul.f32 v11, v8;
	v7 =	vmul.f32 v11, v7  }
0x2bf: {  	v4 =	vmul.f32 v4, v11;
	v9 =	vmul.f32 v9, v11  }
0x2c0: {  	v6 =	vmul.f32 v6, v11;
	[tilespmem:s6+$0xFFFFFFC0] =	vst v8;
	v8 =	vmul.f32 v10, v11  }
0x2c1: {  	v5 =	vmul.f32 v5, v11;
	[tilespmem:s6+$0xFFFFFFD0] =	vst v7;
	v7 =	vmul.f32 v12, v11  }
0x2c2: {  	[tilespmem:s6+$0xFFFFFFE0] =	vst v9  }
.Ltmp11:
0x2c3: {  	[tilespmem:s6+$0xFFFFFFF0] =	vst v4;
	(pc) =	sbr.rel @p0 .LBB2_19-.Ltmp11, $4  }
0x2c4: {  	[tilespmem:s6+$0x0] =	vst v8  }
0x2c5: {  	[tilespmem:s6+$0x10] =	vst v6  }
0x2c6: {  	[tilespmem:s6+$0x20] =	vst v7  }
0x2c7: {  	s11 =	sshra.s32 s10, $0x2;
	s10 =	sadd.s32 $0x4, s10;
	[tilespmem:s6+$0x30] =	vst v5  }
0x2c8: {  	v4 =	vld [tilespmem:s11+$0x10AC0];
	_ =	sdelay $0x4  }
0x2c9: {  	v4 =	vmax.f32 v4, $1.000000000e+00  }
0x2ca: {  	(erf) = vrcp.f32 v4;
	_ =	sdelay $0x5  }
0x2cb: {  	s6 =	sadd.s32 $0x80, s6  }
0x2cc: {  	v4 =	vld [tilespmem:s6+$0xFFFFFFC0]  }
0x2cd: {  	v5 =	vld [tilespmem:s6+$0xFFFFFFD0]  }
0x2ce: {  	v6 =	vld [tilespmem:s6+$0xFFFFFFE0];
	v7 =	vpop (erf)  }
0x2cf: {  	v10 =	vld [tilespmem:s6+$0x10];
	v7 =	vbroadcast v7, $0x0  }
0x2d0: {  	v8 =	vld [tilespmem:s6+$0xFFFFFFF0]  }
0x2d1: {  	v9 =	vld [tilespmem:s6+$0x0];
	v4 =	vmul.f32 v7, v4  }
0x2d2: {  	v11 =	vld [tilespmem:s6+$0x20];
	v5 =	vmul.f32 v7, v5  }
0x2d3: {  	v12 =	vld [tilespmem:s6+$0x30];
	v6 =	vmul.f32 v6, v7;
	[tilespmem:s6+$0xFFFFFFC0] =	vst v4  }
0x2d4: {  	v55 =	vmul.f32 v10, v7;
	[tilespmem:s6+$0xFFFFFFD0] =	vst v5  }
0x2d5: {  	v4 =	vmul.f32 v8, v7;
	[tilespmem:s6+$0xFFFFFFE0] =	vst v6  }
0x2d6: {  	v5 =	vmul.f32 v9, v7;
	[tilespmem:s6+$0x10] =	vst v55  }
0x2d7: {  	[tilespmem:s6+$0xFFFFFFF0] =	vst v4;
	v4 =	vmul.f32 v11, v7  }
0x2d8: {  	[tilespmem:s6+$0x0] =	vst v5;
	v5 =	vmul.f32 v12, v7  }
0x2d9: {  	[tilespmem:s6+$0x20] =	vst v4  }
0x2da: {  	s17 =	simm.s32 $0x0;
	s10 =	rddreg [dreg:$0xf];
	[tilespmem:s6+$0x30] =	vst v5  }
0x2db: {  	[hbm4b:s10+s17] =	stream.linear.scatter [tilespmem:s17], [sflag:$0x5], $0x2000, $0x38;
	[tilespmem:$0x1B000] =	vst v63  }
0x2dc: {  	_ =	swait.ge [sflag:s20], $0x2000  }
0x2dd: {  	[sflag:s20] =	ssyncset.done $0x0  }
0x2de: {  	[sflag:s20] =	ssyncadd.s32 $0xFFFFE000  }
0x2df: {  	[tilespmem:s17], [sflag:$0x5] =	stream.linear.gather [spmem:s9], $0x2000, $0x38;
	[tilespmem:$0x1B000] =	vst v63  }
0x2e0: {  	_ =	swait.ge [sflag:s20], $0x2000  }
0x2e1: {  	[sflag:s20] =	ssyncset.done $0x0  }
0x2e2: {  	s18 =	simm.s32 $0x0;
	[sflag:s20] =	ssyncadd.s32 $0xFFFFE000  }
0x2e3: {  	v4 =	vld [tilespmem:s18+$0x10B00];
	_ =	sdelay $0x4  }
0x2e4: {  	v4 =	vmax.f32 v4, $1.000000000e+00  }
0x2e5: {  	(erf) = vrcp.f32 v4;
	_ =	sdelay $0x5  }
0x2e6: {  	s6 =	simm.s32 $0x40  }
0x2e7: {  	v4 =	vld [tilespmem:s6+$0xFFFFFFC0]  }
0x2e8: {  	v5 =	vld [tilespmem:s6+$0xFFFFFFD0]  }
0x2e9: {  	v56 =	vld [tilespmem:s6+$0xFFFFFFE0];
	v57 =	vpop (erf)  }
0x2ea: {  	v60 =	vld [tilespmem:s6+$0x10];
	v7 =	vbroadcast v57, $0x0  }
0x2eb: {  	v58 =	vld [tilespmem:s6+$0xFFFFFFF0]  }
0x2ec: {  	v59 =	vld [tilespmem:s6+$0x0];
	v4 =	vmul.f32 v7, v4  }
0x2ed: {  	v61 =	vld [tilespmem:s6+$0x20];
	v5 =	vmul.f32 v7, v5  }
0x2ee: {  	v62 =	vld [tilespmem:s6+$0x30];
	v6 =	vmul.f32 v56, v7;
	[tilespmem:s6+$0xFFFFFFC0] =	vst v4  }
0x2ef: {  	v63 =	vmul.f32 v60, v7;
	[tilespmem:s6+$0xFFFFFFD0] =	vst v5  }
0x2f0: {  	v4 =	vmul.f32 v58, v7;
	[tilespmem:s6+$0xFFFFFFE0] =	vst v6  }
0x2f1: {  	v5 =	vmul.f32 v59, v7;
	[tilespmem:s6+$0x10] =	vst v63  }
0x2f2: {  	[tilespmem:s6+$0xFFFFFFF0] =	vst v4;
	v4 =	vmul.f32 v61, v7  }
0x2f3: {  	[tilespmem:s6+$0x0] =	vst v5;
	v5 =	vmul.f32 v62, v7  }
0x2f4: {  	[tilespmem:s6+$0x20] =	vst v4  }
0x2f5: {  	s11 =	simm.s32 $0x1;
	s10 =	simm.s32 $0x8;
	[tilespmem:s6+$0x30] =	vst v5  }
.LBB2_21:
0x2f6: {  	p0 =	sne.s32 s10, $0xFC;
	v4 =	vld [tilespmem:s11+$0x10B00];
	_ =	sdelay $0x4  }
0x2f7: {  	v4 =	vmax.f32 v4, $1.000000000e+00  }
0x2f8: {  	(erf) = vrcp.f32 v4;
	_ =	sdelay $0x1  }
0x2f9: {  	s6 =	sadd.s32 $0x80, s6  }
0x2fa: {  	v4 =	vld [tilespmem:s6+$0xFFFFFFF0]  }
0x2fb: {  	v5 =	vld [tilespmem:s6+$0x30]  }
0x2fc: {  	v6 =	vld [tilespmem:s6+$0x10]  }
0x2fd: {  	v7 =	vld [tilespmem:s6+$0xFFFFFFD0]  }
0x2fe: {  	v8 =	vld [tilespmem:s6+$0xFFFFFFC0]  }
0x2ff: {  	v9 =	vld [tilespmem:s6+$0xFFFFFFE0]  }
0x300: {  	v10 =	vld [tilespmem:s6+$0x0];
	v11 =	vpop (erf)  }
0x301: {  	v11 =	vbroadcast v11, $0x0;
	v12 =	vld [tilespmem:s6+$0x20];
	_ =	sdelay $0x1  }
0x302: {  	v8 =	vmul.f32 v11, v8;
	v7 =	vmul.f32 v11, v7  }
0x303: {  	v4 =	vmul.f32 v4, v11;
	v9 =	vmul.f32 v9, v11  }
0x304: {  	v6 =	vmul.f32 v6, v11;
	[tilespmem:s6+$0xFFFFFFC0] =	vst v8;
	v8 =	vmul.f32 v10, v11  }
0x305: {  	v5 =	vmul.f32 v5, v11;
	[tilespmem:s6+$0xFFFFFFD0] =	vst v7;
	v7 =	vmul.f32 v12, v11  }
0x306: {  	[tilespmem:s6+$0xFFFFFFE0] =	vst v9  }
.Ltmp12:
0x307: {  	[tilespmem:s6+$0xFFFFFFF0] =	vst v4;
	(pc) =	sbr.rel @p0 .LBB2_21-.Ltmp12, $4  }
0x308: {  	[tilespmem:s6+$0x0] =	vst v8  }
0x309: {  	[tilespmem:s6+$0x10] =	vst v6  }
0x30a: {  	[tilespmem:s6+$0x20] =	vst v7  }
0x30b: {  	s11 =	sshra.s32 s10, $0x2;
	s10 =	sadd.s32 $0x4, s10;
	[tilespmem:s6+$0x30] =	vst v5  }
0x30c: {  	v4 =	vld [tilespmem:s11+$0x10B00];
	_ =	sdelay $0x4  }
0x30d: {  	v4 =	vmax.f32 v4, $1.000000000e+00  }
0x30e: {  	(erf) = vrcp.f32 v4;
	_ =	sdelay $0x5  }
0x30f: {  	s6 =	sadd.s32 $0x80, s6  }
0x310: {  	v4 =	vld [tilespmem:s6+$0xFFFFFFC0]  }
0x311: {  	v5 =	vld [tilespmem:s6+$0xFFFFFFD0]  }
0x312: {  	v6 =	vld [tilespmem:s6+$0xFFFFFFE0];
	v7 =	vpop (erf)  }
0x313: {  	v10 =	vld [tilespmem:s6+$0x10];
	v7 =	vbroadcast v7, $0x0  }
0x314: {  	v8 =	vld [tilespmem:s6+$0xFFFFFFF0]  }
0x315: {  	v9 =	vld [tilespmem:s6+$0x0];
	v4 =	vmul.f32 v7, v4  }
0x316: {  	v11 =	vld [tilespmem:s6+$0x20];
	v5 =	vmul.f32 v7, v5  }
0x317: {  	v12 =	vld [tilespmem:s6+$0x30];
	v6 =	vmul.f32 v6, v7;
	[tilespmem:s6+$0xFFFFFFC0] =	vst v4  }
0x318: {  	v63 =	vmul.f32 v10, v7;
	[tilespmem:s6+$0xFFFFFFD0] =	vst v5  }
0x319: {  	v4 =	vmul.f32 v8, v7;
	[tilespmem:s6+$0xFFFFFFE0] =	vst v6  }
0x31a: {  	v5 =	vmul.f32 v9, v7;
	[tilespmem:s6+$0x10] =	vst v63  }
0x31b: {  	[tilespmem:s6+$0xFFFFFFF0] =	vst v4;
	v4 =	vmul.f32 v11, v7  }
0x31c: {  	[tilespmem:s6+$0x0] =	vst v5;
	v5 =	vmul.f32 v12, v7  }
0x31d: {  	[tilespmem:s6+$0x20] =	vst v4  }
0x31e: {  	s17 =	rddreg [dreg:$0x10];
	[tilespmem:s6+$0x30] =	vst v5  }
0x31f: {  	[hbm4b:s17+s7] =	stream.linear.scatter [tilespmem:s7], [sflag:$0x5], $0x2000, $0x38;
	[tilespmem:$0x1B000] =	vst v63  }
0x320: {  	_ =	swait.ge [sflag:s20], $0x2000  }
0x321: {  	s19 =	sadd.s32 $0x1, s19;
	s18 =	rddreg [dreg:$0x11]  }
0x322: {  	p0 =	sne.s32 s19, s18  }
.Ltmp13:
0x323: {  	_ = 	snop;
	(pc) =	sbr.rel @p0 .LBB2_1-.Ltmp13, $3  }
0x324: {  	_ =	sdelay $0x1  }
0x325: {  	[sflag:s20] =	ssyncset.done $0x0  }
0x326: {  	[sflag:s20] =	ssyncadd.s32 $0xFFFFE000  }
0x327: {  	_ =	sfence.sel $0x180000  }
0x328: {  	[bflag:$0x0] =	sbarrier.arrive $0xFFFF  }
0x329: {  	_ =	strace $0x90000047  }
0x32a: {  	s0 =	stileid.u32;
	[bflag:$0x2] =	sbarrier.arrive $0xFFFF  }
0x32b: {  	p0 =	sne.s32 s0, $0x0;
	s0 =	rddreg [dreg:$0x5]  }
0x32c: {  	s0 =	sadd.s32 @!p0 $0x100000, s0  }
0x32d: {  	[sflag:s0] =	ssyncadd.tile.s32 @!p0 $0x1;
	_ =	shalt  }
.Lfunc_end2:
_tile_overlayer_lowered:
.L_overlay_start_2:
0x32e: {  	(tag) =	ssettag $0x2  }
0x32f: {  	s0 =	rddreg [dreg:$0x0];
	s2 =	stileid.u32  }
0x330: {  	s1 =	rddreg [dreg:$0x1];
	p0 =	sne.s32 s2, $0x0  }
0x331: {  	s3 =	rddreg [dreg:$0x2];
	[bflag:$0x3] =	sbarrier.arrive $0xFFFF;
	s2 =	simm.s32 @!p0 $0x1C05  }
0x332: {  	[timem:s3], [sflag:s2] =	dma.local @!p0 [hbm:s0], s1  }
0x333: {  	s0 =	simm.s32 @!p0 $0x5  }
0x334: {  	_ =	swait.ge @!p0 [sflag:s0], s1  }
0x335: {  	s1 =	ssub.s32 @!p0 $0x0, s1;
	[sflag:s0] =	ssyncset.done @!p0 $0x0  }
0x336: {  	[sflag:s0] =	ssyncadd.s32 @!p0 s1  }
0x337: {  	[bflag:$0x3] =	sbarrier.arrive $0xFFFF  }
0x338: {  	_ =	shalt  }

</sc_bundles>
